<compile_context>
chip_gen: v7x
topology: tpu7x:2x2x1
jax: 0.10.2.dev20260603
libtpu: 0.0.44.dev20260713+nightly
codegen_flags: <defaults>
</compile_context>

<pallas_src>
import functools

import jax
import jax.numpy as jnp
from jax import lax
from jax.experimental import pallas as pl
from jax.experimental.pallas import tpu as pltpu
from jax.experimental.pallas import tpu_sc as plsc

_N_CLASSES = 1000
_CTX_LEN = 77
_N_CTX = 4
_D = 768
_SUF = _CTX_LEN - 1 - _N_CTX
_LANES = 16
_NG = _D // _LANES

_NC = 2
_NS = 16

_BIG_W = 29
_BIG_N = 32
_SMALL_N = 24
_PREF_BLK = 8


def _copy_row(dst, dst_r, src, src_r):
    for k in range(_NG):
        dst[dst_r, pl.ds(_LANES * k, _LANES)] = src[src_r, pl.ds(_LANES * k, _LANES)]


def _body(prefix_hbm, ctx_hbm, suffix_hbm, out_hbm, stage, frame, pref_buf,
          ctx_buf, sem_in, sem_pre, sem_out):
    wid = lax.axis_index("s") * _NC + lax.axis_index("c")
    big = wid < _BIG_W
    n = jnp.where(big, _BIG_N, _SMALL_N)
    base = jnp.where(
        big, wid * _BIG_N, _BIG_W * _BIG_N + (wid - _BIG_W) * _SMALL_N
    )

    pltpu.async_copy(ctx_hbm, ctx_buf, sem_in).wait()
    for r in range(_N_CTX):
        _copy_row(frame, 1 + r, ctx_buf, r)

    pltpu.async_copy(suffix_hbm.at[base], stage, sem_in)

    def cls(i, carry):
        c = base + i

        @pl.when(lax.bitwise_and(i, _PREF_BLK - 1) == 0)
        def _():
            blk = pl.multiple_of(
                lax.bitwise_and(c, jnp.int32(~(_PREF_BLK - 1))), _PREF_BLK
            )
            pltpu.async_copy(
                prefix_hbm.at[pl.ds(blk, _PREF_BLK)], pref_buf, sem_pre
            ).wait()

        pltpu.make_async_copy(suffix_hbm.at[c], stage, sem_in).wait()

        @pl.when(i > 0)
        def _():
            pltpu.make_async_copy(frame, out_hbm.at[c], sem_out).wait()

        _copy_row(frame, 0, pref_buf, lax.bitwise_and(i, _PREF_BLK - 1))

        def shift(r, carry2):
            _copy_row(frame, 1 + _N_CTX + r, stage, r)
            return carry2

        lax.fori_loop(0, _SUF, shift, 0)

        pltpu.async_copy(frame, out_hbm.at[c], sem_out)

        @pl.when(i + 1 < n)
        def _():
            pltpu.async_copy(suffix_hbm.at[c + 1], stage, sem_in)

        return carry

    lax.fori_loop(0, n, cls, 0)

    pltpu.make_async_copy(frame, out_hbm.at[base + n - 1], sem_out).wait()


@jax.jit
def _prompt_concat(token_prefix, ctx_embedding, token_suffix):
    run = functools.partial(
        pl.kernel,
        out_type=jax.ShapeDtypeStruct((_N_CLASSES, _CTX_LEN, _D), jnp.float32),
        mesh=plsc.VectorSubcoreMesh(core_axis_name="c", subcore_axis_name="s"),
        scratch_types=[
            pltpu.VMEM((_SUF, _D), jnp.float32),
            pltpu.VMEM((_CTX_LEN, _D), jnp.float32),
            pltpu.VMEM((_PREF_BLK, _D), jnp.float32),
            pltpu.VMEM((_N_CTX, _D), jnp.float32),
            pltpu.SemaphoreType.DMA,
            pltpu.SemaphoreType.DMA,
            pltpu.SemaphoreType.DMA,
        ],
    )(_body)
    return run(token_prefix.reshape(_N_CLASSES, _D), ctx_embedding, token_suffix)


def kernel(token_prefix, ctx_embedding, token_suffix, eos_position):
    prompts = _prompt_concat(token_prefix, ctx_embedding, token_suffix)
    return (prompts, eos_position)

# --- scband reference (transcript-rebuilt; emitter-appended) ---
"""Pipeline reference for scband-prompt-embedding-27032524161398 (READ-ONLY COPY).

The authoritative reference and input builder live on the scoring server;
editing this copy changes nothing except your own understanding.
"""

import jax, jax.numpy as jnp
import numpy as np

N_CLASSES = 1000
CTX_LEN = 77
N_CTX = 4
D = 768

def setup_inputs(seed: int = 0) -> dict:
    key = jax.random.key(seed)
    k1, k2, k3, k4 = jax.random.split(key, 4)
    token_prefix = jax.random.normal(k1, (N_CLASSES, 1, D), dtype=jnp.float32)
    ctx_embedding = jax.random.normal(k2, (N_CTX, D), dtype=jnp.float32)
    token_suffix = jax.random.normal(k3, (N_CLASSES, CTX_LEN - 1 - N_CTX, D), dtype=jnp.float32)
    eos_position = jax.random.randint(k4, (N_CLASSES,), 0, CTX_LEN, dtype=jnp.int64 if jax.config.jax_enable_x64 else jnp.int32)
    return {
        'token_prefix': token_prefix,
        'ctx_embedding': ctx_embedding,
        'token_suffix': token_suffix,
        'eos_position': eos_position,
    }

def reference(token_prefix, ctx_embedding, token_suffix, eos_position):
    # forward_CoOP path of PromptEmbedding
    n_classes = token_prefix.shape[0]
    ctx = ctx_embedding
    if ctx.ndim == 2:
        ctx = jnp.broadcast_to(ctx[None, :, :], (n_classes, ctx.shape[0], ctx.shape[1]))
    prompts = jnp.concatenate([token_prefix, ctx, token_suffix], axis=1)
    return (prompts, eos_position)

if __name__ == "__main__":
    import jax
    _d = setup_inputs()
    print(jax.jit(kernel)(*tuple(_d.values())))

</pallas_src>

<mosaic_0001>
#map = affine_map<(d0, d1) -> (0, 0)>
#map1 = affine_map<(d0, d1) -> (0, 0, 0)>
module attributes {stable_mosaic.version = 14 : i64} {
  func.func @_body(%arg0: i32, %arg1: i32, %arg2: memref<1000x768xf32, #tpu.memory_space<hbm>>, %arg3: memref<4x768xf32, #tpu.memory_space<hbm>>, %arg4: memref<1000x72x768xf32, #tpu.memory_space<hbm>>, %arg5: memref<1000x77x768xf32, #tpu.memory_space<hbm>>, %arg6: memref<72x768xf32, #tpu.memory_space<vmem>>, %arg7: memref<77x768xf32, #tpu.memory_space<vmem>>, %arg8: memref<8x768xf32, #tpu.memory_space<vmem>>, %arg9: memref<4x768xf32, #tpu.memory_space<vmem>>, %arg10: memref<!tpu.dma_semaphore, #tpu.memory_space<semaphore_mem>>, %arg11: memref<!tpu.dma_semaphore, #tpu.memory_space<semaphore_mem>>, %arg12: memref<!tpu.dma_semaphore, #tpu.memory_space<semaphore_mem>>) attributes {dimension_semantics = [#tpu.dimension_semantics<core_parallel>, #tpu.dimension_semantics<subcore_parallel>], iteration_bounds = array<i64: 2, 16>, scalar_prefetch = 0 : i64, scratch_operands = 7 : i64, tpu.core_type = #tpu.core_type<sc_vector_subcore>, window_params = [{transform_indices = #map}, {transform_indices = #map}, {transform_indices = #map1}, {transform_indices = #map1}]} {
    %mul3A = arith.constant 2 : i32
    %mul3A_0 = arith.muli %arg1, %mul3A : i32
    %add3A = arith.addi %mul3A_0, %arg0 : i32
    %lt3A = arith.constant 29 : i32
    %lt3A_1 = arith.cmpi slt, %add3A, %lt3A : i32
    %jit3A = arith.constant 32 : i32
    %jit3A_2 = arith.constant 24 : i32
    %select_n3A = arith.select %lt3A_1, %jit3A, %jit3A_2 : i32
    %mul3A_3 = arith.constant 32 : i32
    %mul3A_4 = arith.muli %add3A, %mul3A_3 : i32
    %sub3A = arith.constant 29 : i32
    %sub3A_5 = arith.subi %add3A, %sub3A : i32
    %mul3A_6 = arith.constant 24 : i32
    %mul3A_7 = arith.muli %sub3A_5, %mul3A_6 : i32
    %add3A_8 = arith.constant 928 : i32
    %add3A_9 = arith.addi %add3A_8, %mul3A_7 : i32
    %select_n3A_10 = arith.select %lt3A_1, %mul3A_4, %add3A_9 : i32
    tpu.enqueue_dma source(%arg3 : memref<4x768xf32, #tpu.memory_space<hbm>>) target(%arg9 : memref<4x768xf32, #tpu.memory_space<vmem>>) target_semaphore(%arg10 : memref<!tpu.dma_semaphore, #tpu.memory_space<semaphore_mem>>)
    tpu.wait_dma2 semaphore(%arg10 : memref<!tpu.dma_semaphore, #tpu.memory_space<semaphore_mem>>) src(%arg3 : memref<4x768xf32, #tpu.memory_space<hbm>>) dst(%arg9 : memref<4x768xf32, #tpu.memory_space<vmem>>)
    %get3A = arith.constant 0 : i32
    %get3A_11 = arith.index_cast %get3A : i32 to index
    %get3A_12 = arith.constant 0 : index
    %get3A_13 = tpu.vector_load %arg9[%get3A_11, %get3A_12] {strides = array<i32>} : memref<4x768xf32, #tpu.memory_space<vmem>>, vector<1x16xf32>,
    %get3A_14 = vector.shape_cast %get3A_13 : vector<1x16xf32> to vector<16xf32>
    %swap3A = arith.constant 1 : i32
    %swap3A_15 = arith.index_cast %swap3A : i32 to index
    %swap3A_16 = arith.constant 0 : index
    %swap3A_17 = tpu.vector_load %arg7[%swap3A_15, %swap3A_16] {strides = array<i32>} : memref<77x768xf32, #tpu.memory_space<vmem>>, vector<1x16xf32>,
    %swap3A_18 = vector.shape_cast %swap3A_17 : vector<1x16xf32> to vector<16xf32>
    %swap3A_19 = vector.shape_cast %get3A_14 : vector<16xf32> to vector<1x16xf32>
    tpu.vector_store %arg7[%swap3A_15, %swap3A_16], %swap3A_19 {strides = array<i32>} : memref<77x768xf32, #tpu.memory_space<vmem>>, vector<1x16xf32>,
    %get3A_20 = arith.constant 0 : i32
    %get3A_21 = arith.index_cast %get3A_20 : i32 to index
    %get3A_22 = arith.constant 16 : index
    %get3A_23 = tpu.vector_load %arg9[%get3A_21, %get3A_22] {strides = array<i32>} : memref<4x768xf32, #tpu.memory_space<vmem>>, vector<1x16xf32>,
    %get3A_24 = vector.shape_cast %get3A_23 : vector<1x16xf32> to vector<16xf32>
    %swap3A_25 = arith.constant 1 : i32
    %swap3A_26 = arith.index_cast %swap3A_25 : i32 to index
    %swap3A_27 = arith.constant 16 : index
    %swap3A_28 = tpu.vector_load %arg7[%swap3A_26, %swap3A_27] {strides = array<i32>} : memref<77x768xf32, #tpu.memory_space<vmem>>, vector<1x16xf32>,
    %swap3A_29 = vector.shape_cast %swap3A_28 : vector<1x16xf32> to vector<16xf32>
    %swap3A_30 = vector.shape_cast %get3A_24 : vector<16xf32> to vector<1x16xf32>
    tpu.vector_store %arg7[%swap3A_26, %swap3A_27], %swap3A_30 {strides = array<i32>} : memref<77x768xf32, #tpu.memory_space<vmem>>, vector<1x16xf32>,
    %get3A_31 = arith.constant 0 : i32
    %get3A_32 = arith.index_cast %get3A_31 : i32 to index
    %get3A_33 = arith.constant 32 : index
    %get3A_34 = tpu.vector_load %arg9[%get3A_32, %get3A_33] {strides = array<i32>} : memref<4x768xf32, #tpu.memory_space<vmem>>, vector<1x16xf32>,
    %get3A_35 = vector.shape_cast %get3A_34 : vector<1x16xf32> to vector<16xf32>
    %swap3A_36 = arith.constant 1 : i32
    %swap3A_37 = arith.index_cast %swap3A_36 : i32 to index
    %swap3A_38 = arith.constant 32 : index
    %swap3A_39 = tpu.vector_load %arg7[%swap3A_37, %swap3A_38] {strides = array<i32>} : memref<77x768xf32, #tpu.memory_space<vmem>>, vector<1x16xf32>,
    %swap3A_40 = vector.shape_cast %swap3A_39 : vector<1x16xf32> to vector<16xf32>
    %swap3A_41 = vector.shape_cast %get3A_35 : vector<16xf32> to vector<1x16xf32>
    tpu.vector_store %arg7[%swap3A_37, %swap3A_38], %swap3A_41 {strides = array<i32>} : memref<77x768xf32, #tpu.memory_space<vmem>>, vector<1x16xf32>,
    %get3A_42 = arith.constant 0 : i32
    %get3A_43 = arith.index_cast %get3A_42 : i32 to index
    %get3A_44 = arith.constant 48 : index
    %get3A_45 = tpu.vector_load %arg9[%get3A_43, %get3A_44] {strides = array<i32>} : memref<4x768xf32, #tpu.memory_space<vmem>>, vector<1x16xf32>,
    %get3A_46 = vector.shape_cast %get3A_45 : vector<1x16xf32> to vector<16xf32>
    %swap3A_47 = arith.constant 1 : i32
    %swap3A_48 = arith.index_cast %swap3A_47 : i32 to index
    %swap3A_49 = arith.constant 48 : index
    %swap3A_50 = tpu.vector_load %arg7[%swap3A_48, %swap3A_49] {strides = array<i32>} : memref<77x768xf32, #tpu.memory_space<vmem>>, vector<1x16xf32>,
    %swap3A_51 = vector.shape_cast %swap3A_50 : vector<1x16xf32> to vector<16xf32>
    %swap3A_52 = vector.shape_cast %get3A_46 : vector<16xf32> to vector<1x16xf32>
    tpu.vector_store %arg7[%swap3A_48, %swap3A_49], %swap3A_52 {strides = array<i32>} : memref<77x768xf32, #tpu.memory_space<vmem>>, vector<1x16xf32>,
    %get3A_53 = arith.constant 0 : i32
    %get3A_54 = arith.index_cast %get3A_53 : i32 to index
    %get3A_55 = arith.constant 64 : index
    %get3A_56 = tpu.vector_load %arg9[%get3A_54, %get3A_55] {strides = array<i32>} : memref<4x768xf32, #tpu.memory_space<vmem>>, vector<1x16xf32>,
    %get3A_57 = vector.shape_cast %get3A_56 : vector<1x16xf32> to vector<16xf32>
    %swap3A_58 = arith.constant 1 : i32
    %swap3A_59 = arith.index_cast %swap3A_58 : i32 to index
    %swap3A_60 = arith.constant 64 : index
    %swap3A_61 = tpu.vector_load %arg7[%swap3A_59, %swap3A_60] {strides = array<i32>} : memref<77x768xf32, #tpu.memory_space<vmem>>, vector<1x16xf32>,
    %swap3A_62 = vector.shape_cast %swap3A_61 : vector<1x16xf32> to vector<16xf32>
    %swap3A_63 = vector.shape_cast %get3A_57 : vector<16xf32> to vector<1x16xf32>
    tpu.vector_store %arg7[%swap3A_59, %swap3A_60], %swap3A_63 {strides = array<i32>} : memref<77x768xf32, #tpu.memory_space<vmem>>, vector<1x16xf32>,
    %get3A_64 = arith.constant 0 : i32
    %get3A_65 = arith.index_cast %get3A_64 : i32 to index
    %get3A_66 = arith.constant 80 : index
    %get3A_67 = tpu.vector_load %arg9[%get3A_65, %get3A_66] {strides = array<i32>} : memref<4x768xf32, #tpu.memory_space<vmem>>, vector<1x16xf32>,
    %get3A_68 = vector.shape_cast %get3A_67 : vector<1x16xf32> to vector<16xf32>
    %swap3A_69 = arith.constant 1 : i32
    %swap3A_70 = arith.index_cast %swap3A_69 : i32 to index
    %swap3A_71 = arith.constant 80 : index
    %swap3A_72 = tpu.vector_load %arg7[%swap3A_70, %swap3A_71] {strides = array<i32>} : memref<77x768xf32, #tpu.memory_space<vmem>>, vector<1x16xf32>,
    %swap3A_73 = vector.shape_cast %swap3A_72 : vector<1x16xf32> to vector<16xf32>
    %swap3A_74 = vector.shape_cast %get3A_68 : vector<16xf32> to vector<1x16xf32>
    tpu.vector_store %arg7[%swap3A_70, %swap3A_71], %swap3A_74 {strides = array<i32>} : memref<77x768xf32, #tpu.memory_space<vmem>>, vector<1x16xf32>,
    %get3A_75 = arith.constant 0 : i32
    %get3A_76 = arith.index_cast %get3A_75 : i32 to index
    %get3A_77 = arith.constant 96 : index
    %get3A_78 = tpu.vector_load %arg9[%get3A_76, %get3A_77] {strides = array<i32>} : memref<4x768xf32, #tpu.memory_space<vmem>>, vector<1x16xf32>,
    %get3A_79 = vector.shape_cast %get3A_78 : vector<1x16xf32> to vector<16xf32>
    %swap3A_80 = arith.constant 1 : i32
    %swap3A_81 = arith.index_cast %swap3A_80 : i32 to index
    %swap3A_82 = arith.constant 96 : index
    %swap3A_83 = tpu.vector_load %arg7[%swap3A_81, %swap3A_82] {strides = array<i32>} : memref<77x768xf32, #tpu.memory_space<vmem>>, vector<1x16xf32>,
    %swap3A_84 = vector.shape_cast %swap3A_83 : vector<1x16xf32> to vector<16xf32>
    %swap3A_85 = vector.shape_cast %get3A_79 : vector<16xf32> to vector<1x16xf32>
    tpu.vector_store %arg7[%swap3A_81, %swap3A_82], %swap3A_85 {strides = array<i32>} : memref<77x768xf32, #tpu.memory_space<vmem>>, vector<1x16xf32>,
    %get3A_86 = arith.constant 0 : i32
    %get3A_87 = arith.index_cast %get3A_86 : i32 to index
    %get3A_88 = arith.constant 112 : index
    %get3A_89 = tpu.vector_load %arg9[%get3A_87, %get3A_88] {strides = array<i32>} : memref<4x768xf32, #tpu.memory_space<vmem>>, vector<1x16xf32>,
    %get3A_90 = vector.shape_cast %get3A_89 : vector<1x16xf32> to vector<16xf32>
    %swap3A_91 = arith.constant 1 : i32
    %swap3A_92 = arith.index_cast %swap3A_91 : i32 to index
    %swap3A_93 = arith.constant 112 : index
    %swap3A_94 = tpu.vector_load %arg7[%swap3A_92, %swap3A_93] {strides = array<i32>} : memref<77x768xf32, #tpu.memory_space<vmem>>, vector<1x16xf32>,
    %swap3A_95 = vector.shape_cast %swap3A_94 : vector<1x16xf32> to vector<16xf32>
    %swap3A_96 = vector.shape_cast %get3A_90 : vector<16xf32> to vector<1x16xf32>
    tpu.vector_store %arg7[%swap3A_92, %swap3A_93], %swap3A_96 {strides = array<i32>} : memref<77x768xf32, #tpu.memory_space<vmem>>, vector<1x16xf32>,
    %get3A_97 = arith.constant 0 : i32
    %get3A_98 = arith.index_cast %get3A_97 : i32 to index
    %get3A_99 = arith.constant 128 : index
    %get3A_100 = tpu.vector_load %arg9[%get3A_98, %get3A_99] {strides = array<i32>} : memref<4x768xf32, #tpu.memory_space<vmem>>, vector<1x16xf32>,
    %get3A_101 = vector.shape_cast %get3A_100 : vector<1x16xf32> to vector<16xf32>
    %swap3A_102 = arith.constant 1 : i32
    %swap3A_103 = arith.index_cast %swap3A_102 : i32 to index
    %swap3A_104 = arith.constant 128 : index
    %swap3A_105 = tpu.vector_load %arg7[%swap3A_103, %swap3A_104] {strides = array<i32>} : memref<77x768xf32, #tpu.memory_space<vmem>>, vector<1x16xf32>,
    %swap3A_106 = vector.shape_cast %swap3A_105 : vector<1x16xf32> to vector<16xf32>
    %swap3A_107 = vector.shape_cast %get3A_101 : vector<16xf32> to vector<1x16xf32>
    tpu.vector_store %arg7[%swap3A_103, %swap3A_104], %swap3A_107 {strides = array<i32>} : memref<77x768xf32, #tpu.memory_space<vmem>>, vector<1x16xf32>,
    %get3A_108 = arith.constant 0 : i32
    %get3A_109 = arith.index_cast %get3A_108 : i32 to index
    %get3A_110 = arith.constant 144 : index
    %get3A_111 = tpu.vector_load %arg9[%get3A_109, %get3A_110] {strides = array<i32>} : memref<4x768xf32, #tpu.memory_space<vmem>>, vector<1x16xf32>,
    %get3A_112 = vector.shape_cast %get3A_111 : vector<1x16xf32> to vector<16xf32>
    %swap3A_113 = arith.constant 1 : i32
    %swap3A_114 = arith.index_cast %swap3A_113 : i32 to index
    %swap3A_115 = arith.constant 144 : index
    %swap3A_116 = tpu.vector_load %arg7[%swap3A_114, %swap3A_115] {strides = array<i32>} : memref<77x768xf32, #tpu.memory_space<vmem>>, vector<1x16xf32>,
    %swap3A_117 = vector.shape_cast %swap3A_116 : vector<1x16xf32> to vector<16xf32>
    %swap3A_118 = vector.shape_cast %get3A_112 : vector<16xf32> to vector<1x16xf32>
    tpu.vector_store %arg7[%swap3A_114, %swap3A_115], %swap3A_118 {strides = array<i32>} : memref<77x768xf32, #tpu.memory_space<vmem>>, vector<1x16xf32>,
    %get3A_119 = arith.constant 0 : i32
    %get3A_120 = arith.index_cast %get3A_119 : i32 to index
    %get3A_121 = arith.constant 160 : index
    %get3A_122 = tpu.vector_load %arg9[%get3A_120, %get3A_121] {strides = array<i32>} : memref<4x768xf32, #tpu.memory_space<vmem>>, vector<1x16xf32>,
    %get3A_123 = vector.shape_cast %get3A_122 : vector<1x16xf32> to vector<16xf32>
    %swap3A_124 = arith.constant 1 : i32
    %swap3A_125 = arith.index_cast %swap3A_124 : i32 to index
    %swap3A_126 = arith.constant 160 : index
    %swap3A_127 = tpu.vector_load %arg7[%swap3A_125, %swap3A_126] {strides = array<i32>} : memref<77x768xf32, #tpu.memory_space<vmem>>, vector<1x16xf32>,
    %swap3A_128 = vector.shape_cast %swap3A_127 : vector<1x16xf32> to vector<16xf32>
    %swap3A_129 = vector.shape_cast %get3A_123 : vector<16xf32> to vector<1x16xf32>
    tpu.vector_store %arg7[%swap3A_125, %swap3A_126], %swap3A_129 {strides = array<i32>} : memref<77x768xf32, #tpu.memory_space<vmem>>, vector<1x16xf32>,
    %get3A_130 = arith.constant 0 : i32
    %get3A_131 = arith.index_cast %get3A_130 : i32 to index
    %get3A_132 = arith.constant 176 : index
    %get3A_133 = tpu.vector_load %arg9[%get3A_131, %get3A_132] {strides = array<i32>} : memref<4x768xf32, #tpu.memory_space<vmem>>, vector<1x16xf32>,
    %get3A_134 = vector.shape_cast %get3A_133 : vector<1x16xf32> to vector<16xf32>
    %swap3A_135 = arith.constant 1 : i32
    %swap3A_136 = arith.index_cast %swap3A_135 : i32 to index
    %swap3A_137 = arith.constant 176 : index
    %swap3A_138 = tpu.vector_load %arg7[%swap3A_136, %swap3A_137] {strides = array<i32>} : memref<77x768xf32, #tpu.memory_space<vmem>>, vector<1x16xf32>,
    %swap3A_139 = vector.shape_cast %swap3A_138 : vector<1x16xf32> to vector<16xf32>
    %swap3A_140 = vector.shape_cast %get3A_134 : vector<16xf32> to vector<1x16xf32>
    tpu.vector_store %arg7[%swap3A_136, %swap3A_137], %swap3A_140 {strides = array<i32>} : memref<77x768xf32, #tpu.memory_space<vmem>>, vector<1x16xf32>,
    %get3A_141 = arith.constant 0 : i32
    %get3A_142 = arith.index_cast %get3A_141 : i32 to index
    %get3A_143 = arith.constant 192 : index
    %get3A_144 = tpu.vector_load %arg9[%get3A_142, %get3A_143] {strides = array<i32>} : memref<4x768xf32, #tpu.memory_space<vmem>>, vector<1x16xf32>,
    %get3A_145 = vector.shape_cast %get3A_144 : vector<1x16xf32> to vector<16xf32>
    %swap3A_146 = arith.constant 1 : i32
    %swap3A_147 = arith.index_cast %swap3A_146 : i32 to index
    %swap3A_148 = arith.constant 192 : index
    %swap3A_149 = tpu.vector_load %arg7[%swap3A_147, %swap3A_148] {strides = array<i32>} : memref<77x768xf32, #tpu.memory_space<vmem>>, vector<1x16xf32>,
    %swap3A_150 = vector.shape_cast %swap3A_149 : vector<1x16xf32> to vector<16xf32>
    %swap3A_151 = vector.shape_cast %get3A_145 : vector<16xf32> to vector<1x16xf32>
    tpu.vector_store %arg7[%swap3A_147, %swap3A_148], %swap3A_151 {strides = array<i32>} : memref<77x768xf32, #tpu.memory_space<vmem>>, vector<1x16xf32>,
    %get3A_152 = arith.constant 0 : i32
    %get3A_153 = arith.index_cast %get3A_152 : i32 to index
    %get3A_154 = arith.constant 208 : index
    %get3A_155 = tpu.vector_load %arg9[%get3A_153, %get3A_154] {strides = array<i32>} : memref<4x768xf32, #tpu.memory_space<vmem>>, vector<1x16xf32>,
    %get3A_156 = vector.shape_cast %get3A_155 : vector<1x16xf32> to vector<16xf32>
    %swap3A_157 = arith.constant 1 : i32
    %swap3A_158 = arith.index_cast %swap3A_157 : i32 to index
    %swap3A_159 = arith.constant 208 : index
    %swap3A_160 = tpu.vector_load %arg7[%swap3A_158, %swap3A_159] {strides = array<i32>} : memref<77x768xf32, #tpu.memory_space<vmem>>, vector<1x16xf32>,
    %swap3A_161 = vector.shape_cast %swap3A_160 : vector<1x16xf32> to vector<16xf32>
    %swap3A_162 = vector.shape_cast %get3A_156 : vector<16xf32> to vector<1x16xf32>
    tpu.vector_store %arg7[%swap3A_158, %swap3A_159], %swap3A_162 {strides = array<i32>} : memref<77x768xf32, #tpu.memory_space<vmem>>, vector<1x16xf32>,
    %get3A_163 = arith.constant 0 : i32
    %get3A_164 = arith.index_cast %get3A_163 : i32 to index
    %get3A_165 = arith.constant 224 : index
    %get3A_166 = tpu.vector_load %arg9[%get3A_164, %get3A_165] {strides = array<i32>} : memref<4x768xf32, #tpu.memory_space<vmem>>, vector<1x16xf32>,
    %get3A_167 = vector.shape_cast %get3A_166 : vector<1x16xf32> to vector<16xf32>
    %swap3A_168 = arith.constant 1 : i32
    %swap3A_169 = arith.index_cast %swap3A_168 : i32 to index
    %swap3A_170 = arith.constant 224 : index
    %swap3A_171 = tpu.vector_load %arg7[%swap3A_169, %swap3A_170] {strides = array<i32>} : memref<77x768xf32, #tpu.memory_space<vmem>>, vector<1x16xf32>,
    %swap3A_172 = vector.shape_cast %swap3A_171 : vector<1x16xf32> to vector<16xf32>
    %swap3A_173 = vector.shape_cast %get3A_167 : vector<16xf32> to vector<1x16xf32>
    tpu.vector_store %arg7[%swap3A_169, %swap3A_170], %swap3A_173 {strides = array<i32>} : memref<77x768xf32, #tpu.memory_space<vmem>>, vector<1x16xf32>,
    %get3A_174 = arith.constant 0 : i32
    %get3A_175 = arith.index_cast %get3A_174 : i32 to index
    %get3A_176 = arith.constant 240 : index
    %get3A_177 = tpu.vector_load %arg9[%get3A_175, %get3A_176] {strides = array<i32>} : memref<4x768xf32, #tpu.memory_space<vmem>>, vector<1x16xf32>,
    %get3A_178 = vector.shape_cast %get3A_177 : vector<1x16xf32> to vector<16xf32>
    %swap3A_179 = arith.constant 1 : i32
    %swap3A_180 = arith.index_cast %swap3A_179 : i32 to index
    %swap3A_181 = arith.constant 240 : index
    %swap3A_182 = tpu.vector_load %arg7[%swap3A_180, %swap3A_181] {strides = array<i32>} : memref<77x768xf32, #tpu.memory_space<vmem>>, vector<1x16xf32>,
    %swap3A_183 = vector.shape_cast %swap3A_182 : vector<1x16xf32> to vector<16xf32>
    %swap3A_184 = vector.shape_cast %get3A_178 : vector<16xf32> to vector<1x16xf32>
    tpu.vector_store %arg7[%swap3A_180, %swap3A_181], %swap3A_184 {strides = array<i32>} : memref<77x768xf32, #tpu.memory_space<vmem>>, vector<1x16xf32>,
    %get3A_185 = arith.constant 0 : i32
    %get3A_186 = arith.index_cast %get3A_185 : i32 to index
    %get3A_187 = arith.constant 256 : index
    %get3A_188 = tpu.vector_load %arg9[%get3A_186, %get3A_187] {strides = array<i32>} : memref<4x768xf32, #tpu.memory_space<vmem>>, vector<1x16xf32>,
    %get3A_189 = vector.shape_cast %get3A_188 : vector<1x16xf32> to vector<16xf32>
    %swap3A_190 = arith.constant 1 : i32
    %swap3A_191 = arith.index_cast %swap3A_190 : i32 to index
    %swap3A_192 = arith.constant 256 : index
    %swap3A_193 = tpu.vector_load %arg7[%swap3A_191, %swap3A_192] {strides = array<i32>} : memref<77x768xf32, #tpu.memory_space<vmem>>, vector<1x16xf32>,
    %swap3A_194 = vector.shape_cast %swap3A_193 : vector<1x16xf32> to vector<16xf32>
    %swap3A_195 = vector.shape_cast %get3A_189 : vector<16xf32> to vector<1x16xf32>
    tpu.vector_store %arg7[%swap3A_191, %swap3A_192], %swap3A_195 {strides = array<i32>} : memref<77x768xf32, #tpu.memory_space<vmem>>, vector<1x16xf32>,
    %get3A_196 = arith.constant 0 : i32
    %get3A_197 = arith.index_cast %get3A_196 : i32 to index
    %get3A_198 = arith.constant 272 : index
    %get3A_199 = tpu.vector_load %arg9[%get3A_197, %get3A_198] {strides = array<i32>} : memref<4x768xf32, #tpu.memory_space<vmem>>, vector<1x16xf32>,
    %get3A_200 = vector.shape_cast %get3A_199 : vector<1x16xf32> to vector<16xf32>
    %swap3A_201 = arith.constant 1 : i32
    %swap3A_202 = arith.index_cast %swap3A_201 : i32 to index
    %swap3A_203 = arith.constant 272 : index
    %swap3A_204 = tpu.vector_load %arg7[%swap3A_202, %swap3A_203] {strides = array<i32>} : memref<77x768xf32, #tpu.memory_space<vmem>>, vector<1x16xf32>,
    %swap3A_205 = vector.shape_cast %swap3A_204 : vector<1x16xf32> to vector<16xf32>
    %swap3A_206 = vector.shape_cast %get3A_200 : vector<16xf32> to vector<1x16xf32>
    tpu.vector_store %arg7[%swap3A_202, %swap3A_203], %swap3A_206 {strides = array<i32>} : memref<77x768xf32, #tpu.memory_space<vmem>>, vector<1x16xf32>,
    %get3A_207 = arith.constant 0 : i32
    %get3A_208 = arith.index_cast %get3A_207 : i32 to index
    %get3A_209 = arith.constant 288 : index
    %get3A_210 = tpu.vector_load %arg9[%get3A_208, %get3A_209] {strides = array<i32>} : memref<4x768xf32, #tpu.memory_space<vmem>>, vector<1x16xf32>,
    %get3A_211 = vector.shape_cast %get3A_210 : vector<1x16xf32> to vector<16xf32>
    %swap3A_212 = arith.constant 1 : i32
    %swap3A_213 = arith.index_cast %swap3A_212 : i32 to index
    %swap3A_214 = arith.constant 288 : index
    %swap3A_215 = tpu.vector_load %arg7[%swap3A_213, %swap3A_214] {strides = array<i32>} : memref<77x768xf32, #tpu.memory_space<vmem>>, vector<1x16xf32>,
    %swap3A_216 = vector.shape_cast %swap3A_215 : vector<1x16xf32> to vector<16xf32>
    %swap3A_217 = vector.shape_cast %get3A_211 : vector<16xf32> to vector<1x16xf32>
    tpu.vector_store %arg7[%swap3A_213, %swap3A_214], %swap3A_217 {strides = array<i32>} : memref<77x768xf32, #tpu.memory_space<vmem>>, vector<1x16xf32>,
    %get3A_218 = arith.constant 0 : i32
    %get3A_219 = arith.index_cast %get3A_218 : i32 to index
    %get3A_220 = arith.constant 304 : index
    %get3A_221 = tpu.vector_load %arg9[%get3A_219, %get3A_220] {strides = array<i32>} : memref<4x768xf32, #tpu.memory_space<vmem>>, vector<1x16xf32>,
    %get3A_222 = vector.shape_cast %get3A_221 : vector<1x16xf32> to vector<16xf32>
    %swap3A_223 = arith.constant 1 : i32
    %swap3A_224 = arith.index_cast %swap3A_223 : i32 to index
    %swap3A_225 = arith.constant 304 : index
    %swap3A_226 = tpu.vector_load %arg7[%swap3A_224, %swap3A_225] {strides = array<i32>} : memref<77x768xf32, #tpu.memory_space<vmem>>, vector<1x16xf32>,
    %swap3A_227 = vector.shape_cast %swap3A_226 : vector<1x16xf32> to vector<16xf32>
    %swap3A_228 = vector.shape_cast %get3A_222 : vector<16xf32> to vector<1x16xf32>
    tpu.vector_store %arg7[%swap3A_224, %swap3A_225], %swap3A_228 {strides = array<i32>} : memref<77x768xf32, #tpu.memory_space<vmem>>, vector<1x16xf32>,
    %get3A_229 = arith.constant 0 : i32
    %get3A_230 = arith.index_cast %get3A_229 : i32 to index
    %get3A_231 = arith.constant 320 : index
    %get3A_232 = tpu.vector_load %arg9[%get3A_230, %get3A_231] {strides = array<i32>} : memref<4x768xf32, #tpu.memory_space<vmem>>, vector<1x16xf32>,
    %get3A_233 = vector.shape_cast %get3A_232 : vector<1x16xf32> to vector<16xf32>
    %swap3A_234 = arith.constant 1 : i32
    %swap3A_235 = arith.index_cast %swap3A_234 : i32 to index
    %swap3A_236 = arith.constant 320 : index
    %swap3A_237 = tpu.vector_load %arg7[%swap3A_235, %swap3A_236] {strides = array<i32>} : memref<77x768xf32, #tpu.memory_space<vmem>>, vector<1x16xf32>,
    %swap3A_238 = vector.shape_cast %swap3A_237 : vector<1x16xf32> to vector<16xf32>
    %swap3A_239 = vector.shape_cast %get3A_233 : vector<16xf32> to vector<1x16xf32>
    tpu.vector_store %arg7[%swap3A_235, %swap3A_236], %swap3A_239 {strides = array<i32>} : memref<77x768xf32, #tpu.memory_space<vmem>>, vector<1x16xf32>,
    %get3A_240 = arith.constant 0 : i32
    %get3A_241 = arith.index_cast %get3A_240 : i32 to index
    %get3A_242 = arith.constant 336 : index
    %get3A_243 = tpu.vector_load %arg9[%get3A_241, %get3A_242] {strides = array<i32>} : memref<4x768xf32, #tpu.memory_space<vmem>>, vector<1x16xf32>,
    %get3A_244 = vector.shape_cast %get3A_243 : vector<1x16xf32> to vector<16xf32>
    %swap3A_245 = arith.constant 1 : i32
    %swap3A_246 = arith.index_cast %swap3A_245 : i32 to index
    %swap3A_247 = arith.constant 336 : index
    %swap3A_248 = tpu.vector_load %arg7[%swap3A_246, %swap3A_247] {strides = array<i32>} : memref<77x768xf32, #tpu.memory_space<vmem>>, vector<1x16xf32>,
    %swap3A_249 = vector.shape_cast %swap3A_248 : vector<1x16xf32> to vector<16xf32>
    %swap3A_250 = vector.shape_cast %get3A_244 : vector<16xf32> to vector<1x16xf32>
    tpu.vector_store %arg7[%swap3A_246, %swap3A_247], %swap3A_250 {strides = array<i32>} : memref<77x768xf32, #tpu.memory_space<vmem>>, vector<1x16xf32>,
    %get3A_251 = arith.constant 0 : i32
    %get3A_252 = arith.index_cast %get3A_251 : i32 to index
    %get3A_253 = arith.constant 352 : index
    %get3A_254 = tpu.vector_load %arg9[%get3A_252, %get3A_253] {strides = array<i32>} : memref<4x768xf32, #tpu.memory_space<vmem>>, vector<1x16xf32>,
    %get3A_255 = vector.shape_cast %get3A_254 : vector<1x16xf32> to vector<16xf32>
    %swap3A_256 = arith.constant 1 : i32
    %swap3A_257 = arith.index_cast %swap3A_256 : i32 to index
    %swap3A_258 = arith.constant 352 : index
    %swap3A_259 = tpu.vector_load %arg7[%swap3A_257, %swap3A_258] {strides = array<i32>} : memref<77x768xf32, #tpu.memory_space<vmem>>, vector<1x16xf32>,
    %swap3A_260 = vector.shape_cast %swap3A_259 : vector<1x16xf32> to vector<16xf32>
    %swap3A_261 = vector.shape_cast %get3A_255 : vector<16xf32> to vector<1x16xf32>
    tpu.vector_store %arg7[%swap3A_257, %swap3A_258], %swap3A_261 {strides = array<i32>} : memref<77x768xf32, #tpu.memory_space<vmem>>, vector<1x16xf32>,
    %get3A_262 = arith.constant 0 : i32
    %get3A_263 = arith.index_cast %get3A_262 : i32 to index
    %get3A_264 = arith.constant 368 : index
    %get3A_265 = tpu.vector_load %arg9[%get3A_263, %get3A_264] {strides = array<i32>} : memref<4x768xf32, #tpu.memory_space<vmem>>, vector<1x16xf32>,
    %get3A_266 = vector.shape_cast %get3A_265 : vector<1x16xf32> to vector<16xf32>
    %swap3A_267 = arith.constant 1 : i32
    %swap3A_268 = arith.index_cast %swap3A_267 : i32 to index
    %swap3A_269 = arith.constant 368 : index
    %swap3A_270 = tpu.vector_load %arg7[%swap3A_268, %swap3A_269] {strides = array<i32>} : memref<77x768xf32, #tpu.memory_space<vmem>>, vector<1x16xf32>,
    %swap3A_271 = vector.shape_cast %swap3A_270 : vector<1x16xf32> to vector<16xf32>
    %swap3A_272 = vector.shape_cast %get3A_266 : vector<16xf32> to vector<1x16xf32>
    tpu.vector_store %arg7[%swap3A_268, %swap3A_269], %swap3A_272 {strides = array<i32>} : memref<77x768xf32, #tpu.memory_space<vmem>>, vector<1x16xf32>,
    %get3A_273 = arith.constant 0 : i32
    %get3A_274 = arith.index_cast %get3A_273 : i32 to index
    %get3A_275 = arith.constant 384 : index
    %get3A_276 = tpu.vector_load %arg9[%get3A_274, %get3A_275] {strides = array<i32>} : memref<4x768xf32, #tpu.memory_space<vmem>>, vector<1x16xf32>,
    %get3A_277 = vector.shape_cast %get3A_276 : vector<1x16xf32> to vector<16xf32>
    %swap3A_278 = arith.constant 1 : i32
    %swap3A_279 = arith.index_cast %swap3A_278 : i32 to index
    %swap3A_280 = arith.constant 384 : index
    %swap3A_281 = tpu.vector_load %arg7[%swap3A_279, %swap3A_280] {strides = array<i32>} : memref<77x768xf32, #tpu.memory_space<vmem>>, vector<1x16xf32>,
    %swap3A_282 = vector.shape_cast %swap3A_281 : vector<1x16xf32> to vector<16xf32>
    %swap3A_283 = vector.shape_cast %get3A_277 : vector<16xf32> to vector<1x16xf32>
    tpu.vector_store %arg7[%swap3A_279, %swap3A_280], %swap3A_283 {strides = array<i32>} : memref<77x768xf32, #tpu.memory_space<vmem>>, vector<1x16xf32>,
    %get3A_284 = arith.constant 0 : i32
    %get3A_285 = arith.index_cast %get3A_284 : i32 to index
    %get3A_286 = arith.constant 400 : index
    %get3A_287 = tpu.vector_load %arg9[%get3A_285, %get3A_286] {strides = array<i32>} : memref<4x768xf32, #tpu.memory_space<vmem>>, vector<1x16xf32>,
    %get3A_288 = vector.shape_cast %get3A_287 : vector<1x16xf32> to vector<16xf32>
    %swap3A_289 = arith.constant 1 : i32
    %swap3A_290 = arith.index_cast %swap3A_289 : i32 to index
    %swap3A_291 = arith.constant 400 : index
    %swap3A_292 = tpu.vector_load %arg7[%swap3A_290, %swap3A_291] {strides = array<i32>} : memref<77x768xf32, #tpu.memory_space<vmem>>, vector<1x16xf32>,
    %swap3A_293 = vector.shape_cast %swap3A_292 : vector<1x16xf32> to vector<16xf32>
    %swap3A_294 = vector.shape_cast %get3A_288 : vector<16xf32> to vector<1x16xf32>
    tpu.vector_store %arg7[%swap3A_290, %swap3A_291], %swap3A_294 {strides = array<i32>} : memref<77x768xf32, #tpu.memory_space<vmem>>, vector<1x16xf32>,
    %get3A_295 = arith.constant 0 : i32
    %get3A_296 = arith.index_cast %get3A_295 : i32 to index
    %get3A_297 = arith.constant 416 : index
    %get3A_298 = tpu.vector_load %arg9[%get3A_296, %get3A_297] {strides = array<i32>} : memref<4x768xf32, #tpu.memory_space<vmem>>, vector<1x16xf32>,
    %get3A_299 = vector.shape_cast %get3A_298 : vector<1x16xf32> to vector<16xf32>
    %swap3A_300 = arith.constant 1 : i32
    %swap3A_301 = arith.index_cast %swap3A_300 : i32 to index
    %swap3A_302 = arith.constant 416 : index
    %swap3A_303 = tpu.vector_load %arg7[%swap3A_301, %swap3A_302] {strides = array<i32>} : memref<77x768xf32, #tpu.memory_space<vmem>>, vector<1x16xf32>,
    %swap3A_304 = vector.shape_cast %swap3A_303 : vector<1x16xf32> to vector<16xf32>
    %swap3A_305 = vector.shape_cast %get3A_299 : vector<16xf32> to vector<1x16xf32>
    tpu.vector_store %arg7[%swap3A_301, %swap3A_302], %swap3A_305 {strides = array<i32>} : memref<77x768xf32, #tpu.memory_space<vmem>>, vector<1x16xf32>,
    %get3A_306 = arith.constant 0 : i32
    %get3A_307 = arith.index_cast %get3A_306 : i32 to index
    %get3A_308 = arith.constant 432 : index
    %get3A_309 = tpu.vector_load %arg9[%get3A_307, %get3A_308] {strides = array<i32>} : memref<4x768xf32, #tpu.memory_space<vmem>>, vector<1x16xf32>,
    %get3A_310 = vector.shape_cast %get3A_309 : vector<1x16xf32> to vector<16xf32>
    %swap3A_311 = arith.constant 1 : i32
    %swap3A_312 = arith.index_cast %swap3A_311 : i32 to index
    %swap3A_313 = arith.constant 432 : index
    %swap3A_314 = tpu.vector_load %arg7[%swap3A_312, %swap3A_313] {strides = array<i32>} : memref<77x768xf32, #tpu.memory_space<vmem>>, vector<1x16xf32>,
    %swap3A_315 = vector.shape_cast %swap3A_314 : vector<1x16xf32> to vector<16xf32>
    %swap3A_316 = vector.shape_cast %get3A_310 : vector<16xf32> to vector<1x16xf32>
    tpu.vector_store %arg7[%swap3A_312, %swap3A_313], %swap3A_316 {strides = array<i32>} : memref<77x768xf32, #tpu.memory_space<vmem>>, vector<1x16xf32>,
    %get3A_317 = arith.constant 0 : i32
    %get3A_318 = arith.index_cast %get3A_317 : i32 to index
    %get3A_319 = arith.constant 448 : index
    %get3A_320 = tpu.vector_load %arg9[%get3A_318, %get3A_319] {strides = array<i32>} : memref<4x768xf32, #tpu.memory_space<vmem>>, vector<1x16xf32>,
    %get3A_321 = vector.shape_cast %get3A_320 : vector<1x16xf32> to vector<16xf32>
    %swap3A_322 = arith.constant 1 : i32
    %swap3A_323 = arith.index_cast %swap3A_322 : i32 to index
    %swap3A_324 = arith.constant 448 : index
    %swap3A_325 = tpu.vector_load %arg7[%swap3A_323, %swap3A_324] {strides = array<i32>} : memref<77x768xf32, #tpu.memory_space<vmem>>, vector<1x16xf32>,
    %swap3A_326 = vector.shape_cast %swap3A_325 : vector<1x16xf32> to vector<16xf32>
    %swap3A_327 = vector.shape_cast %get3A_321 : vector<16xf32> to vector<1x16xf32>
    tpu.vector_store %arg7[%swap3A_323, %swap3A_324], %swap3A_327 {strides = array<i32>} : memref<77x768xf32, #tpu.memory_space<vmem>>, vector<1x16xf32>,
    %get3A_328 = arith.constant 0 : i32
    %get3A_329 = arith.index_cast %get3A_328 : i32 to index
    %get3A_330 = arith.constant 464 : index
    %get3A_331 = tpu.vector_load %arg9[%get3A_329, %get3A_330] {strides = array<i32>} : memref<4x768xf32, #tpu.memory_space<vmem>>, vector<1x16xf32>,
    %get3A_332 = vector.shape_cast %get3A_331 : vector<1x16xf32> to vector<16xf32>
    %swap3A_333 = arith.constant 1 : i32
    %swap3A_334 = arith.index_cast %swap3A_333 : i32 to index
    %swap3A_335 = arith.constant 464 : index
    %swap3A_336 = tpu.vector_load %arg7[%swap3A_334, %swap3A_335] {strides = array<i32>} : memref<77x768xf32, #tpu.memory_space<vmem>>, vector<1x16xf32>,
    %swap3A_337 = vector.shape_cast %swap3A_336 : vector<1x16xf32> to vector<16xf32>
    %swap3A_338 = vector.shape_cast %get3A_332 : vector<16xf32> to vector<1x16xf32>
    tpu.vector_store %arg7[%swap3A_334, %swap3A_335], %swap3A_338 {strides = array<i32>} : memref<77x768xf32, #tpu.memory_space<vmem>>, vector<1x16xf32>,
    %get3A_339 = arith.constant 0 : i32
    %get3A_340 = arith.index_cast %get3A_339 : i32 to index
    %get3A_341 = arith.constant 480 : index
    %get3A_342 = tpu.vector_load %arg9[%get3A_340, %get3A_341] {strides = array<i32>} : memref<4x768xf32, #tpu.memory_space<vmem>>, vector<1x16xf32>,
    %get3A_343 = vector.shape_cast %get3A_342 : vector<1x16xf32> to vector<16xf32>
    %swap3A_344 = arith.constant 1 : i32
    %swap3A_345 = arith.index_cast %swap3A_344 : i32 to index
    %swap3A_346 = arith.constant 480 : index
    %swap3A_347 = tpu.vector_load %arg7[%swap3A_345, %swap3A_346] {strides = array<i32>} : memref<77x768xf32, #tpu.memory_space<vmem>>, vector<1x16xf32>,
    %swap3A_348 = vector.shape_cast %swap3A_347 : vector<1x16xf32> to vector<16xf32>
    %swap3A_349 = vector.shape_cast %get3A_343 : vector<16xf32> to vector<1x16xf32>
    tpu.vector_store %arg7[%swap3A_345, %swap3A_346], %swap3A_349 {strides = array<i32>} : memref<77x768xf32, #tpu.memory_space<vmem>>, vector<1x16xf32>,
    %get3A_350 = arith.constant 0 : i32
    %get3A_351 = arith.index_cast %get3A_350 : i32 to index
    %get3A_352 = arith.constant 496 : index
    %get3A_353 = tpu.vector_load %arg9[%get3A_351, %get3A_352] {strides = array<i32>} : memref<4x768xf32, #tpu.memory_space<vmem>>, vector<1x16xf32>,
    %get3A_354 = vector.shape_cast %get3A_353 : vector<1x16xf32> to vector<16xf32>
    %swap3A_355 = arith.constant 1 : i32
    %swap3A_356 = arith.index_cast %swap3A_355 : i32 to index
    %swap3A_357 = arith.constant 496 : index
    %swap3A_358 = tpu.vector_load %arg7[%swap3A_356, %swap3A_357] {strides = array<i32>} : memref<77x768xf32, #tpu.memory_space<vmem>>, vector<1x16xf32>,
    %swap3A_359 = vector.shape_cast %swap3A_358 : vector<1x16xf32> to vector<16xf32>
    %swap3A_360 = vector.shape_cast %get3A_354 : vector<16xf32> to vector<1x16xf32>
    tpu.vector_store %arg7[%swap3A_356, %swap3A_357], %swap3A_360 {strides = array<i32>} : memref<77x768xf32, #tpu.memory_space<vmem>>, vector<1x16xf32>,
    %get3A_361 = arith.constant 0 : i32
    %get3A_362 = arith.index_cast %get3A_361 : i32 to index
    %get3A_363 = arith.constant 512 : index
    %get3A_364 = tpu.vector_load %arg9[%get3A_362, %get3A_363] {strides = array<i32>} : memref<4x768xf32, #tpu.memory_space<vmem>>, vector<1x16xf32>,
    %get3A_365 = vector.shape_cast %get3A_364 : vector<1x16xf32> to vector<16xf32>
    %swap3A_366 = arith.constant 1 : i32
    %swap3A_367 = arith.index_cast %swap3A_366 : i32 to index
    %swap3A_368 = arith.constant 512 : index
    %swap3A_369 = tpu.vector_load %arg7[%swap3A_367, %swap3A_368] {strides = array<i32>} : memref<77x768xf32, #tpu.memory_space<vmem>>, vector<1x16xf32>,
    %swap3A_370 = vector.shape_cast %swap3A_369 : vector<1x16xf32> to vector<16xf32>
    %swap3A_371 = vector.shape_cast %get3A_365 : vector<16xf32> to vector<1x16xf32>
    tpu.vector_store %arg7[%swap3A_367, %swap3A_368], %swap3A_371 {strides = array<i32>} : memref<77x768xf32, #tpu.memory_space<vmem>>, vector<1x16xf32>,
    %get3A_372 = arith.constant 0 : i32
    %get3A_373 = arith.index_cast %get3A_372 : i32 to index
    %get3A_374 = arith.constant 528 : index
    %get3A_375 = tpu.vector_load %arg9[%get3A_373, %get3A_374] {strides = array<i32>} : memref<4x768xf32, #tpu.memory_space<vmem>>, vector<1x16xf32>,
    %get3A_376 = vector.shape_cast %get3A_375 : vector<1x16xf32> to vector<16xf32>
    %swap3A_377 = arith.constant 1 : i32
    %swap3A_378 = arith.index_cast %swap3A_377 : i32 to index
    %swap3A_379 = arith.constant 528 : index
    %swap3A_380 = tpu.vector_load %arg7[%swap3A_378, %swap3A_379] {strides = array<i32>} : memref<77x768xf32, #tpu.memory_space<vmem>>, vector<1x16xf32>,
    %swap3A_381 = vector.shape_cast %swap3A_380 : vector<1x16xf32> to vector<16xf32>
    %swap3A_382 = vector.shape_cast %get3A_376 : vector<16xf32> to vector<1x16xf32>
    tpu.vector_store %arg7[%swap3A_378, %swap3A_379], %swap3A_382 {strides = array<i32>} : memref<77x768xf32, #tpu.memory_space<vmem>>, vector<1x16xf32>,
    %get3A_383 = arith.constant 0 : i32
    %get3A_384 = arith.index_cast %get3A_383 : i32 to index
    %get3A_385 = arith.constant 544 : index
    %get3A_386 = tpu.vector_load %arg9[%get3A_384, %get3A_385] {strides = array<i32>} : memref<4x768xf32, #tpu.memory_space<vmem>>, vector<1x16xf32>,
    %get3A_387 = vector.shape_cast %get3A_386 : vector<1x16xf32> to vector<16xf32>
    %swap3A_388 = arith.constant 1 : i32
    %swap3A_389 = arith.index_cast %swap3A_388 : i32 to index
    %swap3A_390 = arith.constant 544 : index
    %swap3A_391 = tpu.vector_load %arg7[%swap3A_389, %swap3A_390] {strides = array<i32>} : memref<77x768xf32, #tpu.memory_space<vmem>>, vector<1x16xf32>,
    %swap3A_392 = vector.shape_cast %swap3A_391 : vector<1x16xf32> to vector<16xf32>
    %swap3A_393 = vector.shape_cast %get3A_387 : vector<16xf32> to vector<1x16xf32>
    tpu.vector_store %arg7[%swap3A_389, %swap3A_390], %swap3A_393 {strides = array<i32>} : memref<77x768xf32, #tpu.memory_space<vmem>>, vector<1x16xf32>,
    %get3A_394 = arith.constant 0 : i32
    %get3A_395 = arith.index_cast %get3A_394 : i32 to index
    %get3A_396 = arith.constant 560 : index
    %get3A_397 = tpu.vector_load %arg9[%get3A_395, %get3A_396] {strides = array<i32>} : memref<4x768xf32, #tpu.memory_space<vmem>>, vector<1x16xf32>,
    %get3A_398 = vector.shape_cast %get3A_397 : vector<1x16xf32> to vector<16xf32>
    %swap3A_399 = arith.constant 1 : i32
    %swap3A_400 = arith.index_cast %swap3A_399 : i32 to index
    %swap3A_401 = arith.constant 560 : index
    %swap3A_402 = tpu.vector_load %arg7[%swap3A_400, %swap3A_401] {strides = array<i32>} : memref<77x768xf32, #tpu.memory_space<vmem>>, vector<1x16xf32>,
    %swap3A_403 = vector.shape_cast %swap3A_402 : vector<1x16xf32> to vector<16xf32>
    %swap3A_404 = vector.shape_cast %get3A_398 : vector<16xf32> to vector<1x16xf32>
    tpu.vector_store %arg7[%swap3A_400, %swap3A_401], %swap3A_404 {strides = array<i32>} : memref<77x768xf32, #tpu.memory_space<vmem>>, vector<1x16xf32>,
    %get3A_405 = arith.constant 0 : i32
    %get3A_406 = arith.index_cast %get3A_405 : i32 to index
    %get3A_407 = arith.constant 576 : index
    %get3A_408 = tpu.vector_load %arg9[%get3A_406, %get3A_407] {strides = array<i32>} : memref<4x768xf32, #tpu.memory_space<vmem>>, vector<1x16xf32>,
    %get3A_409 = vector.shape_cast %get3A_408 : vector<1x16xf32> to vector<16xf32>
    %swap3A_410 = arith.constant 1 : i32
    %swap3A_411 = arith.index_cast %swap3A_410 : i32 to index
    %swap3A_412 = arith.constant 576 : index
    %swap3A_413 = tpu.vector_load %arg7[%swap3A_411, %swap3A_412] {strides = array<i32>} : memref<77x768xf32, #tpu.memory_space<vmem>>, vector<1x16xf32>,
    %swap3A_414 = vector.shape_cast %swap3A_413 : vector<1x16xf32> to vector<16xf32>
    %swap3A_415 = vector.shape_cast %get3A_409 : vector<16xf32> to vector<1x16xf32>
    tpu.vector_store %arg7[%swap3A_411, %swap3A_412], %swap3A_415 {strides = array<i32>} : memref<77x768xf32, #tpu.memory_space<vmem>>, vector<1x16xf32>,
    %get3A_416 = arith.constant 0 : i32
    %get3A_417 = arith.index_cast %get3A_416 : i32 to index
    %get3A_418 = arith.constant 592 : index
    %get3A_419 = tpu.vector_load %arg9[%get3A_417, %get3A_418] {strides = array<i32>} : memref<4x768xf32, #tpu.memory_space<vmem>>, vector<1x16xf32>,
    %get3A_420 = vector.shape_cast %get3A_419 : vector<1x16xf32> to vector<16xf32>
    %swap3A_421 = arith.constant 1 : i32
    %swap3A_422 = arith.index_cast %swap3A_421 : i32 to index
    %swap3A_423 = arith.constant 592 : index
    %swap3A_424 = tpu.vector_load %arg7[%swap3A_422, %swap3A_423] {strides = array<i32>} : memref<77x768xf32, #tpu.memory_space<vmem>>, vector<1x16xf32>,
    %swap3A_425 = vector.shape_cast %swap3A_424 : vector<1x16xf32> to vector<16xf32>
    %swap3A_426 = vector.shape_cast %get3A_420 : vector<16xf32> to vector<1x16xf32>
    tpu.vector_store %arg7[%swap3A_422, %swap3A_423], %swap3A_426 {strides = array<i32>} : memref<77x768xf32, #tpu.memory_space<vmem>>, vector<1x16xf32>,
    %get3A_427 = arith.constant 0 : i32
    %get3A_428 = arith.index_cast %get3A_427 : i32 to index
    %get3A_429 = arith.constant 608 : index
    %get3A_430 = tpu.vector_load %arg9[%get3A_428, %get3A_429] {strides = array<i32>} : memref<4x768xf32, #tpu.memory_space<vmem>>, vector<1x16xf32>,
    %get3A_431 = vector.shape_cast %get3A_430 : vector<1x16xf32> to vector<16xf32>
    %swap3A_432 = arith.constant 1 : i32
    %swap3A_433 = arith.index_cast %swap3A_432 : i32 to index
    %swap3A_434 = arith.constant 608 : index
    %swap3A_435 = tpu.vector_load %arg7[%swap3A_433, %swap3A_434] {strides = array<i32>} : memref<77x768xf32, #tpu.memory_space<vmem>>, vector<1x16xf32>,
    %swap3A_436 = vector.shape_cast %swap3A_435 : vector<1x16xf32> to vector<16xf32>
    %swap3A_437 = vector.shape_cast %get3A_431 : vector<16xf32> to vector<1x16xf32>
    tpu.vector_store %arg7[%swap3A_433, %swap3A_434], %swap3A_437 {strides = array<i32>} : memref<77x768xf32, #tpu.memory_space<vmem>>, vector<1x16xf32>,
    %get3A_438 = arith.constant 0 : i32
    %get3A_439 = arith.index_cast %get3A_438 : i32 to index
    %get3A_440 = arith.constant 624 : index
    %get3A_441 = tpu.vector_load %arg9[%get3A_439, %get3A_440] {strides = array<i32>} : memref<4x768xf32, #tpu.memory_space<vmem>>, vector<1x16xf32>,
    %get3A_442 = vector.shape_cast %get3A_441 : vector<1x16xf32> to vector<16xf32>
    %swap3A_443 = arith.constant 1 : i32
    %swap3A_444 = arith.index_cast %swap3A_443 : i32 to index
    %swap3A_445 = arith.constant 624 : index
    %swap3A_446 = tpu.vector_load %arg7[%swap3A_444, %swap3A_445] {strides = array<i32>} : memref<77x768xf32, #tpu.memory_space<vmem>>, vector<1x16xf32>,
    %swap3A_447 = vector.shape_cast %swap3A_446 : vector<1x16xf32> to vector<16xf32>
    %swap3A_448 = vector.shape_cast %get3A_442 : vector<16xf32> to vector<1x16xf32>
    tpu.vector_store %arg7[%swap3A_444, %swap3A_445], %swap3A_448 {strides = array<i32>} : memref<77x768xf32, #tpu.memory_space<vmem>>, vector<1x16xf32>,
    %get3A_449 = arith.constant 0 : i32
    %get3A_450 = arith.index_cast %get3A_449 : i32 to index
    %get3A_451 = arith.constant 640 : index
    %get3A_452 = tpu.vector_load %arg9[%get3A_450, %get3A_451] {strides = array<i32>} : memref<4x768xf32, #tpu.memory_space<vmem>>, vector<1x16xf32>,
    %get3A_453 = vector.shape_cast %get3A_452 : vector<1x16xf32> to vector<16xf32>
    %swap3A_454 = arith.constant 1 : i32
    %swap3A_455 = arith.index_cast %swap3A_454 : i32 to index
    %swap3A_456 = arith.constant 640 : index
    %swap3A_457 = tpu.vector_load %arg7[%swap3A_455, %swap3A_456] {strides = array<i32>} : memref<77x768xf32, #tpu.memory_space<vmem>>, vector<1x16xf32>,
    %swap3A_458 = vector.shape_cast %swap3A_457 : vector<1x16xf32> to vector<16xf32>
    %swap3A_459 = vector.shape_cast %get3A_453 : vector<16xf32> to vector<1x16xf32>
    tpu.vector_store %arg7[%swap3A_455, %swap3A_456], %swap3A_459 {strides = array<i32>} : memref<77x768xf32, #tpu.memory_space<vmem>>, vector<1x16xf32>,
    %get3A_460 = arith.constant 0 : i32
    %get3A_461 = arith.index_cast %get3A_460 : i32 to index
    %get3A_462 = arith.constant 656 : index
    %get3A_463 = tpu.vector_load %arg9[%get3A_461, %get3A_462] {strides = array<i32>} : memref<4x768xf32, #tpu.memory_space<vmem>>, vector<1x16xf32>,
    %get3A_464 = vector.shape_cast %get3A_463 : vector<1x16xf32> to vector<16xf32>
    %swap3A_465 = arith.constant 1 : i32
    %swap3A_466 = arith.index_cast %swap3A_465 : i32 to index
    %swap3A_467 = arith.constant 656 : index
    %swap3A_468 = tpu.vector_load %arg7[%swap3A_466, %swap3A_467] {strides = array<i32>} : memref<77x768xf32, #tpu.memory_space<vmem>>, vector<1x16xf32>,
    %swap3A_469 = vector.shape_cast %swap3A_468 : vector<1x16xf32> to vector<16xf32>
    %swap3A_470 = vector.shape_cast %get3A_464 : vector<16xf32> to vector<1x16xf32>
    tpu.vector_store %arg7[%swap3A_466, %swap3A_467], %swap3A_470 {strides = array<i32>} : memref<77x768xf32, #tpu.memory_space<vmem>>, vector<1x16xf32>,
    %get3A_471 = arith.constant 0 : i32
    %get3A_472 = arith.index_cast %get3A_471 : i32 to index
    %get3A_473 = arith.constant 672 : index
    %get3A_474 = tpu.vector_load %arg9[%get3A_472, %get3A_473] {strides = array<i32>} : memref<4x768xf32, #tpu.memory_space<vmem>>, vector<1x16xf32>,
    %get3A_475 = vector.shape_cast %get3A_474 : vector<1x16xf32> to vector<16xf32>
    %swap3A_476 = arith.constant 1 : i32
    %swap3A_477 = arith.index_cast %swap3A_476 : i32 to index
    %swap3A_478 = arith.constant 672 : index
    %swap3A_479 = tpu.vector_load %arg7[%swap3A_477, %swap3A_478] {strides = array<i32>} : memref<77x768xf32, #tpu.memory_space<vmem>>, vector<1x16xf32>,
    %swap3A_480 = vector.shape_cast %swap3A_479 : vector<1x16xf32> to vector<16xf32>
    %swap3A_481 = vector.shape_cast %get3A_475 : vector<16xf32> to vector<1x16xf32>
    tpu.vector_store %arg7[%swap3A_477, %swap3A_478], %swap3A_481 {strides = array<i32>} : memref<77x768xf32, #tpu.memory_space<vmem>>, vector<1x16xf32>,
    %get3A_482 = arith.constant 0 : i32
    %get3A_483 = arith.index_cast %get3A_482 : i32 to index
    %get3A_484 = arith.constant 688 : index
    %get3A_485 = tpu.vector_load %arg9[%get3A_483, %get3A_484] {strides = array<i32>} : memref<4x768xf32, #tpu.memory_space<vmem>>, vector<1x16xf32>,
    %get3A_486 = vector.shape_cast %get3A_485 : vector<1x16xf32> to vector<16xf32>
    %swap3A_487 = arith.constant 1 : i32
    %swap3A_488 = arith.index_cast %swap3A_487 : i32 to index
    %swap3A_489 = arith.constant 688 : index
    %swap3A_490 = tpu.vector_load %arg7[%swap3A_488, %swap3A_489] {strides = array<i32>} : memref<77x768xf32, #tpu.memory_space<vmem>>, vector<1x16xf32>,
    %swap3A_491 = vector.shape_cast %swap3A_490 : vector<1x16xf32> to vector<16xf32>
    %swap3A_492 = vector.shape_cast %get3A_486 : vector<16xf32> to vector<1x16xf32>
    tpu.vector_store %arg7[%swap3A_488, %swap3A_489], %swap3A_492 {strides = array<i32>} : memref<77x768xf32, #tpu.memory_space<vmem>>, vector<1x16xf32>,
    %get3A_493 = arith.constant 0 : i32
    %get3A_494 = arith.index_cast %get3A_493 : i32 to index
    %get3A_495 = arith.constant 704 : index
    %get3A_496 = tpu.vector_load %arg9[%get3A_494, %get3A_495] {strides = array<i32>} : memref<4x768xf32, #tpu.memory_space<vmem>>, vector<1x16xf32>,
    %get3A_497 = vector.shape_cast %get3A_496 : vector<1x16xf32> to vector<16xf32>
    %swap3A_498 = arith.constant 1 : i32
    %swap3A_499 = arith.index_cast %swap3A_498 : i32 to index
    %swap3A_500 = arith.constant 704 : index
    %swap3A_501 = tpu.vector_load %arg7[%swap3A_499, %swap3A_500] {strides = array<i32>} : memref<77x768xf32, #tpu.memory_space<vmem>>, vector<1x16xf32>,
    %swap3A_502 = vector.shape_cast %swap3A_501 : vector<1x16xf32> to vector<16xf32>
    %swap3A_503 = vector.shape_cast %get3A_497 : vector<16xf32> to vector<1x16xf32>
    tpu.vector_store %arg7[%swap3A_499, %swap3A_500], %swap3A_503 {strides = array<i32>} : memref<77x768xf32, #tpu.memory_space<vmem>>, vector<1x16xf32>,
    %get3A_504 = arith.constant 0 : i32
    %get3A_505 = arith.index_cast %get3A_504 : i32 to index
    %get3A_506 = arith.constant 720 : index
    %get3A_507 = tpu.vector_load %arg9[%get3A_505, %get3A_506] {strides = array<i32>} : memref<4x768xf32, #tpu.memory_space<vmem>>, vector<1x16xf32>,
    %get3A_508 = vector.shape_cast %get3A_507 : vector<1x16xf32> to vector<16xf32>
    %swap3A_509 = arith.constant 1 : i32
    %swap3A_510 = arith.index_cast %swap3A_509 : i32 to index
    %swap3A_511 = arith.constant 720 : index
    %swap3A_512 = tpu.vector_load %arg7[%swap3A_510, %swap3A_511] {strides = array<i32>} : memref<77x768xf32, #tpu.memory_space<vmem>>, vector<1x16xf32>,
    %swap3A_513 = vector.shape_cast %swap3A_512 : vector<1x16xf32> to vector<16xf32>
    %swap3A_514 = vector.shape_cast %get3A_508 : vector<16xf32> to vector<1x16xf32>
    tpu.vector_store %arg7[%swap3A_510, %swap3A_511], %swap3A_514 {strides = array<i32>} : memref<77x768xf32, #tpu.memory_space<vmem>>, vector<1x16xf32>,
    %get3A_515 = arith.constant 0 : i32
    %get3A_516 = arith.index_cast %get3A_515 : i32 to index
    %get3A_517 = arith.constant 736 : index
    %get3A_518 = tpu.vector_load %arg9[%get3A_516, %get3A_517] {strides = array<i32>} : memref<4x768xf32, #tpu.memory_space<vmem>>, vector<1x16xf32>,
    %get3A_519 = vector.shape_cast %get3A_518 : vector<1x16xf32> to vector<16xf32>
    %swap3A_520 = arith.constant 1 : i32
    %swap3A_521 = arith.index_cast %swap3A_520 : i32 to index
    %swap3A_522 = arith.constant 736 : index
    %swap3A_523 = tpu.vector_load %arg7[%swap3A_521, %swap3A_522] {strides = array<i32>} : memref<77x768xf32, #tpu.memory_space<vmem>>, vector<1x16xf32>,
    %swap3A_524 = vector.shape_cast %swap3A_523 : vector<1x16xf32> to vector<16xf32>
    %swap3A_525 = vector.shape_cast %get3A_519 : vector<16xf32> to vector<1x16xf32>
    tpu.vector_store %arg7[%swap3A_521, %swap3A_522], %swap3A_525 {strides = array<i32>} : memref<77x768xf32, #tpu.memory_space<vmem>>, vector<1x16xf32>,
    %get3A_526 = arith.constant 0 : i32
    %get3A_527 = arith.index_cast %get3A_526 : i32 to index
    %get3A_528 = arith.constant 752 : index
    %get3A_529 = tpu.vector_load %arg9[%get3A_527, %get3A_528] {strides = array<i32>} : memref<4x768xf32, #tpu.memory_space<vmem>>, vector<1x16xf32>,
    %get3A_530 = vector.shape_cast %get3A_529 : vector<1x16xf32> to vector<16xf32>
    %swap3A_531 = arith.constant 1 : i32
    %swap3A_532 = arith.index_cast %swap3A_531 : i32 to index
    %swap3A_533 = arith.constant 752 : index
    %swap3A_534 = tpu.vector_load %arg7[%swap3A_532, %swap3A_533] {strides = array<i32>} : memref<77x768xf32, #tpu.memory_space<vmem>>, vector<1x16xf32>,
    %swap3A_535 = vector.shape_cast %swap3A_534 : vector<1x16xf32> to vector<16xf32>
    %swap3A_536 = vector.shape_cast %get3A_530 : vector<16xf32> to vector<1x16xf32>
    tpu.vector_store %arg7[%swap3A_532, %swap3A_533], %swap3A_536 {strides = array<i32>} : memref<77x768xf32, #tpu.memory_space<vmem>>, vector<1x16xf32>,
    %get3A_537 = arith.constant 1 : i32
    %get3A_538 = arith.index_cast %get3A_537 : i32 to index
    %get3A_539 = arith.constant 0 : index
    %get3A_540 = tpu.vector_load %arg9[%get3A_538, %get3A_539] {strides = array<i32>} : memref<4x768xf32, #tpu.memory_space<vmem>>, vector<1x16xf32>,
    %get3A_541 = vector.shape_cast %get3A_540 : vector<1x16xf32> to vector<16xf32>
    %swap3A_542 = arith.constant 2 : i32
    %swap3A_543 = arith.index_cast %swap3A_542 : i32 to index
    %swap3A_544 = arith.constant 0 : index
    %swap3A_545 = tpu.vector_load %arg7[%swap3A_543, %swap3A_544] {strides = array<i32>} : memref<77x768xf32, #tpu.memory_space<vmem>>, vector<1x16xf32>,
    %swap3A_546 = vector.shape_cast %swap3A_545 : vector<1x16xf32> to vector<16xf32>
    %swap3A_547 = vector.shape_cast %get3A_541 : vector<16xf32> to vector<1x16xf32>
    tpu.vector_store %arg7[%swap3A_543, %swap3A_544], %swap3A_547 {strides = array<i32>} : memref<77x768xf32, #tpu.memory_space<vmem>>, vector<1x16xf32>,
    %get3A_548 = arith.constant 1 : i32
    %get3A_549 = arith.index_cast %get3A_548 : i32 to index
    %get3A_550 = arith.constant 16 : index
    %get3A_551 = tpu.vector_load %arg9[%get3A_549, %get3A_550] {strides = array<i32>} : memref<4x768xf32, #tpu.memory_space<vmem>>, vector<1x16xf32>,
    %get3A_552 = vector.shape_cast %get3A_551 : vector<1x16xf32> to vector<16xf32>
    %swap3A_553 = arith.constant 2 : i32
    %swap3A_554 = arith.index_cast %swap3A_553 : i32 to index
    %swap3A_555 = arith.constant 16 : index
    %swap3A_556 = tpu.vector_load %arg7[%swap3A_554, %swap3A_555] {strides = array<i32>} : memref<77x768xf32, #tpu.memory_space<vmem>>, vector<1x16xf32>,
    %swap3A_557 = vector.shape_cast %swap3A_556 : vector<1x16xf32> to vector<16xf32>
    %swap3A_558 = vector.shape_cast %get3A_552 : vector<16xf32> to vector<1x16xf32>
    tpu.vector_store %arg7[%swap3A_554, %swap3A_555], %swap3A_558 {strides = array<i32>} : memref<77x768xf32, #tpu.memory_space<vmem>>, vector<1x16xf32>,
    %get3A_559 = arith.constant 1 : i32
    %get3A_560 = arith.index_cast %get3A_559 : i32 to index
    %get3A_561 = arith.constant 32 : index
    %get3A_562 = tpu.vector_load %arg9[%get3A_560, %get3A_561] {strides = array<i32>} : memref<4x768xf32, #tpu.memory_space<vmem>>, vector<1x16xf32>,
    %get3A_563 = vector.shape_cast %get3A_562 : vector<1x16xf32> to vector<16xf32>
    %swap3A_564 = arith.constant 2 : i32
    %swap3A_565 = arith.index_cast %swap3A_564 : i32 to index
    %swap3A_566 = arith.constant 32 : index
    %swap3A_567 = tpu.vector_load %arg7[%swap3A_565, %swap3A_566] {strides = array<i32>} : memref<77x768xf32, #tpu.memory_space<vmem>>, vector<1x16xf32>,
    %swap3A_568 = vector.shape_cast %swap3A_567 : vector<1x16xf32> to vector<16xf32>
    %swap3A_569 = vector.shape_cast %get3A_563 : vector<16xf32> to vector<1x16xf32>
    tpu.vector_store %arg7[%swap3A_565, %swap3A_566], %swap3A_569 {strides = array<i32>} : memref<77x768xf32, #tpu.memory_space<vmem>>, vector<1x16xf32>,
    %get3A_570 = arith.constant 1 : i32
    %get3A_571 = arith.index_cast %get3A_570 : i32 to index
    %get3A_572 = arith.constant 48 : index
    %get3A_573 = tpu.vector_load %arg9[%get3A_571, %get3A_572] {strides = array<i32>} : memref<4x768xf32, #tpu.memory_space<vmem>>, vector<1x16xf32>,
    %get3A_574 = vector.shape_cast %get3A_573 : vector<1x16xf32> to vector<16xf32>
    %swap3A_575 = arith.constant 2 : i32
    %swap3A_576 = arith.index_cast %swap3A_575 : i32 to index
    %swap3A_577 = arith.constant 48 : index
    %swap3A_578 = tpu.vector_load %arg7[%swap3A_576, %swap3A_577] {strides = array<i32>} : memref<77x768xf32, #tpu.memory_space<vmem>>, vector<1x16xf32>,
    %swap3A_579 = vector.shape_cast %swap3A_578 : vector<1x16xf32> to vector<16xf32>
    %swap3A_580 = vector.shape_cast %get3A_574 : vector<16xf32> to vector<1x16xf32>
    tpu.vector_store %arg7[%swap3A_576, %swap3A_577], %swap3A_580 {strides = array<i32>} : memref<77x768xf32, #tpu.memory_space<vmem>>, vector<1x16xf32>,
    %get3A_581 = arith.constant 1 : i32
    %get3A_582 = arith.index_cast %get3A_581 : i32 to index
    %get3A_583 = arith.constant 64 : index
    %get3A_584 = tpu.vector_load %arg9[%get3A_582, %get3A_583] {strides = array<i32>} : memref<4x768xf32, #tpu.memory_space<vmem>>, vector<1x16xf32>,
    %get3A_585 = vector.shape_cast %get3A_584 : vector<1x16xf32> to vector<16xf32>
    %swap3A_586 = arith.constant 2 : i32
    %swap3A_587 = arith.index_cast %swap3A_586 : i32 to index
    %swap3A_588 = arith.constant 64 : index
    %swap3A_589 = tpu.vector_load %arg7[%swap3A_587, %swap3A_588] {strides = array<i32>} : memref<77x768xf32, #tpu.memory_space<vmem>>, vector<1x16xf32>,
    %swap3A_590 = vector.shape_cast %swap3A_589 : vector<1x16xf32> to vector<16xf32>
    %swap3A_591 = vector.shape_cast %get3A_585 : vector<16xf32> to vector<1x16xf32>
    tpu.vector_store %arg7[%swap3A_587, %swap3A_588], %swap3A_591 {strides = array<i32>} : memref<77x768xf32, #tpu.memory_space<vmem>>, vector<1x16xf32>,
    %get3A_592 = arith.constant 1 : i32
    %get3A_593 = arith.index_cast %get3A_592 : i32 to index
    %get3A_594 = arith.constant 80 : index
    %get3A_595 = tpu.vector_load %arg9[%get3A_593, %get3A_594] {strides = array<i32>} : memref<4x768xf32, #tpu.memory_space<vmem>>, vector<1x16xf32>,
    %get3A_596 = vector.shape_cast %get3A_595 : vector<1x16xf32> to vector<16xf32>
    %swap3A_597 = arith.constant 2 : i32
    %swap3A_598 = arith.index_cast %swap3A_597 : i32 to index
    %swap3A_599 = arith.constant 80 : index
    %swap3A_600 = tpu.vector_load %arg7[%swap3A_598, %swap3A_599] {strides = array<i32>} : memref<77x768xf32, #tpu.memory_space<vmem>>, vector<1x16xf32>,
    %swap3A_601 = vector.shape_cast %swap3A_600 : vector<1x16xf32> to vector<16xf32>
    %swap3A_602 = vector.shape_cast %get3A_596 : vector<16xf32> to vector<1x16xf32>
    tpu.vector_store %arg7[%swap3A_598, %swap3A_599], %swap3A_602 {strides = array<i32>} : memref<77x768xf32, #tpu.memory_space<vmem>>, vector<1x16xf32>,
    %get3A_603 = arith.constant 1 : i32
    %get3A_604 = arith.index_cast %get3A_603 : i32 to index
    %get3A_605 = arith.constant 96 : index
    %get3A_606 = tpu.vector_load %arg9[%get3A_604, %get3A_605] {strides = array<i32>} : memref<4x768xf32, #tpu.memory_space<vmem>>, vector<1x16xf32>,
    %get3A_607 = vector.shape_cast %get3A_606 : vector<1x16xf32> to vector<16xf32>
    %swap3A_608 = arith.constant 2 : i32
    %swap3A_609 = arith.index_cast %swap3A_608 : i32 to index
    %swap3A_610 = arith.constant 96 : index
    %swap3A_611 = tpu.vector_load %arg7[%swap3A_609, %swap3A_610] {strides = array<i32>} : memref<77x768xf32, #tpu.memory_space<vmem>>, vector<1x16xf32>,
    %swap3A_612 = vector.shape_cast %swap3A_611 : vector<1x16xf32> to vector<16xf32>
    %swap3A_613 = vector.shape_cast %get3A_607 : vector<16xf32> to vector<1x16xf32>
    tpu.vector_store %arg7[%swap3A_609, %swap3A_610], %swap3A_613 {strides = array<i32>} : memref<77x768xf32, #tpu.memory_space<vmem>>, vector<1x16xf32>,
    %get3A_614 = arith.constant 1 : i32
    %get3A_615 = arith.index_cast %get3A_614 : i32 to index
    %get3A_616 = arith.constant 112 : index
    %get3A_617 = tpu.vector_load %arg9[%get3A_615, %get3A_616] {strides = array<i32>} : memref<4x768xf32, #tpu.memory_space<vmem>>, vector<1x16xf32>,
    %get3A_618 = vector.shape_cast %get3A_617 : vector<1x16xf32> to vector<16xf32>
    %swap3A_619 = arith.constant 2 : i32
    %swap3A_620 = arith.index_cast %swap3A_619 : i32 to index
    %swap3A_621 = arith.constant 112 : index
    %swap3A_622 = tpu.vector_load %arg7[%swap3A_620, %swap3A_621] {strides = array<i32>} : memref<77x768xf32, #tpu.memory_space<vmem>>, vector<1x16xf32>,
    %swap3A_623 = vector.shape_cast %swap3A_622 : vector<1x16xf32> to vector<16xf32>
    %swap3A_624 = vector.shape_cast %get3A_618 : vector<16xf32> to vector<1x16xf32>
    tpu.vector_store %arg7[%swap3A_620, %swap3A_621], %swap3A_624 {strides = array<i32>} : memref<77x768xf32, #tpu.memory_space<vmem>>, vector<1x16xf32>,
    %get3A_625 = arith.constant 1 : i32
    %get3A_626 = arith.index_cast %get3A_625 : i32 to index
    %get3A_627 = arith.constant 128 : index
    %get3A_628 = tpu.vector_load %arg9[%get3A_626, %get3A_627] {strides = array<i32>} : memref<4x768xf32, #tpu.memory_space<vmem>>, vector<1x16xf32>,
    %get3A_629 = vector.shape_cast %get3A_628 : vector<1x16xf32> to vector<16xf32>
    %swap3A_630 = arith.constant 2 : i32
    %swap3A_631 = arith.index_cast %swap3A_630 : i32 to index
    %swap3A_632 = arith.constant 128 : index
    %swap3A_633 = tpu.vector_load %arg7[%swap3A_631, %swap3A_632] {strides = array<i32>} : memref<77x768xf32, #tpu.memory_space<vmem>>, vector<1x16xf32>,
    %swap3A_634 = vector.shape_cast %swap3A_633 : vector<1x16xf32> to vector<16xf32>
    %swap3A_635 = vector.shape_cast %get3A_629 : vector<16xf32> to vector<1x16xf32>
    tpu.vector_store %arg7[%swap3A_631, %swap3A_632], %swap3A_635 {strides = array<i32>} : memref<77x768xf32, #tpu.memory_space<vmem>>, vector<1x16xf32>,
    %get3A_636 = arith.constant 1 : i32
    %get3A_637 = arith.index_cast %get3A_636 : i32 to index
    %get3A_638 = arith.constant 144 : index
    %get3A_639 = tpu.vector_load %arg9[%get3A_637, %get3A_638] {strides = array<i32>} : memref<4x768xf32, #tpu.memory_space<vmem>>, vector<1x16xf32>,
    %get3A_640 = vector.shape_cast %get3A_639 : vector<1x16xf32> to vector<16xf32>
    %swap3A_641 = arith.constant 2 : i32
    %swap3A_642 = arith.index_cast %swap3A_641 : i32 to index
    %swap3A_643 = arith.constant 144 : index
    %swap3A_644 = tpu.vector_load %arg7[%swap3A_642, %swap3A_643] {strides = array<i32>} : memref<77x768xf32, #tpu.memory_space<vmem>>, vector<1x16xf32>,
    %swap3A_645 = vector.shape_cast %swap3A_644 : vector<1x16xf32> to vector<16xf32>
    %swap3A_646 = vector.shape_cast %get3A_640 : vector<16xf32> to vector<1x16xf32>
    tpu.vector_store %arg7[%swap3A_642, %swap3A_643], %swap3A_646 {strides = array<i32>} : memref<77x768xf32, #tpu.memory_space<vmem>>, vector<1x16xf32>,
    %get3A_647 = arith.constant 1 : i32
    %get3A_648 = arith.index_cast %get3A_647 : i32 to index
    %get3A_649 = arith.constant 160 : index
    %get3A_650 = tpu.vector_load %arg9[%get3A_648, %get3A_649] {strides = array<i32>} : memref<4x768xf32, #tpu.memory_space<vmem>>, vector<1x16xf32>,
    %get3A_651 = vector.shape_cast %get3A_650 : vector<1x16xf32> to vector<16xf32>
    %swap3A_652 = arith.constant 2 : i32
    %swap3A_653 = arith.index_cast %swap3A_652 : i32 to index
    %swap3A_654 = arith.constant 160 : index
    %swap3A_655 = tpu.vector_load %arg7[%swap3A_653, %swap3A_654] {strides = array<i32>} : memref<77x768xf32, #tpu.memory_space<vmem>>, vector<1x16xf32>,
    %swap3A_656 = vector.shape_cast %swap3A_655 : vector<1x16xf32> to vector<16xf32>
    %swap3A_657 = vector.shape_cast %get3A_651 : vector<16xf32> to vector<1x16xf32>
    tpu.vector_store %arg7[%swap3A_653, %swap3A_654], %swap3A_657 {strides = array<i32>} : memref<77x768xf32, #tpu.memory_space<vmem>>, vector<1x16xf32>,
    %get3A_658 = arith.constant 1 : i32
    %get3A_659 = arith.index_cast %get3A_658 : i32 to index
    %get3A_660 = arith.constant 176 : index
    %get3A_661 = tpu.vector_load %arg9[%get3A_659, %get3A_660] {strides = array<i32>} : memref<4x768xf32, #tpu.memory_space<vmem>>, vector<1x16xf32>,
    %get3A_662 = vector.shape_cast %get3A_661 : vector<1x16xf32> to vector<16xf32>
    %swap3A_663 = arith.constant 2 : i32
    %swap3A_664 = arith.index_cast %swap3A_663 : i32 to index
    %swap3A_665 = arith.constant 176 : index
    %swap3A_666 = tpu.vector_load %arg7[%swap3A_664, %swap3A_665] {strides = array<i32>} : memref<77x768xf32, #tpu.memory_space<vmem>>, vector<1x16xf32>,
    %swap3A_667 = vector.shape_cast %swap3A_666 : vector<1x16xf32> to vector<16xf32>
    %swap3A_668 = vector.shape_cast %get3A_662 : vector<16xf32> to vector<1x16xf32>
    tpu.vector_store %arg7[%swap3A_664, %swap3A_665], %swap3A_668 {strides = array<i32>} : memref<77x768xf32, #tpu.memory_space<vmem>>, vector<1x16xf32>,
    %get3A_669 = arith.constant 1 : i32
    %get3A_670 = arith.index_cast %get3A_669 : i32 to index
    %get3A_671 = arith.constant 192 : index
    %get3A_672 = tpu.vector_load %arg9[%get3A_670, %get3A_671] {strides = array<i32>} : memref<4x768xf32, #tpu.memory_space<vmem>>, vector<1x16xf32>,
    %get3A_673 = vector.shape_cast %get3A_672 : vector<1x16xf32> to vector<16xf32>
    %swap3A_674 = arith.constant 2 : i32
    %swap3A_675 = arith.index_cast %swap3A_674 : i32 to index
    %swap3A_676 = arith.constant 192 : index
    %swap3A_677 = tpu.vector_load %arg7[%swap3A_675, %swap3A_676] {strides = array<i32>} : memref<77x768xf32, #tpu.memory_space<vmem>>, vector<1x16xf32>,
    %swap3A_678 = vector.shape_cast %swap3A_677 : vector<1x16xf32> to vector<16xf32>
    %swap3A_679 = vector.shape_cast %get3A_673 : vector<16xf32> to vector<1x16xf32>
    tpu.vector_store %arg7[%swap3A_675, %swap3A_676], %swap3A_679 {strides = array<i32>} : memref<77x768xf32, #tpu.memory_space<vmem>>, vector<1x16xf32>,
    %get3A_680 = arith.constant 1 : i32
    %get3A_681 = arith.index_cast %get3A_680 : i32 to index
    %get3A_682 = arith.constant 208 : index
    %get3A_683 = tpu.vector_load %arg9[%get3A_681, %get3A_682] {strides = array<i32>} : memref<4x768xf32, #tpu.memory_space<vmem>>, vector<1x16xf32>,
    %get3A_684 = vector.shape_cast %get3A_683 : vector<1x16xf32> to vector<16xf32>
    %swap3A_685 = arith.constant 2 : i32
    %swap3A_686 = arith.index_cast %swap3A_685 : i32 to index
    %swap3A_687 = arith.constant 208 : index
    %swap3A_688 = tpu.vector_load %arg7[%swap3A_686, %swap3A_687] {strides = array<i32>} : memref<77x768xf32, #tpu.memory_space<vmem>>, vector<1x16xf32>,
    %swap3A_689 = vector.shape_cast %swap3A_688 : vector<1x16xf32> to vector<16xf32>
    %swap3A_690 = vector.shape_cast %get3A_684 : vector<16xf32> to vector<1x16xf32>
    tpu.vector_store %arg7[%swap3A_686, %swap3A_687], %swap3A_690 {strides = array<i32>} : memref<77x768xf32, #tpu.memory_space<vmem>>, vector<1x16xf32>,
    %get3A_691 = arith.constant 1 : i32
    %get3A_692 = arith.index_cast %get3A_691 : i32 to index
    %get3A_693 = arith.constant 224 : index
    %get3A_694 = tpu.vector_load %arg9[%get3A_692, %get3A_693] {strides = array<i32>} : memref<4x768xf32, #tpu.memory_space<vmem>>, vector<1x16xf32>,
    %get3A_695 = vector.shape_cast %get3A_694 : vector<1x16xf32> to vector<16xf32>
    %swap3A_696 = arith.constant 2 : i32
    %swap3A_697 = arith.index_cast %swap3A_696 : i32 to index
    %swap3A_698 = arith.constant 224 : index
    %swap3A_699 = tpu.vector_load %arg7[%swap3A_697, %swap3A_698] {strides = array<i32>} : memref<77x768xf32, #tpu.memory_space<vmem>>, vector<1x16xf32>,
    %swap3A_700 = vector.shape_cast %swap3A_699 : vector<1x16xf32> to vector<16xf32>
    %swap3A_701 = vector.shape_cast %get3A_695 : vector<16xf32> to vector<1x16xf32>
    tpu.vector_store %arg7[%swap3A_697, %swap3A_698], %swap3A_701 {strides = array<i32>} : memref<77x768xf32, #tpu.memory_space<vmem>>, vector<1x16xf32>,
    %get3A_702 = arith.constant 1 : i32
    %get3A_703 = arith.index_cast %get3A_702 : i32 to index
    %get3A_704 = arith.constant 240 : index
    %get3A_705 = tpu.vector_load %arg9[%get3A_703, %get3A_704] {strides = array<i32>} : memref<4x768xf32, #tpu.memory_space<vmem>>, vector<1x16xf32>,
    %get3A_706 = vector.shape_cast %get3A_705 : vector<1x16xf32> to vector<16xf32>
    %swap3A_707 = arith.constant 2 : i32
    %swap3A_708 = arith.index_cast %swap3A_707 : i32 to index
    %swap3A_709 = arith.constant 240 : index
    %swap3A_710 = tpu.vector_load %arg7[%swap3A_708, %swap3A_709] {strides = array<i32>} : memref<77x768xf32, #tpu.memory_space<vmem>>, vector<1x16xf32>,
    %swap3A_711 = vector.shape_cast %swap3A_710 : vector<1x16xf32> to vector<16xf32>
    %swap3A_712 = vector.shape_cast %get3A_706 : vector<16xf32> to vector<1x16xf32>
    tpu.vector_store %arg7[%swap3A_708, %swap3A_709], %swap3A_712 {strides = array<i32>} : memref<77x768xf32, #tpu.memory_space<vmem>>, vector<1x16xf32>,
    %get3A_713 = arith.constant 1 : i32
    %get3A_714 = arith.index_cast %get3A_713 : i32 to index
    %get3A_715 = arith.constant 256 : index
    %get3A_716 = tpu.vector_load %arg9[%get3A_714, %get3A_715] {strides = array<i32>} : memref<4x768xf32, #tpu.memory_space<vmem>>, vector<1x16xf32>,
    %get3A_717 = vector.shape_cast %get3A_716 : vector<1x16xf32> to vector<16xf32>
    %swap3A_718 = arith.constant 2 : i32
    %swap3A_719 = arith.index_cast %swap3A_718 : i32 to index
    %swap3A_720 = arith.constant 256 : index
    %swap3A_721 = tpu.vector_load %arg7[%swap3A_719, %swap3A_720] {strides = array<i32>} : memref<77x768xf32, #tpu.memory_space<vmem>>, vector<1x16xf32>,
    %swap3A_722 = vector.shape_cast %swap3A_721 : vector<1x16xf32> to vector<16xf32>
    %swap3A_723 = vector.shape_cast %get3A_717 : vector<16xf32> to vector<1x16xf32>
    tpu.vector_store %arg7[%swap3A_719, %swap3A_720], %swap3A_723 {strides = array<i32>} : memref<77x768xf32, #tpu.memory_space<vmem>>, vector<1x16xf32>,
    %get3A_724 = arith.constant 1 : i32
    %get3A_725 = arith.index_cast %get3A_724 : i32 to index
    %get3A_726 = arith.constant 272 : index
    %get3A_727 = tpu.vector_load %arg9[%get3A_725, %get3A_726] {strides = array<i32>} : memref<4x768xf32, #tpu.memory_space<vmem>>, vector<1x16xf32>,
    %get3A_728 = vector.shape_cast %get3A_727 : vector<1x16xf32> to vector<16xf32>
    %swap3A_729 = arith.constant 2 : i32
    %swap3A_730 = arith.index_cast %swap3A_729 : i32 to index
    %swap3A_731 = arith.constant 272 : index
    %swap3A_732 = tpu.vector_load %arg7[%swap3A_730, %swap3A_731] {strides = array<i32>} : memref<77x768xf32, #tpu.memory_space<vmem>>, vector<1x16xf32>,
    %swap3A_733 = vector.shape_cast %swap3A_732 : vector<1x16xf32> to vector<16xf32>
    %swap3A_734 = vector.shape_cast %get3A_728 : vector<16xf32> to vector<1x16xf32>
    tpu.vector_store %arg7[%swap3A_730, %swap3A_731], %swap3A_734 {strides = array<i32>} : memref<77x768xf32, #tpu.memory_space<vmem>>, vector<1x16xf32>,
    %get3A_735 = arith.constant 1 : i32
    %get3A_736 = arith.index_cast %get3A_735 : i32 to index
    %get3A_737 = arith.constant 288 : index
    %get3A_738 = tpu.vector_load %arg9[%get3A_736, %get3A_737] {strides = array<i32>} : memref<4x768xf32, #tpu.memory_space<vmem>>, vector<1x16xf32>,
    %get3A_739 = vector.shape_cast %get3A_738 : vector<1x16xf32> to vector<16xf32>
    %swap3A_740 = arith.constant 2 : i32
    %swap3A_741 = arith.index_cast %swap3A_740 : i32 to index
    %swap3A_742 = arith.constant 288 : index
    %swap3A_743 = tpu.vector_load %arg7[%swap3A_741, %swap3A_742] {strides = array<i32>} : memref<77x768xf32, #tpu.memory_space<vmem>>, vector<1x16xf32>,
    %swap3A_744 = vector.shape_cast %swap3A_743 : vector<1x16xf32> to vector<16xf32>
    %swap3A_745 = vector.shape_cast %get3A_739 : vector<16xf32> to vector<1x16xf32>
    tpu.vector_store %arg7[%swap3A_741, %swap3A_742], %swap3A_745 {strides = array<i32>} : memref<77x768xf32, #tpu.memory_space<vmem>>, vector<1x16xf32>,
    %get3A_746 = arith.constant 1 : i32
    %get3A_747 = arith.index_cast %get3A_746 : i32 to index
    %get3A_748 = arith.constant 304 : index
    %get3A_749 = tpu.vector_load %arg9[%get3A_747, %get3A_748] {strides = array<i32>} : memref<4x768xf32, #tpu.memory_space<vmem>>, vector<1x16xf32>,
    %get3A_750 = vector.shape_cast %get3A_749 : vector<1x16xf32> to vector<16xf32>
    %swap3A_751 = arith.constant 2 : i32
    %swap3A_752 = arith.index_cast %swap3A_751 : i32 to index
    %swap3A_753 = arith.constant 304 : index
    %swap3A_754 = tpu.vector_load %arg7[%swap3A_752, %swap3A_753] {strides = array<i32>} : memref<77x768xf32, #tpu.memory_space<vmem>>, vector<1x16xf32>,
    %swap3A_755 = vector.shape_cast %swap3A_754 : vector<1x16xf32> to vector<16xf32>
    %swap3A_756 = vector.shape_cast %get3A_750 : vector<16xf32> to vector<1x16xf32>
    tpu.vector_store %arg7[%swap3A_752, %swap3A_753], %swap3A_756 {strides = array<i32>} : memref<77x768xf32, #tpu.memory_space<vmem>>, vector<1x16xf32>,
    %get3A_757 = arith.constant 1 : i32
    %get3A_758 = arith.index_cast %get3A_757 : i32 to index
    %get3A_759 = arith.constant 320 : index
    %get3A_760 = tpu.vector_load %arg9[%get3A_758, %get3A_759] {strides = array<i32>} : memref<4x768xf32, #tpu.memory_space<vmem>>, vector<1x16xf32>,
    %get3A_761 = vector.shape_cast %get3A_760 : vector<1x16xf32> to vector<16xf32>
    %swap3A_762 = arith.constant 2 : i32
    %swap3A_763 = arith.index_cast %swap3A_762 : i32 to index
    %swap3A_764 = arith.constant 320 : index
    %swap3A_765 = tpu.vector_load %arg7[%swap3A_763, %swap3A_764] {strides = array<i32>} : memref<77x768xf32, #tpu.memory_space<vmem>>, vector<1x16xf32>,
    %swap3A_766 = vector.shape_cast %swap3A_765 : vector<1x16xf32> to vector<16xf32>
    %swap3A_767 = vector.shape_cast %get3A_761 : vector<16xf32> to vector<1x16xf32>
    tpu.vector_store %arg7[%swap3A_763, %swap3A_764], %swap3A_767 {strides = array<i32>} : memref<77x768xf32, #tpu.memory_space<vmem>>, vector<1x16xf32>,
    %get3A_768 = arith.constant 1 : i32
    %get3A_769 = arith.index_cast %get3A_768 : i32 to index
    %get3A_770 = arith.constant 336 : index
    %get3A_771 = tpu.vector_load %arg9[%get3A_769, %get3A_770] {strides = array<i32>} : memref<4x768xf32, #tpu.memory_space<vmem>>, vector<1x16xf32>,
    %get3A_772 = vector.shape_cast %get3A_771 : vector<1x16xf32> to vector<16xf32>
    %swap3A_773 = arith.constant 2 : i32
    %swap3A_774 = arith.index_cast %swap3A_773 : i32 to index
    %swap3A_775 = arith.constant 336 : index
    %swap3A_776 = tpu.vector_load %arg7[%swap3A_774, %swap3A_775] {strides = array<i32>} : memref<77x768xf32, #tpu.memory_space<vmem>>, vector<1x16xf32>,
    %swap3A_777 = vector.shape_cast %swap3A_776 : vector<1x16xf32> to vector<16xf32>
    %swap3A_778 = vector.shape_cast %get3A_772 : vector<16xf32> to vector<1x16xf32>
    tpu.vector_store %arg7[%swap3A_774, %swap3A_775], %swap3A_778 {strides = array<i32>} : memref<77x768xf32, #tpu.memory_space<vmem>>, vector<1x16xf32>,
    %get3A_779 = arith.constant 1 : i32
    %get3A_780 = arith.index_cast %get3A_779 : i32 to index
    %get3A_781 = arith.constant 352 : index
    %get3A_782 = tpu.vector_load %arg9[%get3A_780, %get3A_781] {strides = array<i32>} : memref<4x768xf32, #tpu.memory_space<vmem>>, vector<1x16xf32>,
    %get3A_783 = vector.shape_cast %get3A_782 : vector<1x16xf32> to vector<16xf32>
    %swap3A_784 = arith.constant 2 : i32
    %swap3A_785 = arith.index_cast %swap3A_784 : i32 to index
    %swap3A_786 = arith.constant 352 : index
    %swap3A_787 = tpu.vector_load %arg7[%swap3A_785, %swap3A_786] {strides = array<i32>} : memref<77x768xf32, #tpu.memory_space<vmem>>, vector<1x16xf32>,
    %swap3A_788 = vector.shape_cast %swap3A_787 : vector<1x16xf32> to vector<16xf32>
    %swap3A_789 = vector.shape_cast %get3A_783 : vector<16xf32> to vector<1x16xf32>
    tpu.vector_store %arg7[%swap3A_785, %swap3A_786], %swap3A_789 {strides = array<i32>} : memref<77x768xf32, #tpu.memory_space<vmem>>, vector<1x16xf32>,
    %get3A_790 = arith.constant 1 : i32
    %get3A_791 = arith.index_cast %get3A_790 : i32 to index
    %get3A_792 = arith.constant 368 : index
    %get3A_793 = tpu.vector_load %arg9[%get3A_791, %get3A_792] {strides = array<i32>} : memref<4x768xf32, #tpu.memory_space<vmem>>, vector<1x16xf32>,
    %get3A_794 = vector.shape_cast %get3A_793 : vector<1x16xf32> to vector<16xf32>
    %swap3A_795 = arith.constant 2 : i32
    %swap3A_796 = arith.index_cast %swap3A_795 : i32 to index
    %swap3A_797 = arith.constant 368 : index
    %swap3A_798 = tpu.vector_load %arg7[%swap3A_796, %swap3A_797] {strides = array<i32>} : memref<77x768xf32, #tpu.memory_space<vmem>>, vector<1x16xf32>,
    %swap3A_799 = vector.shape_cast %swap3A_798 : vector<1x16xf32> to vector<16xf32>
    %swap3A_800 = vector.shape_cast %get3A_794 : vector<16xf32> to vector<1x16xf32>
    tpu.vector_store %arg7[%swap3A_796, %swap3A_797], %swap3A_800 {strides = array<i32>} : memref<77x768xf32, #tpu.memory_space<vmem>>, vector<1x16xf32>,
    %get3A_801 = arith.constant 1 : i32
    %get3A_802 = arith.index_cast %get3A_801 : i32 to index
    %get3A_803 = arith.constant 384 : index
    %get3A_804 = tpu.vector_load %arg9[%get3A_802, %get3A_803] {strides = array<i32>} : memref<4x768xf32, #tpu.memory_space<vmem>>, vector<1x16xf32>,
    %get3A_805 = vector.shape_cast %get3A_804 : vector<1x16xf32> to vector<16xf32>
    %swap3A_806 = arith.constant 2 : i32
    %swap3A_807 = arith.index_cast %swap3A_806 : i32 to index
    %swap3A_808 = arith.constant 384 : index
    %swap3A_809 = tpu.vector_load %arg7[%swap3A_807, %swap3A_808] {strides = array<i32>} : memref<77x768xf32, #tpu.memory_space<vmem>>, vector<1x16xf32>,
    %swap3A_810 = vector.shape_cast %swap3A_809 : vector<1x16xf32> to vector<16xf32>
    %swap3A_811 = vector.shape_cast %get3A_805 : vector<16xf32> to vector<1x16xf32>
    tpu.vector_store %arg7[%swap3A_807, %swap3A_808], %swap3A_811 {strides = array<i32>} : memref<77x768xf32, #tpu.memory_space<vmem>>, vector<1x16xf32>,
    %get3A_812 = arith.constant 1 : i32
    %get3A_813 = arith.index_cast %get3A_812 : i32 to index
    %get3A_814 = arith.constant 400 : index
    %get3A_815 = tpu.vector_load %arg9[%get3A_813, %get3A_814] {strides = array<i32>} : memref<4x768xf32, #tpu.memory_space<vmem>>, vector<1x16xf32>,
    %get3A_816 = vector.shape_cast %get3A_815 : vector<1x16xf32> to vector<16xf32>
    %swap3A_817 = arith.constant 2 : i32
    %swap3A_818 = arith.index_cast %swap3A_817 : i32 to index
    %swap3A_819 = arith.constant 400 : index
    %swap3A_820 = tpu.vector_load %arg7[%swap3A_818, %swap3A_819] {strides = array<i32>} : memref<77x768xf32, #tpu.memory_space<vmem>>, vector<1x16xf32>,
    %swap3A_821 = vector.shape_cast %swap3A_820 : vector<1x16xf32> to vector<16xf32>
    %swap3A_822 = vector.shape_cast %get3A_816 : vector<16xf32> to vector<1x16xf32>
    tpu.vector_store %arg7[%swap3A_818, %swap3A_819], %swap3A_822 {strides = array<i32>} : memref<77x768xf32, #tpu.memory_space<vmem>>, vector<1x16xf32>,
    %get3A_823 = arith.constant 1 : i32
    %get3A_824 = arith.index_cast %get3A_823 : i32 to index
    %get3A_825 = arith.constant 416 : index
    %get3A_826 = tpu.vector_load %arg9[%get3A_824, %get3A_825] {strides = array<i32>} : memref<4x768xf32, #tpu.memory_space<vmem>>, vector<1x16xf32>,
    %get3A_827 = vector.shape_cast %get3A_826 : vector<1x16xf32> to vector<16xf32>
    %swap3A_828 = arith.constant 2 : i32
    %swap3A_829 = arith.index_cast %swap3A_828 : i32 to index
    %swap3A_830 = arith.constant 416 : index
    %swap3A_831 = tpu.vector_load %arg7[%swap3A_829, %swap3A_830] {strides = array<i32>} : memref<77x768xf32, #tpu.memory_space<vmem>>, vector<1x16xf32>,
    %swap3A_832 = vector.shape_cast %swap3A_831 : vector<1x16xf32> to vector<16xf32>
    %swap3A_833 = vector.shape_cast %get3A_827 : vector<16xf32> to vector<1x16xf32>
    tpu.vector_store %arg7[%swap3A_829, %swap3A_830], %swap3A_833 {strides = array<i32>} : memref<77x768xf32, #tpu.memory_space<vmem>>, vector<1x16xf32>,
    %get3A_834 = arith.constant 1 : i32
    %get3A_835 = arith.index_cast %get3A_834 : i32 to index
    %get3A_836 = arith.constant 432 : index
    %get3A_837 = tpu.vector_load %arg9[%get3A_835, %get3A_836] {strides = array<i32>} : memref<4x768xf32, #tpu.memory_space<vmem>>, vector<1x16xf32>,
    %get3A_838 = vector.shape_cast %get3A_837 : vector<1x16xf32> to vector<16xf32>
    %swap3A_839 = arith.constant 2 : i32
    %swap3A_840 = arith.index_cast %swap3A_839 : i32 to index
    %swap3A_841 = arith.constant 432 : index
    %swap3A_842 = tpu.vector_load %arg7[%swap3A_840, %swap3A_841] {strides = array<i32>} : memref<77x768xf32, #tpu.memory_space<vmem>>, vector<1x16xf32>,
    %swap3A_843 = vector.shape_cast %swap3A_842 : vector<1x16xf32> to vector<16xf32>
    %swap3A_844 = vector.shape_cast %get3A_838 : vector<16xf32> to vector<1x16xf32>
    tpu.vector_store %arg7[%swap3A_840, %swap3A_841], %swap3A_844 {strides = array<i32>} : memref<77x768xf32, #tpu.memory_space<vmem>>, vector<1x16xf32>,
    %get3A_845 = arith.constant 1 : i32
    %get3A_846 = arith.index_cast %get3A_845 : i32 to index
    %get3A_847 = arith.constant 448 : index
    %get3A_848 = tpu.vector_load %arg9[%get3A_846, %get3A_847] {strides = array<i32>} : memref<4x768xf32, #tpu.memory_space<vmem>>, vector<1x16xf32>,
    %get3A_849 = vector.shape_cast %get3A_848 : vector<1x16xf32> to vector<16xf32>
    %swap3A_850 = arith.constant 2 : i32
    %swap3A_851 = arith.index_cast %swap3A_850 : i32 to index
    %swap3A_852 = arith.constant 448 : index
    %swap3A_853 = tpu.vector_load %arg7[%swap3A_851, %swap3A_852] {strides = array<i32>} : memref<77x768xf32, #tpu.memory_space<vmem>>, vector<1x16xf32>,
    %swap3A_854 = vector.shape_cast %swap3A_853 : vector<1x16xf32> to vector<16xf32>
    %swap3A_855 = vector.shape_cast %get3A_849 : vector<16xf32> to vector<1x16xf32>
    tpu.vector_store %arg7[%swap3A_851, %swap3A_852], %swap3A_855 {strides = array<i32>} : memref<77x768xf32, #tpu.memory_space<vmem>>, vector<1x16xf32>,
    %get3A_856 = arith.constant 1 : i32
    %get3A_857 = arith.index_cast %get3A_856 : i32 to index
    %get3A_858 = arith.constant 464 : index
    %get3A_859 = tpu.vector_load %arg9[%get3A_857, %get3A_858] {strides = array<i32>} : memref<4x768xf32, #tpu.memory_space<vmem>>, vector<1x16xf32>,
    %get3A_860 = vector.shape_cast %get3A_859 : vector<1x16xf32> to vector<16xf32>
    %swap3A_861 = arith.constant 2 : i32
    %swap3A_862 = arith.index_cast %swap3A_861 : i32 to index
    %swap3A_863 = arith.constant 464 : index
    %swap3A_864 = tpu.vector_load %arg7[%swap3A_862, %swap3A_863] {strides = array<i32>} : memref<77x768xf32, #tpu.memory_space<vmem>>, vector<1x16xf32>,
    %swap3A_865 = vector.shape_cast %swap3A_864 : vector<1x16xf32> to vector<16xf32>
    %swap3A_866 = vector.shape_cast %get3A_860 : vector<16xf32> to vector<1x16xf32>
    tpu.vector_store %arg7[%swap3A_862, %swap3A_863], %swap3A_866 {strides = array<i32>} : memref<77x768xf32, #tpu.memory_space<vmem>>, vector<1x16xf32>,
    %get3A_867 = arith.constant 1 : i32
    %get3A_868 = arith.index_cast %get3A_867 : i32 to index
    %get3A_869 = arith.constant 480 : index
    %get3A_870 = tpu.vector_load %arg9[%get3A_868, %get3A_869] {strides = array<i32>} : memref<4x768xf32, #tpu.memory_space<vmem>>, vector<1x16xf32>,
    %get3A_871 = vector.shape_cast %get3A_870 : vector<1x16xf32> to vector<16xf32>
    %swap3A_872 = arith.constant 2 : i32
    %swap3A_873 = arith.index_cast %swap3A_872 : i32 to index
    %swap3A_874 = arith.constant 480 : index
    %swap3A_875 = tpu.vector_load %arg7[%swap3A_873, %swap3A_874] {strides = array<i32>} : memref<77x768xf32, #tpu.memory_space<vmem>>, vector<1x16xf32>,
    %swap3A_876 = vector.shape_cast %swap3A_875 : vector<1x16xf32> to vector<16xf32>
    %swap3A_877 = vector.shape_cast %get3A_871 : vector<16xf32> to vector<1x16xf32>
    tpu.vector_store %arg7[%swap3A_873, %swap3A_874], %swap3A_877 {strides = array<i32>} : memref<77x768xf32, #tpu.memory_space<vmem>>, vector<1x16xf32>,
    %get3A_878 = arith.constant 1 : i32
    %get3A_879 = arith.index_cast %get3A_878 : i32 to index
    %get3A_880 = arith.constant 496 : index
    %get3A_881 = tpu.vector_load %arg9[%get3A_879, %get3A_880] {strides = array<i32>} : memref<4x768xf32, #tpu.memory_space<vmem>>, vector<1x16xf32>,
    %get3A_882 = vector.shape_cast %get3A_881 : vector<1x16xf32> to vector<16xf32>
    %swap3A_883 = arith.constant 2 : i32
    %swap3A_884 = arith.index_cast %swap3A_883 : i32 to index
    %swap3A_885 = arith.constant 496 : index
    %swap3A_886 = tpu.vector_load %arg7[%swap3A_884, %swap3A_885] {strides = array<i32>} : memref<77x768xf32, #tpu.memory_space<vmem>>, vector<1x16xf32>,
    %swap3A_887 = vector.shape_cast %swap3A_886 : vector<1x16xf32> to vector<16xf32>
    %swap3A_888 = vector.shape_cast %get3A_882 : vector<16xf32> to vector<1x16xf32>
    tpu.vector_store %arg7[%swap3A_884, %swap3A_885], %swap3A_888 {strides = array<i32>} : memref<77x768xf32, #tpu.memory_space<vmem>>, vector<1x16xf32>,
    %get3A_889 = arith.constant 1 : i32
    %get3A_890 = arith.index_cast %get3A_889 : i32 to index
    %get3A_891 = arith.constant 512 : index
    %get3A_892 = tpu.vector_load %arg9[%get3A_890, %get3A_891] {strides = array<i32>} : memref<4x768xf32, #tpu.memory_space<vmem>>, vector<1x16xf32>,
    %get3A_893 = vector.shape_cast %get3A_892 : vector<1x16xf32> to vector<16xf32>
    %swap3A_894 = arith.constant 2 : i32
    %swap3A_895 = arith.index_cast %swap3A_894 : i32 to index
    %swap3A_896 = arith.constant 512 : index
    %swap3A_897 = tpu.vector_load %arg7[%swap3A_895, %swap3A_896] {strides = array<i32>} : memref<77x768xf32, #tpu.memory_space<vmem>>, vector<1x16xf32>,
    %swap3A_898 = vector.shape_cast %swap3A_897 : vector<1x16xf32> to vector<16xf32>
    %swap3A_899 = vector.shape_cast %get3A_893 : vector<16xf32> to vector<1x16xf32>
    tpu.vector_store %arg7[%swap3A_895, %swap3A_896], %swap3A_899 {strides = array<i32>} : memref<77x768xf32, #tpu.memory_space<vmem>>, vector<1x16xf32>,
    %get3A_900 = arith.constant 1 : i32
    %get3A_901 = arith.index_cast %get3A_900 : i32 to index
    %get3A_902 = arith.constant 528 : index
    %get3A_903 = tpu.vector_load %arg9[%get3A_901, %get3A_902] {strides = array<i32>} : memref<4x768xf32, #tpu.memory_space<vmem>>, vector<1x16xf32>,
    %get3A_904 = vector.shape_cast %get3A_903 : vector<1x16xf32> to vector<16xf32>
    %swap3A_905 = arith.constant 2 : i32
    %swap3A_906 = arith.index_cast %swap3A_905 : i32 to index
    %swap3A_907 = arith.constant 528 : index
    %swap3A_908 = tpu.vector_load %arg7[%swap3A_906, %swap3A_907] {strides = array<i32>} : memref<77x768xf32, #tpu.memory_space<vmem>>, vector<1x16xf32>,
    %swap3A_909 = vector.shape_cast %swap3A_908 : vector<1x16xf32> to vector<16xf32>
    %swap3A_910 = vector.shape_cast %get3A_904 : vector<16xf32> to vector<1x16xf32>
    tpu.vector_store %arg7[%swap3A_906, %swap3A_907], %swap3A_910 {strides = array<i32>} : memref<77x768xf32, #tpu.memory_space<vmem>>, vector<1x16xf32>,
    %get3A_911 = arith.constant 1 : i32
    %get3A_912 = arith.index_cast %get3A_911 : i32 to index
    %get3A_913 = arith.constant 544 : index
    %get3A_914 = tpu.vector_load %arg9[%get3A_912, %get3A_913] {strides = array<i32>} : memref<4x768xf32, #tpu.memory_space<vmem>>, vector<1x16xf32>,
    %get3A_915 = vector.shape_cast %get3A_914 : vector<1x16xf32> to vector<16xf32>
    %swap3A_916 = arith.constant 2 : i32
    %swap3A_917 = arith.index_cast %swap3A_916 : i32 to index
    %swap3A_918 = arith.constant 544 : index
    %swap3A_919 = tpu.vector_load %arg7[%swap3A_917, %swap3A_918] {strides = array<i32>} : memref<77x768xf32, #tpu.memory_space<vmem>>, vector<1x16xf32>,
    %swap3A_920 = vector.shape_cast %swap3A_919 : vector<1x16xf32> to vector<16xf32>
    %swap3A_921 = vector.shape_cast %get3A_915 : vector<16xf32> to vector<1x16xf32>
    tpu.vector_store %arg7[%swap3A_917, %swap3A_918], %swap3A_921 {strides = array<i32>} : memref<77x768xf32, #tpu.memory_space<vmem>>, vector<1x16xf32>,
    %get3A_922 = arith.constant 1 : i32
    %get3A_923 = arith.index_cast %get3A_922 : i32 to index
    %get3A_924 = arith.constant 560 : index
    %get3A_925 = tpu.vector_load %arg9[%get3A_923, %get3A_924] {strides = array<i32>} : memref<4x768xf32, #tpu.memory_space<vmem>>, vector<1x16xf32>,
    %get3A_926 = vector.shape_cast %get3A_925 : vector<1x16xf32> to vector<16xf32>
    %swap3A_927 = arith.constant 2 : i32
    %swap3A_928 = arith.index_cast %swap3A_927 : i32 to index
    %swap3A_929 = arith.constant 560 : index
    %swap3A_930 = tpu.vector_load %arg7[%swap3A_928, %swap3A_929] {strides = array<i32>} : memref<77x768xf32, #tpu.memory_space<vmem>>, vector<1x16xf32>,
    %swap3A_931 = vector.shape_cast %swap3A_930 : vector<1x16xf32> to vector<16xf32>
    %swap3A_932 = vector.shape_cast %get3A_926 : vector<16xf32> to vector<1x16xf32>
    tpu.vector_store %arg7[%swap3A_928, %swap3A_929], %swap3A_932 {strides = array<i32>} : memref<77x768xf32, #tpu.memory_space<vmem>>, vector<1x16xf32>,
    %get3A_933 = arith.constant 1 : i32
    %get3A_934 = arith.index_cast %get3A_933 : i32 to index
    %get3A_935 = arith.constant 576 : index
    %get3A_936 = tpu.vector_load %arg9[%get3A_934, %get3A_935] {strides = array<i32>} : memref<4x768xf32, #tpu.memory_space<vmem>>, vector<1x16xf32>,
    %get3A_937 = vector.shape_cast %get3A_936 : vector<1x16xf32> to vector<16xf32>
    %swap3A_938 = arith.constant 2 : i32
    %swap3A_939 = arith.index_cast %swap3A_938 : i32 to index
    %swap3A_940 = arith.constant 576 : index
    %swap3A_941 = tpu.vector_load %arg7[%swap3A_939, %swap3A_940] {strides = array<i32>} : memref<77x768xf32, #tpu.memory_space<vmem>>, vector<1x16xf32>,
    %swap3A_942 = vector.shape_cast %swap3A_941 : vector<1x16xf32> to vector<16xf32>
    %swap3A_943 = vector.shape_cast %get3A_937 : vector<16xf32> to vector<1x16xf32>
    tpu.vector_store %arg7[%swap3A_939, %swap3A_940], %swap3A_943 {strides = array<i32>} : memref<77x768xf32, #tpu.memory_space<vmem>>, vector<1x16xf32>,
    %get3A_944 = arith.constant 1 : i32
    %get3A_945 = arith.index_cast %get3A_944 : i32 to index
    %get3A_946 = arith.constant 592 : index
    %get3A_947 = tpu.vector_load %arg9[%get3A_945, %get3A_946] {strides = array<i32>} : memref<4x768xf32, #tpu.memory_space<vmem>>, vector<1x16xf32>,
    %get3A_948 = vector.shape_cast %get3A_947 : vector<1x16xf32> to vector<16xf32>
    %swap3A_949 = arith.constant 2 : i32
    %swap3A_950 = arith.index_cast %swap3A_949 : i32 to index
    %swap3A_951 = arith.constant 592 : index
    %swap3A_952 = tpu.vector_load %arg7[%swap3A_950, %swap3A_951] {strides = array<i32>} : memref<77x768xf32, #tpu.memory_space<vmem>>, vector<1x16xf32>,
    %swap3A_953 = vector.shape_cast %swap3A_952 : vector<1x16xf32> to vector<16xf32>
    %swap3A_954 = vector.shape_cast %get3A_948 : vector<16xf32> to vector<1x16xf32>
    tpu.vector_store %arg7[%swap3A_950, %swap3A_951], %swap3A_954 {strides = array<i32>} : memref<77x768xf32, #tpu.memory_space<vmem>>, vector<1x16xf32>,
    %get3A_955 = arith.constant 1 : i32
    %get3A_956 = arith.index_cast %get3A_955 : i32 to index
    %get3A_957 = arith.constant 608 : index
    %get3A_958 = tpu.vector_load %arg9[%get3A_956, %get3A_957] {strides = array<i32>} : memref<4x768xf32, #tpu.memory_space<vmem>>, vector<1x16xf32>,
    %get3A_959 = vector.shape_cast %get3A_958 : vector<1x16xf32> to vector<16xf32>
    %swap3A_960 = arith.constant 2 : i32
    %swap3A_961 = arith.index_cast %swap3A_960 : i32 to index
    %swap3A_962 = arith.constant 608 : index
    %swap3A_963 = tpu.vector_load %arg7[%swap3A_961, %swap3A_962] {strides = array<i32>} : memref<77x768xf32, #tpu.memory_space<vmem>>, vector<1x16xf32>,
    %swap3A_964 = vector.shape_cast %swap3A_963 : vector<1x16xf32> to vector<16xf32>
    %swap3A_965 = vector.shape_cast %get3A_959 : vector<16xf32> to vector<1x16xf32>
    tpu.vector_store %arg7[%swap3A_961, %swap3A_962], %swap3A_965 {strides = array<i32>} : memref<77x768xf32, #tpu.memory_space<vmem>>, vector<1x16xf32>,
    %get3A_966 = arith.constant 1 : i32
    %get3A_967 = arith.index_cast %get3A_966 : i32 to index
    %get3A_968 = arith.constant 624 : index
    %get3A_969 = tpu.vector_load %arg9[%get3A_967, %get3A_968] {strides = array<i32>} : memref<4x768xf32, #tpu.memory_space<vmem>>, vector<1x16xf32>,
    %get3A_970 = vector.shape_cast %get3A_969 : vector<1x16xf32> to vector<16xf32>
    %swap3A_971 = arith.constant 2 : i32
    %swap3A_972 = arith.index_cast %swap3A_971 : i32 to index
    %swap3A_973 = arith.constant 624 : index
    %swap3A_974 = tpu.vector_load %arg7[%swap3A_972, %swap3A_973] {strides = array<i32>} : memref<77x768xf32, #tpu.memory_space<vmem>>, vector<1x16xf32>,
    %swap3A_975 = vector.shape_cast %swap3A_974 : vector<1x16xf32> to vector<16xf32>
    %swap3A_976 = vector.shape_cast %get3A_970 : vector<16xf32> to vector<1x16xf32>
    tpu.vector_store %arg7[%swap3A_972, %swap3A_973], %swap3A_976 {strides = array<i32>} : memref<77x768xf32, #tpu.memory_space<vmem>>, vector<1x16xf32>,
    %get3A_977 = arith.constant 1 : i32
    %get3A_978 = arith.index_cast %get3A_977 : i32 to index
    %get3A_979 = arith.constant 640 : index
    %get3A_980 = tpu.vector_load %arg9[%get3A_978, %get3A_979] {strides = array<i32>} : memref<4x768xf32, #tpu.memory_space<vmem>>, vector<1x16xf32>,
    %get3A_981 = vector.shape_cast %get3A_980 : vector<1x16xf32> to vector<16xf32>
    %swap3A_982 = arith.constant 2 : i32
    %swap3A_983 = arith.index_cast %swap3A_982 : i32 to index
    %swap3A_984 = arith.constant 640 : index
    %swap3A_985 = tpu.vector_load %arg7[%swap3A_983, %swap3A_984] {strides = array<i32>} : memref<77x768xf32, #tpu.memory_space<vmem>>, vector<1x16xf32>,
    %swap3A_986 = vector.shape_cast %swap3A_985 : vector<1x16xf32> to vector<16xf32>
    %swap3A_987 = vector.shape_cast %get3A_981 : vector<16xf32> to vector<1x16xf32>
    tpu.vector_store %arg7[%swap3A_983, %swap3A_984], %swap3A_987 {strides = array<i32>} : memref<77x768xf32, #tpu.memory_space<vmem>>, vector<1x16xf32>,
    %get3A_988 = arith.constant 1 : i32
    %get3A_989 = arith.index_cast %get3A_988 : i32 to index
    %get3A_990 = arith.constant 656 : index
    %get3A_991 = tpu.vector_load %arg9[%get3A_989, %get3A_990] {strides = array<i32>} : memref<4x768xf32, #tpu.memory_space<vmem>>, vector<1x16xf32>,
    %get3A_992 = vector.shape_cast %get3A_991 : vector<1x16xf32> to vector<16xf32>
    %swap3A_993 = arith.constant 2 : i32
    %swap3A_994 = arith.index_cast %swap3A_993 : i32 to index
    %swap3A_995 = arith.constant 656 : index
    %swap3A_996 = tpu.vector_load %arg7[%swap3A_994, %swap3A_995] {strides = array<i32>} : memref<77x768xf32, #tpu.memory_space<vmem>>, vector<1x16xf32>,
    %swap3A_997 = vector.shape_cast %swap3A_996 : vector<1x16xf32> to vector<16xf32>
    %swap3A_998 = vector.shape_cast %get3A_992 : vector<16xf32> to vector<1x16xf32>
    tpu.vector_store %arg7[%swap3A_994, %swap3A_995], %swap3A_998 {strides = array<i32>} : memref<77x768xf32, #tpu.memory_space<vmem>>, vector<1x16xf32>,
    %get3A_999 = arith.constant 1 : i32
    %get3A_1000 = arith.index_cast %get3A_999 : i32 to index
    %get3A_1001 = arith.constant 672 : index
    %get3A_1002 = tpu.vector_load %arg9[%get3A_1000, %get3A_1001] {strides = array<i32>} : memref<4x768xf32, #tpu.memory_space<vmem>>, vector<1x16xf32>,
    %get3A_1003 = vector.shape_cast %get3A_1002 : vector<1x16xf32> to vector<16xf32>
    %swap3A_1004 = arith.constant 2 : i32
    %swap3A_1005 = arith.index_cast %swap3A_1004 : i32 to index
    %swap3A_1006 = arith.constant 672 : index
    %swap3A_1007 = tpu.vector_load %arg7[%swap3A_1005, %swap3A_1006] {strides = array<i32>} : memref<77x768xf32, #tpu.memory_space<vmem>>, vector<1x16xf32>,
    %swap3A_1008 = vector.shape_cast %swap3A_1007 : vector<1x16xf32> to vector<16xf32>
    %swap3A_1009 = vector.shape_cast %get3A_1003 : vector<16xf32> to vector<1x16xf32>
    tpu.vector_store %arg7[%swap3A_1005, %swap3A_1006], %swap3A_1009 {strides = array<i32>} : memref<77x768xf32, #tpu.memory_space<vmem>>, vector<1x16xf32>,
    %get3A_1010 = arith.constant 1 : i32
    %get3A_1011 = arith.index_cast %get3A_1010 : i32 to index
    %get3A_1012 = arith.constant 688 : index
    %get3A_1013 = tpu.vector_load %arg9[%get3A_1011, %get3A_1012] {strides = array<i32>} : memref<4x768xf32, #tpu.memory_space<vmem>>, vector<1x16xf32>,
    %get3A_1014 = vector.shape_cast %get3A_1013 : vector<1x16xf32> to vector<16xf32>
    %swap3A_1015 = arith.constant 2 : i32
    %swap3A_1016 = arith.index_cast %swap3A_1015 : i32 to index
    %swap3A_1017 = arith.constant 688 : index
    %swap3A_1018 = tpu.vector_load %arg7[%swap3A_1016, %swap3A_1017] {strides = array<i32>} : memref<77x768xf32, #tpu.memory_space<vmem>>, vector<1x16xf32>,
    %swap3A_1019 = vector.shape_cast %swap3A_1018 : vector<1x16xf32> to vector<16xf32>
    %swap3A_1020 = vector.shape_cast %get3A_1014 : vector<16xf32> to vector<1x16xf32>
    tpu.vector_store %arg7[%swap3A_1016, %swap3A_1017], %swap3A_1020 {strides = array<i32>} : memref<77x768xf32, #tpu.memory_space<vmem>>, vector<1x16xf32>,
    %get3A_1021 = arith.constant 1 : i32
    %get3A_1022 = arith.index_cast %get3A_1021 : i32 to index
    %get3A_1023 = arith.constant 704 : index
    %get3A_1024 = tpu.vector_load %arg9[%get3A_1022, %get3A_1023] {strides = array<i32>} : memref<4x768xf32, #tpu.memory_space<vmem>>, vector<1x16xf32>,
    %get3A_1025 = vector.shape_cast %get3A_1024 : vector<1x16xf32> to vector<16xf32>
    %swap3A_1026 = arith.constant 2 : i32
    %swap3A_1027 = arith.index_cast %swap3A_1026 : i32 to index
    %swap3A_1028 = arith.constant 704 : index
    %swap3A_1029 = tpu.vector_load %arg7[%swap3A_1027, %swap3A_1028] {strides = array<i32>} : memref<77x768xf32, #tpu.memory_space<vmem>>, vector<1x16xf32>,
    %swap3A_1030 = vector.shape_cast %swap3A_1029 : vector<1x16xf32> to vector<16xf32>
    %swap3A_1031 = vector.shape_cast %get3A_1025 : vector<16xf32> to vector<1x16xf32>
    tpu.vector_store %arg7[%swap3A_1027, %swap3A_1028], %swap3A_1031 {strides = array<i32>} : memref<77x768xf32, #tpu.memory_space<vmem>>, vector<1x16xf32>,
    %get3A_1032 = arith.constant 1 : i32
    %get3A_1033 = arith.index_cast %get3A_1032 : i32 to index
    %get3A_1034 = arith.constant 720 : index
    %get3A_1035 = tpu.vector_load %arg9[%get3A_1033, %get3A_1034] {strides = array<i32>} : memref<4x768xf32, #tpu.memory_space<vmem>>, vector<1x16xf32>,
    %get3A_1036 = vector.shape_cast %get3A_1035 : vector<1x16xf32> to vector<16xf32>
    %swap3A_1037 = arith.constant 2 : i32
    %swap3A_1038 = arith.index_cast %swap3A_1037 : i32 to index
    %swap3A_1039 = arith.constant 720 : index
    %swap3A_1040 = tpu.vector_load %arg7[%swap3A_1038, %swap3A_1039] {strides = array<i32>} : memref<77x768xf32, #tpu.memory_space<vmem>>, vector<1x16xf32>,
    %swap3A_1041 = vector.shape_cast %swap3A_1040 : vector<1x16xf32> to vector<16xf32>
    %swap3A_1042 = vector.shape_cast %get3A_1036 : vector<16xf32> to vector<1x16xf32>
    tpu.vector_store %arg7[%swap3A_1038, %swap3A_1039], %swap3A_1042 {strides = array<i32>} : memref<77x768xf32, #tpu.memory_space<vmem>>, vector<1x16xf32>,
    %get3A_1043 = arith.constant 1 : i32
    %get3A_1044 = arith.index_cast %get3A_1043 : i32 to index
    %get3A_1045 = arith.constant 736 : index
    %get3A_1046 = tpu.vector_load %arg9[%get3A_1044, %get3A_1045] {strides = array<i32>} : memref<4x768xf32, #tpu.memory_space<vmem>>, vector<1x16xf32>,
    %get3A_1047 = vector.shape_cast %get3A_1046 : vector<1x16xf32> to vector<16xf32>
    %swap3A_1048 = arith.constant 2 : i32
    %swap3A_1049 = arith.index_cast %swap3A_1048 : i32 to index
    %swap3A_1050 = arith.constant 736 : index
    %swap3A_1051 = tpu.vector_load %arg7[%swap3A_1049, %swap3A_1050] {strides = array<i32>} : memref<77x768xf32, #tpu.memory_space<vmem>>, vector<1x16xf32>,
    %swap3A_1052 = vector.shape_cast %swap3A_1051 : vector<1x16xf32> to vector<16xf32>
    %swap3A_1053 = vector.shape_cast %get3A_1047 : vector<16xf32> to vector<1x16xf32>
    tpu.vector_store %arg7[%swap3A_1049, %swap3A_1050], %swap3A_1053 {strides = array<i32>} : memref<77x768xf32, #tpu.memory_space<vmem>>, vector<1x16xf32>,
    %get3A_1054 = arith.constant 1 : i32
    %get3A_1055 = arith.index_cast %get3A_1054 : i32 to index
    %get3A_1056 = arith.constant 752 : index
    %get3A_1057 = tpu.vector_load %arg9[%get3A_1055, %get3A_1056] {strides = array<i32>} : memref<4x768xf32, #tpu.memory_space<vmem>>, vector<1x16xf32>,
    %get3A_1058 = vector.shape_cast %get3A_1057 : vector<1x16xf32> to vector<16xf32>
    %swap3A_1059 = arith.constant 2 : i32
    %swap3A_1060 = arith.index_cast %swap3A_1059 : i32 to index
    %swap3A_1061 = arith.constant 752 : index
    %swap3A_1062 = tpu.vector_load %arg7[%swap3A_1060, %swap3A_1061] {strides = array<i32>} : memref<77x768xf32, #tpu.memory_space<vmem>>, vector<1x16xf32>,
    %swap3A_1063 = vector.shape_cast %swap3A_1062 : vector<1x16xf32> to vector<16xf32>
    %swap3A_1064 = vector.shape_cast %get3A_1058 : vector<16xf32> to vector<1x16xf32>
    tpu.vector_store %arg7[%swap3A_1060, %swap3A_1061], %swap3A_1064 {strides = array<i32>} : memref<77x768xf32, #tpu.memory_space<vmem>>, vector<1x16xf32>,
    %get3A_1065 = arith.constant 2 : i32
    %get3A_1066 = arith.index_cast %get3A_1065 : i32 to index
    %get3A_1067 = arith.constant 0 : index
    %get3A_1068 = tpu.vector_load %arg9[%get3A_1066, %get3A_1067] {strides = array<i32>} : memref<4x768xf32, #tpu.memory_space<vmem>>, vector<1x16xf32>,
    %get3A_1069 = vector.shape_cast %get3A_1068 : vector<1x16xf32> to vector<16xf32>
    %swap3A_1070 = arith.constant 3 : i32
    %swap3A_1071 = arith.index_cast %swap3A_1070 : i32 to index
    %swap3A_1072 = arith.constant 0 : index
    %swap3A_1073 = tpu.vector_load %arg7[%swap3A_1071, %swap3A_1072] {strides = array<i32>} : memref<77x768xf32, #tpu.memory_space<vmem>>, vector<1x16xf32>,
    %swap3A_1074 = vector.shape_cast %swap3A_1073 : vector<1x16xf32> to vector<16xf32>
    %swap3A_1075 = vector.shape_cast %get3A_1069 : vector<16xf32> to vector<1x16xf32>
    tpu.vector_store %arg7[%swap3A_1071, %swap3A_1072], %swap3A_1075 {strides = array<i32>} : memref<77x768xf32, #tpu.memory_space<vmem>>, vector<1x16xf32>,
    %get3A_1076 = arith.constant 2 : i32
    %get3A_1077 = arith.index_cast %get3A_1076 : i32 to index
    %get3A_1078 = arith.constant 16 : index
    %get3A_1079 = tpu.vector_load %arg9[%get3A_1077, %get3A_1078] {strides = array<i32>} : memref<4x768xf32, #tpu.memory_space<vmem>>, vector<1x16xf32>,
    %get3A_1080 = vector.shape_cast %get3A_1079 : vector<1x16xf32> to vector<16xf32>
    %swap3A_1081 = arith.constant 3 : i32
    %swap3A_1082 = arith.index_cast %swap3A_1081 : i32 to index
    %swap3A_1083 = arith.constant 16 : index
    %swap3A_1084 = tpu.vector_load %arg7[%swap3A_1082, %swap3A_1083] {strides = array<i32>} : memref<77x768xf32, #tpu.memory_space<vmem>>, vector<1x16xf32>,
    %swap3A_1085 = vector.shape_cast %swap3A_1084 : vector<1x16xf32> to vector<16xf32>
    %swap3A_1086 = vector.shape_cast %get3A_1080 : vector<16xf32> to vector<1x16xf32>
    tpu.vector_store %arg7[%swap3A_1082, %swap3A_1083], %swap3A_1086 {strides = array<i32>} : memref<77x768xf32, #tpu.memory_space<vmem>>, vector<1x16xf32>,
    %get3A_1087 = arith.constant 2 : i32
    %get3A_1088 = arith.index_cast %get3A_1087 : i32 to index
    %get3A_1089 = arith.constant 32 : index
    %get3A_1090 = tpu.vector_load %arg9[%get3A_1088, %get3A_1089] {strides = array<i32>} : memref<4x768xf32, #tpu.memory_space<vmem>>, vector<1x16xf32>,
    %get3A_1091 = vector.shape_cast %get3A_1090 : vector<1x16xf32> to vector<16xf32>
    %swap3A_1092 = arith.constant 3 : i32
    %swap3A_1093 = arith.index_cast %swap3A_1092 : i32 to index
    %swap3A_1094 = arith.constant 32 : index
    %swap3A_1095 = tpu.vector_load %arg7[%swap3A_1093, %swap3A_1094] {strides = array<i32>} : memref<77x768xf32, #tpu.memory_space<vmem>>, vector<1x16xf32>,
    %swap3A_1096 = vector.shape_cast %swap3A_1095 : vector<1x16xf32> to vector<16xf32>
    %swap3A_1097 = vector.shape_cast %get3A_1091 : vector<16xf32> to vector<1x16xf32>
    tpu.vector_store %arg7[%swap3A_1093, %swap3A_1094], %swap3A_1097 {strides = array<i32>} : memref<77x768xf32, #tpu.memory_space<vmem>>, vector<1x16xf32>,
    %get3A_1098 = arith.constant 2 : i32
    %get3A_1099 = arith.index_cast %get3A_1098 : i32 to index
    %get3A_1100 = arith.constant 48 : index
    %get3A_1101 = tpu.vector_load %arg9[%get3A_1099, %get3A_1100] {strides = array<i32>} : memref<4x768xf32, #tpu.memory_space<vmem>>, vector<1x16xf32>,
    %get3A_1102 = vector.shape_cast %get3A_1101 : vector<1x16xf32> to vector<16xf32>
    %swap3A_1103 = arith.constant 3 : i32
    %swap3A_1104 = arith.index_cast %swap3A_1103 : i32 to index
    %swap3A_1105 = arith.constant 48 : index
    %swap3A_1106 = tpu.vector_load %arg7[%swap3A_1104, %swap3A_1105] {strides = array<i32>} : memref<77x768xf32, #tpu.memory_space<vmem>>, vector<1x16xf32>,
    %swap3A_1107 = vector.shape_cast %swap3A_1106 : vector<1x16xf32> to vector<16xf32>
    %swap3A_1108 = vector.shape_cast %get3A_1102 : vector<16xf32> to vector<1x16xf32>
    tpu.vector_store %arg7[%swap3A_1104, %swap3A_1105], %swap3A_1108 {strides = array<i32>} : memref<77x768xf32, #tpu.memory_space<vmem>>, vector<1x16xf32>,
    %get3A_1109 = arith.constant 2 : i32
    %get3A_1110 = arith.index_cast %get3A_1109 : i32 to index
    %get3A_1111 = arith.constant 64 : index
    %get3A_1112 = tpu.vector_load %arg9[%get3A_1110, %get3A_1111] {strides = array<i32>} : memref<4x768xf32, #tpu.memory_space<vmem>>, vector<1x16xf32>,
    %get3A_1113 = vector.shape_cast %get3A_1112 : vector<1x16xf32> to vector<16xf32>
    %swap3A_1114 = arith.constant 3 : i32
    %swap3A_1115 = arith.index_cast %swap3A_1114 : i32 to index
    %swap3A_1116 = arith.constant 64 : index
    %swap3A_1117 = tpu.vector_load %arg7[%swap3A_1115, %swap3A_1116] {strides = array<i32>} : memref<77x768xf32, #tpu.memory_space<vmem>>, vector<1x16xf32>,
    %swap3A_1118 = vector.shape_cast %swap3A_1117 : vector<1x16xf32> to vector<16xf32>
    %swap3A_1119 = vector.shape_cast %get3A_1113 : vector<16xf32> to vector<1x16xf32>
    tpu.vector_store %arg7[%swap3A_1115, %swap3A_1116], %swap3A_1119 {strides = array<i32>} : memref<77x768xf32, #tpu.memory_space<vmem>>, vector<1x16xf32>,
    %get3A_1120 = arith.constant 2 : i32
    %get3A_1121 = arith.index_cast %get3A_1120 : i32 to index
    %get3A_1122 = arith.constant 80 : index
    %get3A_1123 = tpu.vector_load %arg9[%get3A_1121, %get3A_1122] {strides = array<i32>} : memref<4x768xf32, #tpu.memory_space<vmem>>, vector<1x16xf32>,
    %get3A_1124 = vector.shape_cast %get3A_1123 : vector<1x16xf32> to vector<16xf32>
    %swap3A_1125 = arith.constant 3 : i32
    %swap3A_1126 = arith.index_cast %swap3A_1125 : i32 to index
    %swap3A_1127 = arith.constant 80 : index
    %swap3A_1128 = tpu.vector_load %arg7[%swap3A_1126, %swap3A_1127] {strides = array<i32>} : memref<77x768xf32, #tpu.memory_space<vmem>>, vector<1x16xf32>,
    %swap3A_1129 = vector.shape_cast %swap3A_1128 : vector<1x16xf32> to vector<16xf32>
    %swap3A_1130 = vector.shape_cast %get3A_1124 : vector<16xf32> to vector<1x16xf32>
    tpu.vector_store %arg7[%swap3A_1126, %swap3A_1127], %swap3A_1130 {strides = array<i32>} : memref<77x768xf32, #tpu.memory_space<vmem>>, vector<1x16xf32>,
    %get3A_1131 = arith.constant 2 : i32
    %get3A_1132 = arith.index_cast %get3A_1131 : i32 to index
    %get3A_1133 = arith.constant 96 : index
    %get3A_1134 = tpu.vector_load %arg9[%get3A_1132, %get3A_1133] {strides = array<i32>} : memref<4x768xf32, #tpu.memory_space<vmem>>, vector<1x16xf32>,
    %get3A_1135 = vector.shape_cast %get3A_1134 : vector<1x16xf32> to vector<16xf32>
    %swap3A_1136 = arith.constant 3 : i32
    %swap3A_1137 = arith.index_cast %swap3A_1136 : i32 to index
    %swap3A_1138 = arith.constant 96 : index
    %swap3A_1139 = tpu.vector_load %arg7[%swap3A_1137, %swap3A_1138] {strides = array<i32>} : memref<77x768xf32, #tpu.memory_space<vmem>>, vector<1x16xf32>,
    %swap3A_1140 = vector.shape_cast %swap3A_1139 : vector<1x16xf32> to vector<16xf32>
    %swap3A_1141 = vector.shape_cast %get3A_1135 : vector<16xf32> to vector<1x16xf32>
    tpu.vector_store %arg7[%swap3A_1137, %swap3A_1138], %swap3A_1141 {strides = array<i32>} : memref<77x768xf32, #tpu.memory_space<vmem>>, vector<1x16xf32>,
    %get3A_1142 = arith.constant 2 : i32
    %get3A_1143 = arith.index_cast %get3A_1142 : i32 to index
    %get3A_1144 = arith.constant 112 : index
    %get3A_1145 = tpu.vector_load %arg9[%get3A_1143, %get3A_1144] {strides = array<i32>} : memref<4x768xf32, #tpu.memory_space<vmem>>, vector<1x16xf32>,
    %get3A_1146 = vector.shape_cast %get3A_1145 : vector<1x16xf32> to vector<16xf32>
    %swap3A_1147 = arith.constant 3 : i32
    %swap3A_1148 = arith.index_cast %swap3A_1147 : i32 to index
    %swap3A_1149 = arith.constant 112 : index
    %swap3A_1150 = tpu.vector_load %arg7[%swap3A_1148, %swap3A_1149] {strides = array<i32>} : memref<77x768xf32, #tpu.memory_space<vmem>>, vector<1x16xf32>,
    %swap3A_1151 = vector.shape_cast %swap3A_1150 : vector<1x16xf32> to vector<16xf32>
    %swap3A_1152 = vector.shape_cast %get3A_1146 : vector<16xf32> to vector<1x16xf32>
    tpu.vector_store %arg7[%swap3A_1148, %swap3A_1149], %swap3A_1152 {strides = array<i32>} : memref<77x768xf32, #tpu.memory_space<vmem>>, vector<1x16xf32>,
    %get3A_1153 = arith.constant 2 : i32
    %get3A_1154 = arith.index_cast %get3A_1153 : i32 to index
    %get3A_1155 = arith.constant 128 : index
    %get3A_1156 = tpu.vector_load %arg9[%get3A_1154, %get3A_1155] {strides = array<i32>} : memref<4x768xf32, #tpu.memory_space<vmem>>, vector<1x16xf32>,
    %get3A_1157 = vector.shape_cast %get3A_1156 : vector<1x16xf32> to vector<16xf32>
    %swap3A_1158 = arith.constant 3 : i32
    %swap3A_1159 = arith.index_cast %swap3A_1158 : i32 to index
    %swap3A_1160 = arith.constant 128 : index
    %swap3A_1161 = tpu.vector_load %arg7[%swap3A_1159, %swap3A_1160] {strides = array<i32>} : memref<77x768xf32, #tpu.memory_space<vmem>>, vector<1x16xf32>,
    %swap3A_1162 = vector.shape_cast %swap3A_1161 : vector<1x16xf32> to vector<16xf32>
    %swap3A_1163 = vector.shape_cast %get3A_1157 : vector<16xf32> to vector<1x16xf32>
    tpu.vector_store %arg7[%swap3A_1159, %swap3A_1160], %swap3A_1163 {strides = array<i32>} : memref<77x768xf32, #tpu.memory_space<vmem>>, vector<1x16xf32>,
    %get3A_1164 = arith.constant 2 : i32
    %get3A_1165 = arith.index_cast %get3A_1164 : i32 to index
    %get3A_1166 = arith.constant 144 : index
    %get3A_1167 = tpu.vector_load %arg9[%get3A_1165, %get3A_1166] {strides = array<i32>} : memref<4x768xf32, #tpu.memory_space<vmem>>, vector<1x16xf32>,
    %get3A_1168 = vector.shape_cast %get3A_1167 : vector<1x16xf32> to vector<16xf32>
    %swap3A_1169 = arith.constant 3 : i32
    %swap3A_1170 = arith.index_cast %swap3A_1169 : i32 to index
    %swap3A_1171 = arith.constant 144 : index
    %swap3A_1172 = tpu.vector_load %arg7[%swap3A_1170, %swap3A_1171] {strides = array<i32>} : memref<77x768xf32, #tpu.memory_space<vmem>>, vector<1x16xf32>,
    %swap3A_1173 = vector.shape_cast %swap3A_1172 : vector<1x16xf32> to vector<16xf32>
    %swap3A_1174 = vector.shape_cast %get3A_1168 : vector<16xf32> to vector<1x16xf32>
    tpu.vector_store %arg7[%swap3A_1170, %swap3A_1171], %swap3A_1174 {strides = array<i32>} : memref<77x768xf32, #tpu.memory_space<vmem>>, vector<1x16xf32>,
    %get3A_1175 = arith.constant 2 : i32
    %get3A_1176 = arith.index_cast %get3A_1175 : i32 to index
    %get3A_1177 = arith.constant 160 : index
    %get3A_1178 = tpu.vector_load %arg9[%get3A_1176, %get3A_1177] {strides = array<i32>} : memref<4x768xf32, #tpu.memory_space<vmem>>, vector<1x16xf32>,
    %get3A_1179 = vector.shape_cast %get3A_1178 : vector<1x16xf32> to vector<16xf32>
    %swap3A_1180 = arith.constant 3 : i32
    %swap3A_1181 = arith.index_cast %swap3A_1180 : i32 to index
    %swap3A_1182 = arith.constant 160 : index
    %swap3A_1183 = tpu.vector_load %arg7[%swap3A_1181, %swap3A_1182] {strides = array<i32>} : memref<77x768xf32, #tpu.memory_space<vmem>>, vector<1x16xf32>,
    %swap3A_1184 = vector.shape_cast %swap3A_1183 : vector<1x16xf32> to vector<16xf32>
    %swap3A_1185 = vector.shape_cast %get3A_1179 : vector<16xf32> to vector<1x16xf32>
    tpu.vector_store %arg7[%swap3A_1181, %swap3A_1182], %swap3A_1185 {strides = array<i32>} : memref<77x768xf32, #tpu.memory_space<vmem>>, vector<1x16xf32>,
    %get3A_1186 = arith.constant 2 : i32
    %get3A_1187 = arith.index_cast %get3A_1186 : i32 to index
    %get3A_1188 = arith.constant 176 : index
    %get3A_1189 = tpu.vector_load %arg9[%get3A_1187, %get3A_1188] {strides = array<i32>} : memref<4x768xf32, #tpu.memory_space<vmem>>, vector<1x16xf32>,
    %get3A_1190 = vector.shape_cast %get3A_1189 : vector<1x16xf32> to vector<16xf32>
    %swap3A_1191 = arith.constant 3 : i32
    %swap3A_1192 = arith.index_cast %swap3A_1191 : i32 to index
    %swap3A_1193 = arith.constant 176 : index
    %swap3A_1194 = tpu.vector_load %arg7[%swap3A_1192, %swap3A_1193] {strides = array<i32>} : memref<77x768xf32, #tpu.memory_space<vmem>>, vector<1x16xf32>,
    %swap3A_1195 = vector.shape_cast %swap3A_1194 : vector<1x16xf32> to vector<16xf32>
    %swap3A_1196 = vector.shape_cast %get3A_1190 : vector<16xf32> to vector<1x16xf32>
    tpu.vector_store %arg7[%swap3A_1192, %swap3A_1193], %swap3A_1196 {strides = array<i32>} : memref<77x768xf32, #tpu.memory_space<vmem>>, vector<1x16xf32>,
    %get3A_1197 = arith.constant 2 : i32
    %get3A_1198 = arith.index_cast %get3A_1197 : i32 to index
    %get3A_1199 = arith.constant 192 : index
    %get3A_1200 = tpu.vector_load %arg9[%get3A_1198, %get3A_1199] {strides = array<i32>} : memref<4x768xf32, #tpu.memory_space<vmem>>, vector<1x16xf32>,
    %get3A_1201 = vector.shape_cast %get3A_1200 : vector<1x16xf32> to vector<16xf32>
    %swap3A_1202 = arith.constant 3 : i32
    %swap3A_1203 = arith.index_cast %swap3A_1202 : i32 to index
    %swap3A_1204 = arith.constant 192 : index
    %swap3A_1205 = tpu.vector_load %arg7[%swap3A_1203, %swap3A_1204] {strides = array<i32>} : memref<77x768xf32, #tpu.memory_space<vmem>>, vector<1x16xf32>,
    %swap3A_1206 = vector.shape_cast %swap3A_1205 : vector<1x16xf32> to vector<16xf32>
    %swap3A_1207 = vector.shape_cast %get3A_1201 : vector<16xf32> to vector<1x16xf32>
    tpu.vector_store %arg7[%swap3A_1203, %swap3A_1204], %swap3A_1207 {strides = array<i32>} : memref<77x768xf32, #tpu.memory_space<vmem>>, vector<1x16xf32>,
    %get3A_1208 = arith.constant 2 : i32
    %get3A_1209 = arith.index_cast %get3A_1208 : i32 to index
    %get3A_1210 = arith.constant 208 : index
    %get3A_1211 = tpu.vector_load %arg9[%get3A_1209, %get3A_1210] {strides = array<i32>} : memref<4x768xf32, #tpu.memory_space<vmem>>, vector<1x16xf32>,
    %get3A_1212 = vector.shape_cast %get3A_1211 : vector<1x16xf32> to vector<16xf32>
    %swap3A_1213 = arith.constant 3 : i32
    %swap3A_1214 = arith.index_cast %swap3A_1213 : i32 to index
    %swap3A_1215 = arith.constant 208 : index
    %swap3A_1216 = tpu.vector_load %arg7[%swap3A_1214, %swap3A_1215] {strides = array<i32>} : memref<77x768xf32, #tpu.memory_space<vmem>>, vector<1x16xf32>,
    %swap3A_1217 = vector.shape_cast %swap3A_1216 : vector<1x16xf32> to vector<16xf32>
    %swap3A_1218 = vector.shape_cast %get3A_1212 : vector<16xf32> to vector<1x16xf32>
    tpu.vector_store %arg7[%swap3A_1214, %swap3A_1215], %swap3A_1218 {strides = array<i32>} : memref<77x768xf32, #tpu.memory_space<vmem>>, vector<1x16xf32>,
    %get3A_1219 = arith.constant 2 : i32
    %get3A_1220 = arith.index_cast %get3A_1219 : i32 to index
    %get3A_1221 = arith.constant 224 : index
    %get3A_1222 = tpu.vector_load %arg9[%get3A_1220, %get3A_1221] {strides = array<i32>} : memref<4x768xf32, #tpu.memory_space<vmem>>, vector<1x16xf32>,
    %get3A_1223 = vector.shape_cast %get3A_1222 : vector<1x16xf32> to vector<16xf32>
    %swap3A_1224 = arith.constant 3 : i32
    %swap3A_1225 = arith.index_cast %swap3A_1224 : i32 to index
    %swap3A_1226 = arith.constant 224 : index
    %swap3A_1227 = tpu.vector_load %arg7[%swap3A_1225, %swap3A_1226] {strides = array<i32>} : memref<77x768xf32, #tpu.memory_space<vmem>>, vector<1x16xf32>,
    %swap3A_1228 = vector.shape_cast %swap3A_1227 : vector<1x16xf32> to vector<16xf32>
    %swap3A_1229 = vector.shape_cast %get3A_1223 : vector<16xf32> to vector<1x16xf32>
    tpu.vector_store %arg7[%swap3A_1225, %swap3A_1226], %swap3A_1229 {strides = array<i32>} : memref<77x768xf32, #tpu.memory_space<vmem>>, vector<1x16xf32>,
    %get3A_1230 = arith.constant 2 : i32
    %get3A_1231 = arith.index_cast %get3A_1230 : i32 to index
    %get3A_1232 = arith.constant 240 : index
    %get3A_1233 = tpu.vector_load %arg9[%get3A_1231, %get3A_1232] {strides = array<i32>} : memref<4x768xf32, #tpu.memory_space<vmem>>, vector<1x16xf32>,
    %get3A_1234 = vector.shape_cast %get3A_1233 : vector<1x16xf32> to vector<16xf32>
    %swap3A_1235 = arith.constant 3 : i32
    %swap3A_1236 = arith.index_cast %swap3A_1235 : i32 to index
    %swap3A_1237 = arith.constant 240 : index
    %swap3A_1238 = tpu.vector_load %arg7[%swap3A_1236, %swap3A_1237] {strides = array<i32>} : memref<77x768xf32, #tpu.memory_space<vmem>>, vector<1x16xf32>,
    %swap3A_1239 = vector.shape_cast %swap3A_1238 : vector<1x16xf32> to vector<16xf32>
    %swap3A_1240 = vector.shape_cast %get3A_1234 : vector<16xf32> to vector<1x16xf32>
    tpu.vector_store %arg7[%swap3A_1236, %swap3A_1237], %swap3A_1240 {strides = array<i32>} : memref<77x768xf32, #tpu.memory_space<vmem>>, vector<1x16xf32>,
    %get3A_1241 = arith.constant 2 : i32
    %get3A_1242 = arith.index_cast %get3A_1241 : i32 to index
    %get3A_1243 = arith.constant 256 : index
    %get3A_1244 = tpu.vector_load %arg9[%get3A_1242, %get3A_1243] {strides = array<i32>} : memref<4x768xf32, #tpu.memory_space<vmem>>, vector<1x16xf32>,
    %get3A_1245 = vector.shape_cast %get3A_1244 : vector<1x16xf32> to vector<16xf32>
    %swap3A_1246 = arith.constant 3 : i32
    %swap3A_1247 = arith.index_cast %swap3A_1246 : i32 to index
    %swap3A_1248 = arith.constant 256 : index
    %swap3A_1249 = tpu.vector_load %arg7[%swap3A_1247, %swap3A_1248] {strides = array<i32>} : memref<77x768xf32, #tpu.memory_space<vmem>>, vector<1x16xf32>,
    %swap3A_1250 = vector.shape_cast %swap3A_1249 : vector<1x16xf32> to vector<16xf32>
    %swap3A_1251 = vector.shape_cast %get3A_1245 : vector<16xf32> to vector<1x16xf32>
    tpu.vector_store %arg7[%swap3A_1247, %swap3A_1248], %swap3A_1251 {strides = array<i32>} : memref<77x768xf32, #tpu.memory_space<vmem>>, vector<1x16xf32>,
    %get3A_1252 = arith.constant 2 : i32
    %get3A_1253 = arith.index_cast %get3A_1252 : i32 to index
    %get3A_1254 = arith.constant 272 : index
    %get3A_1255 = tpu.vector_load %arg9[%get3A_1253, %get3A_1254] {strides = array<i32>} : memref<4x768xf32, #tpu.memory_space<vmem>>, vector<1x16xf32>,
    %get3A_1256 = vector.shape_cast %get3A_1255 : vector<1x16xf32> to vector<16xf32>
    %swap3A_1257 = arith.constant 3 : i32
    %swap3A_1258 = arith.index_cast %swap3A_1257 : i32 to index
    %swap3A_1259 = arith.constant 272 : index
    %swap3A_1260 = tpu.vector_load %arg7[%swap3A_1258, %swap3A_1259] {strides = array<i32>} : memref<77x768xf32, #tpu.memory_space<vmem>>, vector<1x16xf32>,
    %swap3A_1261 = vector.shape_cast %swap3A_1260 : vector<1x16xf32> to vector<16xf32>
    %swap3A_1262 = vector.shape_cast %get3A_1256 : vector<16xf32> to vector<1x16xf32>
    tpu.vector_store %arg7[%swap3A_1258, %swap3A_1259], %swap3A_1262 {strides = array<i32>} : memref<77x768xf32, #tpu.memory_space<vmem>>, vector<1x16xf32>,
    %get3A_1263 = arith.constant 2 : i32
    %get3A_1264 = arith.index_cast %get3A_1263 : i32 to index
    %get3A_1265 = arith.constant 288 : index
    %get3A_1266 = tpu.vector_load %arg9[%get3A_1264, %get3A_1265] {strides = array<i32>} : memref<4x768xf32, #tpu.memory_space<vmem>>, vector<1x16xf32>,
    %get3A_1267 = vector.shape_cast %get3A_1266 : vector<1x16xf32> to vector<16xf32>
    %swap3A_1268 = arith.constant 3 : i32
    %swap3A_1269 = arith.index_cast %swap3A_1268 : i32 to index
    %swap3A_1270 = arith.constant 288 : index
    %swap3A_1271 = tpu.vector_load %arg7[%swap3A_1269, %swap3A_1270] {strides = array<i32>} : memref<77x768xf32, #tpu.memory_space<vmem>>, vector<1x16xf32>,
    %swap3A_1272 = vector.shape_cast %swap3A_1271 : vector<1x16xf32> to vector<16xf32>
    %swap3A_1273 = vector.shape_cast %get3A_1267 : vector<16xf32> to vector<1x16xf32>
    tpu.vector_store %arg7[%swap3A_1269, %swap3A_1270], %swap3A_1273 {strides = array<i32>} : memref<77x768xf32, #tpu.memory_space<vmem>>, vector<1x16xf32>,
    %get3A_1274 = arith.constant 2 : i32
    %get3A_1275 = arith.index_cast %get3A_1274 : i32 to index
    %get3A_1276 = arith.constant 304 : index
    %get3A_1277 = tpu.vector_load %arg9[%get3A_1275, %get3A_1276] {strides = array<i32>} : memref<4x768xf32, #tpu.memory_space<vmem>>, vector<1x16xf32>,
    %get3A_1278 = vector.shape_cast %get3A_1277 : vector<1x16xf32> to vector<16xf32>
    %swap3A_1279 = arith.constant 3 : i32
    %swap3A_1280 = arith.index_cast %swap3A_1279 : i32 to index
    %swap3A_1281 = arith.constant 304 : index
    %swap3A_1282 = tpu.vector_load %arg7[%swap3A_1280, %swap3A_1281] {strides = array<i32>} : memref<77x768xf32, #tpu.memory_space<vmem>>, vector<1x16xf32>,
    %swap3A_1283 = vector.shape_cast %swap3A_1282 : vector<1x16xf32> to vector<16xf32>
    %swap3A_1284 = vector.shape_cast %get3A_1278 : vector<16xf32> to vector<1x16xf32>
    tpu.vector_store %arg7[%swap3A_1280, %swap3A_1281], %swap3A_1284 {strides = array<i32>} : memref<77x768xf32, #tpu.memory_space<vmem>>, vector<1x16xf32>,
    %get3A_1285 = arith.constant 2 : i32
    %get3A_1286 = arith.index_cast %get3A_1285 : i32 to index
    %get3A_1287 = arith.constant 320 : index
    %get3A_1288 = tpu.vector_load %arg9[%get3A_1286, %get3A_1287] {strides = array<i32>} : memref<4x768xf32, #tpu.memory_space<vmem>>, vector<1x16xf32>,
    %get3A_1289 = vector.shape_cast %get3A_1288 : vector<1x16xf32> to vector<16xf32>
    %swap3A_1290 = arith.constant 3 : i32
    %swap3A_1291 = arith.index_cast %swap3A_1290 : i32 to index
    %swap3A_1292 = arith.constant 320 : index
    %swap3A_1293 = tpu.vector_load %arg7[%swap3A_1291, %swap3A_1292] {strides = array<i32>} : memref<77x768xf32, #tpu.memory_space<vmem>>, vector<1x16xf32>,
    %swap3A_1294 = vector.shape_cast %swap3A_1293 : vector<1x16xf32> to vector<16xf32>
    %swap3A_1295 = vector.shape_cast %get3A_1289 : vector<16xf32> to vector<1x16xf32>
    tpu.vector_store %arg7[%swap3A_1291, %swap3A_1292], %swap3A_1295 {strides = array<i32>} : memref<77x768xf32, #tpu.memory_space<vmem>>, vector<1x16xf32>,
    %get3A_1296 = arith.constant 2 : i32
    %get3A_1297 = arith.index_cast %get3A_1296 : i32 to index
    %get3A_1298 = arith.constant 336 : index
    %get3A_1299 = tpu.vector_load %arg9[%get3A_1297, %get3A_1298] {strides = array<i32>} : memref<4x768xf32, #tpu.memory_space<vmem>>, vector<1x16xf32>,
    %get3A_1300 = vector.shape_cast %get3A_1299 : vector<1x16xf32> to vector<16xf32>
    %swap3A_1301 = arith.constant 3 : i32
    %swap3A_1302 = arith.index_cast %swap3A_1301 : i32 to index
    %swap3A_1303 = arith.constant 336 : index
    %swap3A_1304 = tpu.vector_load %arg7[%swap3A_1302, %swap3A_1303] {strides = array<i32>} : memref<77x768xf32, #tpu.memory_space<vmem>>, vector<1x16xf32>,
    %swap3A_1305 = vector.shape_cast %swap3A_1304 : vector<1x16xf32> to vector<16xf32>
    %swap3A_1306 = vector.shape_cast %get3A_1300 : vector<16xf32> to vector<1x16xf32>
    tpu.vector_store %arg7[%swap3A_1302, %swap3A_1303], %swap3A_1306 {strides = array<i32>} : memref<77x768xf32, #tpu.memory_space<vmem>>, vector<1x16xf32>,
    %get3A_1307 = arith.constant 2 : i32
    %get3A_1308 = arith.index_cast %get3A_1307 : i32 to index
    %get3A_1309 = arith.constant 352 : index
    %get3A_1310 = tpu.vector_load %arg9[%get3A_1308, %get3A_1309] {strides = array<i32>} : memref<4x768xf32, #tpu.memory_space<vmem>>, vector<1x16xf32>,
    %get3A_1311 = vector.shape_cast %get3A_1310 : vector<1x16xf32> to vector<16xf32>
    %swap3A_1312 = arith.constant 3 : i32
    %swap3A_1313 = arith.index_cast %swap3A_1312 : i32 to index
    %swap3A_1314 = arith.constant 352 : index
    %swap3A_1315 = tpu.vector_load %arg7[%swap3A_1313, %swap3A_1314] {strides = array<i32>} : memref<77x768xf32, #tpu.memory_space<vmem>>, vector<1x16xf32>,
    %swap3A_1316 = vector.shape_cast %swap3A_1315 : vector<1x16xf32> to vector<16xf32>
    %swap3A_1317 = vector.shape_cast %get3A_1311 : vector<16xf32> to vector<1x16xf32>
    tpu.vector_store %arg7[%swap3A_1313, %swap3A_1314], %swap3A_1317 {strides = array<i32>} : memref<77x768xf32, #tpu.memory_space<vmem>>, vector<1x16xf32>,
    %get3A_1318 = arith.constant 2 : i32
    %get3A_1319 = arith.index_cast %get3A_1318 : i32 to index
    %get3A_1320 = arith.constant 368 : index
    %get3A_1321 = tpu.vector_load %arg9[%get3A_1319, %get3A_1320] {strides = array<i32>} : memref<4x768xf32, #tpu.memory_space<vmem>>, vector<1x16xf32>,
    %get3A_1322 = vector.shape_cast %get3A_1321 : vector<1x16xf32> to vector<16xf32>
    %swap3A_1323 = arith.constant 3 : i32
    %swap3A_1324 = arith.index_cast %swap3A_1323 : i32 to index
    %swap3A_1325 = arith.constant 368 : index
    %swap3A_1326 = tpu.vector_load %arg7[%swap3A_1324, %swap3A_1325] {strides = array<i32>} : memref<77x768xf32, #tpu.memory_space<vmem>>, vector<1x16xf32>,
    %swap3A_1327 = vector.shape_cast %swap3A_1326 : vector<1x16xf32> to vector<16xf32>
    %swap3A_1328 = vector.shape_cast %get3A_1322 : vector<16xf32> to vector<1x16xf32>
    tpu.vector_store %arg7[%swap3A_1324, %swap3A_1325], %swap3A_1328 {strides = array<i32>} : memref<77x768xf32, #tpu.memory_space<vmem>>, vector<1x16xf32>,
    %get3A_1329 = arith.constant 2 : i32
    %get3A_1330 = arith.index_cast %get3A_1329 : i32 to index
    %get3A_1331 = arith.constant 384 : index
    %get3A_1332 = tpu.vector_load %arg9[%get3A_1330, %get3A_1331] {strides = array<i32>} : memref<4x768xf32, #tpu.memory_space<vmem>>, vector<1x16xf32>,
    %get3A_1333 = vector.shape_cast %get3A_1332 : vector<1x16xf32> to vector<16xf32>
    %swap3A_1334 = arith.constant 3 : i32
    %swap3A_1335 = arith.index_cast %swap3A_1334 : i32 to index
    %swap3A_1336 = arith.constant 384 : index
    %swap3A_1337 = tpu.vector_load %arg7[%swap3A_1335, %swap3A_1336] {strides = array<i32>} : memref<77x768xf32, #tpu.memory_space<vmem>>, vector<1x16xf32>,
    %swap3A_1338 = vector.shape_cast %swap3A_1337 : vector<1x16xf32> to vector<16xf32>
    %swap3A_1339 = vector.shape_cast %get3A_1333 : vector<16xf32> to vector<1x16xf32>
    tpu.vector_store %arg7[%swap3A_1335, %swap3A_1336], %swap3A_1339 {strides = array<i32>} : memref<77x768xf32, #tpu.memory_space<vmem>>, vector<1x16xf32>,
    %get3A_1340 = arith.constant 2 : i32
    %get3A_1341 = arith.index_cast %get3A_1340 : i32 to index
    %get3A_1342 = arith.constant 400 : index
    %get3A_1343 = tpu.vector_load %arg9[%get3A_1341, %get3A_1342] {strides = array<i32>} : memref<4x768xf32, #tpu.memory_space<vmem>>, vector<1x16xf32>,
    %get3A_1344 = vector.shape_cast %get3A_1343 : vector<1x16xf32> to vector<16xf32>
    %swap3A_1345 = arith.constant 3 : i32
    %swap3A_1346 = arith.index_cast %swap3A_1345 : i32 to index
    %swap3A_1347 = arith.constant 400 : index
    %swap3A_1348 = tpu.vector_load %arg7[%swap3A_1346, %swap3A_1347] {strides = array<i32>} : memref<77x768xf32, #tpu.memory_space<vmem>>, vector<1x16xf32>,
    %swap3A_1349 = vector.shape_cast %swap3A_1348 : vector<1x16xf32> to vector<16xf32>
    %swap3A_1350 = vector.shape_cast %get3A_1344 : vector<16xf32> to vector<1x16xf32>
    tpu.vector_store %arg7[%swap3A_1346, %swap3A_1347], %swap3A_1350 {strides = array<i32>} : memref<77x768xf32, #tpu.memory_space<vmem>>, vector<1x16xf32>,
    %get3A_1351 = arith.constant 2 : i32
    %get3A_1352 = arith.index_cast %get3A_1351 : i32 to index
    %get3A_1353 = arith.constant 416 : index
    %get3A_1354 = tpu.vector_load %arg9[%get3A_1352, %get3A_1353] {strides = array<i32>} : memref<4x768xf32, #tpu.memory_space<vmem>>, vector<1x16xf32>,
    %get3A_1355 = vector.shape_cast %get3A_1354 : vector<1x16xf32> to vector<16xf32>
    %swap3A_1356 = arith.constant 3 : i32
    %swap3A_1357 = arith.index_cast %swap3A_1356 : i32 to index
    %swap3A_1358 = arith.constant 416 : index
    %swap3A_1359 = tpu.vector_load %arg7[%swap3A_1357, %swap3A_1358] {strides = array<i32>} : memref<77x768xf32, #tpu.memory_space<vmem>>, vector<1x16xf32>,
    %swap3A_1360 = vector.shape_cast %swap3A_1359 : vector<1x16xf32> to vector<16xf32>
    %swap3A_1361 = vector.shape_cast %get3A_1355 : vector<16xf32> to vector<1x16xf32>
    tpu.vector_store %arg7[%swap3A_1357, %swap3A_1358], %swap3A_1361 {strides = array<i32>} : memref<77x768xf32, #tpu.memory_space<vmem>>, vector<1x16xf32>,
    %get3A_1362 = arith.constant 2 : i32
    %get3A_1363 = arith.index_cast %get3A_1362 : i32 to index
    %get3A_1364 = arith.constant 432 : index
    %get3A_1365 = tpu.vector_load %arg9[%get3A_1363, %get3A_1364] {strides = array<i32>} : memref<4x768xf32, #tpu.memory_space<vmem>>, vector<1x16xf32>,
    %get3A_1366 = vector.shape_cast %get3A_1365 : vector<1x16xf32> to vector<16xf32>
    %swap3A_1367 = arith.constant 3 : i32
    %swap3A_1368 = arith.index_cast %swap3A_1367 : i32 to index
    %swap3A_1369 = arith.constant 432 : index
    %swap3A_1370 = tpu.vector_load %arg7[%swap3A_1368, %swap3A_1369] {strides = array<i32>} : memref<77x768xf32, #tpu.memory_space<vmem>>, vector<1x16xf32>,
    %swap3A_1371 = vector.shape_cast %swap3A_1370 : vector<1x16xf32> to vector<16xf32>
    %swap3A_1372 = vector.shape_cast %get3A_1366 : vector<16xf32> to vector<1x16xf32>
    tpu.vector_store %arg7[%swap3A_1368, %swap3A_1369], %swap3A_1372 {strides = array<i32>} : memref<77x768xf32, #tpu.memory_space<vmem>>, vector<1x16xf32>,
    %get3A_1373 = arith.constant 2 : i32
    %get3A_1374 = arith.index_cast %get3A_1373 : i32 to index
    %get3A_1375 = arith.constant 448 : index
    %get3A_1376 = tpu.vector_load %arg9[%get3A_1374, %get3A_1375] {strides = array<i32>} : memref<4x768xf32, #tpu.memory_space<vmem>>, vector<1x16xf32>,
    %get3A_1377 = vector.shape_cast %get3A_1376 : vector<1x16xf32> to vector<16xf32>
    %swap3A_1378 = arith.constant 3 : i32
    %swap3A_1379 = arith.index_cast %swap3A_1378 : i32 to index
    %swap3A_1380 = arith.constant 448 : index
    %swap3A_1381 = tpu.vector_load %arg7[%swap3A_1379, %swap3A_1380] {strides = array<i32>} : memref<77x768xf32, #tpu.memory_space<vmem>>, vector<1x16xf32>,
    %swap3A_1382 = vector.shape_cast %swap3A_1381 : vector<1x16xf32> to vector<16xf32>
    %swap3A_1383 = vector.shape_cast %get3A_1377 : vector<16xf32> to vector<1x16xf32>
    tpu.vector_store %arg7[%swap3A_1379, %swap3A_1380], %swap3A_1383 {strides = array<i32>} : memref<77x768xf32, #tpu.memory_space<vmem>>, vector<1x16xf32>,
    %get3A_1384 = arith.constant 2 : i32
    %get3A_1385 = arith.index_cast %get3A_1384 : i32 to index
    %get3A_1386 = arith.constant 464 : index
    %get3A_1387 = tpu.vector_load %arg9[%get3A_1385, %get3A_1386] {strides = array<i32>} : memref<4x768xf32, #tpu.memory_space<vmem>>, vector<1x16xf32>,
    %get3A_1388 = vector.shape_cast %get3A_1387 : vector<1x16xf32> to vector<16xf32>
    %swap3A_1389 = arith.constant 3 : i32
    %swap3A_1390 = arith.index_cast %swap3A_1389 : i32 to index
    %swap3A_1391 = arith.constant 464 : index
    %swap3A_1392 = tpu.vector_load %arg7[%swap3A_1390, %swap3A_1391] {strides = array<i32>} : memref<77x768xf32, #tpu.memory_space<vmem>>, vector<1x16xf32>,
    %swap3A_1393 = vector.shape_cast %swap3A_1392 : vector<1x16xf32> to vector<16xf32>
    %swap3A_1394 = vector.shape_cast %get3A_1388 : vector<16xf32> to vector<1x16xf32>
    tpu.vector_store %arg7[%swap3A_1390, %swap3A_1391], %swap3A_1394 {strides = array<i32>} : memref<77x768xf32, #tpu.memory_space<vmem>>, vector<1x16xf32>,
    %get3A_1395 = arith.constant 2 : i32
    %get3A_1396 = arith.index_cast %get3A_1395 : i32 to index
    %get3A_1397 = arith.constant 480 : index
    %get3A_1398 = tpu.vector_load %arg9[%get3A_1396, %get3A_1397] {strides = array<i32>} : memref<4x768xf32, #tpu.memory_space<vmem>>, vector<1x16xf32>,
    %get3A_1399 = vector.shape_cast %get3A_1398 : vector<1x16xf32> to vector<16xf32>
    %swap3A_1400 = arith.constant 3 : i32
    %swap3A_1401 = arith.index_cast %swap3A_1400 : i32 to index
    %swap3A_1402 = arith.constant 480 : index
    %swap3A_1403 = tpu.vector_load %arg7[%swap3A_1401, %swap3A_1402] {strides = array<i32>} : memref<77x768xf32, #tpu.memory_space<vmem>>, vector<1x16xf32>,
    %swap3A_1404 = vector.shape_cast %swap3A_1403 : vector<1x16xf32> to vector<16xf32>
    %swap3A_1405 = vector.shape_cast %get3A_1399 : vector<16xf32> to vector<1x16xf32>
    tpu.vector_store %arg7[%swap3A_1401, %swap3A_1402], %swap3A_1405 {strides = array<i32>} : memref<77x768xf32, #tpu.memory_space<vmem>>, vector<1x16xf32>,
    %get3A_1406 = arith.constant 2 : i32
    %get3A_1407 = arith.index_cast %get3A_1406 : i32 to index
    %get3A_1408 = arith.constant 496 : index
    %get3A_1409 = tpu.vector_load %arg9[%get3A_1407, %get3A_1408] {strides = array<i32>} : memref<4x768xf32, #tpu.memory_space<vmem>>, vector<1x16xf32>,
    %get3A_1410 = vector.shape_cast %get3A_1409 : vector<1x16xf32> to vector<16xf32>
    %swap3A_1411 = arith.constant 3 : i32
    %swap3A_1412 = arith.index_cast %swap3A_1411 : i32 to index
    %swap3A_1413 = arith.constant 496 : index
    %swap3A_1414 = tpu.vector_load %arg7[%swap3A_1412, %swap3A_1413] {strides = array<i32>} : memref<77x768xf32, #tpu.memory_space<vmem>>, vector<1x16xf32>,
    %swap3A_1415 = vector.shape_cast %swap3A_1414 : vector<1x16xf32> to vector<16xf32>
    %swap3A_1416 = vector.shape_cast %get3A_1410 : vector<16xf32> to vector<1x16xf32>
    tpu.vector_store %arg7[%swap3A_1412, %swap3A_1413], %swap3A_1416 {strides = array<i32>} : memref<77x768xf32, #tpu.memory_space<vmem>>, vector<1x16xf32>,
    %get3A_1417 = arith.constant 2 : i32
    %get3A_1418 = arith.index_cast %get3A_1417 : i32 to index
    %get3A_1419 = arith.constant 512 : index
    %get3A_1420 = tpu.vector_load %arg9[%get3A_1418, %get3A_1419] {strides = array<i32>} : memref<4x768xf32, #tpu.memory_space<vmem>>, vector<1x16xf32>,
    %get3A_1421 = vector.shape_cast %get3A_1420 : vector<1x16xf32> to vector<16xf32>
    %swap3A_1422 = arith.constant 3 : i32
    %swap3A_1423 = arith.index_cast %swap3A_1422 : i32 to index
    %swap3A_1424 = arith.constant 512 : index
    %swap3A_1425 = tpu.vector_load %arg7[%swap3A_1423, %swap3A_1424] {strides = array<i32>} : memref<77x768xf32, #tpu.memory_space<vmem>>, vector<1x16xf32>,
    %swap3A_1426 = vector.shape_cast %swap3A_1425 : vector<1x16xf32> to vector<16xf32>
    %swap3A_1427 = vector.shape_cast %get3A_1421 : vector<16xf32> to vector<1x16xf32>
    tpu.vector_store %arg7[%swap3A_1423, %swap3A_1424], %swap3A_1427 {strides = array<i32>} : memref<77x768xf32, #tpu.memory_space<vmem>>, vector<1x16xf32>,
    %get3A_1428 = arith.constant 2 : i32
    %get3A_1429 = arith.index_cast %get3A_1428 : i32 to index
    %get3A_1430 = arith.constant 528 : index
    %get3A_1431 = tpu.vector_load %arg9[%get3A_1429, %get3A_1430] {strides = array<i32>} : memref<4x768xf32, #tpu.memory_space<vmem>>, vector<1x16xf32>,
    %get3A_1432 = vector.shape_cast %get3A_1431 : vector<1x16xf32> to vector<16xf32>
    %swap3A_1433 = arith.constant 3 : i32
    %swap3A_1434 = arith.index_cast %swap3A_1433 : i32 to index
    %swap3A_1435 = arith.constant 528 : index
    %swap3A_1436 = tpu.vector_load %arg7[%swap3A_1434, %swap3A_1435] {strides = array<i32>} : memref<77x768xf32, #tpu.memory_space<vmem>>, vector<1x16xf32>,
    %swap3A_1437 = vector.shape_cast %swap3A_1436 : vector<1x16xf32> to vector<16xf32>
    %swap3A_1438 = vector.shape_cast %get3A_1432 : vector<16xf32> to vector<1x16xf32>
    tpu.vector_store %arg7[%swap3A_1434, %swap3A_1435], %swap3A_1438 {strides = array<i32>} : memref<77x768xf32, #tpu.memory_space<vmem>>, vector<1x16xf32>,
    %get3A_1439 = arith.constant 2 : i32
    %get3A_1440 = arith.index_cast %get3A_1439 : i32 to index
    %get3A_1441 = arith.constant 544 : index
    %get3A_1442 = tpu.vector_load %arg9[%get3A_1440, %get3A_1441] {strides = array<i32>} : memref<4x768xf32, #tpu.memory_space<vmem>>, vector<1x16xf32>,
    %get3A_1443 = vector.shape_cast %get3A_1442 : vector<1x16xf32> to vector<16xf32>
    %swap3A_1444 = arith.constant 3 : i32
    %swap3A_1445 = arith.index_cast %swap3A_1444 : i32 to index
    %swap3A_1446 = arith.constant 544 : index
    %swap3A_1447 = tpu.vector_load %arg7[%swap3A_1445, %swap3A_1446] {strides = array<i32>} : memref<77x768xf32, #tpu.memory_space<vmem>>, vector<1x16xf32>,
    %swap3A_1448 = vector.shape_cast %swap3A_1447 : vector<1x16xf32> to vector<16xf32>
    %swap3A_1449 = vector.shape_cast %get3A_1443 : vector<16xf32> to vector<1x16xf32>
    tpu.vector_store %arg7[%swap3A_1445, %swap3A_1446], %swap3A_1449 {strides = array<i32>} : memref<77x768xf32, #tpu.memory_space<vmem>>, vector<1x16xf32>,
    %get3A_1450 = arith.constant 2 : i32
    %get3A_1451 = arith.index_cast %get3A_1450 : i32 to index
    %get3A_1452 = arith.constant 560 : index
    %get3A_1453 = tpu.vector_load %arg9[%get3A_1451, %get3A_1452] {strides = array<i32>} : memref<4x768xf32, #tpu.memory_space<vmem>>, vector<1x16xf32>,
    %get3A_1454 = vector.shape_cast %get3A_1453 : vector<1x16xf32> to vector<16xf32>
    %swap3A_1455 = arith.constant 3 : i32
    %swap3A_1456 = arith.index_cast %swap3A_1455 : i32 to index
    %swap3A_1457 = arith.constant 560 : index
    %swap3A_1458 = tpu.vector_load %arg7[%swap3A_1456, %swap3A_1457] {strides = array<i32>} : memref<77x768xf32, #tpu.memory_space<vmem>>, vector<1x16xf32>,
    %swap3A_1459 = vector.shape_cast %swap3A_1458 : vector<1x16xf32> to vector<16xf32>
    %swap3A_1460 = vector.shape_cast %get3A_1454 : vector<16xf32> to vector<1x16xf32>
    tpu.vector_store %arg7[%swap3A_1456, %swap3A_1457], %swap3A_1460 {strides = array<i32>} : memref<77x768xf32, #tpu.memory_space<vmem>>, vector<1x16xf32>,
    %get3A_1461 = arith.constant 2 : i32
    %get3A_1462 = arith.index_cast %get3A_1461 : i32 to index
    %get3A_1463 = arith.constant 576 : index
    %get3A_1464 = tpu.vector_load %arg9[%get3A_1462, %get3A_1463] {strides = array<i32>} : memref<4x768xf32, #tpu.memory_space<vmem>>, vector<1x16xf32>,
    %get3A_1465 = vector.shape_cast %get3A_1464 : vector<1x16xf32> to vector<16xf32>
    %swap3A_1466 = arith.constant 3 : i32
    %swap3A_1467 = arith.index_cast %swap3A_1466 : i32 to index
    %swap3A_1468 = arith.constant 576 : index
    %swap3A_1469 = tpu.vector_load %arg7[%swap3A_1467, %swap3A_1468] {strides = array<i32>} : memref<77x768xf32, #tpu.memory_space<vmem>>, vector<1x16xf32>,
    %swap3A_1470 = vector.shape_cast %swap3A_1469 : vector<1x16xf32> to vector<16xf32>
    %swap3A_1471 = vector.shape_cast %get3A_1465 : vector<16xf32> to vector<1x16xf32>
    tpu.vector_store %arg7[%swap3A_1467, %swap3A_1468], %swap3A_1471 {strides = array<i32>} : memref<77x768xf32, #tpu.memory_space<vmem>>, vector<1x16xf32>,
    %get3A_1472 = arith.constant 2 : i32
    %get3A_1473 = arith.index_cast %get3A_1472 : i32 to index
    %get3A_1474 = arith.constant 592 : index
    %get3A_1475 = tpu.vector_load %arg9[%get3A_1473, %get3A_1474] {strides = array<i32>} : memref<4x768xf32, #tpu.memory_space<vmem>>, vector<1x16xf32>,
    %get3A_1476 = vector.shape_cast %get3A_1475 : vector<1x16xf32> to vector<16xf32>
    %swap3A_1477 = arith.constant 3 : i32
    %swap3A_1478 = arith.index_cast %swap3A_1477 : i32 to index
    %swap3A_1479 = arith.constant 592 : index
    %swap3A_1480 = tpu.vector_load %arg7[%swap3A_1478, %swap3A_1479] {strides = array<i32>} : memref<77x768xf32, #tpu.memory_space<vmem>>, vector<1x16xf32>,
    %swap3A_1481 = vector.shape_cast %swap3A_1480 : vector<1x16xf32> to vector<16xf32>
    %swap3A_1482 = vector.shape_cast %get3A_1476 : vector<16xf32> to vector<1x16xf32>
    tpu.vector_store %arg7[%swap3A_1478, %swap3A_1479], %swap3A_1482 {strides = array<i32>} : memref<77x768xf32, #tpu.memory_space<vmem>>, vector<1x16xf32>,
    %get3A_1483 = arith.constant 2 : i32
    %get3A_1484 = arith.index_cast %get3A_1483 : i32 to index
    %get3A_1485 = arith.constant 608 : index
    %get3A_1486 = tpu.vector_load %arg9[%get3A_1484, %get3A_1485] {strides = array<i32>} : memref<4x768xf32, #tpu.memory_space<vmem>>, vector<1x16xf32>,
    %get3A_1487 = vector.shape_cast %get3A_1486 : vector<1x16xf32> to vector<16xf32>
    %swap3A_1488 = arith.constant 3 : i32
    %swap3A_1489 = arith.index_cast %swap3A_1488 : i32 to index
    %swap3A_1490 = arith.constant 608 : index
    %swap3A_1491 = tpu.vector_load %arg7[%swap3A_1489, %swap3A_1490] {strides = array<i32>} : memref<77x768xf32, #tpu.memory_space<vmem>>, vector<1x16xf32>,
    %swap3A_1492 = vector.shape_cast %swap3A_1491 : vector<1x16xf32> to vector<16xf32>
    %swap3A_1493 = vector.shape_cast %get3A_1487 : vector<16xf32> to vector<1x16xf32>
    tpu.vector_store %arg7[%swap3A_1489, %swap3A_1490], %swap3A_1493 {strides = array<i32>} : memref<77x768xf32, #tpu.memory_space<vmem>>, vector<1x16xf32>,
    %get3A_1494 = arith.constant 2 : i32
    %get3A_1495 = arith.index_cast %get3A_1494 : i32 to index
    %get3A_1496 = arith.constant 624 : index
    %get3A_1497 = tpu.vector_load %arg9[%get3A_1495, %get3A_1496] {strides = array<i32>} : memref<4x768xf32, #tpu.memory_space<vmem>>, vector<1x16xf32>,
    %get3A_1498 = vector.shape_cast %get3A_1497 : vector<1x16xf32> to vector<16xf32>
    %swap3A_1499 = arith.constant 3 : i32
    %swap3A_1500 = arith.index_cast %swap3A_1499 : i32 to index
    %swap3A_1501 = arith.constant 624 : index
    %swap3A_1502 = tpu.vector_load %arg7[%swap3A_1500, %swap3A_1501] {strides = array<i32>} : memref<77x768xf32, #tpu.memory_space<vmem>>, vector<1x16xf32>,
    %swap3A_1503 = vector.shape_cast %swap3A_1502 : vector<1x16xf32> to vector<16xf32>
    %swap3A_1504 = vector.shape_cast %get3A_1498 : vector<16xf32> to vector<1x16xf32>
    tpu.vector_store %arg7[%swap3A_1500, %swap3A_1501], %swap3A_1504 {strides = array<i32>} : memref<77x768xf32, #tpu.memory_space<vmem>>, vector<1x16xf32>,
    %get3A_1505 = arith.constant 2 : i32
    %get3A_1506 = arith.index_cast %get3A_1505 : i32 to index
    %get3A_1507 = arith.constant 640 : index
    %get3A_1508 = tpu.vector_load %arg9[%get3A_1506, %get3A_1507] {strides = array<i32>} : memref<4x768xf32, #tpu.memory_space<vmem>>, vector<1x16xf32>,
    %get3A_1509 = vector.shape_cast %get3A_1508 : vector<1x16xf32> to vector<16xf32>
    %swap3A_1510 = arith.constant 3 : i32
    %swap3A_1511 = arith.index_cast %swap3A_1510 : i32 to index
    %swap3A_1512 = arith.constant 640 : index
    %swap3A_1513 = tpu.vector_load %arg7[%swap3A_1511, %swap3A_1512] {strides = array<i32>} : memref<77x768xf32, #tpu.memory_space<vmem>>, vector<1x16xf32>,
    %swap3A_1514 = vector.shape_cast %swap3A_1513 : vector<1x16xf32> to vector<16xf32>
    %swap3A_1515 = vector.shape_cast %get3A_1509 : vector<16xf32> to vector<1x16xf32>
    tpu.vector_store %arg7[%swap3A_1511, %swap3A_1512], %swap3A_1515 {strides = array<i32>} : memref<77x768xf32, #tpu.memory_space<vmem>>, vector<1x16xf32>,
    %get3A_1516 = arith.constant 2 : i32
    %get3A_1517 = arith.index_cast %get3A_1516 : i32 to index
    %get3A_1518 = arith.constant 656 : index
    %get3A_1519 = tpu.vector_load %arg9[%get3A_1517, %get3A_1518] {strides = array<i32>} : memref<4x768xf32, #tpu.memory_space<vmem>>, vector<1x16xf32>,
    %get3A_1520 = vector.shape_cast %get3A_1519 : vector<1x16xf32> to vector<16xf32>
    %swap3A_1521 = arith.constant 3 : i32
    %swap3A_1522 = arith.index_cast %swap3A_1521 : i32 to index
    %swap3A_1523 = arith.constant 656 : index
    %swap3A_1524 = tpu.vector_load %arg7[%swap3A_1522, %swap3A_1523] {strides = array<i32>} : memref<77x768xf32, #tpu.memory_space<vmem>>, vector<1x16xf32>,
    %swap3A_1525 = vector.shape_cast %swap3A_1524 : vector<1x16xf32> to vector<16xf32>
    %swap3A_1526 = vector.shape_cast %get3A_1520 : vector<16xf32> to vector<1x16xf32>
    tpu.vector_store %arg7[%swap3A_1522, %swap3A_1523], %swap3A_1526 {strides = array<i32>} : memref<77x768xf32, #tpu.memory_space<vmem>>, vector<1x16xf32>,
    %get3A_1527 = arith.constant 2 : i32
    %get3A_1528 = arith.index_cast %get3A_1527 : i32 to index
    %get3A_1529 = arith.constant 672 : index
    %get3A_1530 = tpu.vector_load %arg9[%get3A_1528, %get3A_1529] {strides = array<i32>} : memref<4x768xf32, #tpu.memory_space<vmem>>, vector<1x16xf32>,
    %get3A_1531 = vector.shape_cast %get3A_1530 : vector<1x16xf32> to vector<16xf32>
    %swap3A_1532 = arith.constant 3 : i32
    %swap3A_1533 = arith.index_cast %swap3A_1532 : i32 to index
    %swap3A_1534 = arith.constant 672 : index
    %swap3A_1535 = tpu.vector_load %arg7[%swap3A_1533, %swap3A_1534] {strides = array<i32>} : memref<77x768xf32, #tpu.memory_space<vmem>>, vector<1x16xf32>,
    %swap3A_1536 = vector.shape_cast %swap3A_1535 : vector<1x16xf32> to vector<16xf32>
    %swap3A_1537 = vector.shape_cast %get3A_1531 : vector<16xf32> to vector<1x16xf32>
    tpu.vector_store %arg7[%swap3A_1533, %swap3A_1534], %swap3A_1537 {strides = array<i32>} : memref<77x768xf32, #tpu.memory_space<vmem>>, vector<1x16xf32>,
    %get3A_1538 = arith.constant 2 : i32
    %get3A_1539 = arith.index_cast %get3A_1538 : i32 to index
    %get3A_1540 = arith.constant 688 : index
    %get3A_1541 = tpu.vector_load %arg9[%get3A_1539, %get3A_1540] {strides = array<i32>} : memref<4x768xf32, #tpu.memory_space<vmem>>, vector<1x16xf32>,
    %get3A_1542 = vector.shape_cast %get3A_1541 : vector<1x16xf32> to vector<16xf32>
    %swap3A_1543 = arith.constant 3 : i32
    %swap3A_1544 = arith.index_cast %swap3A_1543 : i32 to index
    %swap3A_1545 = arith.constant 688 : index
    %swap3A_1546 = tpu.vector_load %arg7[%swap3A_1544, %swap3A_1545] {strides = array<i32>} : memref<77x768xf32, #tpu.memory_space<vmem>>, vector<1x16xf32>,
    %swap3A_1547 = vector.shape_cast %swap3A_1546 : vector<1x16xf32> to vector<16xf32>
    %swap3A_1548 = vector.shape_cast %get3A_1542 : vector<16xf32> to vector<1x16xf32>
    tpu.vector_store %arg7[%swap3A_1544, %swap3A_1545], %swap3A_1548 {strides = array<i32>} : memref<77x768xf32, #tpu.memory_space<vmem>>, vector<1x16xf32>,
    %get3A_1549 = arith.constant 2 : i32
    %get3A_1550 = arith.index_cast %get3A_1549 : i32 to index
    %get3A_1551 = arith.constant 704 : index
    %get3A_1552 = tpu.vector_load %arg9[%get3A_1550, %get3A_1551] {strides = array<i32>} : memref<4x768xf32, #tpu.memory_space<vmem>>, vector<1x16xf32>,
    %get3A_1553 = vector.shape_cast %get3A_1552 : vector<1x16xf32> to vector<16xf32>
    %swap3A_1554 = arith.constant 3 : i32
    %swap3A_1555 = arith.index_cast %swap3A_1554 : i32 to index
    %swap3A_1556 = arith.constant 704 : index
    %swap3A_1557 = tpu.vector_load %arg7[%swap3A_1555, %swap3A_1556] {strides = array<i32>} : memref<77x768xf32, #tpu.memory_space<vmem>>, vector<1x16xf32>,
    %swap3A_1558 = vector.shape_cast %swap3A_1557 : vector<1x16xf32> to vector<16xf32>
    %swap3A_1559 = vector.shape_cast %get3A_1553 : vector<16xf32> to vector<1x16xf32>
    tpu.vector_store %arg7[%swap3A_1555, %swap3A_1556], %swap3A_1559 {strides = array<i32>} : memref<77x768xf32, #tpu.memory_space<vmem>>, vector<1x16xf32>,
    %get3A_1560 = arith.constant 2 : i32
    %get3A_1561 = arith.index_cast %get3A_1560 : i32 to index
    %get3A_1562 = arith.constant 720 : index
    %get3A_1563 = tpu.vector_load %arg9[%get3A_1561, %get3A_1562] {strides = array<i32>} : memref<4x768xf32, #tpu.memory_space<vmem>>, vector<1x16xf32>,
    %get3A_1564 = vector.shape_cast %get3A_1563 : vector<1x16xf32> to vector<16xf32>
    %swap3A_1565 = arith.constant 3 : i32
    %swap3A_1566 = arith.index_cast %swap3A_1565 : i32 to index
    %swap3A_1567 = arith.constant 720 : index
    %swap3A_1568 = tpu.vector_load %arg7[%swap3A_1566, %swap3A_1567] {strides = array<i32>} : memref<77x768xf32, #tpu.memory_space<vmem>>, vector<1x16xf32>,
    %swap3A_1569 = vector.shape_cast %swap3A_1568 : vector<1x16xf32> to vector<16xf32>
    %swap3A_1570 = vector.shape_cast %get3A_1564 : vector<16xf32> to vector<1x16xf32>
    tpu.vector_store %arg7[%swap3A_1566, %swap3A_1567], %swap3A_1570 {strides = array<i32>} : memref<77x768xf32, #tpu.memory_space<vmem>>, vector<1x16xf32>,
    %get3A_1571 = arith.constant 2 : i32
    %get3A_1572 = arith.index_cast %get3A_1571 : i32 to index
    %get3A_1573 = arith.constant 736 : index
    %get3A_1574 = tpu.vector_load %arg9[%get3A_1572, %get3A_1573] {strides = array<i32>} : memref<4x768xf32, #tpu.memory_space<vmem>>, vector<1x16xf32>,
    %get3A_1575 = vector.shape_cast %get3A_1574 : vector<1x16xf32> to vector<16xf32>
    %swap3A_1576 = arith.constant 3 : i32
    %swap3A_1577 = arith.index_cast %swap3A_1576 : i32 to index
    %swap3A_1578 = arith.constant 736 : index
    %swap3A_1579 = tpu.vector_load %arg7[%swap3A_1577, %swap3A_1578] {strides = array<i32>} : memref<77x768xf32, #tpu.memory_space<vmem>>, vector<1x16xf32>,
    %swap3A_1580 = vector.shape_cast %swap3A_1579 : vector<1x16xf32> to vector<16xf32>
    %swap3A_1581 = vector.shape_cast %get3A_1575 : vector<16xf32> to vector<1x16xf32>
    tpu.vector_store %arg7[%swap3A_1577, %swap3A_1578], %swap3A_1581 {strides = array<i32>} : memref<77x768xf32, #tpu.memory_space<vmem>>, vector<1x16xf32>,
    %get3A_1582 = arith.constant 2 : i32
    %get3A_1583 = arith.index_cast %get3A_1582 : i32 to index
    %get3A_1584 = arith.constant 752 : index
    %get3A_1585 = tpu.vector_load %arg9[%get3A_1583, %get3A_1584] {strides = array<i32>} : memref<4x768xf32, #tpu.memory_space<vmem>>, vector<1x16xf32>,
    %get3A_1586 = vector.shape_cast %get3A_1585 : vector<1x16xf32> to vector<16xf32>
    %swap3A_1587 = arith.constant 3 : i32
    %swap3A_1588 = arith.index_cast %swap3A_1587 : i32 to index
    %swap3A_1589 = arith.constant 752 : index
    %swap3A_1590 = tpu.vector_load %arg7[%swap3A_1588, %swap3A_1589] {strides = array<i32>} : memref<77x768xf32, #tpu.memory_space<vmem>>, vector<1x16xf32>,
    %swap3A_1591 = vector.shape_cast %swap3A_1590 : vector<1x16xf32> to vector<16xf32>
    %swap3A_1592 = vector.shape_cast %get3A_1586 : vector<16xf32> to vector<1x16xf32>
    tpu.vector_store %arg7[%swap3A_1588, %swap3A_1589], %swap3A_1592 {strides = array<i32>} : memref<77x768xf32, #tpu.memory_space<vmem>>, vector<1x16xf32>,
    %get3A_1593 = arith.constant 3 : i32
    %get3A_1594 = arith.index_cast %get3A_1593 : i32 to index
    %get3A_1595 = arith.constant 0 : index
    %get3A_1596 = tpu.vector_load %arg9[%get3A_1594, %get3A_1595] {strides = array<i32>} : memref<4x768xf32, #tpu.memory_space<vmem>>, vector<1x16xf32>,
    %get3A_1597 = vector.shape_cast %get3A_1596 : vector<1x16xf32> to vector<16xf32>
    %swap3A_1598 = arith.constant 4 : i32
    %swap3A_1599 = arith.index_cast %swap3A_1598 : i32 to index
    %swap3A_1600 = arith.constant 0 : index
    %swap3A_1601 = tpu.vector_load %arg7[%swap3A_1599, %swap3A_1600] {strides = array<i32>} : memref<77x768xf32, #tpu.memory_space<vmem>>, vector<1x16xf32>,
    %swap3A_1602 = vector.shape_cast %swap3A_1601 : vector<1x16xf32> to vector<16xf32>
    %swap3A_1603 = vector.shape_cast %get3A_1597 : vector<16xf32> to vector<1x16xf32>
    tpu.vector_store %arg7[%swap3A_1599, %swap3A_1600], %swap3A_1603 {strides = array<i32>} : memref<77x768xf32, #tpu.memory_space<vmem>>, vector<1x16xf32>,
    %get3A_1604 = arith.constant 3 : i32
    %get3A_1605 = arith.index_cast %get3A_1604 : i32 to index
    %get3A_1606 = arith.constant 16 : index
    %get3A_1607 = tpu.vector_load %arg9[%get3A_1605, %get3A_1606] {strides = array<i32>} : memref<4x768xf32, #tpu.memory_space<vmem>>, vector<1x16xf32>,
    %get3A_1608 = vector.shape_cast %get3A_1607 : vector<1x16xf32> to vector<16xf32>
    %swap3A_1609 = arith.constant 4 : i32
    %swap3A_1610 = arith.index_cast %swap3A_1609 : i32 to index
    %swap3A_1611 = arith.constant 16 : index
    %swap3A_1612 = tpu.vector_load %arg7[%swap3A_1610, %swap3A_1611] {strides = array<i32>} : memref<77x768xf32, #tpu.memory_space<vmem>>, vector<1x16xf32>,
    %swap3A_1613 = vector.shape_cast %swap3A_1612 : vector<1x16xf32> to vector<16xf32>
    %swap3A_1614 = vector.shape_cast %get3A_1608 : vector<16xf32> to vector<1x16xf32>
    tpu.vector_store %arg7[%swap3A_1610, %swap3A_1611], %swap3A_1614 {strides = array<i32>} : memref<77x768xf32, #tpu.memory_space<vmem>>, vector<1x16xf32>,
    %get3A_1615 = arith.constant 3 : i32
    %get3A_1616 = arith.index_cast %get3A_1615 : i32 to index
    %get3A_1617 = arith.constant 32 : index
    %get3A_1618 = tpu.vector_load %arg9[%get3A_1616, %get3A_1617] {strides = array<i32>} : memref<4x768xf32, #tpu.memory_space<vmem>>, vector<1x16xf32>,
    %get3A_1619 = vector.shape_cast %get3A_1618 : vector<1x16xf32> to vector<16xf32>
    %swap3A_1620 = arith.constant 4 : i32
    %swap3A_1621 = arith.index_cast %swap3A_1620 : i32 to index
    %swap3A_1622 = arith.constant 32 : index
    %swap3A_1623 = tpu.vector_load %arg7[%swap3A_1621, %swap3A_1622] {strides = array<i32>} : memref<77x768xf32, #tpu.memory_space<vmem>>, vector<1x16xf32>,
    %swap3A_1624 = vector.shape_cast %swap3A_1623 : vector<1x16xf32> to vector<16xf32>
    %swap3A_1625 = vector.shape_cast %get3A_1619 : vector<16xf32> to vector<1x16xf32>
    tpu.vector_store %arg7[%swap3A_1621, %swap3A_1622], %swap3A_1625 {strides = array<i32>} : memref<77x768xf32, #tpu.memory_space<vmem>>, vector<1x16xf32>,
    %get3A_1626 = arith.constant 3 : i32
    %get3A_1627 = arith.index_cast %get3A_1626 : i32 to index
    %get3A_1628 = arith.constant 48 : index
    %get3A_1629 = tpu.vector_load %arg9[%get3A_1627, %get3A_1628] {strides = array<i32>} : memref<4x768xf32, #tpu.memory_space<vmem>>, vector<1x16xf32>,
    %get3A_1630 = vector.shape_cast %get3A_1629 : vector<1x16xf32> to vector<16xf32>
    %swap3A_1631 = arith.constant 4 : i32
    %swap3A_1632 = arith.index_cast %swap3A_1631 : i32 to index
    %swap3A_1633 = arith.constant 48 : index
    %swap3A_1634 = tpu.vector_load %arg7[%swap3A_1632, %swap3A_1633] {strides = array<i32>} : memref<77x768xf32, #tpu.memory_space<vmem>>, vector<1x16xf32>,
    %swap3A_1635 = vector.shape_cast %swap3A_1634 : vector<1x16xf32> to vector<16xf32>
    %swap3A_1636 = vector.shape_cast %get3A_1630 : vector<16xf32> to vector<1x16xf32>
    tpu.vector_store %arg7[%swap3A_1632, %swap3A_1633], %swap3A_1636 {strides = array<i32>} : memref<77x768xf32, #tpu.memory_space<vmem>>, vector<1x16xf32>,
    %get3A_1637 = arith.constant 3 : i32
    %get3A_1638 = arith.index_cast %get3A_1637 : i32 to index
    %get3A_1639 = arith.constant 64 : index
    %get3A_1640 = tpu.vector_load %arg9[%get3A_1638, %get3A_1639] {strides = array<i32>} : memref<4x768xf32, #tpu.memory_space<vmem>>, vector<1x16xf32>,
    %get3A_1641 = vector.shape_cast %get3A_1640 : vector<1x16xf32> to vector<16xf32>
    %swap3A_1642 = arith.constant 4 : i32
    %swap3A_1643 = arith.index_cast %swap3A_1642 : i32 to index
    %swap3A_1644 = arith.constant 64 : index
    %swap3A_1645 = tpu.vector_load %arg7[%swap3A_1643, %swap3A_1644] {strides = array<i32>} : memref<77x768xf32, #tpu.memory_space<vmem>>, vector<1x16xf32>,
    %swap3A_1646 = vector.shape_cast %swap3A_1645 : vector<1x16xf32> to vector<16xf32>
    %swap3A_1647 = vector.shape_cast %get3A_1641 : vector<16xf32> to vector<1x16xf32>
    tpu.vector_store %arg7[%swap3A_1643, %swap3A_1644], %swap3A_1647 {strides = array<i32>} : memref<77x768xf32, #tpu.memory_space<vmem>>, vector<1x16xf32>,
    %get3A_1648 = arith.constant 3 : i32
    %get3A_1649 = arith.index_cast %get3A_1648 : i32 to index
    %get3A_1650 = arith.constant 80 : index
    %get3A_1651 = tpu.vector_load %arg9[%get3A_1649, %get3A_1650] {strides = array<i32>} : memref<4x768xf32, #tpu.memory_space<vmem>>, vector<1x16xf32>,
    %get3A_1652 = vector.shape_cast %get3A_1651 : vector<1x16xf32> to vector<16xf32>
    %swap3A_1653 = arith.constant 4 : i32
    %swap3A_1654 = arith.index_cast %swap3A_1653 : i32 to index
    %swap3A_1655 = arith.constant 80 : index
    %swap3A_1656 = tpu.vector_load %arg7[%swap3A_1654, %swap3A_1655] {strides = array<i32>} : memref<77x768xf32, #tpu.memory_space<vmem>>, vector<1x16xf32>,
    %swap3A_1657 = vector.shape_cast %swap3A_1656 : vector<1x16xf32> to vector<16xf32>
    %swap3A_1658 = vector.shape_cast %get3A_1652 : vector<16xf32> to vector<1x16xf32>
    tpu.vector_store %arg7[%swap3A_1654, %swap3A_1655], %swap3A_1658 {strides = array<i32>} : memref<77x768xf32, #tpu.memory_space<vmem>>, vector<1x16xf32>,
    %get3A_1659 = arith.constant 3 : i32
    %get3A_1660 = arith.index_cast %get3A_1659 : i32 to index
    %get3A_1661 = arith.constant 96 : index
    %get3A_1662 = tpu.vector_load %arg9[%get3A_1660, %get3A_1661] {strides = array<i32>} : memref<4x768xf32, #tpu.memory_space<vmem>>, vector<1x16xf32>,
    %get3A_1663 = vector.shape_cast %get3A_1662 : vector<1x16xf32> to vector<16xf32>
    %swap3A_1664 = arith.constant 4 : i32
    %swap3A_1665 = arith.index_cast %swap3A_1664 : i32 to index
    %swap3A_1666 = arith.constant 96 : index
    %swap3A_1667 = tpu.vector_load %arg7[%swap3A_1665, %swap3A_1666] {strides = array<i32>} : memref<77x768xf32, #tpu.memory_space<vmem>>, vector<1x16xf32>,
    %swap3A_1668 = vector.shape_cast %swap3A_1667 : vector<1x16xf32> to vector<16xf32>
    %swap3A_1669 = vector.shape_cast %get3A_1663 : vector<16xf32> to vector<1x16xf32>
    tpu.vector_store %arg7[%swap3A_1665, %swap3A_1666], %swap3A_1669 {strides = array<i32>} : memref<77x768xf32, #tpu.memory_space<vmem>>, vector<1x16xf32>,
    %get3A_1670 = arith.constant 3 : i32
    %get3A_1671 = arith.index_cast %get3A_1670 : i32 to index
    %get3A_1672 = arith.constant 112 : index
    %get3A_1673 = tpu.vector_load %arg9[%get3A_1671, %get3A_1672] {strides = array<i32>} : memref<4x768xf32, #tpu.memory_space<vmem>>, vector<1x16xf32>,
    %get3A_1674 = vector.shape_cast %get3A_1673 : vector<1x16xf32> to vector<16xf32>
    %swap3A_1675 = arith.constant 4 : i32
    %swap3A_1676 = arith.index_cast %swap3A_1675 : i32 to index
    %swap3A_1677 = arith.constant 112 : index
    %swap3A_1678 = tpu.vector_load %arg7[%swap3A_1676, %swap3A_1677] {strides = array<i32>} : memref<77x768xf32, #tpu.memory_space<vmem>>, vector<1x16xf32>,
    %swap3A_1679 = vector.shape_cast %swap3A_1678 : vector<1x16xf32> to vector<16xf32>
    %swap3A_1680 = vector.shape_cast %get3A_1674 : vector<16xf32> to vector<1x16xf32>
    tpu.vector_store %arg7[%swap3A_1676, %swap3A_1677], %swap3A_1680 {strides = array<i32>} : memref<77x768xf32, #tpu.memory_space<vmem>>, vector<1x16xf32>,
    %get3A_1681 = arith.constant 3 : i32
    %get3A_1682 = arith.index_cast %get3A_1681 : i32 to index
    %get3A_1683 = arith.constant 128 : index
    %get3A_1684 = tpu.vector_load %arg9[%get3A_1682, %get3A_1683] {strides = array<i32>} : memref<4x768xf32, #tpu.memory_space<vmem>>, vector<1x16xf32>,
    %get3A_1685 = vector.shape_cast %get3A_1684 : vector<1x16xf32> to vector<16xf32>
    %swap3A_1686 = arith.constant 4 : i32
    %swap3A_1687 = arith.index_cast %swap3A_1686 : i32 to index
    %swap3A_1688 = arith.constant 128 : index
    %swap3A_1689 = tpu.vector_load %arg7[%swap3A_1687, %swap3A_1688] {strides = array<i32>} : memref<77x768xf32, #tpu.memory_space<vmem>>, vector<1x16xf32>,
    %swap3A_1690 = vector.shape_cast %swap3A_1689 : vector<1x16xf32> to vector<16xf32>
    %swap3A_1691 = vector.shape_cast %get3A_1685 : vector<16xf32> to vector<1x16xf32>
    tpu.vector_store %arg7[%swap3A_1687, %swap3A_1688], %swap3A_1691 {strides = array<i32>} : memref<77x768xf32, #tpu.memory_space<vmem>>, vector<1x16xf32>,
    %get3A_1692 = arith.constant 3 : i32
    %get3A_1693 = arith.index_cast %get3A_1692 : i32 to index
    %get3A_1694 = arith.constant 144 : index
    %get3A_1695 = tpu.vector_load %arg9[%get3A_1693, %get3A_1694] {strides = array<i32>} : memref<4x768xf32, #tpu.memory_space<vmem>>, vector<1x16xf32>,
    %get3A_1696 = vector.shape_cast %get3A_1695 : vector<1x16xf32> to vector<16xf32>
    %swap3A_1697 = arith.constant 4 : i32
    %swap3A_1698 = arith.index_cast %swap3A_1697 : i32 to index
    %swap3A_1699 = arith.constant 144 : index
    %swap3A_1700 = tpu.vector_load %arg7[%swap3A_1698, %swap3A_1699] {strides = array<i32>} : memref<77x768xf32, #tpu.memory_space<vmem>>, vector<1x16xf32>,
    %swap3A_1701 = vector.shape_cast %swap3A_1700 : vector<1x16xf32> to vector<16xf32>
    %swap3A_1702 = vector.shape_cast %get3A_1696 : vector<16xf32> to vector<1x16xf32>
    tpu.vector_store %arg7[%swap3A_1698, %swap3A_1699], %swap3A_1702 {strides = array<i32>} : memref<77x768xf32, #tpu.memory_space<vmem>>, vector<1x16xf32>,
    %get3A_1703 = arith.constant 3 : i32
    %get3A_1704 = arith.index_cast %get3A_1703 : i32 to index
    %get3A_1705 = arith.constant 160 : index
    %get3A_1706 = tpu.vector_load %arg9[%get3A_1704, %get3A_1705] {strides = array<i32>} : memref<4x768xf32, #tpu.memory_space<vmem>>, vector<1x16xf32>,
    %get3A_1707 = vector.shape_cast %get3A_1706 : vector<1x16xf32> to vector<16xf32>
    %swap3A_1708 = arith.constant 4 : i32
    %swap3A_1709 = arith.index_cast %swap3A_1708 : i32 to index
    %swap3A_1710 = arith.constant 160 : index
    %swap3A_1711 = tpu.vector_load %arg7[%swap3A_1709, %swap3A_1710] {strides = array<i32>} : memref<77x768xf32, #tpu.memory_space<vmem>>, vector<1x16xf32>,
    %swap3A_1712 = vector.shape_cast %swap3A_1711 : vector<1x16xf32> to vector<16xf32>
    %swap3A_1713 = vector.shape_cast %get3A_1707 : vector<16xf32> to vector<1x16xf32>
    tpu.vector_store %arg7[%swap3A_1709, %swap3A_1710], %swap3A_1713 {strides = array<i32>} : memref<77x768xf32, #tpu.memory_space<vmem>>, vector<1x16xf32>,
    %get3A_1714 = arith.constant 3 : i32
    %get3A_1715 = arith.index_cast %get3A_1714 : i32 to index
    %get3A_1716 = arith.constant 176 : index
    %get3A_1717 = tpu.vector_load %arg9[%get3A_1715, %get3A_1716] {strides = array<i32>} : memref<4x768xf32, #tpu.memory_space<vmem>>, vector<1x16xf32>,
    %get3A_1718 = vector.shape_cast %get3A_1717 : vector<1x16xf32> to vector<16xf32>
    %swap3A_1719 = arith.constant 4 : i32
    %swap3A_1720 = arith.index_cast %swap3A_1719 : i32 to index
    %swap3A_1721 = arith.constant 176 : index
    %swap3A_1722 = tpu.vector_load %arg7[%swap3A_1720, %swap3A_1721] {strides = array<i32>} : memref<77x768xf32, #tpu.memory_space<vmem>>, vector<1x16xf32>,
    %swap3A_1723 = vector.shape_cast %swap3A_1722 : vector<1x16xf32> to vector<16xf32>
    %swap3A_1724 = vector.shape_cast %get3A_1718 : vector<16xf32> to vector<1x16xf32>
    tpu.vector_store %arg7[%swap3A_1720, %swap3A_1721], %swap3A_1724 {strides = array<i32>} : memref<77x768xf32, #tpu.memory_space<vmem>>, vector<1x16xf32>,
    %get3A_1725 = arith.constant 3 : i32
    %get3A_1726 = arith.index_cast %get3A_1725 : i32 to index
    %get3A_1727 = arith.constant 192 : index
    %get3A_1728 = tpu.vector_load %arg9[%get3A_1726, %get3A_1727] {strides = array<i32>} : memref<4x768xf32, #tpu.memory_space<vmem>>, vector<1x16xf32>,
    %get3A_1729 = vector.shape_cast %get3A_1728 : vector<1x16xf32> to vector<16xf32>
    %swap3A_1730 = arith.constant 4 : i32
    %swap3A_1731 = arith.index_cast %swap3A_1730 : i32 to index
    %swap3A_1732 = arith.constant 192 : index
    %swap3A_1733 = tpu.vector_load %arg7[%swap3A_1731, %swap3A_1732] {strides = array<i32>} : memref<77x768xf32, #tpu.memory_space<vmem>>, vector<1x16xf32>,
    %swap3A_1734 = vector.shape_cast %swap3A_1733 : vector<1x16xf32> to vector<16xf32>
    %swap3A_1735 = vector.shape_cast %get3A_1729 : vector<16xf32> to vector<1x16xf32>
    tpu.vector_store %arg7[%swap3A_1731, %swap3A_1732], %swap3A_1735 {strides = array<i32>} : memref<77x768xf32, #tpu.memory_space<vmem>>, vector<1x16xf32>,
    %get3A_1736 = arith.constant 3 : i32
    %get3A_1737 = arith.index_cast %get3A_1736 : i32 to index
    %get3A_1738 = arith.constant 208 : index
    %get3A_1739 = tpu.vector_load %arg9[%get3A_1737, %get3A_1738] {strides = array<i32>} : memref<4x768xf32, #tpu.memory_space<vmem>>, vector<1x16xf32>,
    %get3A_1740 = vector.shape_cast %get3A_1739 : vector<1x16xf32> to vector<16xf32>
    %swap3A_1741 = arith.constant 4 : i32
    %swap3A_1742 = arith.index_cast %swap3A_1741 : i32 to index
    %swap3A_1743 = arith.constant 208 : index
    %swap3A_1744 = tpu.vector_load %arg7[%swap3A_1742, %swap3A_1743] {strides = array<i32>} : memref<77x768xf32, #tpu.memory_space<vmem>>, vector<1x16xf32>,
    %swap3A_1745 = vector.shape_cast %swap3A_1744 : vector<1x16xf32> to vector<16xf32>
    %swap3A_1746 = vector.shape_cast %get3A_1740 : vector<16xf32> to vector<1x16xf32>
    tpu.vector_store %arg7[%swap3A_1742, %swap3A_1743], %swap3A_1746 {strides = array<i32>} : memref<77x768xf32, #tpu.memory_space<vmem>>, vector<1x16xf32>,
    %get3A_1747 = arith.constant 3 : i32
    %get3A_1748 = arith.index_cast %get3A_1747 : i32 to index
    %get3A_1749 = arith.constant 224 : index
    %get3A_1750 = tpu.vector_load %arg9[%get3A_1748, %get3A_1749] {strides = array<i32>} : memref<4x768xf32, #tpu.memory_space<vmem>>, vector<1x16xf32>,
    %get3A_1751 = vector.shape_cast %get3A_1750 : vector<1x16xf32> to vector<16xf32>
    %swap3A_1752 = arith.constant 4 : i32
    %swap3A_1753 = arith.index_cast %swap3A_1752 : i32 to index
    %swap3A_1754 = arith.constant 224 : index
    %swap3A_1755 = tpu.vector_load %arg7[%swap3A_1753, %swap3A_1754] {strides = array<i32>} : memref<77x768xf32, #tpu.memory_space<vmem>>, vector<1x16xf32>,
    %swap3A_1756 = vector.shape_cast %swap3A_1755 : vector<1x16xf32> to vector<16xf32>
    %swap3A_1757 = vector.shape_cast %get3A_1751 : vector<16xf32> to vector<1x16xf32>
    tpu.vector_store %arg7[%swap3A_1753, %swap3A_1754], %swap3A_1757 {strides = array<i32>} : memref<77x768xf32, #tpu.memory_space<vmem>>, vector<1x16xf32>,
    %get3A_1758 = arith.constant 3 : i32
    %get3A_1759 = arith.index_cast %get3A_1758 : i32 to index
    %get3A_1760 = arith.constant 240 : index
    %get3A_1761 = tpu.vector_load %arg9[%get3A_1759, %get3A_1760] {strides = array<i32>} : memref<4x768xf32, #tpu.memory_space<vmem>>, vector<1x16xf32>,
    %get3A_1762 = vector.shape_cast %get3A_1761 : vector<1x16xf32> to vector<16xf32>
    %swap3A_1763 = arith.constant 4 : i32
    %swap3A_1764 = arith.index_cast %swap3A_1763 : i32 to index
    %swap3A_1765 = arith.constant 240 : index
    %swap3A_1766 = tpu.vector_load %arg7[%swap3A_1764, %swap3A_1765] {strides = array<i32>} : memref<77x768xf32, #tpu.memory_space<vmem>>, vector<1x16xf32>,
    %swap3A_1767 = vector.shape_cast %swap3A_1766 : vector<1x16xf32> to vector<16xf32>
    %swap3A_1768 = vector.shape_cast %get3A_1762 : vector<16xf32> to vector<1x16xf32>
    tpu.vector_store %arg7[%swap3A_1764, %swap3A_1765], %swap3A_1768 {strides = array<i32>} : memref<77x768xf32, #tpu.memory_space<vmem>>, vector<1x16xf32>,
    %get3A_1769 = arith.constant 3 : i32
    %get3A_1770 = arith.index_cast %get3A_1769 : i32 to index
    %get3A_1771 = arith.constant 256 : index
    %get3A_1772 = tpu.vector_load %arg9[%get3A_1770, %get3A_1771] {strides = array<i32>} : memref<4x768xf32, #tpu.memory_space<vmem>>, vector<1x16xf32>,
    %get3A_1773 = vector.shape_cast %get3A_1772 : vector<1x16xf32> to vector<16xf32>
    %swap3A_1774 = arith.constant 4 : i32
    %swap3A_1775 = arith.index_cast %swap3A_1774 : i32 to index
    %swap3A_1776 = arith.constant 256 : index
    %swap3A_1777 = tpu.vector_load %arg7[%swap3A_1775, %swap3A_1776] {strides = array<i32>} : memref<77x768xf32, #tpu.memory_space<vmem>>, vector<1x16xf32>,
    %swap3A_1778 = vector.shape_cast %swap3A_1777 : vector<1x16xf32> to vector<16xf32>
    %swap3A_1779 = vector.shape_cast %get3A_1773 : vector<16xf32> to vector<1x16xf32>
    tpu.vector_store %arg7[%swap3A_1775, %swap3A_1776], %swap3A_1779 {strides = array<i32>} : memref<77x768xf32, #tpu.memory_space<vmem>>, vector<1x16xf32>,
    %get3A_1780 = arith.constant 3 : i32
    %get3A_1781 = arith.index_cast %get3A_1780 : i32 to index
    %get3A_1782 = arith.constant 272 : index
    %get3A_1783 = tpu.vector_load %arg9[%get3A_1781, %get3A_1782] {strides = array<i32>} : memref<4x768xf32, #tpu.memory_space<vmem>>, vector<1x16xf32>,
    %get3A_1784 = vector.shape_cast %get3A_1783 : vector<1x16xf32> to vector<16xf32>
    %swap3A_1785 = arith.constant 4 : i32
    %swap3A_1786 = arith.index_cast %swap3A_1785 : i32 to index
    %swap3A_1787 = arith.constant 272 : index
    %swap3A_1788 = tpu.vector_load %arg7[%swap3A_1786, %swap3A_1787] {strides = array<i32>} : memref<77x768xf32, #tpu.memory_space<vmem>>, vector<1x16xf32>,
    %swap3A_1789 = vector.shape_cast %swap3A_1788 : vector<1x16xf32> to vector<16xf32>
    %swap3A_1790 = vector.shape_cast %get3A_1784 : vector<16xf32> to vector<1x16xf32>
    tpu.vector_store %arg7[%swap3A_1786, %swap3A_1787], %swap3A_1790 {strides = array<i32>} : memref<77x768xf32, #tpu.memory_space<vmem>>, vector<1x16xf32>,
    %get3A_1791 = arith.constant 3 : i32
    %get3A_1792 = arith.index_cast %get3A_1791 : i32 to index
    %get3A_1793 = arith.constant 288 : index
    %get3A_1794 = tpu.vector_load %arg9[%get3A_1792, %get3A_1793] {strides = array<i32>} : memref<4x768xf32, #tpu.memory_space<vmem>>, vector<1x16xf32>,
    %get3A_1795 = vector.shape_cast %get3A_1794 : vector<1x16xf32> to vector<16xf32>
    %swap3A_1796 = arith.constant 4 : i32
    %swap3A_1797 = arith.index_cast %swap3A_1796 : i32 to index
    %swap3A_1798 = arith.constant 288 : index
    %swap3A_1799 = tpu.vector_load %arg7[%swap3A_1797, %swap3A_1798] {strides = array<i32>} : memref<77x768xf32, #tpu.memory_space<vmem>>, vector<1x16xf32>,
    %swap3A_1800 = vector.shape_cast %swap3A_1799 : vector<1x16xf32> to vector<16xf32>
    %swap3A_1801 = vector.shape_cast %get3A_1795 : vector<16xf32> to vector<1x16xf32>
    tpu.vector_store %arg7[%swap3A_1797, %swap3A_1798], %swap3A_1801 {strides = array<i32>} : memref<77x768xf32, #tpu.memory_space<vmem>>, vector<1x16xf32>,
    %get3A_1802 = arith.constant 3 : i32
    %get3A_1803 = arith.index_cast %get3A_1802 : i32 to index
    %get3A_1804 = arith.constant 304 : index
    %get3A_1805 = tpu.vector_load %arg9[%get3A_1803, %get3A_1804] {strides = array<i32>} : memref<4x768xf32, #tpu.memory_space<vmem>>, vector<1x16xf32>,
    %get3A_1806 = vector.shape_cast %get3A_1805 : vector<1x16xf32> to vector<16xf32>
    %swap3A_1807 = arith.constant 4 : i32
    %swap3A_1808 = arith.index_cast %swap3A_1807 : i32 to index
    %swap3A_1809 = arith.constant 304 : index
    %swap3A_1810 = tpu.vector_load %arg7[%swap3A_1808, %swap3A_1809] {strides = array<i32>} : memref<77x768xf32, #tpu.memory_space<vmem>>, vector<1x16xf32>,
    %swap3A_1811 = vector.shape_cast %swap3A_1810 : vector<1x16xf32> to vector<16xf32>
    %swap3A_1812 = vector.shape_cast %get3A_1806 : vector<16xf32> to vector<1x16xf32>
    tpu.vector_store %arg7[%swap3A_1808, %swap3A_1809], %swap3A_1812 {strides = array<i32>} : memref<77x768xf32, #tpu.memory_space<vmem>>, vector<1x16xf32>,
    %get3A_1813 = arith.constant 3 : i32
    %get3A_1814 = arith.index_cast %get3A_1813 : i32 to index
    %get3A_1815 = arith.constant 320 : index
    %get3A_1816 = tpu.vector_load %arg9[%get3A_1814, %get3A_1815] {strides = array<i32>} : memref<4x768xf32, #tpu.memory_space<vmem>>, vector<1x16xf32>,
    %get3A_1817 = vector.shape_cast %get3A_1816 : vector<1x16xf32> to vector<16xf32>
    %swap3A_1818 = arith.constant 4 : i32
    %swap3A_1819 = arith.index_cast %swap3A_1818 : i32 to index
    %swap3A_1820 = arith.constant 320 : index
    %swap3A_1821 = tpu.vector_load %arg7[%swap3A_1819, %swap3A_1820] {strides = array<i32>} : memref<77x768xf32, #tpu.memory_space<vmem>>, vector<1x16xf32>,
    %swap3A_1822 = vector.shape_cast %swap3A_1821 : vector<1x16xf32> to vector<16xf32>
    %swap3A_1823 = vector.shape_cast %get3A_1817 : vector<16xf32> to vector<1x16xf32>
    tpu.vector_store %arg7[%swap3A_1819, %swap3A_1820], %swap3A_1823 {strides = array<i32>} : memref<77x768xf32, #tpu.memory_space<vmem>>, vector<1x16xf32>,
    %get3A_1824 = arith.constant 3 : i32
    %get3A_1825 = arith.index_cast %get3A_1824 : i32 to index
    %get3A_1826 = arith.constant 336 : index
    %get3A_1827 = tpu.vector_load %arg9[%get3A_1825, %get3A_1826] {strides = array<i32>} : memref<4x768xf32, #tpu.memory_space<vmem>>, vector<1x16xf32>,
    %get3A_1828 = vector.shape_cast %get3A_1827 : vector<1x16xf32> to vector<16xf32>
    %swap3A_1829 = arith.constant 4 : i32
    %swap3A_1830 = arith.index_cast %swap3A_1829 : i32 to index
    %swap3A_1831 = arith.constant 336 : index
    %swap3A_1832 = tpu.vector_load %arg7[%swap3A_1830, %swap3A_1831] {strides = array<i32>} : memref<77x768xf32, #tpu.memory_space<vmem>>, vector<1x16xf32>,
    %swap3A_1833 = vector.shape_cast %swap3A_1832 : vector<1x16xf32> to vector<16xf32>
    %swap3A_1834 = vector.shape_cast %get3A_1828 : vector<16xf32> to vector<1x16xf32>
    tpu.vector_store %arg7[%swap3A_1830, %swap3A_1831], %swap3A_1834 {strides = array<i32>} : memref<77x768xf32, #tpu.memory_space<vmem>>, vector<1x16xf32>,
    %get3A_1835 = arith.constant 3 : i32
    %get3A_1836 = arith.index_cast %get3A_1835 : i32 to index
    %get3A_1837 = arith.constant 352 : index
    %get3A_1838 = tpu.vector_load %arg9[%get3A_1836, %get3A_1837] {strides = array<i32>} : memref<4x768xf32, #tpu.memory_space<vmem>>, vector<1x16xf32>,
    %get3A_1839 = vector.shape_cast %get3A_1838 : vector<1x16xf32> to vector<16xf32>
    %swap3A_1840 = arith.constant 4 : i32
    %swap3A_1841 = arith.index_cast %swap3A_1840 : i32 to index
    %swap3A_1842 = arith.constant 352 : index
    %swap3A_1843 = tpu.vector_load %arg7[%swap3A_1841, %swap3A_1842] {strides = array<i32>} : memref<77x768xf32, #tpu.memory_space<vmem>>, vector<1x16xf32>,
    %swap3A_1844 = vector.shape_cast %swap3A_1843 : vector<1x16xf32> to vector<16xf32>
    %swap3A_1845 = vector.shape_cast %get3A_1839 : vector<16xf32> to vector<1x16xf32>
    tpu.vector_store %arg7[%swap3A_1841, %swap3A_1842], %swap3A_1845 {strides = array<i32>} : memref<77x768xf32, #tpu.memory_space<vmem>>, vector<1x16xf32>,
    %get3A_1846 = arith.constant 3 : i32
    %get3A_1847 = arith.index_cast %get3A_1846 : i32 to index
    %get3A_1848 = arith.constant 368 : index
    %get3A_1849 = tpu.vector_load %arg9[%get3A_1847, %get3A_1848] {strides = array<i32>} : memref<4x768xf32, #tpu.memory_space<vmem>>, vector<1x16xf32>,
    %get3A_1850 = vector.shape_cast %get3A_1849 : vector<1x16xf32> to vector<16xf32>
    %swap3A_1851 = arith.constant 4 : i32
    %swap3A_1852 = arith.index_cast %swap3A_1851 : i32 to index
    %swap3A_1853 = arith.constant 368 : index
    %swap3A_1854 = tpu.vector_load %arg7[%swap3A_1852, %swap3A_1853] {strides = array<i32>} : memref<77x768xf32, #tpu.memory_space<vmem>>, vector<1x16xf32>,
    %swap3A_1855 = vector.shape_cast %swap3A_1854 : vector<1x16xf32> to vector<16xf32>
    %swap3A_1856 = vector.shape_cast %get3A_1850 : vector<16xf32> to vector<1x16xf32>
    tpu.vector_store %arg7[%swap3A_1852, %swap3A_1853], %swap3A_1856 {strides = array<i32>} : memref<77x768xf32, #tpu.memory_space<vmem>>, vector<1x16xf32>,
    %get3A_1857 = arith.constant 3 : i32
    %get3A_1858 = arith.index_cast %get3A_1857 : i32 to index
    %get3A_1859 = arith.constant 384 : index
    %get3A_1860 = tpu.vector_load %arg9[%get3A_1858, %get3A_1859] {strides = array<i32>} : memref<4x768xf32, #tpu.memory_space<vmem>>, vector<1x16xf32>,
    %get3A_1861 = vector.shape_cast %get3A_1860 : vector<1x16xf32> to vector<16xf32>
    %swap3A_1862 = arith.constant 4 : i32
    %swap3A_1863 = arith.index_cast %swap3A_1862 : i32 to index
    %swap3A_1864 = arith.constant 384 : index
    %swap3A_1865 = tpu.vector_load %arg7[%swap3A_1863, %swap3A_1864] {strides = array<i32>} : memref<77x768xf32, #tpu.memory_space<vmem>>, vector<1x16xf32>,
    %swap3A_1866 = vector.shape_cast %swap3A_1865 : vector<1x16xf32> to vector<16xf32>
    %swap3A_1867 = vector.shape_cast %get3A_1861 : vector<16xf32> to vector<1x16xf32>
    tpu.vector_store %arg7[%swap3A_1863, %swap3A_1864], %swap3A_1867 {strides = array<i32>} : memref<77x768xf32, #tpu.memory_space<vmem>>, vector<1x16xf32>,
    %get3A_1868 = arith.constant 3 : i32
    %get3A_1869 = arith.index_cast %get3A_1868 : i32 to index
    %get3A_1870 = arith.constant 400 : index
    %get3A_1871 = tpu.vector_load %arg9[%get3A_1869, %get3A_1870] {strides = array<i32>} : memref<4x768xf32, #tpu.memory_space<vmem>>, vector<1x16xf32>,
    %get3A_1872 = vector.shape_cast %get3A_1871 : vector<1x16xf32> to vector<16xf32>
    %swap3A_1873 = arith.constant 4 : i32
    %swap3A_1874 = arith.index_cast %swap3A_1873 : i32 to index
    %swap3A_1875 = arith.constant 400 : index
    %swap3A_1876 = tpu.vector_load %arg7[%swap3A_1874, %swap3A_1875] {strides = array<i32>} : memref<77x768xf32, #tpu.memory_space<vmem>>, vector<1x16xf32>,
    %swap3A_1877 = vector.shape_cast %swap3A_1876 : vector<1x16xf32> to vector<16xf32>
    %swap3A_1878 = vector.shape_cast %get3A_1872 : vector<16xf32> to vector<1x16xf32>
    tpu.vector_store %arg7[%swap3A_1874, %swap3A_1875], %swap3A_1878 {strides = array<i32>} : memref<77x768xf32, #tpu.memory_space<vmem>>, vector<1x16xf32>,
    %get3A_1879 = arith.constant 3 : i32
    %get3A_1880 = arith.index_cast %get3A_1879 : i32 to index
    %get3A_1881 = arith.constant 416 : index
    %get3A_1882 = tpu.vector_load %arg9[%get3A_1880, %get3A_1881] {strides = array<i32>} : memref<4x768xf32, #tpu.memory_space<vmem>>, vector<1x16xf32>,
    %get3A_1883 = vector.shape_cast %get3A_1882 : vector<1x16xf32> to vector<16xf32>
    %swap3A_1884 = arith.constant 4 : i32
    %swap3A_1885 = arith.index_cast %swap3A_1884 : i32 to index
    %swap3A_1886 = arith.constant 416 : index
    %swap3A_1887 = tpu.vector_load %arg7[%swap3A_1885, %swap3A_1886] {strides = array<i32>} : memref<77x768xf32, #tpu.memory_space<vmem>>, vector<1x16xf32>,
    %swap3A_1888 = vector.shape_cast %swap3A_1887 : vector<1x16xf32> to vector<16xf32>
    %swap3A_1889 = vector.shape_cast %get3A_1883 : vector<16xf32> to vector<1x16xf32>
    tpu.vector_store %arg7[%swap3A_1885, %swap3A_1886], %swap3A_1889 {strides = array<i32>} : memref<77x768xf32, #tpu.memory_space<vmem>>, vector<1x16xf32>,
    %get3A_1890 = arith.constant 3 : i32
    %get3A_1891 = arith.index_cast %get3A_1890 : i32 to index
    %get3A_1892 = arith.constant 432 : index
    %get3A_1893 = tpu.vector_load %arg9[%get3A_1891, %get3A_1892] {strides = array<i32>} : memref<4x768xf32, #tpu.memory_space<vmem>>, vector<1x16xf32>,
    %get3A_1894 = vector.shape_cast %get3A_1893 : vector<1x16xf32> to vector<16xf32>
    %swap3A_1895 = arith.constant 4 : i32
    %swap3A_1896 = arith.index_cast %swap3A_1895 : i32 to index
    %swap3A_1897 = arith.constant 432 : index
    %swap3A_1898 = tpu.vector_load %arg7[%swap3A_1896, %swap3A_1897] {strides = array<i32>} : memref<77x768xf32, #tpu.memory_space<vmem>>, vector<1x16xf32>,
    %swap3A_1899 = vector.shape_cast %swap3A_1898 : vector<1x16xf32> to vector<16xf32>
    %swap3A_1900 = vector.shape_cast %get3A_1894 : vector<16xf32> to vector<1x16xf32>
    tpu.vector_store %arg7[%swap3A_1896, %swap3A_1897], %swap3A_1900 {strides = array<i32>} : memref<77x768xf32, #tpu.memory_space<vmem>>, vector<1x16xf32>,
    %get3A_1901 = arith.constant 3 : i32
    %get3A_1902 = arith.index_cast %get3A_1901 : i32 to index
    %get3A_1903 = arith.constant 448 : index
    %get3A_1904 = tpu.vector_load %arg9[%get3A_1902, %get3A_1903] {strides = array<i32>} : memref<4x768xf32, #tpu.memory_space<vmem>>, vector<1x16xf32>,
    %get3A_1905 = vector.shape_cast %get3A_1904 : vector<1x16xf32> to vector<16xf32>
    %swap3A_1906 = arith.constant 4 : i32
    %swap3A_1907 = arith.index_cast %swap3A_1906 : i32 to index
    %swap3A_1908 = arith.constant 448 : index
    %swap3A_1909 = tpu.vector_load %arg7[%swap3A_1907, %swap3A_1908] {strides = array<i32>} : memref<77x768xf32, #tpu.memory_space<vmem>>, vector<1x16xf32>,
    %swap3A_1910 = vector.shape_cast %swap3A_1909 : vector<1x16xf32> to vector<16xf32>
    %swap3A_1911 = vector.shape_cast %get3A_1905 : vector<16xf32> to vector<1x16xf32>
    tpu.vector_store %arg7[%swap3A_1907, %swap3A_1908], %swap3A_1911 {strides = array<i32>} : memref<77x768xf32, #tpu.memory_space<vmem>>, vector<1x16xf32>,
    %get3A_1912 = arith.constant 3 : i32
    %get3A_1913 = arith.index_cast %get3A_1912 : i32 to index
    %get3A_1914 = arith.constant 464 : index
    %get3A_1915 = tpu.vector_load %arg9[%get3A_1913, %get3A_1914] {strides = array<i32>} : memref<4x768xf32, #tpu.memory_space<vmem>>, vector<1x16xf32>,
    %get3A_1916 = vector.shape_cast %get3A_1915 : vector<1x16xf32> to vector<16xf32>
    %swap3A_1917 = arith.constant 4 : i32
    %swap3A_1918 = arith.index_cast %swap3A_1917 : i32 to index
    %swap3A_1919 = arith.constant 464 : index
    %swap3A_1920 = tpu.vector_load %arg7[%swap3A_1918, %swap3A_1919] {strides = array<i32>} : memref<77x768xf32, #tpu.memory_space<vmem>>, vector<1x16xf32>,
    %swap3A_1921 = vector.shape_cast %swap3A_1920 : vector<1x16xf32> to vector<16xf32>
    %swap3A_1922 = vector.shape_cast %get3A_1916 : vector<16xf32> to vector<1x16xf32>
    tpu.vector_store %arg7[%swap3A_1918, %swap3A_1919], %swap3A_1922 {strides = array<i32>} : memref<77x768xf32, #tpu.memory_space<vmem>>, vector<1x16xf32>,
    %get3A_1923 = arith.constant 3 : i32
    %get3A_1924 = arith.index_cast %get3A_1923 : i32 to index
    %get3A_1925 = arith.constant 480 : index
    %get3A_1926 = tpu.vector_load %arg9[%get3A_1924, %get3A_1925] {strides = array<i32>} : memref<4x768xf32, #tpu.memory_space<vmem>>, vector<1x16xf32>,
    %get3A_1927 = vector.shape_cast %get3A_1926 : vector<1x16xf32> to vector<16xf32>
    %swap3A_1928 = arith.constant 4 : i32
    %swap3A_1929 = arith.index_cast %swap3A_1928 : i32 to index
    %swap3A_1930 = arith.constant 480 : index
    %swap3A_1931 = tpu.vector_load %arg7[%swap3A_1929, %swap3A_1930] {strides = array<i32>} : memref<77x768xf32, #tpu.memory_space<vmem>>, vector<1x16xf32>,
    %swap3A_1932 = vector.shape_cast %swap3A_1931 : vector<1x16xf32> to vector<16xf32>
    %swap3A_1933 = vector.shape_cast %get3A_1927 : vector<16xf32> to vector<1x16xf32>
    tpu.vector_store %arg7[%swap3A_1929, %swap3A_1930], %swap3A_1933 {strides = array<i32>} : memref<77x768xf32, #tpu.memory_space<vmem>>, vector<1x16xf32>,
    %get3A_1934 = arith.constant 3 : i32
    %get3A_1935 = arith.index_cast %get3A_1934 : i32 to index
    %get3A_1936 = arith.constant 496 : index
    %get3A_1937 = tpu.vector_load %arg9[%get3A_1935, %get3A_1936] {strides = array<i32>} : memref<4x768xf32, #tpu.memory_space<vmem>>, vector<1x16xf32>,
    %get3A_1938 = vector.shape_cast %get3A_1937 : vector<1x16xf32> to vector<16xf32>
    %swap3A_1939 = arith.constant 4 : i32
    %swap3A_1940 = arith.index_cast %swap3A_1939 : i32 to index
    %swap3A_1941 = arith.constant 496 : index
    %swap3A_1942 = tpu.vector_load %arg7[%swap3A_1940, %swap3A_1941] {strides = array<i32>} : memref<77x768xf32, #tpu.memory_space<vmem>>, vector<1x16xf32>,
    %swap3A_1943 = vector.shape_cast %swap3A_1942 : vector<1x16xf32> to vector<16xf32>
    %swap3A_1944 = vector.shape_cast %get3A_1938 : vector<16xf32> to vector<1x16xf32>
    tpu.vector_store %arg7[%swap3A_1940, %swap3A_1941], %swap3A_1944 {strides = array<i32>} : memref<77x768xf32, #tpu.memory_space<vmem>>, vector<1x16xf32>,
    %get3A_1945 = arith.constant 3 : i32
    %get3A_1946 = arith.index_cast %get3A_1945 : i32 to index
    %get3A_1947 = arith.constant 512 : index
    %get3A_1948 = tpu.vector_load %arg9[%get3A_1946, %get3A_1947] {strides = array<i32>} : memref<4x768xf32, #tpu.memory_space<vmem>>, vector<1x16xf32>,
    %get3A_1949 = vector.shape_cast %get3A_1948 : vector<1x16xf32> to vector<16xf32>
    %swap3A_1950 = arith.constant 4 : i32
    %swap3A_1951 = arith.index_cast %swap3A_1950 : i32 to index
    %swap3A_1952 = arith.constant 512 : index
    %swap3A_1953 = tpu.vector_load %arg7[%swap3A_1951, %swap3A_1952] {strides = array<i32>} : memref<77x768xf32, #tpu.memory_space<vmem>>, vector<1x16xf32>,
    %swap3A_1954 = vector.shape_cast %swap3A_1953 : vector<1x16xf32> to vector<16xf32>
    %swap3A_1955 = vector.shape_cast %get3A_1949 : vector<16xf32> to vector<1x16xf32>
    tpu.vector_store %arg7[%swap3A_1951, %swap3A_1952], %swap3A_1955 {strides = array<i32>} : memref<77x768xf32, #tpu.memory_space<vmem>>, vector<1x16xf32>,
    %get3A_1956 = arith.constant 3 : i32
    %get3A_1957 = arith.index_cast %get3A_1956 : i32 to index
    %get3A_1958 = arith.constant 528 : index
    %get3A_1959 = tpu.vector_load %arg9[%get3A_1957, %get3A_1958] {strides = array<i32>} : memref<4x768xf32, #tpu.memory_space<vmem>>, vector<1x16xf32>,
    %get3A_1960 = vector.shape_cast %get3A_1959 : vector<1x16xf32> to vector<16xf32>
    %swap3A_1961 = arith.constant 4 : i32
    %swap3A_1962 = arith.index_cast %swap3A_1961 : i32 to index
    %swap3A_1963 = arith.constant 528 : index
    %swap3A_1964 = tpu.vector_load %arg7[%swap3A_1962, %swap3A_1963] {strides = array<i32>} : memref<77x768xf32, #tpu.memory_space<vmem>>, vector<1x16xf32>,
    %swap3A_1965 = vector.shape_cast %swap3A_1964 : vector<1x16xf32> to vector<16xf32>
    %swap3A_1966 = vector.shape_cast %get3A_1960 : vector<16xf32> to vector<1x16xf32>
    tpu.vector_store %arg7[%swap3A_1962, %swap3A_1963], %swap3A_1966 {strides = array<i32>} : memref<77x768xf32, #tpu.memory_space<vmem>>, vector<1x16xf32>,
    %get3A_1967 = arith.constant 3 : i32
    %get3A_1968 = arith.index_cast %get3A_1967 : i32 to index
    %get3A_1969 = arith.constant 544 : index
    %get3A_1970 = tpu.vector_load %arg9[%get3A_1968, %get3A_1969] {strides = array<i32>} : memref<4x768xf32, #tpu.memory_space<vmem>>, vector<1x16xf32>,
    %get3A_1971 = vector.shape_cast %get3A_1970 : vector<1x16xf32> to vector<16xf32>
    %swap3A_1972 = arith.constant 4 : i32
    %swap3A_1973 = arith.index_cast %swap3A_1972 : i32 to index
    %swap3A_1974 = arith.constant 544 : index
    %swap3A_1975 = tpu.vector_load %arg7[%swap3A_1973, %swap3A_1974] {strides = array<i32>} : memref<77x768xf32, #tpu.memory_space<vmem>>, vector<1x16xf32>,
    %swap3A_1976 = vector.shape_cast %swap3A_1975 : vector<1x16xf32> to vector<16xf32>
    %swap3A_1977 = vector.shape_cast %get3A_1971 : vector<16xf32> to vector<1x16xf32>
    tpu.vector_store %arg7[%swap3A_1973, %swap3A_1974], %swap3A_1977 {strides = array<i32>} : memref<77x768xf32, #tpu.memory_space<vmem>>, vector<1x16xf32>,
    %get3A_1978 = arith.constant 3 : i32
    %get3A_1979 = arith.index_cast %get3A_1978 : i32 to index
    %get3A_1980 = arith.constant 560 : index
    %get3A_1981 = tpu.vector_load %arg9[%get3A_1979, %get3A_1980] {strides = array<i32>} : memref<4x768xf32, #tpu.memory_space<vmem>>, vector<1x16xf32>,
    %get3A_1982 = vector.shape_cast %get3A_1981 : vector<1x16xf32> to vector<16xf32>
    %swap3A_1983 = arith.constant 4 : i32
    %swap3A_1984 = arith.index_cast %swap3A_1983 : i32 to index
    %swap3A_1985 = arith.constant 560 : index
    %swap3A_1986 = tpu.vector_load %arg7[%swap3A_1984, %swap3A_1985] {strides = array<i32>} : memref<77x768xf32, #tpu.memory_space<vmem>>, vector<1x16xf32>,
    %swap3A_1987 = vector.shape_cast %swap3A_1986 : vector<1x16xf32> to vector<16xf32>
    %swap3A_1988 = vector.shape_cast %get3A_1982 : vector<16xf32> to vector<1x16xf32>
    tpu.vector_store %arg7[%swap3A_1984, %swap3A_1985], %swap3A_1988 {strides = array<i32>} : memref<77x768xf32, #tpu.memory_space<vmem>>, vector<1x16xf32>,
    %get3A_1989 = arith.constant 3 : i32
    %get3A_1990 = arith.index_cast %get3A_1989 : i32 to index
    %get3A_1991 = arith.constant 576 : index
    %get3A_1992 = tpu.vector_load %arg9[%get3A_1990, %get3A_1991] {strides = array<i32>} : memref<4x768xf32, #tpu.memory_space<vmem>>, vector<1x16xf32>,
    %get3A_1993 = vector.shape_cast %get3A_1992 : vector<1x16xf32> to vector<16xf32>
    %swap3A_1994 = arith.constant 4 : i32
    %swap3A_1995 = arith.index_cast %swap3A_1994 : i32 to index
    %swap3A_1996 = arith.constant 576 : index
    %swap3A_1997 = tpu.vector_load %arg7[%swap3A_1995, %swap3A_1996] {strides = array<i32>} : memref<77x768xf32, #tpu.memory_space<vmem>>, vector<1x16xf32>,
    %swap3A_1998 = vector.shape_cast %swap3A_1997 : vector<1x16xf32> to vector<16xf32>
    %swap3A_1999 = vector.shape_cast %get3A_1993 : vector<16xf32> to vector<1x16xf32>
    tpu.vector_store %arg7[%swap3A_1995, %swap3A_1996], %swap3A_1999 {strides = array<i32>} : memref<77x768xf32, #tpu.memory_space<vmem>>, vector<1x16xf32>,
    %get3A_2000 = arith.constant 3 : i32
    %get3A_2001 = arith.index_cast %get3A_2000 : i32 to index
    %get3A_2002 = arith.constant 592 : index
    %get3A_2003 = tpu.vector_load %arg9[%get3A_2001, %get3A_2002] {strides = array<i32>} : memref<4x768xf32, #tpu.memory_space<vmem>>, vector<1x16xf32>,
    %get3A_2004 = vector.shape_cast %get3A_2003 : vector<1x16xf32> to vector<16xf32>
    %swap3A_2005 = arith.constant 4 : i32
    %swap3A_2006 = arith.index_cast %swap3A_2005 : i32 to index
    %swap3A_2007 = arith.constant 592 : index
    %swap3A_2008 = tpu.vector_load %arg7[%swap3A_2006, %swap3A_2007] {strides = array<i32>} : memref<77x768xf32, #tpu.memory_space<vmem>>, vector<1x16xf32>,
    %swap3A_2009 = vector.shape_cast %swap3A_2008 : vector<1x16xf32> to vector<16xf32>
    %swap3A_2010 = vector.shape_cast %get3A_2004 : vector<16xf32> to vector<1x16xf32>
    tpu.vector_store %arg7[%swap3A_2006, %swap3A_2007], %swap3A_2010 {strides = array<i32>} : memref<77x768xf32, #tpu.memory_space<vmem>>, vector<1x16xf32>,
    %get3A_2011 = arith.constant 3 : i32
    %get3A_2012 = arith.index_cast %get3A_2011 : i32 to index
    %get3A_2013 = arith.constant 608 : index
    %get3A_2014 = tpu.vector_load %arg9[%get3A_2012, %get3A_2013] {strides = array<i32>} : memref<4x768xf32, #tpu.memory_space<vmem>>, vector<1x16xf32>,
    %get3A_2015 = vector.shape_cast %get3A_2014 : vector<1x16xf32> to vector<16xf32>
    %swap3A_2016 = arith.constant 4 : i32
    %swap3A_2017 = arith.index_cast %swap3A_2016 : i32 to index
    %swap3A_2018 = arith.constant 608 : index
    %swap3A_2019 = tpu.vector_load %arg7[%swap3A_2017, %swap3A_2018] {strides = array<i32>} : memref<77x768xf32, #tpu.memory_space<vmem>>, vector<1x16xf32>,
    %swap3A_2020 = vector.shape_cast %swap3A_2019 : vector<1x16xf32> to vector<16xf32>
    %swap3A_2021 = vector.shape_cast %get3A_2015 : vector<16xf32> to vector<1x16xf32>
    tpu.vector_store %arg7[%swap3A_2017, %swap3A_2018], %swap3A_2021 {strides = array<i32>} : memref<77x768xf32, #tpu.memory_space<vmem>>, vector<1x16xf32>,
    %get3A_2022 = arith.constant 3 : i32
    %get3A_2023 = arith.index_cast %get3A_2022 : i32 to index
    %get3A_2024 = arith.constant 624 : index
    %get3A_2025 = tpu.vector_load %arg9[%get3A_2023, %get3A_2024] {strides = array<i32>} : memref<4x768xf32, #tpu.memory_space<vmem>>, vector<1x16xf32>,
    %get3A_2026 = vector.shape_cast %get3A_2025 : vector<1x16xf32> to vector<16xf32>
    %swap3A_2027 = arith.constant 4 : i32
    %swap3A_2028 = arith.index_cast %swap3A_2027 : i32 to index
    %swap3A_2029 = arith.constant 624 : index
    %swap3A_2030 = tpu.vector_load %arg7[%swap3A_2028, %swap3A_2029] {strides = array<i32>} : memref<77x768xf32, #tpu.memory_space<vmem>>, vector<1x16xf32>,
    %swap3A_2031 = vector.shape_cast %swap3A_2030 : vector<1x16xf32> to vector<16xf32>
    %swap3A_2032 = vector.shape_cast %get3A_2026 : vector<16xf32> to vector<1x16xf32>
    tpu.vector_store %arg7[%swap3A_2028, %swap3A_2029], %swap3A_2032 {strides = array<i32>} : memref<77x768xf32, #tpu.memory_space<vmem>>, vector<1x16xf32>,
    %get3A_2033 = arith.constant 3 : i32
    %get3A_2034 = arith.index_cast %get3A_2033 : i32 to index
    %get3A_2035 = arith.constant 640 : index
    %get3A_2036 = tpu.vector_load %arg9[%get3A_2034, %get3A_2035] {strides = array<i32>} : memref<4x768xf32, #tpu.memory_space<vmem>>, vector<1x16xf32>,
    %get3A_2037 = vector.shape_cast %get3A_2036 : vector<1x16xf32> to vector<16xf32>
    %swap3A_2038 = arith.constant 4 : i32
    %swap3A_2039 = arith.index_cast %swap3A_2038 : i32 to index
    %swap3A_2040 = arith.constant 640 : index
    %swap3A_2041 = tpu.vector_load %arg7[%swap3A_2039, %swap3A_2040] {strides = array<i32>} : memref<77x768xf32, #tpu.memory_space<vmem>>, vector<1x16xf32>,
    %swap3A_2042 = vector.shape_cast %swap3A_2041 : vector<1x16xf32> to vector<16xf32>
    %swap3A_2043 = vector.shape_cast %get3A_2037 : vector<16xf32> to vector<1x16xf32>
    tpu.vector_store %arg7[%swap3A_2039, %swap3A_2040], %swap3A_2043 {strides = array<i32>} : memref<77x768xf32, #tpu.memory_space<vmem>>, vector<1x16xf32>,
    %get3A_2044 = arith.constant 3 : i32
    %get3A_2045 = arith.index_cast %get3A_2044 : i32 to index
    %get3A_2046 = arith.constant 656 : index
    %get3A_2047 = tpu.vector_load %arg9[%get3A_2045, %get3A_2046] {strides = array<i32>} : memref<4x768xf32, #tpu.memory_space<vmem>>, vector<1x16xf32>,
    %get3A_2048 = vector.shape_cast %get3A_2047 : vector<1x16xf32> to vector<16xf32>
    %swap3A_2049 = arith.constant 4 : i32
    %swap3A_2050 = arith.index_cast %swap3A_2049 : i32 to index
    %swap3A_2051 = arith.constant 656 : index
    %swap3A_2052 = tpu.vector_load %arg7[%swap3A_2050, %swap3A_2051] {strides = array<i32>} : memref<77x768xf32, #tpu.memory_space<vmem>>, vector<1x16xf32>,
    %swap3A_2053 = vector.shape_cast %swap3A_2052 : vector<1x16xf32> to vector<16xf32>
    %swap3A_2054 = vector.shape_cast %get3A_2048 : vector<16xf32> to vector<1x16xf32>
    tpu.vector_store %arg7[%swap3A_2050, %swap3A_2051], %swap3A_2054 {strides = array<i32>} : memref<77x768xf32, #tpu.memory_space<vmem>>, vector<1x16xf32>,
    %get3A_2055 = arith.constant 3 : i32
    %get3A_2056 = arith.index_cast %get3A_2055 : i32 to index
    %get3A_2057 = arith.constant 672 : index
    %get3A_2058 = tpu.vector_load %arg9[%get3A_2056, %get3A_2057] {strides = array<i32>} : memref<4x768xf32, #tpu.memory_space<vmem>>, vector<1x16xf32>,
    %get3A_2059 = vector.shape_cast %get3A_2058 : vector<1x16xf32> to vector<16xf32>
    %swap3A_2060 = arith.constant 4 : i32
    %swap3A_2061 = arith.index_cast %swap3A_2060 : i32 to index
    %swap3A_2062 = arith.constant 672 : index
    %swap3A_2063 = tpu.vector_load %arg7[%swap3A_2061, %swap3A_2062] {strides = array<i32>} : memref<77x768xf32, #tpu.memory_space<vmem>>, vector<1x16xf32>,
    %swap3A_2064 = vector.shape_cast %swap3A_2063 : vector<1x16xf32> to vector<16xf32>
    %swap3A_2065 = vector.shape_cast %get3A_2059 : vector<16xf32> to vector<1x16xf32>
    tpu.vector_store %arg7[%swap3A_2061, %swap3A_2062], %swap3A_2065 {strides = array<i32>} : memref<77x768xf32, #tpu.memory_space<vmem>>, vector<1x16xf32>,
    %get3A_2066 = arith.constant 3 : i32
    %get3A_2067 = arith.index_cast %get3A_2066 : i32 to index
    %get3A_2068 = arith.constant 688 : index
    %get3A_2069 = tpu.vector_load %arg9[%get3A_2067, %get3A_2068] {strides = array<i32>} : memref<4x768xf32, #tpu.memory_space<vmem>>, vector<1x16xf32>,
    %get3A_2070 = vector.shape_cast %get3A_2069 : vector<1x16xf32> to vector<16xf32>
    %swap3A_2071 = arith.constant 4 : i32
    %swap3A_2072 = arith.index_cast %swap3A_2071 : i32 to index
    %swap3A_2073 = arith.constant 688 : index
    %swap3A_2074 = tpu.vector_load %arg7[%swap3A_2072, %swap3A_2073] {strides = array<i32>} : memref<77x768xf32, #tpu.memory_space<vmem>>, vector<1x16xf32>,
    %swap3A_2075 = vector.shape_cast %swap3A_2074 : vector<1x16xf32> to vector<16xf32>
    %swap3A_2076 = vector.shape_cast %get3A_2070 : vector<16xf32> to vector<1x16xf32>
    tpu.vector_store %arg7[%swap3A_2072, %swap3A_2073], %swap3A_2076 {strides = array<i32>} : memref<77x768xf32, #tpu.memory_space<vmem>>, vector<1x16xf32>,
    %get3A_2077 = arith.constant 3 : i32
    %get3A_2078 = arith.index_cast %get3A_2077 : i32 to index
    %get3A_2079 = arith.constant 704 : index
    %get3A_2080 = tpu.vector_load %arg9[%get3A_2078, %get3A_2079] {strides = array<i32>} : memref<4x768xf32, #tpu.memory_space<vmem>>, vector<1x16xf32>,
    %get3A_2081 = vector.shape_cast %get3A_2080 : vector<1x16xf32> to vector<16xf32>
    %swap3A_2082 = arith.constant 4 : i32
    %swap3A_2083 = arith.index_cast %swap3A_2082 : i32 to index
    %swap3A_2084 = arith.constant 704 : index
    %swap3A_2085 = tpu.vector_load %arg7[%swap3A_2083, %swap3A_2084] {strides = array<i32>} : memref<77x768xf32, #tpu.memory_space<vmem>>, vector<1x16xf32>,
    %swap3A_2086 = vector.shape_cast %swap3A_2085 : vector<1x16xf32> to vector<16xf32>
    %swap3A_2087 = vector.shape_cast %get3A_2081 : vector<16xf32> to vector<1x16xf32>
    tpu.vector_store %arg7[%swap3A_2083, %swap3A_2084], %swap3A_2087 {strides = array<i32>} : memref<77x768xf32, #tpu.memory_space<vmem>>, vector<1x16xf32>,
    %get3A_2088 = arith.constant 3 : i32
    %get3A_2089 = arith.index_cast %get3A_2088 : i32 to index
    %get3A_2090 = arith.constant 720 : index
    %get3A_2091 = tpu.vector_load %arg9[%get3A_2089, %get3A_2090] {strides = array<i32>} : memref<4x768xf32, #tpu.memory_space<vmem>>, vector<1x16xf32>,
    %get3A_2092 = vector.shape_cast %get3A_2091 : vector<1x16xf32> to vector<16xf32>
    %swap3A_2093 = arith.constant 4 : i32
    %swap3A_2094 = arith.index_cast %swap3A_2093 : i32 to index
    %swap3A_2095 = arith.constant 720 : index
    %swap3A_2096 = tpu.vector_load %arg7[%swap3A_2094, %swap3A_2095] {strides = array<i32>} : memref<77x768xf32, #tpu.memory_space<vmem>>, vector<1x16xf32>,
    %swap3A_2097 = vector.shape_cast %swap3A_2096 : vector<1x16xf32> to vector<16xf32>
    %swap3A_2098 = vector.shape_cast %get3A_2092 : vector<16xf32> to vector<1x16xf32>
    tpu.vector_store %arg7[%swap3A_2094, %swap3A_2095], %swap3A_2098 {strides = array<i32>} : memref<77x768xf32, #tpu.memory_space<vmem>>, vector<1x16xf32>,
    %get3A_2099 = arith.constant 3 : i32
    %get3A_2100 = arith.index_cast %get3A_2099 : i32 to index
    %get3A_2101 = arith.constant 736 : index
    %get3A_2102 = tpu.vector_load %arg9[%get3A_2100, %get3A_2101] {strides = array<i32>} : memref<4x768xf32, #tpu.memory_space<vmem>>, vector<1x16xf32>,
    %get3A_2103 = vector.shape_cast %get3A_2102 : vector<1x16xf32> to vector<16xf32>
    %swap3A_2104 = arith.constant 4 : i32
    %swap3A_2105 = arith.index_cast %swap3A_2104 : i32 to index
    %swap3A_2106 = arith.constant 736 : index
    %swap3A_2107 = tpu.vector_load %arg7[%swap3A_2105, %swap3A_2106] {strides = array<i32>} : memref<77x768xf32, #tpu.memory_space<vmem>>, vector<1x16xf32>,
    %swap3A_2108 = vector.shape_cast %swap3A_2107 : vector<1x16xf32> to vector<16xf32>
    %swap3A_2109 = vector.shape_cast %get3A_2103 : vector<16xf32> to vector<1x16xf32>
    tpu.vector_store %arg7[%swap3A_2105, %swap3A_2106], %swap3A_2109 {strides = array<i32>} : memref<77x768xf32, #tpu.memory_space<vmem>>, vector<1x16xf32>,
    %get3A_2110 = arith.constant 3 : i32
    %get3A_2111 = arith.index_cast %get3A_2110 : i32 to index
    %get3A_2112 = arith.constant 752 : index
    %get3A_2113 = tpu.vector_load %arg9[%get3A_2111, %get3A_2112] {strides = array<i32>} : memref<4x768xf32, #tpu.memory_space<vmem>>, vector<1x16xf32>,
    %get3A_2114 = vector.shape_cast %get3A_2113 : vector<1x16xf32> to vector<16xf32>
    %swap3A_2115 = arith.constant 4 : i32
    %swap3A_2116 = arith.index_cast %swap3A_2115 : i32 to index
    %swap3A_2117 = arith.constant 752 : index
    %swap3A_2118 = tpu.vector_load %arg7[%swap3A_2116, %swap3A_2117] {strides = array<i32>} : memref<77x768xf32, #tpu.memory_space<vmem>>, vector<1x16xf32>,
    %swap3A_2119 = vector.shape_cast %swap3A_2118 : vector<1x16xf32> to vector<16xf32>
    %swap3A_2120 = vector.shape_cast %get3A_2114 : vector<16xf32> to vector<1x16xf32>
    tpu.vector_store %arg7[%swap3A_2116, %swap3A_2117], %swap3A_2120 {strides = array<i32>} : memref<77x768xf32, #tpu.memory_space<vmem>>, vector<1x16xf32>,
    %dma_start3A = arith.constant 0 : i32
    %dma_start3A_2121 = arith.constant 0 : i32
    %dma_start3A_2122 = tpu.memref_slice %arg4[%select_n3A_10, %dma_start3A, %dma_start3A_2121] : memref<1000x72x768xf32, #tpu.memory_space<hbm>> -> memref<1x72x768xf32, #tpu.memory_space<hbm>>
    %dma_start3A_2123 = tpu.memref_squeeze %dma_start3A_2122 : memref<1x72x768xf32, #tpu.memory_space<hbm>> -> memref<72x768xf32, #tpu.memory_space<hbm>>
    %dma_start3A_2124 = arith.constant 0 : i32
    %dma_start3A_2125 = arith.constant 0 : i32
    %dma_start3A_2126 = tpu.memref_slice %arg4[%select_n3A_10, %dma_start3A_2124, %dma_start3A_2125] : memref<1000x72x768xf32, #tpu.memory_space<hbm>> -> memref<1x72x768xf32, #tpu.memory_space<hbm>>
    %dma_start3A_2127 = tpu.memref_squeeze %dma_start3A_2126 : memref<1x72x768xf32, #tpu.memory_space<hbm>> -> memref<72x768xf32, #tpu.memory_space<hbm>>
    tpu.enqueue_dma source(%dma_start3A_2127 : memref<72x768xf32, #tpu.memory_space<hbm>>) target(%arg6 : memref<72x768xf32, #tpu.memory_space<vmem>>) target_semaphore(%arg10 : memref<!tpu.dma_semaphore, #tpu.memory_space<semaphore_mem>>)
    %while3A = arith.constant 0 : i32
    %while3A_2128 = arith.constant 0 : i32
    %while3A_2129 = arith.subi %select_n3A, %while3A_2128 : i32
    %while3A_2130 = arith.addi %while3A_2128, %while3A_2129 : i32
    %while3A_2131 = arith.constant 1 : i32
    %while3A_2132 = arith.divsi %while3A_2129, %while3A_2131 : i32
    %while3A_2133 = arith.muli %while3A_2132, %while3A_2131 : i32
    %while3A_2134 = arith.addi %while3A_2128, %while3A_2133 : i32
    %while3A_2135 = arith.constant 1 : i32
    scf.for %while3A_2147 = %while3A_2128 to %while3A_2134 step %while3A_2135  : i32 {
      %add3A_2148 = arith.addi %select_n3A_10, %while3A_2147 : i32
      %and3A = arith.constant 7 : i32
      %and3A_2149 = arith.andi %while3A_2147, %and3A : i32
      %eq3A = arith.constant 0 : i32
      %eq3A_2150 = arith.cmpi eq, %and3A_2149, %eq3A : i32
      %convert_element_type3A = arith.extui %eq3A_2150 : i1 to i32
      %cond3A = arith.constant 0 : i32
      %cond3A_2151 = arith.cmpi ne, %convert_element_type3A, %cond3A : i32
      scf.if %cond3A_2151 {
        %and3A_2665 = arith.constant -8 : i32
        %and3A_2666 = arith.andi %add3A_2148, %and3A_2665 : i32
        %multiple_of3A = tpu.assume_multiple %and3A_2666, 8 : i32
        %dma_start3A_2667 = arith.constant 0 : i32
        %dma_start3A_2668 = tpu.memref_slice %arg2[%multiple_of3A, %dma_start3A_2667] : memref<1000x768xf32, #tpu.memory_space<hbm>> -> memref<8x768xf32, #tpu.memory_space<hbm>>
        %dma_start3A_2669 = arith.constant 0 : i32
        %dma_start3A_2670 = tpu.memref_slice %arg2[%multiple_of3A, %dma_start3A_2669] : memref<1000x768xf32, #tpu.memory_space<hbm>> -> memref<8x768xf32, #tpu.memory_space<hbm>>
        tpu.enqueue_dma source(%dma_start3A_2670 : memref<8x768xf32, #tpu.memory_space<hbm>>) target(%arg8 : memref<8x768xf32, #tpu.memory_space<vmem>>) target_semaphore(%arg11 : memref<!tpu.dma_semaphore, #tpu.memory_space<semaphore_mem>>)
        %dma_wait3A_2671 = arith.constant 0 : i32
        %dma_wait3A_2672 = tpu.memref_slice %arg2[%multiple_of3A, %dma_wait3A_2671] : memref<1000x768xf32, #tpu.memory_space<hbm>> -> memref<8x768xf32, #tpu.memory_space<hbm>>
        %dma_wait3A_2673 = arith.constant 0 : i32
        %dma_wait3A_2674 = tpu.memref_slice %arg2[%multiple_of3A, %dma_wait3A_2673] : memref<1000x768xf32, #tpu.memory_space<hbm>> -> memref<8x768xf32, #tpu.memory_space<hbm>>
        tpu.wait_dma2 semaphore(%arg11 : memref<!tpu.dma_semaphore, #tpu.memory_space<semaphore_mem>>) src(%dma_wait3A_2674 : memref<8x768xf32, #tpu.memory_space<hbm>>) dst(%arg8 : memref<8x768xf32, #tpu.memory_space<vmem>>)
      } else {
      }
      %dma_wait3A_2152 = arith.constant 0 : i32
      %dma_wait3A_2153 = arith.constant 0 : i32
      %dma_wait3A_2154 = tpu.memref_slice %arg4[%add3A_2148, %dma_wait3A_2152, %dma_wait3A_2153] : memref<1000x72x768xf32, #tpu.memory_space<hbm>> -> memref<1x72x768xf32, #tpu.memory_space<hbm>>
      %dma_wait3A_2155 = tpu.memref_squeeze %dma_wait3A_2154 : memref<1x72x768xf32, #tpu.memory_space<hbm>> -> memref<72x768xf32, #tpu.memory_space<hbm>>
      %dma_wait3A_2156 = arith.constant 0 : i32
      %dma_wait3A_2157 = arith.constant 0 : i32
      %dma_wait3A_2158 = tpu.memref_slice %arg4[%add3A_2148, %dma_wait3A_2156, %dma_wait3A_2157] : memref<1000x72x768xf32, #tpu.memory_space<hbm>> -> memref<1x72x768xf32, #tpu.memory_space<hbm>>
      %dma_wait3A_2159 = tpu.memref_squeeze %dma_wait3A_2158 : memref<1x72x768xf32, #tpu.memory_space<hbm>> -> memref<72x768xf32, #tpu.memory_space<hbm>>
      tpu.wait_dma2 semaphore(%arg10 : memref<!tpu.dma_semaphore, #tpu.memory_space<semaphore_mem>>) src(%dma_wait3A_2159 : memref<72x768xf32, #tpu.memory_space<hbm>>) dst(%arg6 : memref<72x768xf32, #tpu.memory_space<vmem>>)
      %gt3A = arith.constant 0 : i32
      %gt3A_2160 = arith.cmpi sgt, %while3A_2147, %gt3A : i32
      %convert_element_type3A_2161 = arith.extui %gt3A_2160 : i1 to i32
      %cond3A_2162 = arith.constant 0 : i32
      %cond3A_2163 = arith.cmpi ne, %convert_element_type3A_2161, %cond3A_2162 : i32
      scf.if %cond3A_2163 {
        %dma_wait3A_2665 = arith.constant 0 : i32
        %dma_wait3A_2666 = arith.constant 0 : i32
        %dma_wait3A_2667 = tpu.memref_slice %arg5[%add3A_2148, %dma_wait3A_2665, %dma_wait3A_2666] : memref<1000x77x768xf32, #tpu.memory_space<hbm>> -> memref<1x77x768xf32, #tpu.memory_space<hbm>>
        %dma_wait3A_2668 = tpu.memref_squeeze %dma_wait3A_2667 : memref<1x77x768xf32, #tpu.memory_space<hbm>> -> memref<77x768xf32, #tpu.memory_space<hbm>>
        %dma_wait3A_2669 = arith.constant 0 : i32
        %dma_wait3A_2670 = arith.constant 0 : i32
        %dma_wait3A_2671 = tpu.memref_slice %arg5[%add3A_2148, %dma_wait3A_2669, %dma_wait3A_2670] : memref<1000x77x768xf32, #tpu.memory_space<hbm>> -> memref<1x77x768xf32, #tpu.memory_space<hbm>>
        %dma_wait3A_2672 = tpu.memref_squeeze %dma_wait3A_2671 : memref<1x77x768xf32, #tpu.memory_space<hbm>> -> memref<77x768xf32, #tpu.memory_space<hbm>>
        tpu.wait_dma2 semaphore(%arg12 : memref<!tpu.dma_semaphore, #tpu.memory_space<semaphore_mem>>) src(%arg7 : memref<77x768xf32, #tpu.memory_space<vmem>>) dst(%dma_wait3A_2672 : memref<77x768xf32, #tpu.memory_space<hbm>>)
      } else {
      }
      %and3A_2164 = arith.constant 7 : i32
      %and3A_2165 = arith.andi %while3A_2147, %and3A_2164 : i32
      %get3A_2166 = arith.index_cast %and3A_2165 : i32 to index
      %get3A_2167 = arith.constant 0 : index
      %get3A_2168 = tpu.vector_load %arg8[%get3A_2166, %get3A_2167] {strides = array<i32>} : memref<8x768xf32, #tpu.memory_space<vmem>>, vector<1x16xf32>,
      %get3A_2169 = vector.shape_cast %get3A_2168 : vector<1x16xf32> to vector<16xf32>
      %swap3A_2170 = arith.constant 0 : i32
      %swap3A_2171 = arith.index_cast %swap3A_2170 : i32 to index
      %swap3A_2172 = arith.constant 0 : index
      %swap3A_2173 = tpu.vector_load %arg7[%swap3A_2171, %swap3A_2172] {strides = array<i32>} : memref<77x768xf32, #tpu.memory_space<vmem>>, vector<1x16xf32>,
      %swap3A_2174 = vector.shape_cast %swap3A_2173 : vector<1x16xf32> to vector<16xf32>
      %swap3A_2175 = vector.shape_cast %get3A_2169 : vector<16xf32> to vector<1x16xf32>
      tpu.vector_store %arg7[%swap3A_2171, %swap3A_2172], %swap3A_2175 {strides = array<i32>} : memref<77x768xf32, #tpu.memory_space<vmem>>, vector<1x16xf32>,
      %get3A_2176 = arith.index_cast %and3A_2165 : i32 to index
      %get3A_2177 = arith.constant 16 : index
      %get3A_2178 = tpu.vector_load %arg8[%get3A_2176, %get3A_2177] {strides = array<i32>} : memref<8x768xf32, #tpu.memory_space<vmem>>, vector<1x16xf32>,
      %get3A_2179 = vector.shape_cast %get3A_2178 : vector<1x16xf32> to vector<16xf32>
      %swap3A_2180 = arith.constant 0 : i32
      %swap3A_2181 = arith.index_cast %swap3A_2180 : i32 to index
      %swap3A_2182 = arith.constant 16 : index
      %swap3A_2183 = tpu.vector_load %arg7[%swap3A_2181, %swap3A_2182] {strides = array<i32>} : memref<77x768xf32, #tpu.memory_space<vmem>>, vector<1x16xf32>,
      %swap3A_2184 = vector.shape_cast %swap3A_2183 : vector<1x16xf32> to vector<16xf32>
      %swap3A_2185 = vector.shape_cast %get3A_2179 : vector<16xf32> to vector<1x16xf32>
      tpu.vector_store %arg7[%swap3A_2181, %swap3A_2182], %swap3A_2185 {strides = array<i32>} : memref<77x768xf32, #tpu.memory_space<vmem>>, vector<1x16xf32>,
      %get3A_2186 = arith.index_cast %and3A_2165 : i32 to index
      %get3A_2187 = arith.constant 32 : index
      %get3A_2188 = tpu.vector_load %arg8[%get3A_2186, %get3A_2187] {strides = array<i32>} : memref<8x768xf32, #tpu.memory_space<vmem>>, vector<1x16xf32>,
      %get3A_2189 = vector.shape_cast %get3A_2188 : vector<1x16xf32> to vector<16xf32>
      %swap3A_2190 = arith.constant 0 : i32
      %swap3A_2191 = arith.index_cast %swap3A_2190 : i32 to index
      %swap3A_2192 = arith.constant 32 : index
      %swap3A_2193 = tpu.vector_load %arg7[%swap3A_2191, %swap3A_2192] {strides = array<i32>} : memref<77x768xf32, #tpu.memory_space<vmem>>, vector<1x16xf32>,
      %swap3A_2194 = vector.shape_cast %swap3A_2193 : vector<1x16xf32> to vector<16xf32>
      %swap3A_2195 = vector.shape_cast %get3A_2189 : vector<16xf32> to vector<1x16xf32>
      tpu.vector_store %arg7[%swap3A_2191, %swap3A_2192], %swap3A_2195 {strides = array<i32>} : memref<77x768xf32, #tpu.memory_space<vmem>>, vector<1x16xf32>,
      %get3A_2196 = arith.index_cast %and3A_2165 : i32 to index
      %get3A_2197 = arith.constant 48 : index
      %get3A_2198 = tpu.vector_load %arg8[%get3A_2196, %get3A_2197] {strides = array<i32>} : memref<8x768xf32, #tpu.memory_space<vmem>>, vector<1x16xf32>,
      %get3A_2199 = vector.shape_cast %get3A_2198 : vector<1x16xf32> to vector<16xf32>
      %swap3A_2200 = arith.constant 0 : i32
      %swap3A_2201 = arith.index_cast %swap3A_2200 : i32 to index
      %swap3A_2202 = arith.constant 48 : index
      %swap3A_2203 = tpu.vector_load %arg7[%swap3A_2201, %swap3A_2202] {strides = array<i32>} : memref<77x768xf32, #tpu.memory_space<vmem>>, vector<1x16xf32>,
      %swap3A_2204 = vector.shape_cast %swap3A_2203 : vector<1x16xf32> to vector<16xf32>
      %swap3A_2205 = vector.shape_cast %get3A_2199 : vector<16xf32> to vector<1x16xf32>
      tpu.vector_store %arg7[%swap3A_2201, %swap3A_2202], %swap3A_2205 {strides = array<i32>} : memref<77x768xf32, #tpu.memory_space<vmem>>, vector<1x16xf32>,
      %get3A_2206 = arith.index_cast %and3A_2165 : i32 to index
      %get3A_2207 = arith.constant 64 : index
      %get3A_2208 = tpu.vector_load %arg8[%get3A_2206, %get3A_2207] {strides = array<i32>} : memref<8x768xf32, #tpu.memory_space<vmem>>, vector<1x16xf32>,
      %get3A_2209 = vector.shape_cast %get3A_2208 : vector<1x16xf32> to vector<16xf32>
      %swap3A_2210 = arith.constant 0 : i32
      %swap3A_2211 = arith.index_cast %swap3A_2210 : i32 to index
      %swap3A_2212 = arith.constant 64 : index
      %swap3A_2213 = tpu.vector_load %arg7[%swap3A_2211, %swap3A_2212] {strides = array<i32>} : memref<77x768xf32, #tpu.memory_space<vmem>>, vector<1x16xf32>,
      %swap3A_2214 = vector.shape_cast %swap3A_2213 : vector<1x16xf32> to vector<16xf32>
      %swap3A_2215 = vector.shape_cast %get3A_2209 : vector<16xf32> to vector<1x16xf32>
      tpu.vector_store %arg7[%swap3A_2211, %swap3A_2212], %swap3A_2215 {strides = array<i32>} : memref<77x768xf32, #tpu.memory_space<vmem>>, vector<1x16xf32>,
      %get3A_2216 = arith.index_cast %and3A_2165 : i32 to index
      %get3A_2217 = arith.constant 80 : index
      %get3A_2218 = tpu.vector_load %arg8[%get3A_2216, %get3A_2217] {strides = array<i32>} : memref<8x768xf32, #tpu.memory_space<vmem>>, vector<1x16xf32>,
      %get3A_2219 = vector.shape_cast %get3A_2218 : vector<1x16xf32> to vector<16xf32>
      %swap3A_2220 = arith.constant 0 : i32
      %swap3A_2221 = arith.index_cast %swap3A_2220 : i32 to index
      %swap3A_2222 = arith.constant 80 : index
      %swap3A_2223 = tpu.vector_load %arg7[%swap3A_2221, %swap3A_2222] {strides = array<i32>} : memref<77x768xf32, #tpu.memory_space<vmem>>, vector<1x16xf32>,
      %swap3A_2224 = vector.shape_cast %swap3A_2223 : vector<1x16xf32> to vector<16xf32>
      %swap3A_2225 = vector.shape_cast %get3A_2219 : vector<16xf32> to vector<1x16xf32>
      tpu.vector_store %arg7[%swap3A_2221, %swap3A_2222], %swap3A_2225 {strides = array<i32>} : memref<77x768xf32, #tpu.memory_space<vmem>>, vector<1x16xf32>,
      %get3A_2226 = arith.index_cast %and3A_2165 : i32 to index
      %get3A_2227 = arith.constant 96 : index
      %get3A_2228 = tpu.vector_load %arg8[%get3A_2226, %get3A_2227] {strides = array<i32>} : memref<8x768xf32, #tpu.memory_space<vmem>>, vector<1x16xf32>,
      %get3A_2229 = vector.shape_cast %get3A_2228 : vector<1x16xf32> to vector<16xf32>
      %swap3A_2230 = arith.constant 0 : i32
      %swap3A_2231 = arith.index_cast %swap3A_2230 : i32 to index
      %swap3A_2232 = arith.constant 96 : index
      %swap3A_2233 = tpu.vector_load %arg7[%swap3A_2231, %swap3A_2232] {strides = array<i32>} : memref<77x768xf32, #tpu.memory_space<vmem>>, vector<1x16xf32>,
      %swap3A_2234 = vector.shape_cast %swap3A_2233 : vector<1x16xf32> to vector<16xf32>
      %swap3A_2235 = vector.shape_cast %get3A_2229 : vector<16xf32> to vector<1x16xf32>
      tpu.vector_store %arg7[%swap3A_2231, %swap3A_2232], %swap3A_2235 {strides = array<i32>} : memref<77x768xf32, #tpu.memory_space<vmem>>, vector<1x16xf32>,
      %get3A_2236 = arith.index_cast %and3A_2165 : i32 to index
      %get3A_2237 = arith.constant 112 : index
      %get3A_2238 = tpu.vector_load %arg8[%get3A_2236, %get3A_2237] {strides = array<i32>} : memref<8x768xf32, #tpu.memory_space<vmem>>, vector<1x16xf32>,
      %get3A_2239 = vector.shape_cast %get3A_2238 : vector<1x16xf32> to vector<16xf32>
      %swap3A_2240 = arith.constant 0 : i32
      %swap3A_2241 = arith.index_cast %swap3A_2240 : i32 to index
      %swap3A_2242 = arith.constant 112 : index
      %swap3A_2243 = tpu.vector_load %arg7[%swap3A_2241, %swap3A_2242] {strides = array<i32>} : memref<77x768xf32, #tpu.memory_space<vmem>>, vector<1x16xf32>,
      %swap3A_2244 = vector.shape_cast %swap3A_2243 : vector<1x16xf32> to vector<16xf32>
      %swap3A_2245 = vector.shape_cast %get3A_2239 : vector<16xf32> to vector<1x16xf32>
      tpu.vector_store %arg7[%swap3A_2241, %swap3A_2242], %swap3A_2245 {strides = array<i32>} : memref<77x768xf32, #tpu.memory_space<vmem>>, vector<1x16xf32>,
      %get3A_2246 = arith.index_cast %and3A_2165 : i32 to index
      %get3A_2247 = arith.constant 128 : index
      %get3A_2248 = tpu.vector_load %arg8[%get3A_2246, %get3A_2247] {strides = array<i32>} : memref<8x768xf32, #tpu.memory_space<vmem>>, vector<1x16xf32>,
      %get3A_2249 = vector.shape_cast %get3A_2248 : vector<1x16xf32> to vector<16xf32>
      %swap3A_2250 = arith.constant 0 : i32
      %swap3A_2251 = arith.index_cast %swap3A_2250 : i32 to index
      %swap3A_2252 = arith.constant 128 : index
      %swap3A_2253 = tpu.vector_load %arg7[%swap3A_2251, %swap3A_2252] {strides = array<i32>} : memref<77x768xf32, #tpu.memory_space<vmem>>, vector<1x16xf32>,
      %swap3A_2254 = vector.shape_cast %swap3A_2253 : vector<1x16xf32> to vector<16xf32>
      %swap3A_2255 = vector.shape_cast %get3A_2249 : vector<16xf32> to vector<1x16xf32>
      tpu.vector_store %arg7[%swap3A_2251, %swap3A_2252], %swap3A_2255 {strides = array<i32>} : memref<77x768xf32, #tpu.memory_space<vmem>>, vector<1x16xf32>,
      %get3A_2256 = arith.index_cast %and3A_2165 : i32 to index
      %get3A_2257 = arith.constant 144 : index
      %get3A_2258 = tpu.vector_load %arg8[%get3A_2256, %get3A_2257] {strides = array<i32>} : memref<8x768xf32, #tpu.memory_space<vmem>>, vector<1x16xf32>,
      %get3A_2259 = vector.shape_cast %get3A_2258 : vector<1x16xf32> to vector<16xf32>
      %swap3A_2260 = arith.constant 0 : i32
      %swap3A_2261 = arith.index_cast %swap3A_2260 : i32 to index
      %swap3A_2262 = arith.constant 144 : index
      %swap3A_2263 = tpu.vector_load %arg7[%swap3A_2261, %swap3A_2262] {strides = array<i32>} : memref<77x768xf32, #tpu.memory_space<vmem>>, vector<1x16xf32>,
      %swap3A_2264 = vector.shape_cast %swap3A_2263 : vector<1x16xf32> to vector<16xf32>
      %swap3A_2265 = vector.shape_cast %get3A_2259 : vector<16xf32> to vector<1x16xf32>
      tpu.vector_store %arg7[%swap3A_2261, %swap3A_2262], %swap3A_2265 {strides = array<i32>} : memref<77x768xf32, #tpu.memory_space<vmem>>, vector<1x16xf32>,
      %get3A_2266 = arith.index_cast %and3A_2165 : i32 to index
      %get3A_2267 = arith.constant 160 : index
      %get3A_2268 = tpu.vector_load %arg8[%get3A_2266, %get3A_2267] {strides = array<i32>} : memref<8x768xf32, #tpu.memory_space<vmem>>, vector<1x16xf32>,
      %get3A_2269 = vector.shape_cast %get3A_2268 : vector<1x16xf32> to vector<16xf32>
      %swap3A_2270 = arith.constant 0 : i32
      %swap3A_2271 = arith.index_cast %swap3A_2270 : i32 to index
      %swap3A_2272 = arith.constant 160 : index
      %swap3A_2273 = tpu.vector_load %arg7[%swap3A_2271, %swap3A_2272] {strides = array<i32>} : memref<77x768xf32, #tpu.memory_space<vmem>>, vector<1x16xf32>,
      %swap3A_2274 = vector.shape_cast %swap3A_2273 : vector<1x16xf32> to vector<16xf32>
      %swap3A_2275 = vector.shape_cast %get3A_2269 : vector<16xf32> to vector<1x16xf32>
      tpu.vector_store %arg7[%swap3A_2271, %swap3A_2272], %swap3A_2275 {strides = array<i32>} : memref<77x768xf32, #tpu.memory_space<vmem>>, vector<1x16xf32>,
      %get3A_2276 = arith.index_cast %and3A_2165 : i32 to index
      %get3A_2277 = arith.constant 176 : index
      %get3A_2278 = tpu.vector_load %arg8[%get3A_2276, %get3A_2277] {strides = array<i32>} : memref<8x768xf32, #tpu.memory_space<vmem>>, vector<1x16xf32>,
      %get3A_2279 = vector.shape_cast %get3A_2278 : vector<1x16xf32> to vector<16xf32>
      %swap3A_2280 = arith.constant 0 : i32
      %swap3A_2281 = arith.index_cast %swap3A_2280 : i32 to index
      %swap3A_2282 = arith.constant 176 : index
      %swap3A_2283 = tpu.vector_load %arg7[%swap3A_2281, %swap3A_2282] {strides = array<i32>} : memref<77x768xf32, #tpu.memory_space<vmem>>, vector<1x16xf32>,
      %swap3A_2284 = vector.shape_cast %swap3A_2283 : vector<1x16xf32> to vector<16xf32>
      %swap3A_2285 = vector.shape_cast %get3A_2279 : vector<16xf32> to vector<1x16xf32>
      tpu.vector_store %arg7[%swap3A_2281, %swap3A_2282], %swap3A_2285 {strides = array<i32>} : memref<77x768xf32, #tpu.memory_space<vmem>>, vector<1x16xf32>,
      %get3A_2286 = arith.index_cast %and3A_2165 : i32 to index
      %get3A_2287 = arith.constant 192 : index
      %get3A_2288 = tpu.vector_load %arg8[%get3A_2286, %get3A_2287] {strides = array<i32>} : memref<8x768xf32, #tpu.memory_space<vmem>>, vector<1x16xf32>,
      %get3A_2289 = vector.shape_cast %get3A_2288 : vector<1x16xf32> to vector<16xf32>
      %swap3A_2290 = arith.constant 0 : i32
      %swap3A_2291 = arith.index_cast %swap3A_2290 : i32 to index
      %swap3A_2292 = arith.constant 192 : index
      %swap3A_2293 = tpu.vector_load %arg7[%swap3A_2291, %swap3A_2292] {strides = array<i32>} : memref<77x768xf32, #tpu.memory_space<vmem>>, vector<1x16xf32>,
      %swap3A_2294 = vector.shape_cast %swap3A_2293 : vector<1x16xf32> to vector<16xf32>
      %swap3A_2295 = vector.shape_cast %get3A_2289 : vector<16xf32> to vector<1x16xf32>
      tpu.vector_store %arg7[%swap3A_2291, %swap3A_2292], %swap3A_2295 {strides = array<i32>} : memref<77x768xf32, #tpu.memory_space<vmem>>, vector<1x16xf32>,
      %get3A_2296 = arith.index_cast %and3A_2165 : i32 to index
      %get3A_2297 = arith.constant 208 : index
      %get3A_2298 = tpu.vector_load %arg8[%get3A_2296, %get3A_2297] {strides = array<i32>} : memref<8x768xf32, #tpu.memory_space<vmem>>, vector<1x16xf32>,
      %get3A_2299 = vector.shape_cast %get3A_2298 : vector<1x16xf32> to vector<16xf32>
      %swap3A_2300 = arith.constant 0 : i32
      %swap3A_2301 = arith.index_cast %swap3A_2300 : i32 to index
      %swap3A_2302 = arith.constant 208 : index
      %swap3A_2303 = tpu.vector_load %arg7[%swap3A_2301, %swap3A_2302] {strides = array<i32>} : memref<77x768xf32, #tpu.memory_space<vmem>>, vector<1x16xf32>,
      %swap3A_2304 = vector.shape_cast %swap3A_2303 : vector<1x16xf32> to vector<16xf32>
      %swap3A_2305 = vector.shape_cast %get3A_2299 : vector<16xf32> to vector<1x16xf32>
      tpu.vector_store %arg7[%swap3A_2301, %swap3A_2302], %swap3A_2305 {strides = array<i32>} : memref<77x768xf32, #tpu.memory_space<vmem>>, vector<1x16xf32>,
      %get3A_2306 = arith.index_cast %and3A_2165 : i32 to index
      %get3A_2307 = arith.constant 224 : index
      %get3A_2308 = tpu.vector_load %arg8[%get3A_2306, %get3A_2307] {strides = array<i32>} : memref<8x768xf32, #tpu.memory_space<vmem>>, vector<1x16xf32>,
      %get3A_2309 = vector.shape_cast %get3A_2308 : vector<1x16xf32> to vector<16xf32>
      %swap3A_2310 = arith.constant 0 : i32
      %swap3A_2311 = arith.index_cast %swap3A_2310 : i32 to index
      %swap3A_2312 = arith.constant 224 : index
      %swap3A_2313 = tpu.vector_load %arg7[%swap3A_2311, %swap3A_2312] {strides = array<i32>} : memref<77x768xf32, #tpu.memory_space<vmem>>, vector<1x16xf32>,
      %swap3A_2314 = vector.shape_cast %swap3A_2313 : vector<1x16xf32> to vector<16xf32>
      %swap3A_2315 = vector.shape_cast %get3A_2309 : vector<16xf32> to vector<1x16xf32>
      tpu.vector_store %arg7[%swap3A_2311, %swap3A_2312], %swap3A_2315 {strides = array<i32>} : memref<77x768xf32, #tpu.memory_space<vmem>>, vector<1x16xf32>,
      %get3A_2316 = arith.index_cast %and3A_2165 : i32 to index
      %get3A_2317 = arith.constant 240 : index
      %get3A_2318 = tpu.vector_load %arg8[%get3A_2316, %get3A_2317] {strides = array<i32>} : memref<8x768xf32, #tpu.memory_space<vmem>>, vector<1x16xf32>,
      %get3A_2319 = vector.shape_cast %get3A_2318 : vector<1x16xf32> to vector<16xf32>
      %swap3A_2320 = arith.constant 0 : i32
      %swap3A_2321 = arith.index_cast %swap3A_2320 : i32 to index
      %swap3A_2322 = arith.constant 240 : index
      %swap3A_2323 = tpu.vector_load %arg7[%swap3A_2321, %swap3A_2322] {strides = array<i32>} : memref<77x768xf32, #tpu.memory_space<vmem>>, vector<1x16xf32>,
      %swap3A_2324 = vector.shape_cast %swap3A_2323 : vector<1x16xf32> to vector<16xf32>
      %swap3A_2325 = vector.shape_cast %get3A_2319 : vector<16xf32> to vector<1x16xf32>
      tpu.vector_store %arg7[%swap3A_2321, %swap3A_2322], %swap3A_2325 {strides = array<i32>} : memref<77x768xf32, #tpu.memory_space<vmem>>, vector<1x16xf32>,
      %get3A_2326 = arith.index_cast %and3A_2165 : i32 to index
      %get3A_2327 = arith.constant 256 : index
      %get3A_2328 = tpu.vector_load %arg8[%get3A_2326, %get3A_2327] {strides = array<i32>} : memref<8x768xf32, #tpu.memory_space<vmem>>, vector<1x16xf32>,
      %get3A_2329 = vector.shape_cast %get3A_2328 : vector<1x16xf32> to vector<16xf32>
      %swap3A_2330 = arith.constant 0 : i32
      %swap3A_2331 = arith.index_cast %swap3A_2330 : i32 to index
      %swap3A_2332 = arith.constant 256 : index
      %swap3A_2333 = tpu.vector_load %arg7[%swap3A_2331, %swap3A_2332] {strides = array<i32>} : memref<77x768xf32, #tpu.memory_space<vmem>>, vector<1x16xf32>,
      %swap3A_2334 = vector.shape_cast %swap3A_2333 : vector<1x16xf32> to vector<16xf32>
      %swap3A_2335 = vector.shape_cast %get3A_2329 : vector<16xf32> to vector<1x16xf32>
      tpu.vector_store %arg7[%swap3A_2331, %swap3A_2332], %swap3A_2335 {strides = array<i32>} : memref<77x768xf32, #tpu.memory_space<vmem>>, vector<1x16xf32>,
      %get3A_2336 = arith.index_cast %and3A_2165 : i32 to index
      %get3A_2337 = arith.constant 272 : index
      %get3A_2338 = tpu.vector_load %arg8[%get3A_2336, %get3A_2337] {strides = array<i32>} : memref<8x768xf32, #tpu.memory_space<vmem>>, vector<1x16xf32>,
      %get3A_2339 = vector.shape_cast %get3A_2338 : vector<1x16xf32> to vector<16xf32>
      %swap3A_2340 = arith.constant 0 : i32
      %swap3A_2341 = arith.index_cast %swap3A_2340 : i32 to index
      %swap3A_2342 = arith.constant 272 : index
      %swap3A_2343 = tpu.vector_load %arg7[%swap3A_2341, %swap3A_2342] {strides = array<i32>} : memref<77x768xf32, #tpu.memory_space<vmem>>, vector<1x16xf32>,
      %swap3A_2344 = vector.shape_cast %swap3A_2343 : vector<1x16xf32> to vector<16xf32>
      %swap3A_2345 = vector.shape_cast %get3A_2339 : vector<16xf32> to vector<1x16xf32>
      tpu.vector_store %arg7[%swap3A_2341, %swap3A_2342], %swap3A_2345 {strides = array<i32>} : memref<77x768xf32, #tpu.memory_space<vmem>>, vector<1x16xf32>,
      %get3A_2346 = arith.index_cast %and3A_2165 : i32 to index
      %get3A_2347 = arith.constant 288 : index
      %get3A_2348 = tpu.vector_load %arg8[%get3A_2346, %get3A_2347] {strides = array<i32>} : memref<8x768xf32, #tpu.memory_space<vmem>>, vector<1x16xf32>,
      %get3A_2349 = vector.shape_cast %get3A_2348 : vector<1x16xf32> to vector<16xf32>
      %swap3A_2350 = arith.constant 0 : i32
      %swap3A_2351 = arith.index_cast %swap3A_2350 : i32 to index
      %swap3A_2352 = arith.constant 288 : index
      %swap3A_2353 = tpu.vector_load %arg7[%swap3A_2351, %swap3A_2352] {strides = array<i32>} : memref<77x768xf32, #tpu.memory_space<vmem>>, vector<1x16xf32>,
      %swap3A_2354 = vector.shape_cast %swap3A_2353 : vector<1x16xf32> to vector<16xf32>
      %swap3A_2355 = vector.shape_cast %get3A_2349 : vector<16xf32> to vector<1x16xf32>
      tpu.vector_store %arg7[%swap3A_2351, %swap3A_2352], %swap3A_2355 {strides = array<i32>} : memref<77x768xf32, #tpu.memory_space<vmem>>, vector<1x16xf32>,
      %get3A_2356 = arith.index_cast %and3A_2165 : i32 to index
      %get3A_2357 = arith.constant 304 : index
      %get3A_2358 = tpu.vector_load %arg8[%get3A_2356, %get3A_2357] {strides = array<i32>} : memref<8x768xf32, #tpu.memory_space<vmem>>, vector<1x16xf32>,
      %get3A_2359 = vector.shape_cast %get3A_2358 : vector<1x16xf32> to vector<16xf32>
      %swap3A_2360 = arith.constant 0 : i32
      %swap3A_2361 = arith.index_cast %swap3A_2360 : i32 to index
      %swap3A_2362 = arith.constant 304 : index
      %swap3A_2363 = tpu.vector_load %arg7[%swap3A_2361, %swap3A_2362] {strides = array<i32>} : memref<77x768xf32, #tpu.memory_space<vmem>>, vector<1x16xf32>,
      %swap3A_2364 = vector.shape_cast %swap3A_2363 : vector<1x16xf32> to vector<16xf32>
      %swap3A_2365 = vector.shape_cast %get3A_2359 : vector<16xf32> to vector<1x16xf32>
      tpu.vector_store %arg7[%swap3A_2361, %swap3A_2362], %swap3A_2365 {strides = array<i32>} : memref<77x768xf32, #tpu.memory_space<vmem>>, vector<1x16xf32>,
      %get3A_2366 = arith.index_cast %and3A_2165 : i32 to index
      %get3A_2367 = arith.constant 320 : index
      %get3A_2368 = tpu.vector_load %arg8[%get3A_2366, %get3A_2367] {strides = array<i32>} : memref<8x768xf32, #tpu.memory_space<vmem>>, vector<1x16xf32>,
      %get3A_2369 = vector.shape_cast %get3A_2368 : vector<1x16xf32> to vector<16xf32>
      %swap3A_2370 = arith.constant 0 : i32
      %swap3A_2371 = arith.index_cast %swap3A_2370 : i32 to index
      %swap3A_2372 = arith.constant 320 : index
      %swap3A_2373 = tpu.vector_load %arg7[%swap3A_2371, %swap3A_2372] {strides = array<i32>} : memref<77x768xf32, #tpu.memory_space<vmem>>, vector<1x16xf32>,
      %swap3A_2374 = vector.shape_cast %swap3A_2373 : vector<1x16xf32> to vector<16xf32>
      %swap3A_2375 = vector.shape_cast %get3A_2369 : vector<16xf32> to vector<1x16xf32>
      tpu.vector_store %arg7[%swap3A_2371, %swap3A_2372], %swap3A_2375 {strides = array<i32>} : memref<77x768xf32, #tpu.memory_space<vmem>>, vector<1x16xf32>,
      %get3A_2376 = arith.index_cast %and3A_2165 : i32 to index
      %get3A_2377 = arith.constant 336 : index
      %get3A_2378 = tpu.vector_load %arg8[%get3A_2376, %get3A_2377] {strides = array<i32>} : memref<8x768xf32, #tpu.memory_space<vmem>>, vector<1x16xf32>,
      %get3A_2379 = vector.shape_cast %get3A_2378 : vector<1x16xf32> to vector<16xf32>
      %swap3A_2380 = arith.constant 0 : i32
      %swap3A_2381 = arith.index_cast %swap3A_2380 : i32 to index
      %swap3A_2382 = arith.constant 336 : index
      %swap3A_2383 = tpu.vector_load %arg7[%swap3A_2381, %swap3A_2382] {strides = array<i32>} : memref<77x768xf32, #tpu.memory_space<vmem>>, vector<1x16xf32>,
      %swap3A_2384 = vector.shape_cast %swap3A_2383 : vector<1x16xf32> to vector<16xf32>
      %swap3A_2385 = vector.shape_cast %get3A_2379 : vector<16xf32> to vector<1x16xf32>
      tpu.vector_store %arg7[%swap3A_2381, %swap3A_2382], %swap3A_2385 {strides = array<i32>} : memref<77x768xf32, #tpu.memory_space<vmem>>, vector<1x16xf32>,
      %get3A_2386 = arith.index_cast %and3A_2165 : i32 to index
      %get3A_2387 = arith.constant 352 : index
      %get3A_2388 = tpu.vector_load %arg8[%get3A_2386, %get3A_2387] {strides = array<i32>} : memref<8x768xf32, #tpu.memory_space<vmem>>, vector<1x16xf32>,
      %get3A_2389 = vector.shape_cast %get3A_2388 : vector<1x16xf32> to vector<16xf32>
      %swap3A_2390 = arith.constant 0 : i32
      %swap3A_2391 = arith.index_cast %swap3A_2390 : i32 to index
      %swap3A_2392 = arith.constant 352 : index
      %swap3A_2393 = tpu.vector_load %arg7[%swap3A_2391, %swap3A_2392] {strides = array<i32>} : memref<77x768xf32, #tpu.memory_space<vmem>>, vector<1x16xf32>,
      %swap3A_2394 = vector.shape_cast %swap3A_2393 : vector<1x16xf32> to vector<16xf32>
      %swap3A_2395 = vector.shape_cast %get3A_2389 : vector<16xf32> to vector<1x16xf32>
      tpu.vector_store %arg7[%swap3A_2391, %swap3A_2392], %swap3A_2395 {strides = array<i32>} : memref<77x768xf32, #tpu.memory_space<vmem>>, vector<1x16xf32>,
      %get3A_2396 = arith.index_cast %and3A_2165 : i32 to index
      %get3A_2397 = arith.constant 368 : index
      %get3A_2398 = tpu.vector_load %arg8[%get3A_2396, %get3A_2397] {strides = array<i32>} : memref<8x768xf32, #tpu.memory_space<vmem>>, vector<1x16xf32>,
      %get3A_2399 = vector.shape_cast %get3A_2398 : vector<1x16xf32> to vector<16xf32>
      %swap3A_2400 = arith.constant 0 : i32
      %swap3A_2401 = arith.index_cast %swap3A_2400 : i32 to index
      %swap3A_2402 = arith.constant 368 : index
      %swap3A_2403 = tpu.vector_load %arg7[%swap3A_2401, %swap3A_2402] {strides = array<i32>} : memref<77x768xf32, #tpu.memory_space<vmem>>, vector<1x16xf32>,
      %swap3A_2404 = vector.shape_cast %swap3A_2403 : vector<1x16xf32> to vector<16xf32>
      %swap3A_2405 = vector.shape_cast %get3A_2399 : vector<16xf32> to vector<1x16xf32>
      tpu.vector_store %arg7[%swap3A_2401, %swap3A_2402], %swap3A_2405 {strides = array<i32>} : memref<77x768xf32, #tpu.memory_space<vmem>>, vector<1x16xf32>,
      %get3A_2406 = arith.index_cast %and3A_2165 : i32 to index
      %get3A_2407 = arith.constant 384 : index
      %get3A_2408 = tpu.vector_load %arg8[%get3A_2406, %get3A_2407] {strides = array<i32>} : memref<8x768xf32, #tpu.memory_space<vmem>>, vector<1x16xf32>,
      %get3A_2409 = vector.shape_cast %get3A_2408 : vector<1x16xf32> to vector<16xf32>
      %swap3A_2410 = arith.constant 0 : i32
      %swap3A_2411 = arith.index_cast %swap3A_2410 : i32 to index
      %swap3A_2412 = arith.constant 384 : index
      %swap3A_2413 = tpu.vector_load %arg7[%swap3A_2411, %swap3A_2412] {strides = array<i32>} : memref<77x768xf32, #tpu.memory_space<vmem>>, vector<1x16xf32>,
      %swap3A_2414 = vector.shape_cast %swap3A_2413 : vector<1x16xf32> to vector<16xf32>
      %swap3A_2415 = vector.shape_cast %get3A_2409 : vector<16xf32> to vector<1x16xf32>
      tpu.vector_store %arg7[%swap3A_2411, %swap3A_2412], %swap3A_2415 {strides = array<i32>} : memref<77x768xf32, #tpu.memory_space<vmem>>, vector<1x16xf32>,
      %get3A_2416 = arith.index_cast %and3A_2165 : i32 to index
      %get3A_2417 = arith.constant 400 : index
      %get3A_2418 = tpu.vector_load %arg8[%get3A_2416, %get3A_2417] {strides = array<i32>} : memref<8x768xf32, #tpu.memory_space<vmem>>, vector<1x16xf32>,
      %get3A_2419 = vector.shape_cast %get3A_2418 : vector<1x16xf32> to vector<16xf32>
      %swap3A_2420 = arith.constant 0 : i32
      %swap3A_2421 = arith.index_cast %swap3A_2420 : i32 to index
      %swap3A_2422 = arith.constant 400 : index
      %swap3A_2423 = tpu.vector_load %arg7[%swap3A_2421, %swap3A_2422] {strides = array<i32>} : memref<77x768xf32, #tpu.memory_space<vmem>>, vector<1x16xf32>,
      %swap3A_2424 = vector.shape_cast %swap3A_2423 : vector<1x16xf32> to vector<16xf32>
      %swap3A_2425 = vector.shape_cast %get3A_2419 : vector<16xf32> to vector<1x16xf32>
      tpu.vector_store %arg7[%swap3A_2421, %swap3A_2422], %swap3A_2425 {strides = array<i32>} : memref<77x768xf32, #tpu.memory_space<vmem>>, vector<1x16xf32>,
      %get3A_2426 = arith.index_cast %and3A_2165 : i32 to index
      %get3A_2427 = arith.constant 416 : index
      %get3A_2428 = tpu.vector_load %arg8[%get3A_2426, %get3A_2427] {strides = array<i32>} : memref<8x768xf32, #tpu.memory_space<vmem>>, vector<1x16xf32>,
      %get3A_2429 = vector.shape_cast %get3A_2428 : vector<1x16xf32> to vector<16xf32>
      %swap3A_2430 = arith.constant 0 : i32
      %swap3A_2431 = arith.index_cast %swap3A_2430 : i32 to index
      %swap3A_2432 = arith.constant 416 : index
      %swap3A_2433 = tpu.vector_load %arg7[%swap3A_2431, %swap3A_2432] {strides = array<i32>} : memref<77x768xf32, #tpu.memory_space<vmem>>, vector<1x16xf32>,
      %swap3A_2434 = vector.shape_cast %swap3A_2433 : vector<1x16xf32> to vector<16xf32>
      %swap3A_2435 = vector.shape_cast %get3A_2429 : vector<16xf32> to vector<1x16xf32>
      tpu.vector_store %arg7[%swap3A_2431, %swap3A_2432], %swap3A_2435 {strides = array<i32>} : memref<77x768xf32, #tpu.memory_space<vmem>>, vector<1x16xf32>,
      %get3A_2436 = arith.index_cast %and3A_2165 : i32 to index
      %get3A_2437 = arith.constant 432 : index
      %get3A_2438 = tpu.vector_load %arg8[%get3A_2436, %get3A_2437] {strides = array<i32>} : memref<8x768xf32, #tpu.memory_space<vmem>>, vector<1x16xf32>,
      %get3A_2439 = vector.shape_cast %get3A_2438 : vector<1x16xf32> to vector<16xf32>
      %swap3A_2440 = arith.constant 0 : i32
      %swap3A_2441 = arith.index_cast %swap3A_2440 : i32 to index
      %swap3A_2442 = arith.constant 432 : index
      %swap3A_2443 = tpu.vector_load %arg7[%swap3A_2441, %swap3A_2442] {strides = array<i32>} : memref<77x768xf32, #tpu.memory_space<vmem>>, vector<1x16xf32>,
      %swap3A_2444 = vector.shape_cast %swap3A_2443 : vector<1x16xf32> to vector<16xf32>
      %swap3A_2445 = vector.shape_cast %get3A_2439 : vector<16xf32> to vector<1x16xf32>
      tpu.vector_store %arg7[%swap3A_2441, %swap3A_2442], %swap3A_2445 {strides = array<i32>} : memref<77x768xf32, #tpu.memory_space<vmem>>, vector<1x16xf32>,
      %get3A_2446 = arith.index_cast %and3A_2165 : i32 to index
      %get3A_2447 = arith.constant 448 : index
      %get3A_2448 = tpu.vector_load %arg8[%get3A_2446, %get3A_2447] {strides = array<i32>} : memref<8x768xf32, #tpu.memory_space<vmem>>, vector<1x16xf32>,
      %get3A_2449 = vector.shape_cast %get3A_2448 : vector<1x16xf32> to vector<16xf32>
      %swap3A_2450 = arith.constant 0 : i32
      %swap3A_2451 = arith.index_cast %swap3A_2450 : i32 to index
      %swap3A_2452 = arith.constant 448 : index
      %swap3A_2453 = tpu.vector_load %arg7[%swap3A_2451, %swap3A_2452] {strides = array<i32>} : memref<77x768xf32, #tpu.memory_space<vmem>>, vector<1x16xf32>,
      %swap3A_2454 = vector.shape_cast %swap3A_2453 : vector<1x16xf32> to vector<16xf32>
      %swap3A_2455 = vector.shape_cast %get3A_2449 : vector<16xf32> to vector<1x16xf32>
      tpu.vector_store %arg7[%swap3A_2451, %swap3A_2452], %swap3A_2455 {strides = array<i32>} : memref<77x768xf32, #tpu.memory_space<vmem>>, vector<1x16xf32>,
      %get3A_2456 = arith.index_cast %and3A_2165 : i32 to index
      %get3A_2457 = arith.constant 464 : index
      %get3A_2458 = tpu.vector_load %arg8[%get3A_2456, %get3A_2457] {strides = array<i32>} : memref<8x768xf32, #tpu.memory_space<vmem>>, vector<1x16xf32>,
      %get3A_2459 = vector.shape_cast %get3A_2458 : vector<1x16xf32> to vector<16xf32>
      %swap3A_2460 = arith.constant 0 : i32
      %swap3A_2461 = arith.index_cast %swap3A_2460 : i32 to index
      %swap3A_2462 = arith.constant 464 : index
      %swap3A_2463 = tpu.vector_load %arg7[%swap3A_2461, %swap3A_2462] {strides = array<i32>} : memref<77x768xf32, #tpu.memory_space<vmem>>, vector<1x16xf32>,
      %swap3A_2464 = vector.shape_cast %swap3A_2463 : vector<1x16xf32> to vector<16xf32>
      %swap3A_2465 = vector.shape_cast %get3A_2459 : vector<16xf32> to vector<1x16xf32>
      tpu.vector_store %arg7[%swap3A_2461, %swap3A_2462], %swap3A_2465 {strides = array<i32>} : memref<77x768xf32, #tpu.memory_space<vmem>>, vector<1x16xf32>,
      %get3A_2466 = arith.index_cast %and3A_2165 : i32 to index
      %get3A_2467 = arith.constant 480 : index
      %get3A_2468 = tpu.vector_load %arg8[%get3A_2466, %get3A_2467] {strides = array<i32>} : memref<8x768xf32, #tpu.memory_space<vmem>>, vector<1x16xf32>,
      %get3A_2469 = vector.shape_cast %get3A_2468 : vector<1x16xf32> to vector<16xf32>
      %swap3A_2470 = arith.constant 0 : i32
      %swap3A_2471 = arith.index_cast %swap3A_2470 : i32 to index
      %swap3A_2472 = arith.constant 480 : index
      %swap3A_2473 = tpu.vector_load %arg7[%swap3A_2471, %swap3A_2472] {strides = array<i32>} : memref<77x768xf32, #tpu.memory_space<vmem>>, vector<1x16xf32>,
      %swap3A_2474 = vector.shape_cast %swap3A_2473 : vector<1x16xf32> to vector<16xf32>
      %swap3A_2475 = vector.shape_cast %get3A_2469 : vector<16xf32> to vector<1x16xf32>
      tpu.vector_store %arg7[%swap3A_2471, %swap3A_2472], %swap3A_2475 {strides = array<i32>} : memref<77x768xf32, #tpu.memory_space<vmem>>, vector<1x16xf32>,
      %get3A_2476 = arith.index_cast %and3A_2165 : i32 to index
      %get3A_2477 = arith.constant 496 : index
      %get3A_2478 = tpu.vector_load %arg8[%get3A_2476, %get3A_2477] {strides = array<i32>} : memref<8x768xf32, #tpu.memory_space<vmem>>, vector<1x16xf32>,
      %get3A_2479 = vector.shape_cast %get3A_2478 : vector<1x16xf32> to vector<16xf32>
      %swap3A_2480 = arith.constant 0 : i32
      %swap3A_2481 = arith.index_cast %swap3A_2480 : i32 to index
      %swap3A_2482 = arith.constant 496 : index
      %swap3A_2483 = tpu.vector_load %arg7[%swap3A_2481, %swap3A_2482] {strides = array<i32>} : memref<77x768xf32, #tpu.memory_space<vmem>>, vector<1x16xf32>,
      %swap3A_2484 = vector.shape_cast %swap3A_2483 : vector<1x16xf32> to vector<16xf32>
      %swap3A_2485 = vector.shape_cast %get3A_2479 : vector<16xf32> to vector<1x16xf32>
      tpu.vector_store %arg7[%swap3A_2481, %swap3A_2482], %swap3A_2485 {strides = array<i32>} : memref<77x768xf32, #tpu.memory_space<vmem>>, vector<1x16xf32>,
      %get3A_2486 = arith.index_cast %and3A_2165 : i32 to index
      %get3A_2487 = arith.constant 512 : index
      %get3A_2488 = tpu.vector_load %arg8[%get3A_2486, %get3A_2487] {strides = array<i32>} : memref<8x768xf32, #tpu.memory_space<vmem>>, vector<1x16xf32>,
      %get3A_2489 = vector.shape_cast %get3A_2488 : vector<1x16xf32> to vector<16xf32>
      %swap3A_2490 = arith.constant 0 : i32
      %swap3A_2491 = arith.index_cast %swap3A_2490 : i32 to index
      %swap3A_2492 = arith.constant 512 : index
      %swap3A_2493 = tpu.vector_load %arg7[%swap3A_2491, %swap3A_2492] {strides = array<i32>} : memref<77x768xf32, #tpu.memory_space<vmem>>, vector<1x16xf32>,
      %swap3A_2494 = vector.shape_cast %swap3A_2493 : vector<1x16xf32> to vector<16xf32>
      %swap3A_2495 = vector.shape_cast %get3A_2489 : vector<16xf32> to vector<1x16xf32>
      tpu.vector_store %arg7[%swap3A_2491, %swap3A_2492], %swap3A_2495 {strides = array<i32>} : memref<77x768xf32, #tpu.memory_space<vmem>>, vector<1x16xf32>,
      %get3A_2496 = arith.index_cast %and3A_2165 : i32 to index
      %get3A_2497 = arith.constant 528 : index
      %get3A_2498 = tpu.vector_load %arg8[%get3A_2496, %get3A_2497] {strides = array<i32>} : memref<8x768xf32, #tpu.memory_space<vmem>>, vector<1x16xf32>,
      %get3A_2499 = vector.shape_cast %get3A_2498 : vector<1x16xf32> to vector<16xf32>
      %swap3A_2500 = arith.constant 0 : i32
      %swap3A_2501 = arith.index_cast %swap3A_2500 : i32 to index
      %swap3A_2502 = arith.constant 528 : index
      %swap3A_2503 = tpu.vector_load %arg7[%swap3A_2501, %swap3A_2502] {strides = array<i32>} : memref<77x768xf32, #tpu.memory_space<vmem>>, vector<1x16xf32>,
      %swap3A_2504 = vector.shape_cast %swap3A_2503 : vector<1x16xf32> to vector<16xf32>
      %swap3A_2505 = vector.shape_cast %get3A_2499 : vector<16xf32> to vector<1x16xf32>
      tpu.vector_store %arg7[%swap3A_2501, %swap3A_2502], %swap3A_2505 {strides = array<i32>} : memref<77x768xf32, #tpu.memory_space<vmem>>, vector<1x16xf32>,
      %get3A_2506 = arith.index_cast %and3A_2165 : i32 to index
      %get3A_2507 = arith.constant 544 : index
      %get3A_2508 = tpu.vector_load %arg8[%get3A_2506, %get3A_2507] {strides = array<i32>} : memref<8x768xf32, #tpu.memory_space<vmem>>, vector<1x16xf32>,
      %get3A_2509 = vector.shape_cast %get3A_2508 : vector<1x16xf32> to vector<16xf32>
      %swap3A_2510 = arith.constant 0 : i32
      %swap3A_2511 = arith.index_cast %swap3A_2510 : i32 to index
      %swap3A_2512 = arith.constant 544 : index
      %swap3A_2513 = tpu.vector_load %arg7[%swap3A_2511, %swap3A_2512] {strides = array<i32>} : memref<77x768xf32, #tpu.memory_space<vmem>>, vector<1x16xf32>,
      %swap3A_2514 = vector.shape_cast %swap3A_2513 : vector<1x16xf32> to vector<16xf32>
      %swap3A_2515 = vector.shape_cast %get3A_2509 : vector<16xf32> to vector<1x16xf32>
      tpu.vector_store %arg7[%swap3A_2511, %swap3A_2512], %swap3A_2515 {strides = array<i32>} : memref<77x768xf32, #tpu.memory_space<vmem>>, vector<1x16xf32>,
      %get3A_2516 = arith.index_cast %and3A_2165 : i32 to index
      %get3A_2517 = arith.constant 560 : index
      %get3A_2518 = tpu.vector_load %arg8[%get3A_2516, %get3A_2517] {strides = array<i32>} : memref<8x768xf32, #tpu.memory_space<vmem>>, vector<1x16xf32>,
      %get3A_2519 = vector.shape_cast %get3A_2518 : vector<1x16xf32> to vector<16xf32>
      %swap3A_2520 = arith.constant 0 : i32
      %swap3A_2521 = arith.index_cast %swap3A_2520 : i32 to index
      %swap3A_2522 = arith.constant 560 : index
      %swap3A_2523 = tpu.vector_load %arg7[%swap3A_2521, %swap3A_2522] {strides = array<i32>} : memref<77x768xf32, #tpu.memory_space<vmem>>, vector<1x16xf32>,
      %swap3A_2524 = vector.shape_cast %swap3A_2523 : vector<1x16xf32> to vector<16xf32>
      %swap3A_2525 = vector.shape_cast %get3A_2519 : vector<16xf32> to vector<1x16xf32>
      tpu.vector_store %arg7[%swap3A_2521, %swap3A_2522], %swap3A_2525 {strides = array<i32>} : memref<77x768xf32, #tpu.memory_space<vmem>>, vector<1x16xf32>,
      %get3A_2526 = arith.index_cast %and3A_2165 : i32 to index
      %get3A_2527 = arith.constant 576 : index
      %get3A_2528 = tpu.vector_load %arg8[%get3A_2526, %get3A_2527] {strides = array<i32>} : memref<8x768xf32, #tpu.memory_space<vmem>>, vector<1x16xf32>,
      %get3A_2529 = vector.shape_cast %get3A_2528 : vector<1x16xf32> to vector<16xf32>
      %swap3A_2530 = arith.constant 0 : i32
      %swap3A_2531 = arith.index_cast %swap3A_2530 : i32 to index
      %swap3A_2532 = arith.constant 576 : index
      %swap3A_2533 = tpu.vector_load %arg7[%swap3A_2531, %swap3A_2532] {strides = array<i32>} : memref<77x768xf32, #tpu.memory_space<vmem>>, vector<1x16xf32>,
      %swap3A_2534 = vector.shape_cast %swap3A_2533 : vector<1x16xf32> to vector<16xf32>
      %swap3A_2535 = vector.shape_cast %get3A_2529 : vector<16xf32> to vector<1x16xf32>
      tpu.vector_store %arg7[%swap3A_2531, %swap3A_2532], %swap3A_2535 {strides = array<i32>} : memref<77x768xf32, #tpu.memory_space<vmem>>, vector<1x16xf32>,
      %get3A_2536 = arith.index_cast %and3A_2165 : i32 to index
      %get3A_2537 = arith.constant 592 : index
      %get3A_2538 = tpu.vector_load %arg8[%get3A_2536, %get3A_2537] {strides = array<i32>} : memref<8x768xf32, #tpu.memory_space<vmem>>, vector<1x16xf32>,
      %get3A_2539 = vector.shape_cast %get3A_2538 : vector<1x16xf32> to vector<16xf32>
      %swap3A_2540 = arith.constant 0 : i32
      %swap3A_2541 = arith.index_cast %swap3A_2540 : i32 to index
      %swap3A_2542 = arith.constant 592 : index
      %swap3A_2543 = tpu.vector_load %arg7[%swap3A_2541, %swap3A_2542] {strides = array<i32>} : memref<77x768xf32, #tpu.memory_space<vmem>>, vector<1x16xf32>,
      %swap3A_2544 = vector.shape_cast %swap3A_2543 : vector<1x16xf32> to vector<16xf32>
      %swap3A_2545 = vector.shape_cast %get3A_2539 : vector<16xf32> to vector<1x16xf32>
      tpu.vector_store %arg7[%swap3A_2541, %swap3A_2542], %swap3A_2545 {strides = array<i32>} : memref<77x768xf32, #tpu.memory_space<vmem>>, vector<1x16xf32>,
      %get3A_2546 = arith.index_cast %and3A_2165 : i32 to index
      %get3A_2547 = arith.constant 608 : index
      %get3A_2548 = tpu.vector_load %arg8[%get3A_2546, %get3A_2547] {strides = array<i32>} : memref<8x768xf32, #tpu.memory_space<vmem>>, vector<1x16xf32>,
      %get3A_2549 = vector.shape_cast %get3A_2548 : vector<1x16xf32> to vector<16xf32>
      %swap3A_2550 = arith.constant 0 : i32
      %swap3A_2551 = arith.index_cast %swap3A_2550 : i32 to index
      %swap3A_2552 = arith.constant 608 : index
      %swap3A_2553 = tpu.vector_load %arg7[%swap3A_2551, %swap3A_2552] {strides = array<i32>} : memref<77x768xf32, #tpu.memory_space<vmem>>, vector<1x16xf32>,
      %swap3A_2554 = vector.shape_cast %swap3A_2553 : vector<1x16xf32> to vector<16xf32>
      %swap3A_2555 = vector.shape_cast %get3A_2549 : vector<16xf32> to vector<1x16xf32>
      tpu.vector_store %arg7[%swap3A_2551, %swap3A_2552], %swap3A_2555 {strides = array<i32>} : memref<77x768xf32, #tpu.memory_space<vmem>>, vector<1x16xf32>,
      %get3A_2556 = arith.index_cast %and3A_2165 : i32 to index
      %get3A_2557 = arith.constant 624 : index
      %get3A_2558 = tpu.vector_load %arg8[%get3A_2556, %get3A_2557] {strides = array<i32>} : memref<8x768xf32, #tpu.memory_space<vmem>>, vector<1x16xf32>,
      %get3A_2559 = vector.shape_cast %get3A_2558 : vector<1x16xf32> to vector<16xf32>
      %swap3A_2560 = arith.constant 0 : i32
      %swap3A_2561 = arith.index_cast %swap3A_2560 : i32 to index
      %swap3A_2562 = arith.constant 624 : index
      %swap3A_2563 = tpu.vector_load %arg7[%swap3A_2561, %swap3A_2562] {strides = array<i32>} : memref<77x768xf32, #tpu.memory_space<vmem>>, vector<1x16xf32>,
      %swap3A_2564 = vector.shape_cast %swap3A_2563 : vector<1x16xf32> to vector<16xf32>
      %swap3A_2565 = vector.shape_cast %get3A_2559 : vector<16xf32> to vector<1x16xf32>
      tpu.vector_store %arg7[%swap3A_2561, %swap3A_2562], %swap3A_2565 {strides = array<i32>} : memref<77x768xf32, #tpu.memory_space<vmem>>, vector<1x16xf32>,
      %get3A_2566 = arith.index_cast %and3A_2165 : i32 to index
      %get3A_2567 = arith.constant 640 : index
      %get3A_2568 = tpu.vector_load %arg8[%get3A_2566, %get3A_2567] {strides = array<i32>} : memref<8x768xf32, #tpu.memory_space<vmem>>, vector<1x16xf32>,
      %get3A_2569 = vector.shape_cast %get3A_2568 : vector<1x16xf32> to vector<16xf32>
      %swap3A_2570 = arith.constant 0 : i32
      %swap3A_2571 = arith.index_cast %swap3A_2570 : i32 to index
      %swap3A_2572 = arith.constant 640 : index
      %swap3A_2573 = tpu.vector_load %arg7[%swap3A_2571, %swap3A_2572] {strides = array<i32>} : memref<77x768xf32, #tpu.memory_space<vmem>>, vector<1x16xf32>,
      %swap3A_2574 = vector.shape_cast %swap3A_2573 : vector<1x16xf32> to vector<16xf32>
      %swap3A_2575 = vector.shape_cast %get3A_2569 : vector<16xf32> to vector<1x16xf32>
      tpu.vector_store %arg7[%swap3A_2571, %swap3A_2572], %swap3A_2575 {strides = array<i32>} : memref<77x768xf32, #tpu.memory_space<vmem>>, vector<1x16xf32>,
      %get3A_2576 = arith.index_cast %and3A_2165 : i32 to index
      %get3A_2577 = arith.constant 656 : index
      %get3A_2578 = tpu.vector_load %arg8[%get3A_2576, %get3A_2577] {strides = array<i32>} : memref<8x768xf32, #tpu.memory_space<vmem>>, vector<1x16xf32>,
      %get3A_2579 = vector.shape_cast %get3A_2578 : vector<1x16xf32> to vector<16xf32>
      %swap3A_2580 = arith.constant 0 : i32
      %swap3A_2581 = arith.index_cast %swap3A_2580 : i32 to index
      %swap3A_2582 = arith.constant 656 : index
      %swap3A_2583 = tpu.vector_load %arg7[%swap3A_2581, %swap3A_2582] {strides = array<i32>} : memref<77x768xf32, #tpu.memory_space<vmem>>, vector<1x16xf32>,
      %swap3A_2584 = vector.shape_cast %swap3A_2583 : vector<1x16xf32> to vector<16xf32>
      %swap3A_2585 = vector.shape_cast %get3A_2579 : vector<16xf32> to vector<1x16xf32>
      tpu.vector_store %arg7[%swap3A_2581, %swap3A_2582], %swap3A_2585 {strides = array<i32>} : memref<77x768xf32, #tpu.memory_space<vmem>>, vector<1x16xf32>,
      %get3A_2586 = arith.index_cast %and3A_2165 : i32 to index
      %get3A_2587 = arith.constant 672 : index
      %get3A_2588 = tpu.vector_load %arg8[%get3A_2586, %get3A_2587] {strides = array<i32>} : memref<8x768xf32, #tpu.memory_space<vmem>>, vector<1x16xf32>,
      %get3A_2589 = vector.shape_cast %get3A_2588 : vector<1x16xf32> to vector<16xf32>
      %swap3A_2590 = arith.constant 0 : i32
      %swap3A_2591 = arith.index_cast %swap3A_2590 : i32 to index
      %swap3A_2592 = arith.constant 672 : index
      %swap3A_2593 = tpu.vector_load %arg7[%swap3A_2591, %swap3A_2592] {strides = array<i32>} : memref<77x768xf32, #tpu.memory_space<vmem>>, vector<1x16xf32>,
      %swap3A_2594 = vector.shape_cast %swap3A_2593 : vector<1x16xf32> to vector<16xf32>
      %swap3A_2595 = vector.shape_cast %get3A_2589 : vector<16xf32> to vector<1x16xf32>
      tpu.vector_store %arg7[%swap3A_2591, %swap3A_2592], %swap3A_2595 {strides = array<i32>} : memref<77x768xf32, #tpu.memory_space<vmem>>, vector<1x16xf32>,
      %get3A_2596 = arith.index_cast %and3A_2165 : i32 to index
      %get3A_2597 = arith.constant 688 : index
      %get3A_2598 = tpu.vector_load %arg8[%get3A_2596, %get3A_2597] {strides = array<i32>} : memref<8x768xf32, #tpu.memory_space<vmem>>, vector<1x16xf32>,
      %get3A_2599 = vector.shape_cast %get3A_2598 : vector<1x16xf32> to vector<16xf32>
      %swap3A_2600 = arith.constant 0 : i32
      %swap3A_2601 = arith.index_cast %swap3A_2600 : i32 to index
      %swap3A_2602 = arith.constant 688 : index
      %swap3A_2603 = tpu.vector_load %arg7[%swap3A_2601, %swap3A_2602] {strides = array<i32>} : memref<77x768xf32, #tpu.memory_space<vmem>>, vector<1x16xf32>,
      %swap3A_2604 = vector.shape_cast %swap3A_2603 : vector<1x16xf32> to vector<16xf32>
      %swap3A_2605 = vector.shape_cast %get3A_2599 : vector<16xf32> to vector<1x16xf32>
      tpu.vector_store %arg7[%swap3A_2601, %swap3A_2602], %swap3A_2605 {strides = array<i32>} : memref<77x768xf32, #tpu.memory_space<vmem>>, vector<1x16xf32>,
      %get3A_2606 = arith.index_cast %and3A_2165 : i32 to index
      %get3A_2607 = arith.constant 704 : index
      %get3A_2608 = tpu.vector_load %arg8[%get3A_2606, %get3A_2607] {strides = array<i32>} : memref<8x768xf32, #tpu.memory_space<vmem>>, vector<1x16xf32>,
      %get3A_2609 = vector.shape_cast %get3A_2608 : vector<1x16xf32> to vector<16xf32>
      %swap3A_2610 = arith.constant 0 : i32
      %swap3A_2611 = arith.index_cast %swap3A_2610 : i32 to index
      %swap3A_2612 = arith.constant 704 : index
      %swap3A_2613 = tpu.vector_load %arg7[%swap3A_2611, %swap3A_2612] {strides = array<i32>} : memref<77x768xf32, #tpu.memory_space<vmem>>, vector<1x16xf32>,
      %swap3A_2614 = vector.shape_cast %swap3A_2613 : vector<1x16xf32> to vector<16xf32>
      %swap3A_2615 = vector.shape_cast %get3A_2609 : vector<16xf32> to vector<1x16xf32>
      tpu.vector_store %arg7[%swap3A_2611, %swap3A_2612], %swap3A_2615 {strides = array<i32>} : memref<77x768xf32, #tpu.memory_space<vmem>>, vector<1x16xf32>,
      %get3A_2616 = arith.index_cast %and3A_2165 : i32 to index
      %get3A_2617 = arith.constant 720 : index
      %get3A_2618 = tpu.vector_load %arg8[%get3A_2616, %get3A_2617] {strides = array<i32>} : memref<8x768xf32, #tpu.memory_space<vmem>>, vector<1x16xf32>,
      %get3A_2619 = vector.shape_cast %get3A_2618 : vector<1x16xf32> to vector<16xf32>
      %swap3A_2620 = arith.constant 0 : i32
      %swap3A_2621 = arith.index_cast %swap3A_2620 : i32 to index
      %swap3A_2622 = arith.constant 720 : index
      %swap3A_2623 = tpu.vector_load %arg7[%swap3A_2621, %swap3A_2622] {strides = array<i32>} : memref<77x768xf32, #tpu.memory_space<vmem>>, vector<1x16xf32>,
      %swap3A_2624 = vector.shape_cast %swap3A_2623 : vector<1x16xf32> to vector<16xf32>
      %swap3A_2625 = vector.shape_cast %get3A_2619 : vector<16xf32> to vector<1x16xf32>
      tpu.vector_store %arg7[%swap3A_2621, %swap3A_2622], %swap3A_2625 {strides = array<i32>} : memref<77x768xf32, #tpu.memory_space<vmem>>, vector<1x16xf32>,
      %get3A_2626 = arith.index_cast %and3A_2165 : i32 to index
      %get3A_2627 = arith.constant 736 : index
      %get3A_2628 = tpu.vector_load %arg8[%get3A_2626, %get3A_2627] {strides = array<i32>} : memref<8x768xf32, #tpu.memory_space<vmem>>, vector<1x16xf32>,
      %get3A_2629 = vector.shape_cast %get3A_2628 : vector<1x16xf32> to vector<16xf32>
      %swap3A_2630 = arith.constant 0 : i32
      %swap3A_2631 = arith.index_cast %swap3A_2630 : i32 to index
      %swap3A_2632 = arith.constant 736 : index
      %swap3A_2633 = tpu.vector_load %arg7[%swap3A_2631, %swap3A_2632] {strides = array<i32>} : memref<77x768xf32, #tpu.memory_space<vmem>>, vector<1x16xf32>,
      %swap3A_2634 = vector.shape_cast %swap3A_2633 : vector<1x16xf32> to vector<16xf32>
      %swap3A_2635 = vector.shape_cast %get3A_2629 : vector<16xf32> to vector<1x16xf32>
      tpu.vector_store %arg7[%swap3A_2631, %swap3A_2632], %swap3A_2635 {strides = array<i32>} : memref<77x768xf32, #tpu.memory_space<vmem>>, vector<1x16xf32>,
      %get3A_2636 = arith.index_cast %and3A_2165 : i32 to index
      %get3A_2637 = arith.constant 752 : index
      %get3A_2638 = tpu.vector_load %arg8[%get3A_2636, %get3A_2637] {strides = array<i32>} : memref<8x768xf32, #tpu.memory_space<vmem>>, vector<1x16xf32>,
      %get3A_2639 = vector.shape_cast %get3A_2638 : vector<1x16xf32> to vector<16xf32>
      %swap3A_2640 = arith.constant 0 : i32
      %swap3A_2641 = arith.index_cast %swap3A_2640 : i32 to index
      %swap3A_2642 = arith.constant 752 : index
      %swap3A_2643 = tpu.vector_load %arg7[%swap3A_2641, %swap3A_2642] {strides = array<i32>} : memref<77x768xf32, #tpu.memory_space<vmem>>, vector<1x16xf32>,
      %swap3A_2644 = vector.shape_cast %swap3A_2643 : vector<1x16xf32> to vector<16xf32>
      %swap3A_2645 = vector.shape_cast %get3A_2639 : vector<16xf32> to vector<1x16xf32>
      tpu.vector_store %arg7[%swap3A_2641, %swap3A_2642], %swap3A_2645 {strides = array<i32>} : memref<77x768xf32, #tpu.memory_space<vmem>>, vector<1x16xf32>,
      %scan3A = arith.constant 0 : i32
      %scan3A_2646 = arith.constant 0 : i32
      %scan3A_2647 = arith.constant 72 : i32
      %scan3A_2648 = arith.addi %scan3A_2646, %scan3A_2647 : i32
      %scan3A_2649 = arith.constant 1 : i32
      scf.for %scan3A_2665 = %scan3A_2646 to %scan3A_2648 step %scan3A_2649  : i32 {
        %add3A_2666 = arith.constant 5 : i32
        %add3A_2667 = arith.addi %add3A_2666, %scan3A_2665 : i32
        %get3A_2668 = arith.index_cast %scan3A_2665 : i32 to index
        %get3A_2669 = arith.constant 0 : index
        %get3A_2670 = tpu.vector_load %arg6[%get3A_2668, %get3A_2669] {strides = array<i32>} : memref<72x768xf32, #tpu.memory_space<vmem>>, vector<1x16xf32>,
        %get3A_2671 = vector.shape_cast %get3A_2670 : vector<1x16xf32> to vector<16xf32>
        %swap3A_2672 = arith.index_cast %add3A_2667 : i32 to index
        %swap3A_2673 = arith.constant 0 : index
        %swap3A_2674 = tpu.vector_load %arg7[%swap3A_2672, %swap3A_2673] {strides = array<i32>} : memref<77x768xf32, #tpu.memory_space<vmem>>, vector<1x16xf32>,
        %swap3A_2675 = vector.shape_cast %swap3A_2674 : vector<1x16xf32> to vector<16xf32>
        %swap3A_2676 = vector.shape_cast %get3A_2671 : vector<16xf32> to vector<1x16xf32>
        tpu.vector_store %arg7[%swap3A_2672, %swap3A_2673], %swap3A_2676 {strides = array<i32>} : memref<77x768xf32, #tpu.memory_space<vmem>>, vector<1x16xf32>,
        %get3A_2677 = arith.index_cast %scan3A_2665 : i32 to index
        %get3A_2678 = arith.constant 16 : index
        %get3A_2679 = tpu.vector_load %arg6[%get3A_2677, %get3A_2678] {strides = array<i32>} : memref<72x768xf32, #tpu.memory_space<vmem>>, vector<1x16xf32>,
        %get3A_2680 = vector.shape_cast %get3A_2679 : vector<1x16xf32> to vector<16xf32>
        %swap3A_2681 = arith.index_cast %add3A_2667 : i32 to index
        %swap3A_2682 = arith.constant 16 : index
        %swap3A_2683 = tpu.vector_load %arg7[%swap3A_2681, %swap3A_2682] {strides = array<i32>} : memref<77x768xf32, #tpu.memory_space<vmem>>, vector<1x16xf32>,
        %swap3A_2684 = vector.shape_cast %swap3A_2683 : vector<1x16xf32> to vector<16xf32>
        %swap3A_2685 = vector.shape_cast %get3A_2680 : vector<16xf32> to vector<1x16xf32>
        tpu.vector_store %arg7[%swap3A_2681, %swap3A_2682], %swap3A_2685 {strides = array<i32>} : memref<77x768xf32, #tpu.memory_space<vmem>>, vector<1x16xf32>,
        %get3A_2686 = arith.index_cast %scan3A_2665 : i32 to index
        %get3A_2687 = arith.constant 32 : index
        %get3A_2688 = tpu.vector_load %arg6[%get3A_2686, %get3A_2687] {strides = array<i32>} : memref<72x768xf32, #tpu.memory_space<vmem>>, vector<1x16xf32>,
        %get3A_2689 = vector.shape_cast %get3A_2688 : vector<1x16xf32> to vector<16xf32>
        %swap3A_2690 = arith.index_cast %add3A_2667 : i32 to index
        %swap3A_2691 = arith.constant 32 : index
        %swap3A_2692 = tpu.vector_load %arg7[%swap3A_2690, %swap3A_2691] {strides = array<i32>} : memref<77x768xf32, #tpu.memory_space<vmem>>, vector<1x16xf32>,
        %swap3A_2693 = vector.shape_cast %swap3A_2692 : vector<1x16xf32> to vector<16xf32>
        %swap3A_2694 = vector.shape_cast %get3A_2689 : vector<16xf32> to vector<1x16xf32>
        tpu.vector_store %arg7[%swap3A_2690, %swap3A_2691], %swap3A_2694 {strides = array<i32>} : memref<77x768xf32, #tpu.memory_space<vmem>>, vector<1x16xf32>,
        %get3A_2695 = arith.index_cast %scan3A_2665 : i32 to index
        %get3A_2696 = arith.constant 48 : index
        %get3A_2697 = tpu.vector_load %arg6[%get3A_2695, %get3A_2696] {strides = array<i32>} : memref<72x768xf32, #tpu.memory_space<vmem>>, vector<1x16xf32>,
        %get3A_2698 = vector.shape_cast %get3A_2697 : vector<1x16xf32> to vector<16xf32>
        %swap3A_2699 = arith.index_cast %add3A_2667 : i32 to index
        %swap3A_2700 = arith.constant 48 : index
        %swap3A_2701 = tpu.vector_load %arg7[%swap3A_2699, %swap3A_2700] {strides = array<i32>} : memref<77x768xf32, #tpu.memory_space<vmem>>, vector<1x16xf32>,
        %swap3A_2702 = vector.shape_cast %swap3A_2701 : vector<1x16xf32> to vector<16xf32>
        %swap3A_2703 = vector.shape_cast %get3A_2698 : vector<16xf32> to vector<1x16xf32>
        tpu.vector_store %arg7[%swap3A_2699, %swap3A_2700], %swap3A_2703 {strides = array<i32>} : memref<77x768xf32, #tpu.memory_space<vmem>>, vector<1x16xf32>,
        %get3A_2704 = arith.index_cast %scan3A_2665 : i32 to index
        %get3A_2705 = arith.constant 64 : index
        %get3A_2706 = tpu.vector_load %arg6[%get3A_2704, %get3A_2705] {strides = array<i32>} : memref<72x768xf32, #tpu.memory_space<vmem>>, vector<1x16xf32>,
        %get3A_2707 = vector.shape_cast %get3A_2706 : vector<1x16xf32> to vector<16xf32>
        %swap3A_2708 = arith.index_cast %add3A_2667 : i32 to index
        %swap3A_2709 = arith.constant 64 : index
        %swap3A_2710 = tpu.vector_load %arg7[%swap3A_2708, %swap3A_2709] {strides = array<i32>} : memref<77x768xf32, #tpu.memory_space<vmem>>, vector<1x16xf32>,
        %swap3A_2711 = vector.shape_cast %swap3A_2710 : vector<1x16xf32> to vector<16xf32>
        %swap3A_2712 = vector.shape_cast %get3A_2707 : vector<16xf32> to vector<1x16xf32>
        tpu.vector_store %arg7[%swap3A_2708, %swap3A_2709], %swap3A_2712 {strides = array<i32>} : memref<77x768xf32, #tpu.memory_space<vmem>>, vector<1x16xf32>,
        %get3A_2713 = arith.index_cast %scan3A_2665 : i32 to index
        %get3A_2714 = arith.constant 80 : index
        %get3A_2715 = tpu.vector_load %arg6[%get3A_2713, %get3A_2714] {strides = array<i32>} : memref<72x768xf32, #tpu.memory_space<vmem>>, vector<1x16xf32>,
        %get3A_2716 = vector.shape_cast %get3A_2715 : vector<1x16xf32> to vector<16xf32>
        %swap3A_2717 = arith.index_cast %add3A_2667 : i32 to index
        %swap3A_2718 = arith.constant 80 : index
        %swap3A_2719 = tpu.vector_load %arg7[%swap3A_2717, %swap3A_2718] {strides = array<i32>} : memref<77x768xf32, #tpu.memory_space<vmem>>, vector<1x16xf32>,
        %swap3A_2720 = vector.shape_cast %swap3A_2719 : vector<1x16xf32> to vector<16xf32>
        %swap3A_2721 = vector.shape_cast %get3A_2716 : vector<16xf32> to vector<1x16xf32>
        tpu.vector_store %arg7[%swap3A_2717, %swap3A_2718], %swap3A_2721 {strides = array<i32>} : memref<77x768xf32, #tpu.memory_space<vmem>>, vector<1x16xf32>,
        %get3A_2722 = arith.index_cast %scan3A_2665 : i32 to index
        %get3A_2723 = arith.constant 96 : index
        %get3A_2724 = tpu.vector_load %arg6[%get3A_2722, %get3A_2723] {strides = array<i32>} : memref<72x768xf32, #tpu.memory_space<vmem>>, vector<1x16xf32>,
        %get3A_2725 = vector.shape_cast %get3A_2724 : vector<1x16xf32> to vector<16xf32>
        %swap3A_2726 = arith.index_cast %add3A_2667 : i32 to index
        %swap3A_2727 = arith.constant 96 : index
        %swap3A_2728 = tpu.vector_load %arg7[%swap3A_2726, %swap3A_2727] {strides = array<i32>} : memref<77x768xf32, #tpu.memory_space<vmem>>, vector<1x16xf32>,
        %swap3A_2729 = vector.shape_cast %swap3A_2728 : vector<1x16xf32> to vector<16xf32>
        %swap3A_2730 = vector.shape_cast %get3A_2725 : vector<16xf32> to vector<1x16xf32>
        tpu.vector_store %arg7[%swap3A_2726, %swap3A_2727], %swap3A_2730 {strides = array<i32>} : memref<77x768xf32, #tpu.memory_space<vmem>>, vector<1x16xf32>,
        %get3A_2731 = arith.index_cast %scan3A_2665 : i32 to index
        %get3A_2732 = arith.constant 112 : index
        %get3A_2733 = tpu.vector_load %arg6[%get3A_2731, %get3A_2732] {strides = array<i32>} : memref<72x768xf32, #tpu.memory_space<vmem>>, vector<1x16xf32>,
        %get3A_2734 = vector.shape_cast %get3A_2733 : vector<1x16xf32> to vector<16xf32>
        %swap3A_2735 = arith.index_cast %add3A_2667 : i32 to index
        %swap3A_2736 = arith.constant 112 : index
        %swap3A_2737 = tpu.vector_load %arg7[%swap3A_2735, %swap3A_2736] {strides = array<i32>} : memref<77x768xf32, #tpu.memory_space<vmem>>, vector<1x16xf32>,
        %swap3A_2738 = vector.shape_cast %swap3A_2737 : vector<1x16xf32> to vector<16xf32>
        %swap3A_2739 = vector.shape_cast %get3A_2734 : vector<16xf32> to vector<1x16xf32>
        tpu.vector_store %arg7[%swap3A_2735, %swap3A_2736], %swap3A_2739 {strides = array<i32>} : memref<77x768xf32, #tpu.memory_space<vmem>>, vector<1x16xf32>,
        %get3A_2740 = arith.index_cast %scan3A_2665 : i32 to index
        %get3A_2741 = arith.constant 128 : index
        %get3A_2742 = tpu.vector_load %arg6[%get3A_2740, %get3A_2741] {strides = array<i32>} : memref<72x768xf32, #tpu.memory_space<vmem>>, vector<1x16xf32>,
        %get3A_2743 = vector.shape_cast %get3A_2742 : vector<1x16xf32> to vector<16xf32>
        %swap3A_2744 = arith.index_cast %add3A_2667 : i32 to index
        %swap3A_2745 = arith.constant 128 : index
        %swap3A_2746 = tpu.vector_load %arg7[%swap3A_2744, %swap3A_2745] {strides = array<i32>} : memref<77x768xf32, #tpu.memory_space<vmem>>, vector<1x16xf32>,
        %swap3A_2747 = vector.shape_cast %swap3A_2746 : vector<1x16xf32> to vector<16xf32>
        %swap3A_2748 = vector.shape_cast %get3A_2743 : vector<16xf32> to vector<1x16xf32>
        tpu.vector_store %arg7[%swap3A_2744, %swap3A_2745], %swap3A_2748 {strides = array<i32>} : memref<77x768xf32, #tpu.memory_space<vmem>>, vector<1x16xf32>,
        %get3A_2749 = arith.index_cast %scan3A_2665 : i32 to index
        %get3A_2750 = arith.constant 144 : index
        %get3A_2751 = tpu.vector_load %arg6[%get3A_2749, %get3A_2750] {strides = array<i32>} : memref<72x768xf32, #tpu.memory_space<vmem>>, vector<1x16xf32>,
        %get3A_2752 = vector.shape_cast %get3A_2751 : vector<1x16xf32> to vector<16xf32>
        %swap3A_2753 = arith.index_cast %add3A_2667 : i32 to index
        %swap3A_2754 = arith.constant 144 : index
        %swap3A_2755 = tpu.vector_load %arg7[%swap3A_2753, %swap3A_2754] {strides = array<i32>} : memref<77x768xf32, #tpu.memory_space<vmem>>, vector<1x16xf32>,
        %swap3A_2756 = vector.shape_cast %swap3A_2755 : vector<1x16xf32> to vector<16xf32>
        %swap3A_2757 = vector.shape_cast %get3A_2752 : vector<16xf32> to vector<1x16xf32>
        tpu.vector_store %arg7[%swap3A_2753, %swap3A_2754], %swap3A_2757 {strides = array<i32>} : memref<77x768xf32, #tpu.memory_space<vmem>>, vector<1x16xf32>,
        %get3A_2758 = arith.index_cast %scan3A_2665 : i32 to index
        %get3A_2759 = arith.constant 160 : index
        %get3A_2760 = tpu.vector_load %arg6[%get3A_2758, %get3A_2759] {strides = array<i32>} : memref<72x768xf32, #tpu.memory_space<vmem>>, vector<1x16xf32>,
        %get3A_2761 = vector.shape_cast %get3A_2760 : vector<1x16xf32> to vector<16xf32>
        %swap3A_2762 = arith.index_cast %add3A_2667 : i32 to index
        %swap3A_2763 = arith.constant 160 : index
        %swap3A_2764 = tpu.vector_load %arg7[%swap3A_2762, %swap3A_2763] {strides = array<i32>} : memref<77x768xf32, #tpu.memory_space<vmem>>, vector<1x16xf32>,
        %swap3A_2765 = vector.shape_cast %swap3A_2764 : vector<1x16xf32> to vector<16xf32>
        %swap3A_2766 = vector.shape_cast %get3A_2761 : vector<16xf32> to vector<1x16xf32>
        tpu.vector_store %arg7[%swap3A_2762, %swap3A_2763], %swap3A_2766 {strides = array<i32>} : memref<77x768xf32, #tpu.memory_space<vmem>>, vector<1x16xf32>,
        %get3A_2767 = arith.index_cast %scan3A_2665 : i32 to index
        %get3A_2768 = arith.constant 176 : index
        %get3A_2769 = tpu.vector_load %arg6[%get3A_2767, %get3A_2768] {strides = array<i32>} : memref<72x768xf32, #tpu.memory_space<vmem>>, vector<1x16xf32>,
        %get3A_2770 = vector.shape_cast %get3A_2769 : vector<1x16xf32> to vector<16xf32>
        %swap3A_2771 = arith.index_cast %add3A_2667 : i32 to index
        %swap3A_2772 = arith.constant 176 : index
        %swap3A_2773 = tpu.vector_load %arg7[%swap3A_2771, %swap3A_2772] {strides = array<i32>} : memref<77x768xf32, #tpu.memory_space<vmem>>, vector<1x16xf32>,
        %swap3A_2774 = vector.shape_cast %swap3A_2773 : vector<1x16xf32> to vector<16xf32>
        %swap3A_2775 = vector.shape_cast %get3A_2770 : vector<16xf32> to vector<1x16xf32>
        tpu.vector_store %arg7[%swap3A_2771, %swap3A_2772], %swap3A_2775 {strides = array<i32>} : memref<77x768xf32, #tpu.memory_space<vmem>>, vector<1x16xf32>,
        %get3A_2776 = arith.index_cast %scan3A_2665 : i32 to index
        %get3A_2777 = arith.constant 192 : index
        %get3A_2778 = tpu.vector_load %arg6[%get3A_2776, %get3A_2777] {strides = array<i32>} : memref<72x768xf32, #tpu.memory_space<vmem>>, vector<1x16xf32>,
        %get3A_2779 = vector.shape_cast %get3A_2778 : vector<1x16xf32> to vector<16xf32>
        %swap3A_2780 = arith.index_cast %add3A_2667 : i32 to index
        %swap3A_2781 = arith.constant 192 : index
        %swap3A_2782 = tpu.vector_load %arg7[%swap3A_2780, %swap3A_2781] {strides = array<i32>} : memref<77x768xf32, #tpu.memory_space<vmem>>, vector<1x16xf32>,
        %swap3A_2783 = vector.shape_cast %swap3A_2782 : vector<1x16xf32> to vector<16xf32>
        %swap3A_2784 = vector.shape_cast %get3A_2779 : vector<16xf32> to vector<1x16xf32>
        tpu.vector_store %arg7[%swap3A_2780, %swap3A_2781], %swap3A_2784 {strides = array<i32>} : memref<77x768xf32, #tpu.memory_space<vmem>>, vector<1x16xf32>,
        %get3A_2785 = arith.index_cast %scan3A_2665 : i32 to index
        %get3A_2786 = arith.constant 208 : index
        %get3A_2787 = tpu.vector_load %arg6[%get3A_2785, %get3A_2786] {strides = array<i32>} : memref<72x768xf32, #tpu.memory_space<vmem>>, vector<1x16xf32>,
        %get3A_2788 = vector.shape_cast %get3A_2787 : vector<1x16xf32> to vector<16xf32>
        %swap3A_2789 = arith.index_cast %add3A_2667 : i32 to index
        %swap3A_2790 = arith.constant 208 : index
        %swap3A_2791 = tpu.vector_load %arg7[%swap3A_2789, %swap3A_2790] {strides = array<i32>} : memref<77x768xf32, #tpu.memory_space<vmem>>, vector<1x16xf32>,
        %swap3A_2792 = vector.shape_cast %swap3A_2791 : vector<1x16xf32> to vector<16xf32>
        %swap3A_2793 = vector.shape_cast %get3A_2788 : vector<16xf32> to vector<1x16xf32>
        tpu.vector_store %arg7[%swap3A_2789, %swap3A_2790], %swap3A_2793 {strides = array<i32>} : memref<77x768xf32, #tpu.memory_space<vmem>>, vector<1x16xf32>,
        %get3A_2794 = arith.index_cast %scan3A_2665 : i32 to index
        %get3A_2795 = arith.constant 224 : index
        %get3A_2796 = tpu.vector_load %arg6[%get3A_2794, %get3A_2795] {strides = array<i32>} : memref<72x768xf32, #tpu.memory_space<vmem>>, vector<1x16xf32>,
        %get3A_2797 = vector.shape_cast %get3A_2796 : vector<1x16xf32> to vector<16xf32>
        %swap3A_2798 = arith.index_cast %add3A_2667 : i32 to index
        %swap3A_2799 = arith.constant 224 : index
        %swap3A_2800 = tpu.vector_load %arg7[%swap3A_2798, %swap3A_2799] {strides = array<i32>} : memref<77x768xf32, #tpu.memory_space<vmem>>, vector<1x16xf32>,
        %swap3A_2801 = vector.shape_cast %swap3A_2800 : vector<1x16xf32> to vector<16xf32>
        %swap3A_2802 = vector.shape_cast %get3A_2797 : vector<16xf32> to vector<1x16xf32>
        tpu.vector_store %arg7[%swap3A_2798, %swap3A_2799], %swap3A_2802 {strides = array<i32>} : memref<77x768xf32, #tpu.memory_space<vmem>>, vector<1x16xf32>,
        %get3A_2803 = arith.index_cast %scan3A_2665 : i32 to index
        %get3A_2804 = arith.constant 240 : index
        %get3A_2805 = tpu.vector_load %arg6[%get3A_2803, %get3A_2804] {strides = array<i32>} : memref<72x768xf32, #tpu.memory_space<vmem>>, vector<1x16xf32>,
        %get3A_2806 = vector.shape_cast %get3A_2805 : vector<1x16xf32> to vector<16xf32>
        %swap3A_2807 = arith.index_cast %add3A_2667 : i32 to index
        %swap3A_2808 = arith.constant 240 : index
        %swap3A_2809 = tpu.vector_load %arg7[%swap3A_2807, %swap3A_2808] {strides = array<i32>} : memref<77x768xf32, #tpu.memory_space<vmem>>, vector<1x16xf32>,
        %swap3A_2810 = vector.shape_cast %swap3A_2809 : vector<1x16xf32> to vector<16xf32>
        %swap3A_2811 = vector.shape_cast %get3A_2806 : vector<16xf32> to vector<1x16xf32>
        tpu.vector_store %arg7[%swap3A_2807, %swap3A_2808], %swap3A_2811 {strides = array<i32>} : memref<77x768xf32, #tpu.memory_space<vmem>>, vector<1x16xf32>,
        %get3A_2812 = arith.index_cast %scan3A_2665 : i32 to index
        %get3A_2813 = arith.constant 256 : index
        %get3A_2814 = tpu.vector_load %arg6[%get3A_2812, %get3A_2813] {strides = array<i32>} : memref<72x768xf32, #tpu.memory_space<vmem>>, vector<1x16xf32>,
        %get3A_2815 = vector.shape_cast %get3A_2814 : vector<1x16xf32> to vector<16xf32>
        %swap3A_2816 = arith.index_cast %add3A_2667 : i32 to index
        %swap3A_2817 = arith.constant 256 : index
        %swap3A_2818 = tpu.vector_load %arg7[%swap3A_2816, %swap3A_2817] {strides = array<i32>} : memref<77x768xf32, #tpu.memory_space<vmem>>, vector<1x16xf32>,
        %swap3A_2819 = vector.shape_cast %swap3A_2818 : vector<1x16xf32> to vector<16xf32>
        %swap3A_2820 = vector.shape_cast %get3A_2815 : vector<16xf32> to vector<1x16xf32>
        tpu.vector_store %arg7[%swap3A_2816, %swap3A_2817], %swap3A_2820 {strides = array<i32>} : memref<77x768xf32, #tpu.memory_space<vmem>>, vector<1x16xf32>,
        %get3A_2821 = arith.index_cast %scan3A_2665 : i32 to index
        %get3A_2822 = arith.constant 272 : index
        %get3A_2823 = tpu.vector_load %arg6[%get3A_2821, %get3A_2822] {strides = array<i32>} : memref<72x768xf32, #tpu.memory_space<vmem>>, vector<1x16xf32>,
        %get3A_2824 = vector.shape_cast %get3A_2823 : vector<1x16xf32> to vector<16xf32>
        %swap3A_2825 = arith.index_cast %add3A_2667 : i32 to index
        %swap3A_2826 = arith.constant 272 : index
        %swap3A_2827 = tpu.vector_load %arg7[%swap3A_2825, %swap3A_2826] {strides = array<i32>} : memref<77x768xf32, #tpu.memory_space<vmem>>, vector<1x16xf32>,
        %swap3A_2828 = vector.shape_cast %swap3A_2827 : vector<1x16xf32> to vector<16xf32>
        %swap3A_2829 = vector.shape_cast %get3A_2824 : vector<16xf32> to vector<1x16xf32>
        tpu.vector_store %arg7[%swap3A_2825, %swap3A_2826], %swap3A_2829 {strides = array<i32>} : memref<77x768xf32, #tpu.memory_space<vmem>>, vector<1x16xf32>,
        %get3A_2830 = arith.index_cast %scan3A_2665 : i32 to index
        %get3A_2831 = arith.constant 288 : index
        %get3A_2832 = tpu.vector_load %arg6[%get3A_2830, %get3A_2831] {strides = array<i32>} : memref<72x768xf32, #tpu.memory_space<vmem>>, vector<1x16xf32>,
        %get3A_2833 = vector.shape_cast %get3A_2832 : vector<1x16xf32> to vector<16xf32>
        %swap3A_2834 = arith.index_cast %add3A_2667 : i32 to index
        %swap3A_2835 = arith.constant 288 : index
        %swap3A_2836 = tpu.vector_load %arg7[%swap3A_2834, %swap3A_2835] {strides = array<i32>} : memref<77x768xf32, #tpu.memory_space<vmem>>, vector<1x16xf32>,
        %swap3A_2837 = vector.shape_cast %swap3A_2836 : vector<1x16xf32> to vector<16xf32>
        %swap3A_2838 = vector.shape_cast %get3A_2833 : vector<16xf32> to vector<1x16xf32>
        tpu.vector_store %arg7[%swap3A_2834, %swap3A_2835], %swap3A_2838 {strides = array<i32>} : memref<77x768xf32, #tpu.memory_space<vmem>>, vector<1x16xf32>,
        %get3A_2839 = arith.index_cast %scan3A_2665 : i32 to index
        %get3A_2840 = arith.constant 304 : index
        %get3A_2841 = tpu.vector_load %arg6[%get3A_2839, %get3A_2840] {strides = array<i32>} : memref<72x768xf32, #tpu.memory_space<vmem>>, vector<1x16xf32>,
        %get3A_2842 = vector.shape_cast %get3A_2841 : vector<1x16xf32> to vector<16xf32>
        %swap3A_2843 = arith.index_cast %add3A_2667 : i32 to index
        %swap3A_2844 = arith.constant 304 : index
        %swap3A_2845 = tpu.vector_load %arg7[%swap3A_2843, %swap3A_2844] {strides = array<i32>} : memref<77x768xf32, #tpu.memory_space<vmem>>, vector<1x16xf32>,
        %swap3A_2846 = vector.shape_cast %swap3A_2845 : vector<1x16xf32> to vector<16xf32>
        %swap3A_2847 = vector.shape_cast %get3A_2842 : vector<16xf32> to vector<1x16xf32>
        tpu.vector_store %arg7[%swap3A_2843, %swap3A_2844], %swap3A_2847 {strides = array<i32>} : memref<77x768xf32, #tpu.memory_space<vmem>>, vector<1x16xf32>,
        %get3A_2848 = arith.index_cast %scan3A_2665 : i32 to index
        %get3A_2849 = arith.constant 320 : index
        %get3A_2850 = tpu.vector_load %arg6[%get3A_2848, %get3A_2849] {strides = array<i32>} : memref<72x768xf32, #tpu.memory_space<vmem>>, vector<1x16xf32>,
        %get3A_2851 = vector.shape_cast %get3A_2850 : vector<1x16xf32> to vector<16xf32>
        %swap3A_2852 = arith.index_cast %add3A_2667 : i32 to index
        %swap3A_2853 = arith.constant 320 : index
        %swap3A_2854 = tpu.vector_load %arg7[%swap3A_2852, %swap3A_2853] {strides = array<i32>} : memref<77x768xf32, #tpu.memory_space<vmem>>, vector<1x16xf32>,
        %swap3A_2855 = vector.shape_cast %swap3A_2854 : vector<1x16xf32> to vector<16xf32>
        %swap3A_2856 = vector.shape_cast %get3A_2851 : vector<16xf32> to vector<1x16xf32>
        tpu.vector_store %arg7[%swap3A_2852, %swap3A_2853], %swap3A_2856 {strides = array<i32>} : memref<77x768xf32, #tpu.memory_space<vmem>>, vector<1x16xf32>,
        %get3A_2857 = arith.index_cast %scan3A_2665 : i32 to index
        %get3A_2858 = arith.constant 336 : index
        %get3A_2859 = tpu.vector_load %arg6[%get3A_2857, %get3A_2858] {strides = array<i32>} : memref<72x768xf32, #tpu.memory_space<vmem>>, vector<1x16xf32>,
        %get3A_2860 = vector.shape_cast %get3A_2859 : vector<1x16xf32> to vector<16xf32>
        %swap3A_2861 = arith.index_cast %add3A_2667 : i32 to index
        %swap3A_2862 = arith.constant 336 : index
        %swap3A_2863 = tpu.vector_load %arg7[%swap3A_2861, %swap3A_2862] {strides = array<i32>} : memref<77x768xf32, #tpu.memory_space<vmem>>, vector<1x16xf32>,
        %swap3A_2864 = vector.shape_cast %swap3A_2863 : vector<1x16xf32> to vector<16xf32>
        %swap3A_2865 = vector.shape_cast %get3A_2860 : vector<16xf32> to vector<1x16xf32>
        tpu.vector_store %arg7[%swap3A_2861, %swap3A_2862], %swap3A_2865 {strides = array<i32>} : memref<77x768xf32, #tpu.memory_space<vmem>>, vector<1x16xf32>,
        %get3A_2866 = arith.index_cast %scan3A_2665 : i32 to index
        %get3A_2867 = arith.constant 352 : index
        %get3A_2868 = tpu.vector_load %arg6[%get3A_2866, %get3A_2867] {strides = array<i32>} : memref<72x768xf32, #tpu.memory_space<vmem>>, vector<1x16xf32>,
        %get3A_2869 = vector.shape_cast %get3A_2868 : vector<1x16xf32> to vector<16xf32>
        %swap3A_2870 = arith.index_cast %add3A_2667 : i32 to index
        %swap3A_2871 = arith.constant 352 : index
        %swap3A_2872 = tpu.vector_load %arg7[%swap3A_2870, %swap3A_2871] {strides = array<i32>} : memref<77x768xf32, #tpu.memory_space<vmem>>, vector<1x16xf32>,
        %swap3A_2873 = vector.shape_cast %swap3A_2872 : vector<1x16xf32> to vector<16xf32>
        %swap3A_2874 = vector.shape_cast %get3A_2869 : vector<16xf32> to vector<1x16xf32>
        tpu.vector_store %arg7[%swap3A_2870, %swap3A_2871], %swap3A_2874 {strides = array<i32>} : memref<77x768xf32, #tpu.memory_space<vmem>>, vector<1x16xf32>,
        %get3A_2875 = arith.index_cast %scan3A_2665 : i32 to index
        %get3A_2876 = arith.constant 368 : index
        %get3A_2877 = tpu.vector_load %arg6[%get3A_2875, %get3A_2876] {strides = array<i32>} : memref<72x768xf32, #tpu.memory_space<vmem>>, vector<1x16xf32>,
        %get3A_2878 = vector.shape_cast %get3A_2877 : vector<1x16xf32> to vector<16xf32>
        %swap3A_2879 = arith.index_cast %add3A_2667 : i32 to index
        %swap3A_2880 = arith.constant 368 : index
        %swap3A_2881 = tpu.vector_load %arg7[%swap3A_2879, %swap3A_2880] {strides = array<i32>} : memref<77x768xf32, #tpu.memory_space<vmem>>, vector<1x16xf32>,
        %swap3A_2882 = vector.shape_cast %swap3A_2881 : vector<1x16xf32> to vector<16xf32>
        %swap3A_2883 = vector.shape_cast %get3A_2878 : vector<16xf32> to vector<1x16xf32>
        tpu.vector_store %arg7[%swap3A_2879, %swap3A_2880], %swap3A_2883 {strides = array<i32>} : memref<77x768xf32, #tpu.memory_space<vmem>>, vector<1x16xf32>,
        %get3A_2884 = arith.index_cast %scan3A_2665 : i32 to index
        %get3A_2885 = arith.constant 384 : index
        %get3A_2886 = tpu.vector_load %arg6[%get3A_2884, %get3A_2885] {strides = array<i32>} : memref<72x768xf32, #tpu.memory_space<vmem>>, vector<1x16xf32>,
        %get3A_2887 = vector.shape_cast %get3A_2886 : vector<1x16xf32> to vector<16xf32>
        %swap3A_2888 = arith.index_cast %add3A_2667 : i32 to index
        %swap3A_2889 = arith.constant 384 : index
        %swap3A_2890 = tpu.vector_load %arg7[%swap3A_2888, %swap3A_2889] {strides = array<i32>} : memref<77x768xf32, #tpu.memory_space<vmem>>, vector<1x16xf32>,
        %swap3A_2891 = vector.shape_cast %swap3A_2890 : vector<1x16xf32> to vector<16xf32>
        %swap3A_2892 = vector.shape_cast %get3A_2887 : vector<16xf32> to vector<1x16xf32>
        tpu.vector_store %arg7[%swap3A_2888, %swap3A_2889], %swap3A_2892 {strides = array<i32>} : memref<77x768xf32, #tpu.memory_space<vmem>>, vector<1x16xf32>,
        %get3A_2893 = arith.index_cast %scan3A_2665 : i32 to index
        %get3A_2894 = arith.constant 400 : index
        %get3A_2895 = tpu.vector_load %arg6[%get3A_2893, %get3A_2894] {strides = array<i32>} : memref<72x768xf32, #tpu.memory_space<vmem>>, vector<1x16xf32>,
        %get3A_2896 = vector.shape_cast %get3A_2895 : vector<1x16xf32> to vector<16xf32>
        %swap3A_2897 = arith.index_cast %add3A_2667 : i32 to index
        %swap3A_2898 = arith.constant 400 : index
        %swap3A_2899 = tpu.vector_load %arg7[%swap3A_2897, %swap3A_2898] {strides = array<i32>} : memref<77x768xf32, #tpu.memory_space<vmem>>, vector<1x16xf32>,
        %swap3A_2900 = vector.shape_cast %swap3A_2899 : vector<1x16xf32> to vector<16xf32>
        %swap3A_2901 = vector.shape_cast %get3A_2896 : vector<16xf32> to vector<1x16xf32>
        tpu.vector_store %arg7[%swap3A_2897, %swap3A_2898], %swap3A_2901 {strides = array<i32>} : memref<77x768xf32, #tpu.memory_space<vmem>>, vector<1x16xf32>,
        %get3A_2902 = arith.index_cast %scan3A_2665 : i32 to index
        %get3A_2903 = arith.constant 416 : index
        %get3A_2904 = tpu.vector_load %arg6[%get3A_2902, %get3A_2903] {strides = array<i32>} : memref<72x768xf32, #tpu.memory_space<vmem>>, vector<1x16xf32>,
        %get3A_2905 = vector.shape_cast %get3A_2904 : vector<1x16xf32> to vector<16xf32>
        %swap3A_2906 = arith.index_cast %add3A_2667 : i32 to index
        %swap3A_2907 = arith.constant 416 : index
        %swap3A_2908 = tpu.vector_load %arg7[%swap3A_2906, %swap3A_2907] {strides = array<i32>} : memref<77x768xf32, #tpu.memory_space<vmem>>, vector<1x16xf32>,
        %swap3A_2909 = vector.shape_cast %swap3A_2908 : vector<1x16xf32> to vector<16xf32>
        %swap3A_2910 = vector.shape_cast %get3A_2905 : vector<16xf32> to vector<1x16xf32>
        tpu.vector_store %arg7[%swap3A_2906, %swap3A_2907], %swap3A_2910 {strides = array<i32>} : memref<77x768xf32, #tpu.memory_space<vmem>>, vector<1x16xf32>,
        %get3A_2911 = arith.index_cast %scan3A_2665 : i32 to index
        %get3A_2912 = arith.constant 432 : index
        %get3A_2913 = tpu.vector_load %arg6[%get3A_2911, %get3A_2912] {strides = array<i32>} : memref<72x768xf32, #tpu.memory_space<vmem>>, vector<1x16xf32>,
        %get3A_2914 = vector.shape_cast %get3A_2913 : vector<1x16xf32> to vector<16xf32>
        %swap3A_2915 = arith.index_cast %add3A_2667 : i32 to index
        %swap3A_2916 = arith.constant 432 : index
        %swap3A_2917 = tpu.vector_load %arg7[%swap3A_2915, %swap3A_2916] {strides = array<i32>} : memref<77x768xf32, #tpu.memory_space<vmem>>, vector<1x16xf32>,
        %swap3A_2918 = vector.shape_cast %swap3A_2917 : vector<1x16xf32> to vector<16xf32>
        %swap3A_2919 = vector.shape_cast %get3A_2914 : vector<16xf32> to vector<1x16xf32>
        tpu.vector_store %arg7[%swap3A_2915, %swap3A_2916], %swap3A_2919 {strides = array<i32>} : memref<77x768xf32, #tpu.memory_space<vmem>>, vector<1x16xf32>,
        %get3A_2920 = arith.index_cast %scan3A_2665 : i32 to index
        %get3A_2921 = arith.constant 448 : index
        %get3A_2922 = tpu.vector_load %arg6[%get3A_2920, %get3A_2921] {strides = array<i32>} : memref<72x768xf32, #tpu.memory_space<vmem>>, vector<1x16xf32>,
        %get3A_2923 = vector.shape_cast %get3A_2922 : vector<1x16xf32> to vector<16xf32>
        %swap3A_2924 = arith.index_cast %add3A_2667 : i32 to index
        %swap3A_2925 = arith.constant 448 : index
        %swap3A_2926 = tpu.vector_load %arg7[%swap3A_2924, %swap3A_2925] {strides = array<i32>} : memref<77x768xf32, #tpu.memory_space<vmem>>, vector<1x16xf32>,
        %swap3A_2927 = vector.shape_cast %swap3A_2926 : vector<1x16xf32> to vector<16xf32>
        %swap3A_2928 = vector.shape_cast %get3A_2923 : vector<16xf32> to vector<1x16xf32>
        tpu.vector_store %arg7[%swap3A_2924, %swap3A_2925], %swap3A_2928 {strides = array<i32>} : memref<77x768xf32, #tpu.memory_space<vmem>>, vector<1x16xf32>,
        %get3A_2929 = arith.index_cast %scan3A_2665 : i32 to index
        %get3A_2930 = arith.constant 464 : index
        %get3A_2931 = tpu.vector_load %arg6[%get3A_2929, %get3A_2930] {strides = array<i32>} : memref<72x768xf32, #tpu.memory_space<vmem>>, vector<1x16xf32>,
        %get3A_2932 = vector.shape_cast %get3A_2931 : vector<1x16xf32> to vector<16xf32>
        %swap3A_2933 = arith.index_cast %add3A_2667 : i32 to index
        %swap3A_2934 = arith.constant 464 : index
        %swap3A_2935 = tpu.vector_load %arg7[%swap3A_2933, %swap3A_2934] {strides = array<i32>} : memref<77x768xf32, #tpu.memory_space<vmem>>, vector<1x16xf32>,
        %swap3A_2936 = vector.shape_cast %swap3A_2935 : vector<1x16xf32> to vector<16xf32>
        %swap3A_2937 = vector.shape_cast %get3A_2932 : vector<16xf32> to vector<1x16xf32>
        tpu.vector_store %arg7[%swap3A_2933, %swap3A_2934], %swap3A_2937 {strides = array<i32>} : memref<77x768xf32, #tpu.memory_space<vmem>>, vector<1x16xf32>,
        %get3A_2938 = arith.index_cast %scan3A_2665 : i32 to index
        %get3A_2939 = arith.constant 480 : index
        %get3A_2940 = tpu.vector_load %arg6[%get3A_2938, %get3A_2939] {strides = array<i32>} : memref<72x768xf32, #tpu.memory_space<vmem>>, vector<1x16xf32>,
        %get3A_2941 = vector.shape_cast %get3A_2940 : vector<1x16xf32> to vector<16xf32>
        %swap3A_2942 = arith.index_cast %add3A_2667 : i32 to index
        %swap3A_2943 = arith.constant 480 : index
        %swap3A_2944 = tpu.vector_load %arg7[%swap3A_2942, %swap3A_2943] {strides = array<i32>} : memref<77x768xf32, #tpu.memory_space<vmem>>, vector<1x16xf32>,
        %swap3A_2945 = vector.shape_cast %swap3A_2944 : vector<1x16xf32> to vector<16xf32>
        %swap3A_2946 = vector.shape_cast %get3A_2941 : vector<16xf32> to vector<1x16xf32>
        tpu.vector_store %arg7[%swap3A_2942, %swap3A_2943], %swap3A_2946 {strides = array<i32>} : memref<77x768xf32, #tpu.memory_space<vmem>>, vector<1x16xf32>,
        %get3A_2947 = arith.index_cast %scan3A_2665 : i32 to index
        %get3A_2948 = arith.constant 496 : index
        %get3A_2949 = tpu.vector_load %arg6[%get3A_2947, %get3A_2948] {strides = array<i32>} : memref<72x768xf32, #tpu.memory_space<vmem>>, vector<1x16xf32>,
        %get3A_2950 = vector.shape_cast %get3A_2949 : vector<1x16xf32> to vector<16xf32>
        %swap3A_2951 = arith.index_cast %add3A_2667 : i32 to index
        %swap3A_2952 = arith.constant 496 : index
        %swap3A_2953 = tpu.vector_load %arg7[%swap3A_2951, %swap3A_2952] {strides = array<i32>} : memref<77x768xf32, #tpu.memory_space<vmem>>, vector<1x16xf32>,
        %swap3A_2954 = vector.shape_cast %swap3A_2953 : vector<1x16xf32> to vector<16xf32>
        %swap3A_2955 = vector.shape_cast %get3A_2950 : vector<16xf32> to vector<1x16xf32>
        tpu.vector_store %arg7[%swap3A_2951, %swap3A_2952], %swap3A_2955 {strides = array<i32>} : memref<77x768xf32, #tpu.memory_space<vmem>>, vector<1x16xf32>,
        %get3A_2956 = arith.index_cast %scan3A_2665 : i32 to index
        %get3A_2957 = arith.constant 512 : index
        %get3A_2958 = tpu.vector_load %arg6[%get3A_2956, %get3A_2957] {strides = array<i32>} : memref<72x768xf32, #tpu.memory_space<vmem>>, vector<1x16xf32>,
        %get3A_2959 = vector.shape_cast %get3A_2958 : vector<1x16xf32> to vector<16xf32>
        %swap3A_2960 = arith.index_cast %add3A_2667 : i32 to index
        %swap3A_2961 = arith.constant 512 : index
        %swap3A_2962 = tpu.vector_load %arg7[%swap3A_2960, %swap3A_2961] {strides = array<i32>} : memref<77x768xf32, #tpu.memory_space<vmem>>, vector<1x16xf32>,
        %swap3A_2963 = vector.shape_cast %swap3A_2962 : vector<1x16xf32> to vector<16xf32>
        %swap3A_2964 = vector.shape_cast %get3A_2959 : vector<16xf32> to vector<1x16xf32>
        tpu.vector_store %arg7[%swap3A_2960, %swap3A_2961], %swap3A_2964 {strides = array<i32>} : memref<77x768xf32, #tpu.memory_space<vmem>>, vector<1x16xf32>,
        %get3A_2965 = arith.index_cast %scan3A_2665 : i32 to index
        %get3A_2966 = arith.constant 528 : index
        %get3A_2967 = tpu.vector_load %arg6[%get3A_2965, %get3A_2966] {strides = array<i32>} : memref<72x768xf32, #tpu.memory_space<vmem>>, vector<1x16xf32>,
        %get3A_2968 = vector.shape_cast %get3A_2967 : vector<1x16xf32> to vector<16xf32>
        %swap3A_2969 = arith.index_cast %add3A_2667 : i32 to index
        %swap3A_2970 = arith.constant 528 : index
        %swap3A_2971 = tpu.vector_load %arg7[%swap3A_2969, %swap3A_2970] {strides = array<i32>} : memref<77x768xf32, #tpu.memory_space<vmem>>, vector<1x16xf32>,
        %swap3A_2972 = vector.shape_cast %swap3A_2971 : vector<1x16xf32> to vector<16xf32>
        %swap3A_2973 = vector.shape_cast %get3A_2968 : vector<16xf32> to vector<1x16xf32>
        tpu.vector_store %arg7[%swap3A_2969, %swap3A_2970], %swap3A_2973 {strides = array<i32>} : memref<77x768xf32, #tpu.memory_space<vmem>>, vector<1x16xf32>,
        %get3A_2974 = arith.index_cast %scan3A_2665 : i32 to index
        %get3A_2975 = arith.constant 544 : index
        %get3A_2976 = tpu.vector_load %arg6[%get3A_2974, %get3A_2975] {strides = array<i32>} : memref<72x768xf32, #tpu.memory_space<vmem>>, vector<1x16xf32>,
        %get3A_2977 = vector.shape_cast %get3A_2976 : vector<1x16xf32> to vector<16xf32>
        %swap3A_2978 = arith.index_cast %add3A_2667 : i32 to index
        %swap3A_2979 = arith.constant 544 : index
        %swap3A_2980 = tpu.vector_load %arg7[%swap3A_2978, %swap3A_2979] {strides = array<i32>} : memref<77x768xf32, #tpu.memory_space<vmem>>, vector<1x16xf32>,
        %swap3A_2981 = vector.shape_cast %swap3A_2980 : vector<1x16xf32> to vector<16xf32>
        %swap3A_2982 = vector.shape_cast %get3A_2977 : vector<16xf32> to vector<1x16xf32>
        tpu.vector_store %arg7[%swap3A_2978, %swap3A_2979], %swap3A_2982 {strides = array<i32>} : memref<77x768xf32, #tpu.memory_space<vmem>>, vector<1x16xf32>,
        %get3A_2983 = arith.index_cast %scan3A_2665 : i32 to index
        %get3A_2984 = arith.constant 560 : index
        %get3A_2985 = tpu.vector_load %arg6[%get3A_2983, %get3A_2984] {strides = array<i32>} : memref<72x768xf32, #tpu.memory_space<vmem>>, vector<1x16xf32>,
        %get3A_2986 = vector.shape_cast %get3A_2985 : vector<1x16xf32> to vector<16xf32>
        %swap3A_2987 = arith.index_cast %add3A_2667 : i32 to index
        %swap3A_2988 = arith.constant 560 : index
        %swap3A_2989 = tpu.vector_load %arg7[%swap3A_2987, %swap3A_2988] {strides = array<i32>} : memref<77x768xf32, #tpu.memory_space<vmem>>, vector<1x16xf32>,
        %swap3A_2990 = vector.shape_cast %swap3A_2989 : vector<1x16xf32> to vector<16xf32>
        %swap3A_2991 = vector.shape_cast %get3A_2986 : vector<16xf32> to vector<1x16xf32>
        tpu.vector_store %arg7[%swap3A_2987, %swap3A_2988], %swap3A_2991 {strides = array<i32>} : memref<77x768xf32, #tpu.memory_space<vmem>>, vector<1x16xf32>,
        %get3A_2992 = arith.index_cast %scan3A_2665 : i32 to index
        %get3A_2993 = arith.constant 576 : index
        %get3A_2994 = tpu.vector_load %arg6[%get3A_2992, %get3A_2993] {strides = array<i32>} : memref<72x768xf32, #tpu.memory_space<vmem>>, vector<1x16xf32>,
        %get3A_2995 = vector.shape_cast %get3A_2994 : vector<1x16xf32> to vector<16xf32>
        %swap3A_2996 = arith.index_cast %add3A_2667 : i32 to index
        %swap3A_2997 = arith.constant 576 : index
        %swap3A_2998 = tpu.vector_load %arg7[%swap3A_2996, %swap3A_2997] {strides = array<i32>} : memref<77x768xf32, #tpu.memory_space<vmem>>, vector<1x16xf32>,
        %swap3A_2999 = vector.shape_cast %swap3A_2998 : vector<1x16xf32> to vector<16xf32>
        %swap3A_3000 = vector.shape_cast %get3A_2995 : vector<16xf32> to vector<1x16xf32>
        tpu.vector_store %arg7[%swap3A_2996, %swap3A_2997], %swap3A_3000 {strides = array<i32>} : memref<77x768xf32, #tpu.memory_space<vmem>>, vector<1x16xf32>,
        %get3A_3001 = arith.index_cast %scan3A_2665 : i32 to index
        %get3A_3002 = arith.constant 592 : index
        %get3A_3003 = tpu.vector_load %arg6[%get3A_3001, %get3A_3002] {strides = array<i32>} : memref<72x768xf32, #tpu.memory_space<vmem>>, vector<1x16xf32>,
        %get3A_3004 = vector.shape_cast %get3A_3003 : vector<1x16xf32> to vector<16xf32>
        %swap3A_3005 = arith.index_cast %add3A_2667 : i32 to index
        %swap3A_3006 = arith.constant 592 : index
        %swap3A_3007 = tpu.vector_load %arg7[%swap3A_3005, %swap3A_3006] {strides = array<i32>} : memref<77x768xf32, #tpu.memory_space<vmem>>, vector<1x16xf32>,
        %swap3A_3008 = vector.shape_cast %swap3A_3007 : vector<1x16xf32> to vector<16xf32>
        %swap3A_3009 = vector.shape_cast %get3A_3004 : vector<16xf32> to vector<1x16xf32>
        tpu.vector_store %arg7[%swap3A_3005, %swap3A_3006], %swap3A_3009 {strides = array<i32>} : memref<77x768xf32, #tpu.memory_space<vmem>>, vector<1x16xf32>,
        %get3A_3010 = arith.index_cast %scan3A_2665 : i32 to index
        %get3A_3011 = arith.constant 608 : index
        %get3A_3012 = tpu.vector_load %arg6[%get3A_3010, %get3A_3011] {strides = array<i32>} : memref<72x768xf32, #tpu.memory_space<vmem>>, vector<1x16xf32>,
        %get3A_3013 = vector.shape_cast %get3A_3012 : vector<1x16xf32> to vector<16xf32>
        %swap3A_3014 = arith.index_cast %add3A_2667 : i32 to index
        %swap3A_3015 = arith.constant 608 : index
        %swap3A_3016 = tpu.vector_load %arg7[%swap3A_3014, %swap3A_3015] {strides = array<i32>} : memref<77x768xf32, #tpu.memory_space<vmem>>, vector<1x16xf32>,
        %swap3A_3017 = vector.shape_cast %swap3A_3016 : vector<1x16xf32> to vector<16xf32>
        %swap3A_3018 = vector.shape_cast %get3A_3013 : vector<16xf32> to vector<1x16xf32>
        tpu.vector_store %arg7[%swap3A_3014, %swap3A_3015], %swap3A_3018 {strides = array<i32>} : memref<77x768xf32, #tpu.memory_space<vmem>>, vector<1x16xf32>,
        %get3A_3019 = arith.index_cast %scan3A_2665 : i32 to index
        %get3A_3020 = arith.constant 624 : index
        %get3A_3021 = tpu.vector_load %arg6[%get3A_3019, %get3A_3020] {strides = array<i32>} : memref<72x768xf32, #tpu.memory_space<vmem>>, vector<1x16xf32>,
        %get3A_3022 = vector.shape_cast %get3A_3021 : vector<1x16xf32> to vector<16xf32>
        %swap3A_3023 = arith.index_cast %add3A_2667 : i32 to index
        %swap3A_3024 = arith.constant 624 : index
        %swap3A_3025 = tpu.vector_load %arg7[%swap3A_3023, %swap3A_3024] {strides = array<i32>} : memref<77x768xf32, #tpu.memory_space<vmem>>, vector<1x16xf32>,
        %swap3A_3026 = vector.shape_cast %swap3A_3025 : vector<1x16xf32> to vector<16xf32>
        %swap3A_3027 = vector.shape_cast %get3A_3022 : vector<16xf32> to vector<1x16xf32>
        tpu.vector_store %arg7[%swap3A_3023, %swap3A_3024], %swap3A_3027 {strides = array<i32>} : memref<77x768xf32, #tpu.memory_space<vmem>>, vector<1x16xf32>,
        %get3A_3028 = arith.index_cast %scan3A_2665 : i32 to index
        %get3A_3029 = arith.constant 640 : index
        %get3A_3030 = tpu.vector_load %arg6[%get3A_3028, %get3A_3029] {strides = array<i32>} : memref<72x768xf32, #tpu.memory_space<vmem>>, vector<1x16xf32>,
        %get3A_3031 = vector.shape_cast %get3A_3030 : vector<1x16xf32> to vector<16xf32>
        %swap3A_3032 = arith.index_cast %add3A_2667 : i32 to index
        %swap3A_3033 = arith.constant 640 : index
        %swap3A_3034 = tpu.vector_load %arg7[%swap3A_3032, %swap3A_3033] {strides = array<i32>} : memref<77x768xf32, #tpu.memory_space<vmem>>, vector<1x16xf32>,
        %swap3A_3035 = vector.shape_cast %swap3A_3034 : vector<1x16xf32> to vector<16xf32>
        %swap3A_3036 = vector.shape_cast %get3A_3031 : vector<16xf32> to vector<1x16xf32>
        tpu.vector_store %arg7[%swap3A_3032, %swap3A_3033], %swap3A_3036 {strides = array<i32>} : memref<77x768xf32, #tpu.memory_space<vmem>>, vector<1x16xf32>,
        %get3A_3037 = arith.index_cast %scan3A_2665 : i32 to index
        %get3A_3038 = arith.constant 656 : index
        %get3A_3039 = tpu.vector_load %arg6[%get3A_3037, %get3A_3038] {strides = array<i32>} : memref<72x768xf32, #tpu.memory_space<vmem>>, vector<1x16xf32>,
        %get3A_3040 = vector.shape_cast %get3A_3039 : vector<1x16xf32> to vector<16xf32>
        %swap3A_3041 = arith.index_cast %add3A_2667 : i32 to index
        %swap3A_3042 = arith.constant 656 : index
        %swap3A_3043 = tpu.vector_load %arg7[%swap3A_3041, %swap3A_3042] {strides = array<i32>} : memref<77x768xf32, #tpu.memory_space<vmem>>, vector<1x16xf32>,
        %swap3A_3044 = vector.shape_cast %swap3A_3043 : vector<1x16xf32> to vector<16xf32>
        %swap3A_3045 = vector.shape_cast %get3A_3040 : vector<16xf32> to vector<1x16xf32>
        tpu.vector_store %arg7[%swap3A_3041, %swap3A_3042], %swap3A_3045 {strides = array<i32>} : memref<77x768xf32, #tpu.memory_space<vmem>>, vector<1x16xf32>,
        %get3A_3046 = arith.index_cast %scan3A_2665 : i32 to index
        %get3A_3047 = arith.constant 672 : index
        %get3A_3048 = tpu.vector_load %arg6[%get3A_3046, %get3A_3047] {strides = array<i32>} : memref<72x768xf32, #tpu.memory_space<vmem>>, vector<1x16xf32>,
        %get3A_3049 = vector.shape_cast %get3A_3048 : vector<1x16xf32> to vector<16xf32>
        %swap3A_3050 = arith.index_cast %add3A_2667 : i32 to index
        %swap3A_3051 = arith.constant 672 : index
        %swap3A_3052 = tpu.vector_load %arg7[%swap3A_3050, %swap3A_3051] {strides = array<i32>} : memref<77x768xf32, #tpu.memory_space<vmem>>, vector<1x16xf32>,
        %swap3A_3053 = vector.shape_cast %swap3A_3052 : vector<1x16xf32> to vector<16xf32>
        %swap3A_3054 = vector.shape_cast %get3A_3049 : vector<16xf32> to vector<1x16xf32>
        tpu.vector_store %arg7[%swap3A_3050, %swap3A_3051], %swap3A_3054 {strides = array<i32>} : memref<77x768xf32, #tpu.memory_space<vmem>>, vector<1x16xf32>,
        %get3A_3055 = arith.index_cast %scan3A_2665 : i32 to index
        %get3A_3056 = arith.constant 688 : index
        %get3A_3057 = tpu.vector_load %arg6[%get3A_3055, %get3A_3056] {strides = array<i32>} : memref<72x768xf32, #tpu.memory_space<vmem>>, vector<1x16xf32>,
        %get3A_3058 = vector.shape_cast %get3A_3057 : vector<1x16xf32> to vector<16xf32>
        %swap3A_3059 = arith.index_cast %add3A_2667 : i32 to index
        %swap3A_3060 = arith.constant 688 : index
        %swap3A_3061 = tpu.vector_load %arg7[%swap3A_3059, %swap3A_3060] {strides = array<i32>} : memref<77x768xf32, #tpu.memory_space<vmem>>, vector<1x16xf32>,
        %swap3A_3062 = vector.shape_cast %swap3A_3061 : vector<1x16xf32> to vector<16xf32>
        %swap3A_3063 = vector.shape_cast %get3A_3058 : vector<16xf32> to vector<1x16xf32>
        tpu.vector_store %arg7[%swap3A_3059, %swap3A_3060], %swap3A_3063 {strides = array<i32>} : memref<77x768xf32, #tpu.memory_space<vmem>>, vector<1x16xf32>,
        %get3A_3064 = arith.index_cast %scan3A_2665 : i32 to index
        %get3A_3065 = arith.constant 704 : index
        %get3A_3066 = tpu.vector_load %arg6[%get3A_3064, %get3A_3065] {strides = array<i32>} : memref<72x768xf32, #tpu.memory_space<vmem>>, vector<1x16xf32>,
        %get3A_3067 = vector.shape_cast %get3A_3066 : vector<1x16xf32> to vector<16xf32>
        %swap3A_3068 = arith.index_cast %add3A_2667 : i32 to index
        %swap3A_3069 = arith.constant 704 : index
        %swap3A_3070 = tpu.vector_load %arg7[%swap3A_3068, %swap3A_3069] {strides = array<i32>} : memref<77x768xf32, #tpu.memory_space<vmem>>, vector<1x16xf32>,
        %swap3A_3071 = vector.shape_cast %swap3A_3070 : vector<1x16xf32> to vector<16xf32>
        %swap3A_3072 = vector.shape_cast %get3A_3067 : vector<16xf32> to vector<1x16xf32>
        tpu.vector_store %arg7[%swap3A_3068, %swap3A_3069], %swap3A_3072 {strides = array<i32>} : memref<77x768xf32, #tpu.memory_space<vmem>>, vector<1x16xf32>,
        %get3A_3073 = arith.index_cast %scan3A_2665 : i32 to index
        %get3A_3074 = arith.constant 720 : index
        %get3A_3075 = tpu.vector_load %arg6[%get3A_3073, %get3A_3074] {strides = array<i32>} : memref<72x768xf32, #tpu.memory_space<vmem>>, vector<1x16xf32>,
        %get3A_3076 = vector.shape_cast %get3A_3075 : vector<1x16xf32> to vector<16xf32>
        %swap3A_3077 = arith.index_cast %add3A_2667 : i32 to index
        %swap3A_3078 = arith.constant 720 : index
        %swap3A_3079 = tpu.vector_load %arg7[%swap3A_3077, %swap3A_3078] {strides = array<i32>} : memref<77x768xf32, #tpu.memory_space<vmem>>, vector<1x16xf32>,
        %swap3A_3080 = vector.shape_cast %swap3A_3079 : vector<1x16xf32> to vector<16xf32>
        %swap3A_3081 = vector.shape_cast %get3A_3076 : vector<16xf32> to vector<1x16xf32>
        tpu.vector_store %arg7[%swap3A_3077, %swap3A_3078], %swap3A_3081 {strides = array<i32>} : memref<77x768xf32, #tpu.memory_space<vmem>>, vector<1x16xf32>,
        %get3A_3082 = arith.index_cast %scan3A_2665 : i32 to index
        %get3A_3083 = arith.constant 736 : index
        %get3A_3084 = tpu.vector_load %arg6[%get3A_3082, %get3A_3083] {strides = array<i32>} : memref<72x768xf32, #tpu.memory_space<vmem>>, vector<1x16xf32>,
        %get3A_3085 = vector.shape_cast %get3A_3084 : vector<1x16xf32> to vector<16xf32>
        %swap3A_3086 = arith.index_cast %add3A_2667 : i32 to index
        %swap3A_3087 = arith.constant 736 : index
        %swap3A_3088 = tpu.vector_load %arg7[%swap3A_3086, %swap3A_3087] {strides = array<i32>} : memref<77x768xf32, #tpu.memory_space<vmem>>, vector<1x16xf32>,
        %swap3A_3089 = vector.shape_cast %swap3A_3088 : vector<1x16xf32> to vector<16xf32>
        %swap3A_3090 = vector.shape_cast %get3A_3085 : vector<16xf32> to vector<1x16xf32>
        tpu.vector_store %arg7[%swap3A_3086, %swap3A_3087], %swap3A_3090 {strides = array<i32>} : memref<77x768xf32, #tpu.memory_space<vmem>>, vector<1x16xf32>,
        %get3A_3091 = arith.index_cast %scan3A_2665 : i32 to index
        %get3A_3092 = arith.constant 752 : index
        %get3A_3093 = tpu.vector_load %arg6[%get3A_3091, %get3A_3092] {strides = array<i32>} : memref<72x768xf32, #tpu.memory_space<vmem>>, vector<1x16xf32>,
        %get3A_3094 = vector.shape_cast %get3A_3093 : vector<1x16xf32> to vector<16xf32>
        %swap3A_3095 = arith.index_cast %add3A_2667 : i32 to index
        %swap3A_3096 = arith.constant 752 : index
        %swap3A_3097 = tpu.vector_load %arg7[%swap3A_3095, %swap3A_3096] {strides = array<i32>} : memref<77x768xf32, #tpu.memory_space<vmem>>, vector<1x16xf32>,
        %swap3A_3098 = vector.shape_cast %swap3A_3097 : vector<1x16xf32> to vector<16xf32>
        %swap3A_3099 = vector.shape_cast %get3A_3094 : vector<16xf32> to vector<1x16xf32>
        tpu.vector_store %arg7[%swap3A_3095, %swap3A_3096], %swap3A_3099 {strides = array<i32>} : memref<77x768xf32, #tpu.memory_space<vmem>>, vector<1x16xf32>,
      }
      %scan3A_2650 = arith.constant 72 : i32
      %dma_start3A_2651 = arith.constant 0 : i32
      %dma_start3A_2652 = arith.constant 0 : i32
      %dma_start3A_2653 = tpu.memref_slice %arg5[%add3A_2148, %dma_start3A_2651, %dma_start3A_2652] : memref<1000x77x768xf32, #tpu.memory_space<hbm>> -> memref<1x77x768xf32, #tpu.memory_space<hbm>>
      %dma_start3A_2654 = tpu.memref_squeeze %dma_start3A_2653 : memref<1x77x768xf32, #tpu.memory_space<hbm>> -> memref<77x768xf32, #tpu.memory_space<hbm>>
      %dma_start3A_2655 = arith.constant 0 : i32
      %dma_start3A_2656 = arith.constant 0 : i32
      %dma_start3A_2657 = tpu.memref_slice %arg5[%add3A_2148, %dma_start3A_2655, %dma_start3A_2656] : memref<1000x77x768xf32, #tpu.memory_space<hbm>> -> memref<1x77x768xf32, #tpu.memory_space<hbm>>
      %dma_start3A_2658 = tpu.memref_squeeze %dma_start3A_2657 : memref<1x77x768xf32, #tpu.memory_space<hbm>> -> memref<77x768xf32, #tpu.memory_space<hbm>>
      tpu.enqueue_dma source(%arg7 : memref<77x768xf32, #tpu.memory_space<vmem>>) target(%dma_start3A_2658 : memref<77x768xf32, #tpu.memory_space<hbm>>) target_semaphore(%arg12 : memref<!tpu.dma_semaphore, #tpu.memory_space<semaphore_mem>>)
      %add3A_2659 = arith.constant 1 : i32
      %add3A_2660 = arith.addi %while3A_2147, %add3A_2659 : i32
      %lt3A_2661 = arith.cmpi slt, %add3A_2660, %select_n3A : i32
      %convert_element_type3A_2662 = arith.extui %lt3A_2661 : i1 to i32
      %cond3A_2663 = arith.constant 0 : i32
      %cond3A_2664 = arith.cmpi ne, %convert_element_type3A_2662, %cond3A_2663 : i32
      scf.if %cond3A_2664 {
        %add3A_2665 = arith.constant 1 : i32
        %add3A_2666 = arith.addi %add3A_2148, %add3A_2665 : i32
        %dma_start3A_2667 = arith.constant 0 : i32
        %dma_start3A_2668 = arith.constant 0 : i32
        %dma_start3A_2669 = tpu.memref_slice %arg4[%add3A_2666, %dma_start3A_2667, %dma_start3A_2668] : memref<1000x72x768xf32, #tpu.memory_space<hbm>> -> memref<1x72x768xf32, #tpu.memory_space<hbm>>
        %dma_start3A_2670 = tpu.memref_squeeze %dma_start3A_2669 : memref<1x72x768xf32, #tpu.memory_space<hbm>> -> memref<72x768xf32, #tpu.memory_space<hbm>>
        %dma_start3A_2671 = arith.constant 0 : i32
        %dma_start3A_2672 = arith.constant 0 : i32
        %dma_start3A_2673 = tpu.memref_slice %arg4[%add3A_2666, %dma_start3A_2671, %dma_start3A_2672] : memref<1000x72x768xf32, #tpu.memory_space<hbm>> -> memref<1x72x768xf32, #tpu.memory_space<hbm>>
        %dma_start3A_2674 = tpu.memref_squeeze %dma_start3A_2673 : memref<1x72x768xf32, #tpu.memory_space<hbm>> -> memref<72x768xf32, #tpu.memory_space<hbm>>
        tpu.enqueue_dma source(%dma_start3A_2674 : memref<72x768xf32, #tpu.memory_space<hbm>>) target(%arg6 : memref<72x768xf32, #tpu.memory_space<vmem>>) target_semaphore(%arg10 : memref<!tpu.dma_semaphore, #tpu.memory_space<semaphore_mem>>)
      } else {
      }
    }
    %while3A_2136 = arith.constant 1 : i32
    scf.for %while3A_2147 = %while3A_2134 to %while3A_2130 step %while3A_2136  : i32 {
      %add3A_2148 = arith.addi %select_n3A_10, %while3A_2147 : i32
      %and3A = arith.constant 7 : i32
      %and3A_2149 = arith.andi %while3A_2147, %and3A : i32
      %eq3A = arith.constant 0 : i32
      %eq3A_2150 = arith.cmpi eq, %and3A_2149, %eq3A : i32
      %convert_element_type3A = arith.extui %eq3A_2150 : i1 to i32
      %cond3A = arith.constant 0 : i32
      %cond3A_2151 = arith.cmpi ne, %convert_element_type3A, %cond3A : i32
      scf.if %cond3A_2151 {
        %and3A_2665 = arith.constant -8 : i32
        %and3A_2666 = arith.andi %add3A_2148, %and3A_2665 : i32
        %multiple_of3A = tpu.assume_multiple %and3A_2666, 8 : i32
        %dma_start3A_2667 = arith.constant 0 : i32
        %dma_start3A_2668 = tpu.memref_slice %arg2[%multiple_of3A, %dma_start3A_2667] : memref<1000x768xf32, #tpu.memory_space<hbm>> -> memref<8x768xf32, #tpu.memory_space<hbm>>
        %dma_start3A_2669 = arith.constant 0 : i32
        %dma_start3A_2670 = tpu.memref_slice %arg2[%multiple_of3A, %dma_start3A_2669] : memref<1000x768xf32, #tpu.memory_space<hbm>> -> memref<8x768xf32, #tpu.memory_space<hbm>>
        tpu.enqueue_dma source(%dma_start3A_2670 : memref<8x768xf32, #tpu.memory_space<hbm>>) target(%arg8 : memref<8x768xf32, #tpu.memory_space<vmem>>) target_semaphore(%arg11 : memref<!tpu.dma_semaphore, #tpu.memory_space<semaphore_mem>>)
        %dma_wait3A_2671 = arith.constant 0 : i32
        %dma_wait3A_2672 = tpu.memref_slice %arg2[%multiple_of3A, %dma_wait3A_2671] : memref<1000x768xf32, #tpu.memory_space<hbm>> -> memref<8x768xf32, #tpu.memory_space<hbm>>
        %dma_wait3A_2673 = arith.constant 0 : i32
        %dma_wait3A_2674 = tpu.memref_slice %arg2[%multiple_of3A, %dma_wait3A_2673] : memref<1000x768xf32, #tpu.memory_space<hbm>> -> memref<8x768xf32, #tpu.memory_space<hbm>>
        tpu.wait_dma2 semaphore(%arg11 : memref<!tpu.dma_semaphore, #tpu.memory_space<semaphore_mem>>) src(%dma_wait3A_2674 : memref<8x768xf32, #tpu.memory_space<hbm>>) dst(%arg8 : memref<8x768xf32, #tpu.memory_space<vmem>>)
      } else {
      }
      %dma_wait3A_2152 = arith.constant 0 : i32
      %dma_wait3A_2153 = arith.constant 0 : i32
      %dma_wait3A_2154 = tpu.memref_slice %arg4[%add3A_2148, %dma_wait3A_2152, %dma_wait3A_2153] : memref<1000x72x768xf32, #tpu.memory_space<hbm>> -> memref<1x72x768xf32, #tpu.memory_space<hbm>>
      %dma_wait3A_2155 = tpu.memref_squeeze %dma_wait3A_2154 : memref<1x72x768xf32, #tpu.memory_space<hbm>> -> memref<72x768xf32, #tpu.memory_space<hbm>>
      %dma_wait3A_2156 = arith.constant 0 : i32
      %dma_wait3A_2157 = arith.constant 0 : i32
      %dma_wait3A_2158 = tpu.memref_slice %arg4[%add3A_2148, %dma_wait3A_2156, %dma_wait3A_2157] : memref<1000x72x768xf32, #tpu.memory_space<hbm>> -> memref<1x72x768xf32, #tpu.memory_space<hbm>>
      %dma_wait3A_2159 = tpu.memref_squeeze %dma_wait3A_2158 : memref<1x72x768xf32, #tpu.memory_space<hbm>> -> memref<72x768xf32, #tpu.memory_space<hbm>>
      tpu.wait_dma2 semaphore(%arg10 : memref<!tpu.dma_semaphore, #tpu.memory_space<semaphore_mem>>) src(%dma_wait3A_2159 : memref<72x768xf32, #tpu.memory_space<hbm>>) dst(%arg6 : memref<72x768xf32, #tpu.memory_space<vmem>>)
      %gt3A = arith.constant 0 : i32
      %gt3A_2160 = arith.cmpi sgt, %while3A_2147, %gt3A : i32
      %convert_element_type3A_2161 = arith.extui %gt3A_2160 : i1 to i32
      %cond3A_2162 = arith.constant 0 : i32
      %cond3A_2163 = arith.cmpi ne, %convert_element_type3A_2161, %cond3A_2162 : i32
      scf.if %cond3A_2163 {
        %dma_wait3A_2665 = arith.constant 0 : i32
        %dma_wait3A_2666 = arith.constant 0 : i32
        %dma_wait3A_2667 = tpu.memref_slice %arg5[%add3A_2148, %dma_wait3A_2665, %dma_wait3A_2666] : memref<1000x77x768xf32, #tpu.memory_space<hbm>> -> memref<1x77x768xf32, #tpu.memory_space<hbm>>
        %dma_wait3A_2668 = tpu.memref_squeeze %dma_wait3A_2667 : memref<1x77x768xf32, #tpu.memory_space<hbm>> -> memref<77x768xf32, #tpu.memory_space<hbm>>
        %dma_wait3A_2669 = arith.constant 0 : i32
        %dma_wait3A_2670 = arith.constant 0 : i32
        %dma_wait3A_2671 = tpu.memref_slice %arg5[%add3A_2148, %dma_wait3A_2669, %dma_wait3A_2670] : memref<1000x77x768xf32, #tpu.memory_space<hbm>> -> memref<1x77x768xf32, #tpu.memory_space<hbm>>
        %dma_wait3A_2672 = tpu.memref_squeeze %dma_wait3A_2671 : memref<1x77x768xf32, #tpu.memory_space<hbm>> -> memref<77x768xf32, #tpu.memory_space<hbm>>
        tpu.wait_dma2 semaphore(%arg12 : memref<!tpu.dma_semaphore, #tpu.memory_space<semaphore_mem>>) src(%arg7 : memref<77x768xf32, #tpu.memory_space<vmem>>) dst(%dma_wait3A_2672 : memref<77x768xf32, #tpu.memory_space<hbm>>)
      } else {
      }
      %and3A_2164 = arith.constant 7 : i32
      %and3A_2165 = arith.andi %while3A_2147, %and3A_2164 : i32
      %get3A_2166 = arith.index_cast %and3A_2165 : i32 to index
      %get3A_2167 = arith.constant 0 : index
      %get3A_2168 = tpu.vector_load %arg8[%get3A_2166, %get3A_2167] {strides = array<i32>} : memref<8x768xf32, #tpu.memory_space<vmem>>, vector<1x16xf32>,
      %get3A_2169 = vector.shape_cast %get3A_2168 : vector<1x16xf32> to vector<16xf32>
      %swap3A_2170 = arith.constant 0 : i32
      %swap3A_2171 = arith.index_cast %swap3A_2170 : i32 to index
      %swap3A_2172 = arith.constant 0 : index
      %swap3A_2173 = tpu.vector_load %arg7[%swap3A_2171, %swap3A_2172] {strides = array<i32>} : memref<77x768xf32, #tpu.memory_space<vmem>>, vector<1x16xf32>,
      %swap3A_2174 = vector.shape_cast %swap3A_2173 : vector<1x16xf32> to vector<16xf32>
      %swap3A_2175 = vector.shape_cast %get3A_2169 : vector<16xf32> to vector<1x16xf32>
      tpu.vector_store %arg7[%swap3A_2171, %swap3A_2172], %swap3A_2175 {strides = array<i32>} : memref<77x768xf32, #tpu.memory_space<vmem>>, vector<1x16xf32>,
      %get3A_2176 = arith.index_cast %and3A_2165 : i32 to index
      %get3A_2177 = arith.constant 16 : index
      %get3A_2178 = tpu.vector_load %arg8[%get3A_2176, %get3A_2177] {strides = array<i32>} : memref<8x768xf32, #tpu.memory_space<vmem>>, vector<1x16xf32>,
      %get3A_2179 = vector.shape_cast %get3A_2178 : vector<1x16xf32> to vector<16xf32>
      %swap3A_2180 = arith.constant 0 : i32
      %swap3A_2181 = arith.index_cast %swap3A_2180 : i32 to index
      %swap3A_2182 = arith.constant 16 : index
      %swap3A_2183 = tpu.vector_load %arg7[%swap3A_2181, %swap3A_2182] {strides = array<i32>} : memref<77x768xf32, #tpu.memory_space<vmem>>, vector<1x16xf32>,
      %swap3A_2184 = vector.shape_cast %swap3A_2183 : vector<1x16xf32> to vector<16xf32>
      %swap3A_2185 = vector.shape_cast %get3A_2179 : vector<16xf32> to vector<1x16xf32>
      tpu.vector_store %arg7[%swap3A_2181, %swap3A_2182], %swap3A_2185 {strides = array<i32>} : memref<77x768xf32, #tpu.memory_space<vmem>>, vector<1x16xf32>,
      %get3A_2186 = arith.index_cast %and3A_2165 : i32 to index
      %get3A_2187 = arith.constant 32 : index
      %get3A_2188 = tpu.vector_load %arg8[%get3A_2186, %get3A_2187] {strides = array<i32>} : memref<8x768xf32, #tpu.memory_space<vmem>>, vector<1x16xf32>,
      %get3A_2189 = vector.shape_cast %get3A_2188 : vector<1x16xf32> to vector<16xf32>
      %swap3A_2190 = arith.constant 0 : i32
      %swap3A_2191 = arith.index_cast %swap3A_2190 : i32 to index
      %swap3A_2192 = arith.constant 32 : index
      %swap3A_2193 = tpu.vector_load %arg7[%swap3A_2191, %swap3A_2192] {strides = array<i32>} : memref<77x768xf32, #tpu.memory_space<vmem>>, vector<1x16xf32>,
      %swap3A_2194 = vector.shape_cast %swap3A_2193 : vector<1x16xf32> to vector<16xf32>
      %swap3A_2195 = vector.shape_cast %get3A_2189 : vector<16xf32> to vector<1x16xf32>
      tpu.vector_store %arg7[%swap3A_2191, %swap3A_2192], %swap3A_2195 {strides = array<i32>} : memref<77x768xf32, #tpu.memory_space<vmem>>, vector<1x16xf32>,
      %get3A_2196 = arith.index_cast %and3A_2165 : i32 to index
      %get3A_2197 = arith.constant 48 : index
      %get3A_2198 = tpu.vector_load %arg8[%get3A_2196, %get3A_2197] {strides = array<i32>} : memref<8x768xf32, #tpu.memory_space<vmem>>, vector<1x16xf32>,
      %get3A_2199 = vector.shape_cast %get3A_2198 : vector<1x16xf32> to vector<16xf32>
      %swap3A_2200 = arith.constant 0 : i32
      %swap3A_2201 = arith.index_cast %swap3A_2200 : i32 to index
      %swap3A_2202 = arith.constant 48 : index
      %swap3A_2203 = tpu.vector_load %arg7[%swap3A_2201, %swap3A_2202] {strides = array<i32>} : memref<77x768xf32, #tpu.memory_space<vmem>>, vector<1x16xf32>,
      %swap3A_2204 = vector.shape_cast %swap3A_2203 : vector<1x16xf32> to vector<16xf32>
      %swap3A_2205 = vector.shape_cast %get3A_2199 : vector<16xf32> to vector<1x16xf32>
      tpu.vector_store %arg7[%swap3A_2201, %swap3A_2202], %swap3A_2205 {strides = array<i32>} : memref<77x768xf32, #tpu.memory_space<vmem>>, vector<1x16xf32>,
      %get3A_2206 = arith.index_cast %and3A_2165 : i32 to index
      %get3A_2207 = arith.constant 64 : index
      %get3A_2208 = tpu.vector_load %arg8[%get3A_2206, %get3A_2207] {strides = array<i32>} : memref<8x768xf32, #tpu.memory_space<vmem>>, vector<1x16xf32>,
      %get3A_2209 = vector.shape_cast %get3A_2208 : vector<1x16xf32> to vector<16xf32>
      %swap3A_2210 = arith.constant 0 : i32
      %swap3A_2211 = arith.index_cast %swap3A_2210 : i32 to index
      %swap3A_2212 = arith.constant 64 : index
      %swap3A_2213 = tpu.vector_load %arg7[%swap3A_2211, %swap3A_2212] {strides = array<i32>} : memref<77x768xf32, #tpu.memory_space<vmem>>, vector<1x16xf32>,
      %swap3A_2214 = vector.shape_cast %swap3A_2213 : vector<1x16xf32> to vector<16xf32>
      %swap3A_2215 = vector.shape_cast %get3A_2209 : vector<16xf32> to vector<1x16xf32>
      tpu.vector_store %arg7[%swap3A_2211, %swap3A_2212], %swap3A_2215 {strides = array<i32>} : memref<77x768xf32, #tpu.memory_space<vmem>>, vector<1x16xf32>,
      %get3A_2216 = arith.index_cast %and3A_2165 : i32 to index
      %get3A_2217 = arith.constant 80 : index
      %get3A_2218 = tpu.vector_load %arg8[%get3A_2216, %get3A_2217] {strides = array<i32>} : memref<8x768xf32, #tpu.memory_space<vmem>>, vector<1x16xf32>,
      %get3A_2219 = vector.shape_cast %get3A_2218 : vector<1x16xf32> to vector<16xf32>
      %swap3A_2220 = arith.constant 0 : i32
      %swap3A_2221 = arith.index_cast %swap3A_2220 : i32 to index
      %swap3A_2222 = arith.constant 80 : index
      %swap3A_2223 = tpu.vector_load %arg7[%swap3A_2221, %swap3A_2222] {strides = array<i32>} : memref<77x768xf32, #tpu.memory_space<vmem>>, vector<1x16xf32>,
      %swap3A_2224 = vector.shape_cast %swap3A_2223 : vector<1x16xf32> to vector<16xf32>
      %swap3A_2225 = vector.shape_cast %get3A_2219 : vector<16xf32> to vector<1x16xf32>
      tpu.vector_store %arg7[%swap3A_2221, %swap3A_2222], %swap3A_2225 {strides = array<i32>} : memref<77x768xf32, #tpu.memory_space<vmem>>, vector<1x16xf32>,
      %get3A_2226 = arith.index_cast %and3A_2165 : i32 to index
      %get3A_2227 = arith.constant 96 : index
      %get3A_2228 = tpu.vector_load %arg8[%get3A_2226, %get3A_2227] {strides = array<i32>} : memref<8x768xf32, #tpu.memory_space<vmem>>, vector<1x16xf32>,
      %get3A_2229 = vector.shape_cast %get3A_2228 : vector<1x16xf32> to vector<16xf32>
      %swap3A_2230 = arith.constant 0 : i32
      %swap3A_2231 = arith.index_cast %swap3A_2230 : i32 to index
      %swap3A_2232 = arith.constant 96 : index
      %swap3A_2233 = tpu.vector_load %arg7[%swap3A_2231, %swap3A_2232] {strides = array<i32>} : memref<77x768xf32, #tpu.memory_space<vmem>>, vector<1x16xf32>,
      %swap3A_2234 = vector.shape_cast %swap3A_2233 : vector<1x16xf32> to vector<16xf32>
      %swap3A_2235 = vector.shape_cast %get3A_2229 : vector<16xf32> to vector<1x16xf32>
      tpu.vector_store %arg7[%swap3A_2231, %swap3A_2232], %swap3A_2235 {strides = array<i32>} : memref<77x768xf32, #tpu.memory_space<vmem>>, vector<1x16xf32>,
      %get3A_2236 = arith.index_cast %and3A_2165 : i32 to index
      %get3A_2237 = arith.constant 112 : index
      %get3A_2238 = tpu.vector_load %arg8[%get3A_2236, %get3A_2237] {strides = array<i32>} : memref<8x768xf32, #tpu.memory_space<vmem>>, vector<1x16xf32>,
      %get3A_2239 = vector.shape_cast %get3A_2238 : vector<1x16xf32> to vector<16xf32>
      %swap3A_2240 = arith.constant 0 : i32
      %swap3A_2241 = arith.index_cast %swap3A_2240 : i32 to index
      %swap3A_2242 = arith.constant 112 : index
      %swap3A_2243 = tpu.vector_load %arg7[%swap3A_2241, %swap3A_2242] {strides = array<i32>} : memref<77x768xf32, #tpu.memory_space<vmem>>, vector<1x16xf32>,
      %swap3A_2244 = vector.shape_cast %swap3A_2243 : vector<1x16xf32> to vector<16xf32>
      %swap3A_2245 = vector.shape_cast %get3A_2239 : vector<16xf32> to vector<1x16xf32>
      tpu.vector_store %arg7[%swap3A_2241, %swap3A_2242], %swap3A_2245 {strides = array<i32>} : memref<77x768xf32, #tpu.memory_space<vmem>>, vector<1x16xf32>,
      %get3A_2246 = arith.index_cast %and3A_2165 : i32 to index
      %get3A_2247 = arith.constant 128 : index
      %get3A_2248 = tpu.vector_load %arg8[%get3A_2246, %get3A_2247] {strides = array<i32>} : memref<8x768xf32, #tpu.memory_space<vmem>>, vector<1x16xf32>,
      %get3A_2249 = vector.shape_cast %get3A_2248 : vector<1x16xf32> to vector<16xf32>
      %swap3A_2250 = arith.constant 0 : i32
      %swap3A_2251 = arith.index_cast %swap3A_2250 : i32 to index
      %swap3A_2252 = arith.constant 128 : index
      %swap3A_2253 = tpu.vector_load %arg7[%swap3A_2251, %swap3A_2252] {strides = array<i32>} : memref<77x768xf32, #tpu.memory_space<vmem>>, vector<1x16xf32>,
      %swap3A_2254 = vector.shape_cast %swap3A_2253 : vector<1x16xf32> to vector<16xf32>
      %swap3A_2255 = vector.shape_cast %get3A_2249 : vector<16xf32> to vector<1x16xf32>
      tpu.vector_store %arg7[%swap3A_2251, %swap3A_2252], %swap3A_2255 {strides = array<i32>} : memref<77x768xf32, #tpu.memory_space<vmem>>, vector<1x16xf32>,
      %get3A_2256 = arith.index_cast %and3A_2165 : i32 to index
      %get3A_2257 = arith.constant 144 : index
      %get3A_2258 = tpu.vector_load %arg8[%get3A_2256, %get3A_2257] {strides = array<i32>} : memref<8x768xf32, #tpu.memory_space<vmem>>, vector<1x16xf32>,
      %get3A_2259 = vector.shape_cast %get3A_2258 : vector<1x16xf32> to vector<16xf32>
      %swap3A_2260 = arith.constant 0 : i32
      %swap3A_2261 = arith.index_cast %swap3A_2260 : i32 to index
      %swap3A_2262 = arith.constant 144 : index
      %swap3A_2263 = tpu.vector_load %arg7[%swap3A_2261, %swap3A_2262] {strides = array<i32>} : memref<77x768xf32, #tpu.memory_space<vmem>>, vector<1x16xf32>,
      %swap3A_2264 = vector.shape_cast %swap3A_2263 : vector<1x16xf32> to vector<16xf32>
      %swap3A_2265 = vector.shape_cast %get3A_2259 : vector<16xf32> to vector<1x16xf32>
      tpu.vector_store %arg7[%swap3A_2261, %swap3A_2262], %swap3A_2265 {strides = array<i32>} : memref<77x768xf32, #tpu.memory_space<vmem>>, vector<1x16xf32>,
      %get3A_2266 = arith.index_cast %and3A_2165 : i32 to index
      %get3A_2267 = arith.constant 160 : index
      %get3A_2268 = tpu.vector_load %arg8[%get3A_2266, %get3A_2267] {strides = array<i32>} : memref<8x768xf32, #tpu.memory_space<vmem>>, vector<1x16xf32>,
      %get3A_2269 = vector.shape_cast %get3A_2268 : vector<1x16xf32> to vector<16xf32>
      %swap3A_2270 = arith.constant 0 : i32
      %swap3A_2271 = arith.index_cast %swap3A_2270 : i32 to index
      %swap3A_2272 = arith.constant 160 : index
      %swap3A_2273 = tpu.vector_load %arg7[%swap3A_2271, %swap3A_2272] {strides = array<i32>} : memref<77x768xf32, #tpu.memory_space<vmem>>, vector<1x16xf32>,
      %swap3A_2274 = vector.shape_cast %swap3A_2273 : vector<1x16xf32> to vector<16xf32>
      %swap3A_2275 = vector.shape_cast %get3A_2269 : vector<16xf32> to vector<1x16xf32>
      tpu.vector_store %arg7[%swap3A_2271, %swap3A_2272], %swap3A_2275 {strides = array<i32>} : memref<77x768xf32, #tpu.memory_space<vmem>>, vector<1x16xf32>,
      %get3A_2276 = arith.index_cast %and3A_2165 : i32 to index
      %get3A_2277 = arith.constant 176 : index
      %get3A_2278 = tpu.vector_load %arg8[%get3A_2276, %get3A_2277] {strides = array<i32>} : memref<8x768xf32, #tpu.memory_space<vmem>>, vector<1x16xf32>,
      %get3A_2279 = vector.shape_cast %get3A_2278 : vector<1x16xf32> to vector<16xf32>
      %swap3A_2280 = arith.constant 0 : i32
      %swap3A_2281 = arith.index_cast %swap3A_2280 : i32 to index
      %swap3A_2282 = arith.constant 176 : index
      %swap3A_2283 = tpu.vector_load %arg7[%swap3A_2281, %swap3A_2282] {strides = array<i32>} : memref<77x768xf32, #tpu.memory_space<vmem>>, vector<1x16xf32>,
      %swap3A_2284 = vector.shape_cast %swap3A_2283 : vector<1x16xf32> to vector<16xf32>
      %swap3A_2285 = vector.shape_cast %get3A_2279 : vector<16xf32> to vector<1x16xf32>
      tpu.vector_store %arg7[%swap3A_2281, %swap3A_2282], %swap3A_2285 {strides = array<i32>} : memref<77x768xf32, #tpu.memory_space<vmem>>, vector<1x16xf32>,
      %get3A_2286 = arith.index_cast %and3A_2165 : i32 to index
      %get3A_2287 = arith.constant 192 : index
      %get3A_2288 = tpu.vector_load %arg8[%get3A_2286, %get3A_2287] {strides = array<i32>} : memref<8x768xf32, #tpu.memory_space<vmem>>, vector<1x16xf32>,
      %get3A_2289 = vector.shape_cast %get3A_2288 : vector<1x16xf32> to vector<16xf32>
      %swap3A_2290 = arith.constant 0 : i32
      %swap3A_2291 = arith.index_cast %swap3A_2290 : i32 to index
      %swap3A_2292 = arith.constant 192 : index
      %swap3A_2293 = tpu.vector_load %arg7[%swap3A_2291, %swap3A_2292] {strides = array<i32>} : memref<77x768xf32, #tpu.memory_space<vmem>>, vector<1x16xf32>,
      %swap3A_2294 = vector.shape_cast %swap3A_2293 : vector<1x16xf32> to vector<16xf32>
      %swap3A_2295 = vector.shape_cast %get3A_2289 : vector<16xf32> to vector<1x16xf32>
      tpu.vector_store %arg7[%swap3A_2291, %swap3A_2292], %swap3A_2295 {strides = array<i32>} : memref<77x768xf32, #tpu.memory_space<vmem>>, vector<1x16xf32>,
      %get3A_2296 = arith.index_cast %and3A_2165 : i32 to index
      %get3A_2297 = arith.constant 208 : index
      %get3A_2298 = tpu.vector_load %arg8[%get3A_2296, %get3A_2297] {strides = array<i32>} : memref<8x768xf32, #tpu.memory_space<vmem>>, vector<1x16xf32>,
      %get3A_2299 = vector.shape_cast %get3A_2298 : vector<1x16xf32> to vector<16xf32>
      %swap3A_2300 = arith.constant 0 : i32
      %swap3A_2301 = arith.index_cast %swap3A_2300 : i32 to index
      %swap3A_2302 = arith.constant 208 : index
      %swap3A_2303 = tpu.vector_load %arg7[%swap3A_2301, %swap3A_2302] {strides = array<i32>} : memref<77x768xf32, #tpu.memory_space<vmem>>, vector<1x16xf32>,
      %swap3A_2304 = vector.shape_cast %swap3A_2303 : vector<1x16xf32> to vector<16xf32>
      %swap3A_2305 = vector.shape_cast %get3A_2299 : vector<16xf32> to vector<1x16xf32>
      tpu.vector_store %arg7[%swap3A_2301, %swap3A_2302], %swap3A_2305 {strides = array<i32>} : memref<77x768xf32, #tpu.memory_space<vmem>>, vector<1x16xf32>,
      %get3A_2306 = arith.index_cast %and3A_2165 : i32 to index
      %get3A_2307 = arith.constant 224 : index
      %get3A_2308 = tpu.vector_load %arg8[%get3A_2306, %get3A_2307] {strides = array<i32>} : memref<8x768xf32, #tpu.memory_space<vmem>>, vector<1x16xf32>,
      %get3A_2309 = vector.shape_cast %get3A_2308 : vector<1x16xf32> to vector<16xf32>
      %swap3A_2310 = arith.constant 0 : i32
      %swap3A_2311 = arith.index_cast %swap3A_2310 : i32 to index
      %swap3A_2312 = arith.constant 224 : index
      %swap3A_2313 = tpu.vector_load %arg7[%swap3A_2311, %swap3A_2312] {strides = array<i32>} : memref<77x768xf32, #tpu.memory_space<vmem>>, vector<1x16xf32>,
      %swap3A_2314 = vector.shape_cast %swap3A_2313 : vector<1x16xf32> to vector<16xf32>
      %swap3A_2315 = vector.shape_cast %get3A_2309 : vector<16xf32> to vector<1x16xf32>
      tpu.vector_store %arg7[%swap3A_2311, %swap3A_2312], %swap3A_2315 {strides = array<i32>} : memref<77x768xf32, #tpu.memory_space<vmem>>, vector<1x16xf32>,
      %get3A_2316 = arith.index_cast %and3A_2165 : i32 to index
      %get3A_2317 = arith.constant 240 : index
      %get3A_2318 = tpu.vector_load %arg8[%get3A_2316, %get3A_2317] {strides = array<i32>} : memref<8x768xf32, #tpu.memory_space<vmem>>, vector<1x16xf32>,
      %get3A_2319 = vector.shape_cast %get3A_2318 : vector<1x16xf32> to vector<16xf32>
      %swap3A_2320 = arith.constant 0 : i32
      %swap3A_2321 = arith.index_cast %swap3A_2320 : i32 to index
      %swap3A_2322 = arith.constant 240 : index
      %swap3A_2323 = tpu.vector_load %arg7[%swap3A_2321, %swap3A_2322] {strides = array<i32>} : memref<77x768xf32, #tpu.memory_space<vmem>>, vector<1x16xf32>,
      %swap3A_2324 = vector.shape_cast %swap3A_2323 : vector<1x16xf32> to vector<16xf32>
      %swap3A_2325 = vector.shape_cast %get3A_2319 : vector<16xf32> to vector<1x16xf32>
      tpu.vector_store %arg7[%swap3A_2321, %swap3A_2322], %swap3A_2325 {strides = array<i32>} : memref<77x768xf32, #tpu.memory_space<vmem>>, vector<1x16xf32>,
      %get3A_2326 = arith.index_cast %and3A_2165 : i32 to index
      %get3A_2327 = arith.constant 256 : index
      %get3A_2328 = tpu.vector_load %arg8[%get3A_2326, %get3A_2327] {strides = array<i32>} : memref<8x768xf32, #tpu.memory_space<vmem>>, vector<1x16xf32>,
      %get3A_2329 = vector.shape_cast %get3A_2328 : vector<1x16xf32> to vector<16xf32>
      %swap3A_2330 = arith.constant 0 : i32
      %swap3A_2331 = arith.index_cast %swap3A_2330 : i32 to index
      %swap3A_2332 = arith.constant 256 : index
      %swap3A_2333 = tpu.vector_load %arg7[%swap3A_2331, %swap3A_2332] {strides = array<i32>} : memref<77x768xf32, #tpu.memory_space<vmem>>, vector<1x16xf32>,
      %swap3A_2334 = vector.shape_cast %swap3A_2333 : vector<1x16xf32> to vector<16xf32>
      %swap3A_2335 = vector.shape_cast %get3A_2329 : vector<16xf32> to vector<1x16xf32>
      tpu.vector_store %arg7[%swap3A_2331, %swap3A_2332], %swap3A_2335 {strides = array<i32>} : memref<77x768xf32, #tpu.memory_space<vmem>>, vector<1x16xf32>,
      %get3A_2336 = arith.index_cast %and3A_2165 : i32 to index
      %get3A_2337 = arith.constant 272 : index
      %get3A_2338 = tpu.vector_load %arg8[%get3A_2336, %get3A_2337] {strides = array<i32>} : memref<8x768xf32, #tpu.memory_space<vmem>>, vector<1x16xf32>,
      %get3A_2339 = vector.shape_cast %get3A_2338 : vector<1x16xf32> to vector<16xf32>
      %swap3A_2340 = arith.constant 0 : i32
      %swap3A_2341 = arith.index_cast %swap3A_2340 : i32 to index
      %swap3A_2342 = arith.constant 272 : index
      %swap3A_2343 = tpu.vector_load %arg7[%swap3A_2341, %swap3A_2342] {strides = array<i32>} : memref<77x768xf32, #tpu.memory_space<vmem>>, vector<1x16xf32>,
      %swap3A_2344 = vector.shape_cast %swap3A_2343 : vector<1x16xf32> to vector<16xf32>
      %swap3A_2345 = vector.shape_cast %get3A_2339 : vector<16xf32> to vector<1x16xf32>
      tpu.vector_store %arg7[%swap3A_2341, %swap3A_2342], %swap3A_2345 {strides = array<i32>} : memref<77x768xf32, #tpu.memory_space<vmem>>, vector<1x16xf32>,
      %get3A_2346 = arith.index_cast %and3A_2165 : i32 to index
      %get3A_2347 = arith.constant 288 : index
      %get3A_2348 = tpu.vector_load %arg8[%get3A_2346, %get3A_2347] {strides = array<i32>} : memref<8x768xf32, #tpu.memory_space<vmem>>, vector<1x16xf32>,
      %get3A_2349 = vector.shape_cast %get3A_2348 : vector<1x16xf32> to vector<16xf32>
      %swap3A_2350 = arith.constant 0 : i32
      %swap3A_2351 = arith.index_cast %swap3A_2350 : i32 to index
      %swap3A_2352 = arith.constant 288 : index
      %swap3A_2353 = tpu.vector_load %arg7[%swap3A_2351, %swap3A_2352] {strides = array<i32>} : memref<77x768xf32, #tpu.memory_space<vmem>>, vector<1x16xf32>,
      %swap3A_2354 = vector.shape_cast %swap3A_2353 : vector<1x16xf32> to vector<16xf32>
      %swap3A_2355 = vector.shape_cast %get3A_2349 : vector<16xf32> to vector<1x16xf32>
      tpu.vector_store %arg7[%swap3A_2351, %swap3A_2352], %swap3A_2355 {strides = array<i32>} : memref<77x768xf32, #tpu.memory_space<vmem>>, vector<1x16xf32>,
      %get3A_2356 = arith.index_cast %and3A_2165 : i32 to index
      %get3A_2357 = arith.constant 304 : index
      %get3A_2358 = tpu.vector_load %arg8[%get3A_2356, %get3A_2357] {strides = array<i32>} : memref<8x768xf32, #tpu.memory_space<vmem>>, vector<1x16xf32>,
      %get3A_2359 = vector.shape_cast %get3A_2358 : vector<1x16xf32> to vector<16xf32>
      %swap3A_2360 = arith.constant 0 : i32
      %swap3A_2361 = arith.index_cast %swap3A_2360 : i32 to index
      %swap3A_2362 = arith.constant 304 : index
      %swap3A_2363 = tpu.vector_load %arg7[%swap3A_2361, %swap3A_2362] {strides = array<i32>} : memref<77x768xf32, #tpu.memory_space<vmem>>, vector<1x16xf32>,
      %swap3A_2364 = vector.shape_cast %swap3A_2363 : vector<1x16xf32> to vector<16xf32>
      %swap3A_2365 = vector.shape_cast %get3A_2359 : vector<16xf32> to vector<1x16xf32>
      tpu.vector_store %arg7[%swap3A_2361, %swap3A_2362], %swap3A_2365 {strides = array<i32>} : memref<77x768xf32, #tpu.memory_space<vmem>>, vector<1x16xf32>,
      %get3A_2366 = arith.index_cast %and3A_2165 : i32 to index
      %get3A_2367 = arith.constant 320 : index
      %get3A_2368 = tpu.vector_load %arg8[%get3A_2366, %get3A_2367] {strides = array<i32>} : memref<8x768xf32, #tpu.memory_space<vmem>>, vector<1x16xf32>,
      %get3A_2369 = vector.shape_cast %get3A_2368 : vector<1x16xf32> to vector<16xf32>
      %swap3A_2370 = arith.constant 0 : i32
      %swap3A_2371 = arith.index_cast %swap3A_2370 : i32 to index
      %swap3A_2372 = arith.constant 320 : index
      %swap3A_2373 = tpu.vector_load %arg7[%swap3A_2371, %swap3A_2372] {strides = array<i32>} : memref<77x768xf32, #tpu.memory_space<vmem>>, vector<1x16xf32>,
      %swap3A_2374 = vector.shape_cast %swap3A_2373 : vector<1x16xf32> to vector<16xf32>
      %swap3A_2375 = vector.shape_cast %get3A_2369 : vector<16xf32> to vector<1x16xf32>
      tpu.vector_store %arg7[%swap3A_2371, %swap3A_2372], %swap3A_2375 {strides = array<i32>} : memref<77x768xf32, #tpu.memory_space<vmem>>, vector<1x16xf32>,
      %get3A_2376 = arith.index_cast %and3A_2165 : i32 to index
      %get3A_2377 = arith.constant 336 : index
      %get3A_2378 = tpu.vector_load %arg8[%get3A_2376, %get3A_2377] {strides = array<i32>} : memref<8x768xf32, #tpu.memory_space<vmem>>, vector<1x16xf32>,
      %get3A_2379 = vector.shape_cast %get3A_2378 : vector<1x16xf32> to vector<16xf32>
      %swap3A_2380 = arith.constant 0 : i32
      %swap3A_2381 = arith.index_cast %swap3A_2380 : i32 to index
      %swap3A_2382 = arith.constant 336 : index
      %swap3A_2383 = tpu.vector_load %arg7[%swap3A_2381, %swap3A_2382] {strides = array<i32>} : memref<77x768xf32, #tpu.memory_space<vmem>>, vector<1x16xf32>,
      %swap3A_2384 = vector.shape_cast %swap3A_2383 : vector<1x16xf32> to vector<16xf32>
      %swap3A_2385 = vector.shape_cast %get3A_2379 : vector<16xf32> to vector<1x16xf32>
      tpu.vector_store %arg7[%swap3A_2381, %swap3A_2382], %swap3A_2385 {strides = array<i32>} : memref<77x768xf32, #tpu.memory_space<vmem>>, vector<1x16xf32>,
      %get3A_2386 = arith.index_cast %and3A_2165 : i32 to index
      %get3A_2387 = arith.constant 352 : index
      %get3A_2388 = tpu.vector_load %arg8[%get3A_2386, %get3A_2387] {strides = array<i32>} : memref<8x768xf32, #tpu.memory_space<vmem>>, vector<1x16xf32>,
      %get3A_2389 = vector.shape_cast %get3A_2388 : vector<1x16xf32> to vector<16xf32>
      %swap3A_2390 = arith.constant 0 : i32
      %swap3A_2391 = arith.index_cast %swap3A_2390 : i32 to index
      %swap3A_2392 = arith.constant 352 : index
      %swap3A_2393 = tpu.vector_load %arg7[%swap3A_2391, %swap3A_2392] {strides = array<i32>} : memref<77x768xf32, #tpu.memory_space<vmem>>, vector<1x16xf32>,
      %swap3A_2394 = vector.shape_cast %swap3A_2393 : vector<1x16xf32> to vector<16xf32>
      %swap3A_2395 = vector.shape_cast %get3A_2389 : vector<16xf32> to vector<1x16xf32>
      tpu.vector_store %arg7[%swap3A_2391, %swap3A_2392], %swap3A_2395 {strides = array<i32>} : memref<77x768xf32, #tpu.memory_space<vmem>>, vector<1x16xf32>,
      %get3A_2396 = arith.index_cast %and3A_2165 : i32 to index
      %get3A_2397 = arith.constant 368 : index
      %get3A_2398 = tpu.vector_load %arg8[%get3A_2396, %get3A_2397] {strides = array<i32>} : memref<8x768xf32, #tpu.memory_space<vmem>>, vector<1x16xf32>,
      %get3A_2399 = vector.shape_cast %get3A_2398 : vector<1x16xf32> to vector<16xf32>
      %swap3A_2400 = arith.constant 0 : i32
      %swap3A_2401 = arith.index_cast %swap3A_2400 : i32 to index
      %swap3A_2402 = arith.constant 368 : index
      %swap3A_2403 = tpu.vector_load %arg7[%swap3A_2401, %swap3A_2402] {strides = array<i32>} : memref<77x768xf32, #tpu.memory_space<vmem>>, vector<1x16xf32>,
      %swap3A_2404 = vector.shape_cast %swap3A_2403 : vector<1x16xf32> to vector<16xf32>
      %swap3A_2405 = vector.shape_cast %get3A_2399 : vector<16xf32> to vector<1x16xf32>
      tpu.vector_store %arg7[%swap3A_2401, %swap3A_2402], %swap3A_2405 {strides = array<i32>} : memref<77x768xf32, #tpu.memory_space<vmem>>, vector<1x16xf32>,
      %get3A_2406 = arith.index_cast %and3A_2165 : i32 to index
      %get3A_2407 = arith.constant 384 : index
      %get3A_2408 = tpu.vector_load %arg8[%get3A_2406, %get3A_2407] {strides = array<i32>} : memref<8x768xf32, #tpu.memory_space<vmem>>, vector<1x16xf32>,
      %get3A_2409 = vector.shape_cast %get3A_2408 : vector<1x16xf32> to vector<16xf32>
      %swap3A_2410 = arith.constant 0 : i32
      %swap3A_2411 = arith.index_cast %swap3A_2410 : i32 to index
      %swap3A_2412 = arith.constant 384 : index
      %swap3A_2413 = tpu.vector_load %arg7[%swap3A_2411, %swap3A_2412] {strides = array<i32>} : memref<77x768xf32, #tpu.memory_space<vmem>>, vector<1x16xf32>,
      %swap3A_2414 = vector.shape_cast %swap3A_2413 : vector<1x16xf32> to vector<16xf32>
      %swap3A_2415 = vector.shape_cast %get3A_2409 : vector<16xf32> to vector<1x16xf32>
      tpu.vector_store %arg7[%swap3A_2411, %swap3A_2412], %swap3A_2415 {strides = array<i32>} : memref<77x768xf32, #tpu.memory_space<vmem>>, vector<1x16xf32>,
      %get3A_2416 = arith.index_cast %and3A_2165 : i32 to index
      %get3A_2417 = arith.constant 400 : index
      %get3A_2418 = tpu.vector_load %arg8[%get3A_2416, %get3A_2417] {strides = array<i32>} : memref<8x768xf32, #tpu.memory_space<vmem>>, vector<1x16xf32>,
      %get3A_2419 = vector.shape_cast %get3A_2418 : vector<1x16xf32> to vector<16xf32>
      %swap3A_2420 = arith.constant 0 : i32
      %swap3A_2421 = arith.index_cast %swap3A_2420 : i32 to index
      %swap3A_2422 = arith.constant 400 : index
      %swap3A_2423 = tpu.vector_load %arg7[%swap3A_2421, %swap3A_2422] {strides = array<i32>} : memref<77x768xf32, #tpu.memory_space<vmem>>, vector<1x16xf32>,
      %swap3A_2424 = vector.shape_cast %swap3A_2423 : vector<1x16xf32> to vector<16xf32>
      %swap3A_2425 = vector.shape_cast %get3A_2419 : vector<16xf32> to vector<1x16xf32>
      tpu.vector_store %arg7[%swap3A_2421, %swap3A_2422], %swap3A_2425 {strides = array<i32>} : memref<77x768xf32, #tpu.memory_space<vmem>>, vector<1x16xf32>,
      %get3A_2426 = arith.index_cast %and3A_2165 : i32 to index
      %get3A_2427 = arith.constant 416 : index
      %get3A_2428 = tpu.vector_load %arg8[%get3A_2426, %get3A_2427] {strides = array<i32>} : memref<8x768xf32, #tpu.memory_space<vmem>>, vector<1x16xf32>,
      %get3A_2429 = vector.shape_cast %get3A_2428 : vector<1x16xf32> to vector<16xf32>
      %swap3A_2430 = arith.constant 0 : i32
      %swap3A_2431 = arith.index_cast %swap3A_2430 : i32 to index
      %swap3A_2432 = arith.constant 416 : index
      %swap3A_2433 = tpu.vector_load %arg7[%swap3A_2431, %swap3A_2432] {strides = array<i32>} : memref<77x768xf32, #tpu.memory_space<vmem>>, vector<1x16xf32>,
      %swap3A_2434 = vector.shape_cast %swap3A_2433 : vector<1x16xf32> to vector<16xf32>
      %swap3A_2435 = vector.shape_cast %get3A_2429 : vector<16xf32> to vector<1x16xf32>
      tpu.vector_store %arg7[%swap3A_2431, %swap3A_2432], %swap3A_2435 {strides = array<i32>} : memref<77x768xf32, #tpu.memory_space<vmem>>, vector<1x16xf32>,
      %get3A_2436 = arith.index_cast %and3A_2165 : i32 to index
      %get3A_2437 = arith.constant 432 : index
      %get3A_2438 = tpu.vector_load %arg8[%get3A_2436, %get3A_2437] {strides = array<i32>} : memref<8x768xf32, #tpu.memory_space<vmem>>, vector<1x16xf32>,
      %get3A_2439 = vector.shape_cast %get3A_2438 : vector<1x16xf32> to vector<16xf32>
      %swap3A_2440 = arith.constant 0 : i32
      %swap3A_2441 = arith.index_cast %swap3A_2440 : i32 to index
      %swap3A_2442 = arith.constant 432 : index
      %swap3A_2443 = tpu.vector_load %arg7[%swap3A_2441, %swap3A_2442] {strides = array<i32>} : memref<77x768xf32, #tpu.memory_space<vmem>>, vector<1x16xf32>,
      %swap3A_2444 = vector.shape_cast %swap3A_2443 : vector<1x16xf32> to vector<16xf32>
      %swap3A_2445 = vector.shape_cast %get3A_2439 : vector<16xf32> to vector<1x16xf32>
      tpu.vector_store %arg7[%swap3A_2441, %swap3A_2442], %swap3A_2445 {strides = array<i32>} : memref<77x768xf32, #tpu.memory_space<vmem>>, vector<1x16xf32>,
      %get3A_2446 = arith.index_cast %and3A_2165 : i32 to index
      %get3A_2447 = arith.constant 448 : index
      %get3A_2448 = tpu.vector_load %arg8[%get3A_2446, %get3A_2447] {strides = array<i32>} : memref<8x768xf32, #tpu.memory_space<vmem>>, vector<1x16xf32>,
      %get3A_2449 = vector.shape_cast %get3A_2448 : vector<1x16xf32> to vector<16xf32>
      %swap3A_2450 = arith.constant 0 : i32
      %swap3A_2451 = arith.index_cast %swap3A_2450 : i32 to index
      %swap3A_2452 = arith.constant 448 : index
      %swap3A_2453 = tpu.vector_load %arg7[%swap3A_2451, %swap3A_2452] {strides = array<i32>} : memref<77x768xf32, #tpu.memory_space<vmem>>, vector<1x16xf32>,
      %swap3A_2454 = vector.shape_cast %swap3A_2453 : vector<1x16xf32> to vector<16xf32>
      %swap3A_2455 = vector.shape_cast %get3A_2449 : vector<16xf32> to vector<1x16xf32>
      tpu.vector_store %arg7[%swap3A_2451, %swap3A_2452], %swap3A_2455 {strides = array<i32>} : memref<77x768xf32, #tpu.memory_space<vmem>>, vector<1x16xf32>,
      %get3A_2456 = arith.index_cast %and3A_2165 : i32 to index
      %get3A_2457 = arith.constant 464 : index
      %get3A_2458 = tpu.vector_load %arg8[%get3A_2456, %get3A_2457] {strides = array<i32>} : memref<8x768xf32, #tpu.memory_space<vmem>>, vector<1x16xf32>,
      %get3A_2459 = vector.shape_cast %get3A_2458 : vector<1x16xf32> to vector<16xf32>
      %swap3A_2460 = arith.constant 0 : i32
      %swap3A_2461 = arith.index_cast %swap3A_2460 : i32 to index
      %swap3A_2462 = arith.constant 464 : index
      %swap3A_2463 = tpu.vector_load %arg7[%swap3A_2461, %swap3A_2462] {strides = array<i32>} : memref<77x768xf32, #tpu.memory_space<vmem>>, vector<1x16xf32>,
      %swap3A_2464 = vector.shape_cast %swap3A_2463 : vector<1x16xf32> to vector<16xf32>
      %swap3A_2465 = vector.shape_cast %get3A_2459 : vector<16xf32> to vector<1x16xf32>
      tpu.vector_store %arg7[%swap3A_2461, %swap3A_2462], %swap3A_2465 {strides = array<i32>} : memref<77x768xf32, #tpu.memory_space<vmem>>, vector<1x16xf32>,
      %get3A_2466 = arith.index_cast %and3A_2165 : i32 to index
      %get3A_2467 = arith.constant 480 : index
      %get3A_2468 = tpu.vector_load %arg8[%get3A_2466, %get3A_2467] {strides = array<i32>} : memref<8x768xf32, #tpu.memory_space<vmem>>, vector<1x16xf32>,
      %get3A_2469 = vector.shape_cast %get3A_2468 : vector<1x16xf32> to vector<16xf32>
      %swap3A_2470 = arith.constant 0 : i32
      %swap3A_2471 = arith.index_cast %swap3A_2470 : i32 to index
      %swap3A_2472 = arith.constant 480 : index
      %swap3A_2473 = tpu.vector_load %arg7[%swap3A_2471, %swap3A_2472] {strides = array<i32>} : memref<77x768xf32, #tpu.memory_space<vmem>>, vector<1x16xf32>,
      %swap3A_2474 = vector.shape_cast %swap3A_2473 : vector<1x16xf32> to vector<16xf32>
      %swap3A_2475 = vector.shape_cast %get3A_2469 : vector<16xf32> to vector<1x16xf32>
      tpu.vector_store %arg7[%swap3A_2471, %swap3A_2472], %swap3A_2475 {strides = array<i32>} : memref<77x768xf32, #tpu.memory_space<vmem>>, vector<1x16xf32>,
      %get3A_2476 = arith.index_cast %and3A_2165 : i32 to index
      %get3A_2477 = arith.constant 496 : index
      %get3A_2478 = tpu.vector_load %arg8[%get3A_2476, %get3A_2477] {strides = array<i32>} : memref<8x768xf32, #tpu.memory_space<vmem>>, vector<1x16xf32>,
      %get3A_2479 = vector.shape_cast %get3A_2478 : vector<1x16xf32> to vector<16xf32>
      %swap3A_2480 = arith.constant 0 : i32
      %swap3A_2481 = arith.index_cast %swap3A_2480 : i32 to index
      %swap3A_2482 = arith.constant 496 : index
      %swap3A_2483 = tpu.vector_load %arg7[%swap3A_2481, %swap3A_2482] {strides = array<i32>} : memref<77x768xf32, #tpu.memory_space<vmem>>, vector<1x16xf32>,
      %swap3A_2484 = vector.shape_cast %swap3A_2483 : vector<1x16xf32> to vector<16xf32>
      %swap3A_2485 = vector.shape_cast %get3A_2479 : vector<16xf32> to vector<1x16xf32>
      tpu.vector_store %arg7[%swap3A_2481, %swap3A_2482], %swap3A_2485 {strides = array<i32>} : memref<77x768xf32, #tpu.memory_space<vmem>>, vector<1x16xf32>,
      %get3A_2486 = arith.index_cast %and3A_2165 : i32 to index
      %get3A_2487 = arith.constant 512 : index
      %get3A_2488 = tpu.vector_load %arg8[%get3A_2486, %get3A_2487] {strides = array<i32>} : memref<8x768xf32, #tpu.memory_space<vmem>>, vector<1x16xf32>,
      %get3A_2489 = vector.shape_cast %get3A_2488 : vector<1x16xf32> to vector<16xf32>
      %swap3A_2490 = arith.constant 0 : i32
      %swap3A_2491 = arith.index_cast %swap3A_2490 : i32 to index
      %swap3A_2492 = arith.constant 512 : index
      %swap3A_2493 = tpu.vector_load %arg7[%swap3A_2491, %swap3A_2492] {strides = array<i32>} : memref<77x768xf32, #tpu.memory_space<vmem>>, vector<1x16xf32>,
      %swap3A_2494 = vector.shape_cast %swap3A_2493 : vector<1x16xf32> to vector<16xf32>
      %swap3A_2495 = vector.shape_cast %get3A_2489 : vector<16xf32> to vector<1x16xf32>
      tpu.vector_store %arg7[%swap3A_2491, %swap3A_2492], %swap3A_2495 {strides = array<i32>} : memref<77x768xf32, #tpu.memory_space<vmem>>, vector<1x16xf32>,
      %get3A_2496 = arith.index_cast %and3A_2165 : i32 to index
      %get3A_2497 = arith.constant 528 : index
      %get3A_2498 = tpu.vector_load %arg8[%get3A_2496, %get3A_2497] {strides = array<i32>} : memref<8x768xf32, #tpu.memory_space<vmem>>, vector<1x16xf32>,
      %get3A_2499 = vector.shape_cast %get3A_2498 : vector<1x16xf32> to vector<16xf32>
      %swap3A_2500 = arith.constant 0 : i32
      %swap3A_2501 = arith.index_cast %swap3A_2500 : i32 to index
      %swap3A_2502 = arith.constant 528 : index
      %swap3A_2503 = tpu.vector_load %arg7[%swap3A_2501, %swap3A_2502] {strides = array<i32>} : memref<77x768xf32, #tpu.memory_space<vmem>>, vector<1x16xf32>,
      %swap3A_2504 = vector.shape_cast %swap3A_2503 : vector<1x16xf32> to vector<16xf32>
      %swap3A_2505 = vector.shape_cast %get3A_2499 : vector<16xf32> to vector<1x16xf32>
      tpu.vector_store %arg7[%swap3A_2501, %swap3A_2502], %swap3A_2505 {strides = array<i32>} : memref<77x768xf32, #tpu.memory_space<vmem>>, vector<1x16xf32>,
      %get3A_2506 = arith.index_cast %and3A_2165 : i32 to index
      %get3A_2507 = arith.constant 544 : index
      %get3A_2508 = tpu.vector_load %arg8[%get3A_2506, %get3A_2507] {strides = array<i32>} : memref<8x768xf32, #tpu.memory_space<vmem>>, vector<1x16xf32>,
      %get3A_2509 = vector.shape_cast %get3A_2508 : vector<1x16xf32> to vector<16xf32>
      %swap3A_2510 = arith.constant 0 : i32
      %swap3A_2511 = arith.index_cast %swap3A_2510 : i32 to index
      %swap3A_2512 = arith.constant 544 : index
      %swap3A_2513 = tpu.vector_load %arg7[%swap3A_2511, %swap3A_2512] {strides = array<i32>} : memref<77x768xf32, #tpu.memory_space<vmem>>, vector<1x16xf32>,
      %swap3A_2514 = vector.shape_cast %swap3A_2513 : vector<1x16xf32> to vector<16xf32>
      %swap3A_2515 = vector.shape_cast %get3A_2509 : vector<16xf32> to vector<1x16xf32>
      tpu.vector_store %arg7[%swap3A_2511, %swap3A_2512], %swap3A_2515 {strides = array<i32>} : memref<77x768xf32, #tpu.memory_space<vmem>>, vector<1x16xf32>,
      %get3A_2516 = arith.index_cast %and3A_2165 : i32 to index
      %get3A_2517 = arith.constant 560 : index
      %get3A_2518 = tpu.vector_load %arg8[%get3A_2516, %get3A_2517] {strides = array<i32>} : memref<8x768xf32, #tpu.memory_space<vmem>>, vector<1x16xf32>,
      %get3A_2519 = vector.shape_cast %get3A_2518 : vector<1x16xf32> to vector<16xf32>
      %swap3A_2520 = arith.constant 0 : i32
      %swap3A_2521 = arith.index_cast %swap3A_2520 : i32 to index
      %swap3A_2522 = arith.constant 560 : index
      %swap3A_2523 = tpu.vector_load %arg7[%swap3A_2521, %swap3A_2522] {strides = array<i32>} : memref<77x768xf32, #tpu.memory_space<vmem>>, vector<1x16xf32>,
      %swap3A_2524 = vector.shape_cast %swap3A_2523 : vector<1x16xf32> to vector<16xf32>
      %swap3A_2525 = vector.shape_cast %get3A_2519 : vector<16xf32> to vector<1x16xf32>
      tpu.vector_store %arg7[%swap3A_2521, %swap3A_2522], %swap3A_2525 {strides = array<i32>} : memref<77x768xf32, #tpu.memory_space<vmem>>, vector<1x16xf32>,
      %get3A_2526 = arith.index_cast %and3A_2165 : i32 to index
      %get3A_2527 = arith.constant 576 : index
      %get3A_2528 = tpu.vector_load %arg8[%get3A_2526, %get3A_2527] {strides = array<i32>} : memref<8x768xf32, #tpu.memory_space<vmem>>, vector<1x16xf32>,
      %get3A_2529 = vector.shape_cast %get3A_2528 : vector<1x16xf32> to vector<16xf32>
      %swap3A_2530 = arith.constant 0 : i32
      %swap3A_2531 = arith.index_cast %swap3A_2530 : i32 to index
      %swap3A_2532 = arith.constant 576 : index
      %swap3A_2533 = tpu.vector_load %arg7[%swap3A_2531, %swap3A_2532] {strides = array<i32>} : memref<77x768xf32, #tpu.memory_space<vmem>>, vector<1x16xf32>,
      %swap3A_2534 = vector.shape_cast %swap3A_2533 : vector<1x16xf32> to vector<16xf32>
      %swap3A_2535 = vector.shape_cast %get3A_2529 : vector<16xf32> to vector<1x16xf32>
      tpu.vector_store %arg7[%swap3A_2531, %swap3A_2532], %swap3A_2535 {strides = array<i32>} : memref<77x768xf32, #tpu.memory_space<vmem>>, vector<1x16xf32>,
      %get3A_2536 = arith.index_cast %and3A_2165 : i32 to index
      %get3A_2537 = arith.constant 592 : index
      %get3A_2538 = tpu.vector_load %arg8[%get3A_2536, %get3A_2537] {strides = array<i32>} : memref<8x768xf32, #tpu.memory_space<vmem>>, vector<1x16xf32>,
      %get3A_2539 = vector.shape_cast %get3A_2538 : vector<1x16xf32> to vector<16xf32>
      %swap3A_2540 = arith.constant 0 : i32
      %swap3A_2541 = arith.index_cast %swap3A_2540 : i32 to index
      %swap3A_2542 = arith.constant 592 : index
      %swap3A_2543 = tpu.vector_load %arg7[%swap3A_2541, %swap3A_2542] {strides = array<i32>} : memref<77x768xf32, #tpu.memory_space<vmem>>, vector<1x16xf32>,
      %swap3A_2544 = vector.shape_cast %swap3A_2543 : vector<1x16xf32> to vector<16xf32>
      %swap3A_2545 = vector.shape_cast %get3A_2539 : vector<16xf32> to vector<1x16xf32>
      tpu.vector_store %arg7[%swap3A_2541, %swap3A_2542], %swap3A_2545 {strides = array<i32>} : memref<77x768xf32, #tpu.memory_space<vmem>>, vector<1x16xf32>,
      %get3A_2546 = arith.index_cast %and3A_2165 : i32 to index
      %get3A_2547 = arith.constant 608 : index
      %get3A_2548 = tpu.vector_load %arg8[%get3A_2546, %get3A_2547] {strides = array<i32>} : memref<8x768xf32, #tpu.memory_space<vmem>>, vector<1x16xf32>,
      %get3A_2549 = vector.shape_cast %get3A_2548 : vector<1x16xf32> to vector<16xf32>
      %swap3A_2550 = arith.constant 0 : i32
      %swap3A_2551 = arith.index_cast %swap3A_2550 : i32 to index
      %swap3A_2552 = arith.constant 608 : index
      %swap3A_2553 = tpu.vector_load %arg7[%swap3A_2551, %swap3A_2552] {strides = array<i32>} : memref<77x768xf32, #tpu.memory_space<vmem>>, vector<1x16xf32>,
      %swap3A_2554 = vector.shape_cast %swap3A_2553 : vector<1x16xf32> to vector<16xf32>
      %swap3A_2555 = vector.shape_cast %get3A_2549 : vector<16xf32> to vector<1x16xf32>
      tpu.vector_store %arg7[%swap3A_2551, %swap3A_2552], %swap3A_2555 {strides = array<i32>} : memref<77x768xf32, #tpu.memory_space<vmem>>, vector<1x16xf32>,
      %get3A_2556 = arith.index_cast %and3A_2165 : i32 to index
      %get3A_2557 = arith.constant 624 : index
      %get3A_2558 = tpu.vector_load %arg8[%get3A_2556, %get3A_2557] {strides = array<i32>} : memref<8x768xf32, #tpu.memory_space<vmem>>, vector<1x16xf32>,
      %get3A_2559 = vector.shape_cast %get3A_2558 : vector<1x16xf32> to vector<16xf32>
      %swap3A_2560 = arith.constant 0 : i32
      %swap3A_2561 = arith.index_cast %swap3A_2560 : i32 to index
      %swap3A_2562 = arith.constant 624 : index
      %swap3A_2563 = tpu.vector_load %arg7[%swap3A_2561, %swap3A_2562] {strides = array<i32>} : memref<77x768xf32, #tpu.memory_space<vmem>>, vector<1x16xf32>,
      %swap3A_2564 = vector.shape_cast %swap3A_2563 : vector<1x16xf32> to vector<16xf32>
      %swap3A_2565 = vector.shape_cast %get3A_2559 : vector<16xf32> to vector<1x16xf32>
      tpu.vector_store %arg7[%swap3A_2561, %swap3A_2562], %swap3A_2565 {strides = array<i32>} : memref<77x768xf32, #tpu.memory_space<vmem>>, vector<1x16xf32>,
      %get3A_2566 = arith.index_cast %and3A_2165 : i32 to index
      %get3A_2567 = arith.constant 640 : index
      %get3A_2568 = tpu.vector_load %arg8[%get3A_2566, %get3A_2567] {strides = array<i32>} : memref<8x768xf32, #tpu.memory_space<vmem>>, vector<1x16xf32>,
      %get3A_2569 = vector.shape_cast %get3A_2568 : vector<1x16xf32> to vector<16xf32>
      %swap3A_2570 = arith.constant 0 : i32
      %swap3A_2571 = arith.index_cast %swap3A_2570 : i32 to index
      %swap3A_2572 = arith.constant 640 : index
      %swap3A_2573 = tpu.vector_load %arg7[%swap3A_2571, %swap3A_2572] {strides = array<i32>} : memref<77x768xf32, #tpu.memory_space<vmem>>, vector<1x16xf32>,
      %swap3A_2574 = vector.shape_cast %swap3A_2573 : vector<1x16xf32> to vector<16xf32>
      %swap3A_2575 = vector.shape_cast %get3A_2569 : vector<16xf32> to vector<1x16xf32>
      tpu.vector_store %arg7[%swap3A_2571, %swap3A_2572], %swap3A_2575 {strides = array<i32>} : memref<77x768xf32, #tpu.memory_space<vmem>>, vector<1x16xf32>,
      %get3A_2576 = arith.index_cast %and3A_2165 : i32 to index
      %get3A_2577 = arith.constant 656 : index
      %get3A_2578 = tpu.vector_load %arg8[%get3A_2576, %get3A_2577] {strides = array<i32>} : memref<8x768xf32, #tpu.memory_space<vmem>>, vector<1x16xf32>,
      %get3A_2579 = vector.shape_cast %get3A_2578 : vector<1x16xf32> to vector<16xf32>
      %swap3A_2580 = arith.constant 0 : i32
      %swap3A_2581 = arith.index_cast %swap3A_2580 : i32 to index
      %swap3A_2582 = arith.constant 656 : index
      %swap3A_2583 = tpu.vector_load %arg7[%swap3A_2581, %swap3A_2582] {strides = array<i32>} : memref<77x768xf32, #tpu.memory_space<vmem>>, vector<1x16xf32>,
      %swap3A_2584 = vector.shape_cast %swap3A_2583 : vector<1x16xf32> to vector<16xf32>
      %swap3A_2585 = vector.shape_cast %get3A_2579 : vector<16xf32> to vector<1x16xf32>
      tpu.vector_store %arg7[%swap3A_2581, %swap3A_2582], %swap3A_2585 {strides = array<i32>} : memref<77x768xf32, #tpu.memory_space<vmem>>, vector<1x16xf32>,
      %get3A_2586 = arith.index_cast %and3A_2165 : i32 to index
      %get3A_2587 = arith.constant 672 : index
      %get3A_2588 = tpu.vector_load %arg8[%get3A_2586, %get3A_2587] {strides = array<i32>} : memref<8x768xf32, #tpu.memory_space<vmem>>, vector<1x16xf32>,
      %get3A_2589 = vector.shape_cast %get3A_2588 : vector<1x16xf32> to vector<16xf32>
      %swap3A_2590 = arith.constant 0 : i32
      %swap3A_2591 = arith.index_cast %swap3A_2590 : i32 to index
      %swap3A_2592 = arith.constant 672 : index
      %swap3A_2593 = tpu.vector_load %arg7[%swap3A_2591, %swap3A_2592] {strides = array<i32>} : memref<77x768xf32, #tpu.memory_space<vmem>>, vector<1x16xf32>,
      %swap3A_2594 = vector.shape_cast %swap3A_2593 : vector<1x16xf32> to vector<16xf32>
      %swap3A_2595 = vector.shape_cast %get3A_2589 : vector<16xf32> to vector<1x16xf32>
      tpu.vector_store %arg7[%swap3A_2591, %swap3A_2592], %swap3A_2595 {strides = array<i32>} : memref<77x768xf32, #tpu.memory_space<vmem>>, vector<1x16xf32>,
      %get3A_2596 = arith.index_cast %and3A_2165 : i32 to index
      %get3A_2597 = arith.constant 688 : index
      %get3A_2598 = tpu.vector_load %arg8[%get3A_2596, %get3A_2597] {strides = array<i32>} : memref<8x768xf32, #tpu.memory_space<vmem>>, vector<1x16xf32>,
      %get3A_2599 = vector.shape_cast %get3A_2598 : vector<1x16xf32> to vector<16xf32>
      %swap3A_2600 = arith.constant 0 : i32
      %swap3A_2601 = arith.index_cast %swap3A_2600 : i32 to index
      %swap3A_2602 = arith.constant 688 : index
      %swap3A_2603 = tpu.vector_load %arg7[%swap3A_2601, %swap3A_2602] {strides = array<i32>} : memref<77x768xf32, #tpu.memory_space<vmem>>, vector<1x16xf32>,
      %swap3A_2604 = vector.shape_cast %swap3A_2603 : vector<1x16xf32> to vector<16xf32>
      %swap3A_2605 = vector.shape_cast %get3A_2599 : vector<16xf32> to vector<1x16xf32>
      tpu.vector_store %arg7[%swap3A_2601, %swap3A_2602], %swap3A_2605 {strides = array<i32>} : memref<77x768xf32, #tpu.memory_space<vmem>>, vector<1x16xf32>,
      %get3A_2606 = arith.index_cast %and3A_2165 : i32 to index
      %get3A_2607 = arith.constant 704 : index
      %get3A_2608 = tpu.vector_load %arg8[%get3A_2606, %get3A_2607] {strides = array<i32>} : memref<8x768xf32, #tpu.memory_space<vmem>>, vector<1x16xf32>,
      %get3A_2609 = vector.shape_cast %get3A_2608 : vector<1x16xf32> to vector<16xf32>
      %swap3A_2610 = arith.constant 0 : i32
      %swap3A_2611 = arith.index_cast %swap3A_2610 : i32 to index
      %swap3A_2612 = arith.constant 704 : index
      %swap3A_2613 = tpu.vector_load %arg7[%swap3A_2611, %swap3A_2612] {strides = array<i32>} : memref<77x768xf32, #tpu.memory_space<vmem>>, vector<1x16xf32>,
      %swap3A_2614 = vector.shape_cast %swap3A_2613 : vector<1x16xf32> to vector<16xf32>
      %swap3A_2615 = vector.shape_cast %get3A_2609 : vector<16xf32> to vector<1x16xf32>
      tpu.vector_store %arg7[%swap3A_2611, %swap3A_2612], %swap3A_2615 {strides = array<i32>} : memref<77x768xf32, #tpu.memory_space<vmem>>, vector<1x16xf32>,
      %get3A_2616 = arith.index_cast %and3A_2165 : i32 to index
      %get3A_2617 = arith.constant 720 : index
      %get3A_2618 = tpu.vector_load %arg8[%get3A_2616, %get3A_2617] {strides = array<i32>} : memref<8x768xf32, #tpu.memory_space<vmem>>, vector<1x16xf32>,
      %get3A_2619 = vector.shape_cast %get3A_2618 : vector<1x16xf32> to vector<16xf32>
      %swap3A_2620 = arith.constant 0 : i32
      %swap3A_2621 = arith.index_cast %swap3A_2620 : i32 to index
      %swap3A_2622 = arith.constant 720 : index
      %swap3A_2623 = tpu.vector_load %arg7[%swap3A_2621, %swap3A_2622] {strides = array<i32>} : memref<77x768xf32, #tpu.memory_space<vmem>>, vector<1x16xf32>,
      %swap3A_2624 = vector.shape_cast %swap3A_2623 : vector<1x16xf32> to vector<16xf32>
      %swap3A_2625 = vector.shape_cast %get3A_2619 : vector<16xf32> to vector<1x16xf32>
      tpu.vector_store %arg7[%swap3A_2621, %swap3A_2622], %swap3A_2625 {strides = array<i32>} : memref<77x768xf32, #tpu.memory_space<vmem>>, vector<1x16xf32>,
      %get3A_2626 = arith.index_cast %and3A_2165 : i32 to index
      %get3A_2627 = arith.constant 736 : index
      %get3A_2628 = tpu.vector_load %arg8[%get3A_2626, %get3A_2627] {strides = array<i32>} : memref<8x768xf32, #tpu.memory_space<vmem>>, vector<1x16xf32>,
      %get3A_2629 = vector.shape_cast %get3A_2628 : vector<1x16xf32> to vector<16xf32>
      %swap3A_2630 = arith.constant 0 : i32
      %swap3A_2631 = arith.index_cast %swap3A_2630 : i32 to index
      %swap3A_2632 = arith.constant 736 : index
      %swap3A_2633 = tpu.vector_load %arg7[%swap3A_2631, %swap3A_2632] {strides = array<i32>} : memref<77x768xf32, #tpu.memory_space<vmem>>, vector<1x16xf32>,
      %swap3A_2634 = vector.shape_cast %swap3A_2633 : vector<1x16xf32> to vector<16xf32>
      %swap3A_2635 = vector.shape_cast %get3A_2629 : vector<16xf32> to vector<1x16xf32>
      tpu.vector_store %arg7[%swap3A_2631, %swap3A_2632], %swap3A_2635 {strides = array<i32>} : memref<77x768xf32, #tpu.memory_space<vmem>>, vector<1x16xf32>,
      %get3A_2636 = arith.index_cast %and3A_2165 : i32 to index
      %get3A_2637 = arith.constant 752 : index
      %get3A_2638 = tpu.vector_load %arg8[%get3A_2636, %get3A_2637] {strides = array<i32>} : memref<8x768xf32, #tpu.memory_space<vmem>>, vector<1x16xf32>,
      %get3A_2639 = vector.shape_cast %get3A_2638 : vector<1x16xf32> to vector<16xf32>
      %swap3A_2640 = arith.constant 0 : i32
      %swap3A_2641 = arith.index_cast %swap3A_2640 : i32 to index
      %swap3A_2642 = arith.constant 752 : index
      %swap3A_2643 = tpu.vector_load %arg7[%swap3A_2641, %swap3A_2642] {strides = array<i32>} : memref<77x768xf32, #tpu.memory_space<vmem>>, vector<1x16xf32>,
      %swap3A_2644 = vector.shape_cast %swap3A_2643 : vector<1x16xf32> to vector<16xf32>
      %swap3A_2645 = vector.shape_cast %get3A_2639 : vector<16xf32> to vector<1x16xf32>
      tpu.vector_store %arg7[%swap3A_2641, %swap3A_2642], %swap3A_2645 {strides = array<i32>} : memref<77x768xf32, #tpu.memory_space<vmem>>, vector<1x16xf32>,
      %scan3A = arith.constant 0 : i32
      %scan3A_2646 = arith.constant 0 : i32
      %scan3A_2647 = arith.constant 72 : i32
      %scan3A_2648 = arith.addi %scan3A_2646, %scan3A_2647 : i32
      %scan3A_2649 = arith.constant 1 : i32
      scf.for %scan3A_2665 = %scan3A_2646 to %scan3A_2648 step %scan3A_2649  : i32 {
        %add3A_2666 = arith.constant 5 : i32
        %add3A_2667 = arith.addi %add3A_2666, %scan3A_2665 : i32
        %get3A_2668 = arith.index_cast %scan3A_2665 : i32 to index
        %get3A_2669 = arith.constant 0 : index
        %get3A_2670 = tpu.vector_load %arg6[%get3A_2668, %get3A_2669] {strides = array<i32>} : memref<72x768xf32, #tpu.memory_space<vmem>>, vector<1x16xf32>,
        %get3A_2671 = vector.shape_cast %get3A_2670 : vector<1x16xf32> to vector<16xf32>
        %swap3A_2672 = arith.index_cast %add3A_2667 : i32 to index
        %swap3A_2673 = arith.constant 0 : index
        %swap3A_2674 = tpu.vector_load %arg7[%swap3A_2672, %swap3A_2673] {strides = array<i32>} : memref<77x768xf32, #tpu.memory_space<vmem>>, vector<1x16xf32>,
        %swap3A_2675 = vector.shape_cast %swap3A_2674 : vector<1x16xf32> to vector<16xf32>
        %swap3A_2676 = vector.shape_cast %get3A_2671 : vector<16xf32> to vector<1x16xf32>
        tpu.vector_store %arg7[%swap3A_2672, %swap3A_2673], %swap3A_2676 {strides = array<i32>} : memref<77x768xf32, #tpu.memory_space<vmem>>, vector<1x16xf32>,
        %get3A_2677 = arith.index_cast %scan3A_2665 : i32 to index
        %get3A_2678 = arith.constant 16 : index
        %get3A_2679 = tpu.vector_load %arg6[%get3A_2677, %get3A_2678] {strides = array<i32>} : memref<72x768xf32, #tpu.memory_space<vmem>>, vector<1x16xf32>,
        %get3A_2680 = vector.shape_cast %get3A_2679 : vector<1x16xf32> to vector<16xf32>
        %swap3A_2681 = arith.index_cast %add3A_2667 : i32 to index
        %swap3A_2682 = arith.constant 16 : index
        %swap3A_2683 = tpu.vector_load %arg7[%swap3A_2681, %swap3A_2682] {strides = array<i32>} : memref<77x768xf32, #tpu.memory_space<vmem>>, vector<1x16xf32>,
        %swap3A_2684 = vector.shape_cast %swap3A_2683 : vector<1x16xf32> to vector<16xf32>
        %swap3A_2685 = vector.shape_cast %get3A_2680 : vector<16xf32> to vector<1x16xf32>
        tpu.vector_store %arg7[%swap3A_2681, %swap3A_2682], %swap3A_2685 {strides = array<i32>} : memref<77x768xf32, #tpu.memory_space<vmem>>, vector<1x16xf32>,
        %get3A_2686 = arith.index_cast %scan3A_2665 : i32 to index
        %get3A_2687 = arith.constant 32 : index
        %get3A_2688 = tpu.vector_load %arg6[%get3A_2686, %get3A_2687] {strides = array<i32>} : memref<72x768xf32, #tpu.memory_space<vmem>>, vector<1x16xf32>,
        %get3A_2689 = vector.shape_cast %get3A_2688 : vector<1x16xf32> to vector<16xf32>
        %swap3A_2690 = arith.index_cast %add3A_2667 : i32 to index
        %swap3A_2691 = arith.constant 32 : index
        %swap3A_2692 = tpu.vector_load %arg7[%swap3A_2690, %swap3A_2691] {strides = array<i32>} : memref<77x768xf32, #tpu.memory_space<vmem>>, vector<1x16xf32>,
        %swap3A_2693 = vector.shape_cast %swap3A_2692 : vector<1x16xf32> to vector<16xf32>
        %swap3A_2694 = vector.shape_cast %get3A_2689 : vector<16xf32> to vector<1x16xf32>
        tpu.vector_store %arg7[%swap3A_2690, %swap3A_2691], %swap3A_2694 {strides = array<i32>} : memref<77x768xf32, #tpu.memory_space<vmem>>, vector<1x16xf32>,
        %get3A_2695 = arith.index_cast %scan3A_2665 : i32 to index
        %get3A_2696 = arith.constant 48 : index
        %get3A_2697 = tpu.vector_load %arg6[%get3A_2695, %get3A_2696] {strides = array<i32>} : memref<72x768xf32, #tpu.memory_space<vmem>>, vector<1x16xf32>,
        %get3A_2698 = vector.shape_cast %get3A_2697 : vector<1x16xf32> to vector<16xf32>
        %swap3A_2699 = arith.index_cast %add3A_2667 : i32 to index
        %swap3A_2700 = arith.constant 48 : index
        %swap3A_2701 = tpu.vector_load %arg7[%swap3A_2699, %swap3A_2700] {strides = array<i32>} : memref<77x768xf32, #tpu.memory_space<vmem>>, vector<1x16xf32>,
        %swap3A_2702 = vector.shape_cast %swap3A_2701 : vector<1x16xf32> to vector<16xf32>
        %swap3A_2703 = vector.shape_cast %get3A_2698 : vector<16xf32> to vector<1x16xf32>
        tpu.vector_store %arg7[%swap3A_2699, %swap3A_2700], %swap3A_2703 {strides = array<i32>} : memref<77x768xf32, #tpu.memory_space<vmem>>, vector<1x16xf32>,
        %get3A_2704 = arith.index_cast %scan3A_2665 : i32 to index
        %get3A_2705 = arith.constant 64 : index
        %get3A_2706 = tpu.vector_load %arg6[%get3A_2704, %get3A_2705] {strides = array<i32>} : memref<72x768xf32, #tpu.memory_space<vmem>>, vector<1x16xf32>,
        %get3A_2707 = vector.shape_cast %get3A_2706 : vector<1x16xf32> to vector<16xf32>
        %swap3A_2708 = arith.index_cast %add3A_2667 : i32 to index
        %swap3A_2709 = arith.constant 64 : index
        %swap3A_2710 = tpu.vector_load %arg7[%swap3A_2708, %swap3A_2709] {strides = array<i32>} : memref<77x768xf32, #tpu.memory_space<vmem>>, vector<1x16xf32>,
        %swap3A_2711 = vector.shape_cast %swap3A_2710 : vector<1x16xf32> to vector<16xf32>
        %swap3A_2712 = vector.shape_cast %get3A_2707 : vector<16xf32> to vector<1x16xf32>
        tpu.vector_store %arg7[%swap3A_2708, %swap3A_2709], %swap3A_2712 {strides = array<i32>} : memref<77x768xf32, #tpu.memory_space<vmem>>, vector<1x16xf32>,
        %get3A_2713 = arith.index_cast %scan3A_2665 : i32 to index
        %get3A_2714 = arith.constant 80 : index
        %get3A_2715 = tpu.vector_load %arg6[%get3A_2713, %get3A_2714] {strides = array<i32>} : memref<72x768xf32, #tpu.memory_space<vmem>>, vector<1x16xf32>,
        %get3A_2716 = vector.shape_cast %get3A_2715 : vector<1x16xf32> to vector<16xf32>
        %swap3A_2717 = arith.index_cast %add3A_2667 : i32 to index
        %swap3A_2718 = arith.constant 80 : index
        %swap3A_2719 = tpu.vector_load %arg7[%swap3A_2717, %swap3A_2718] {strides = array<i32>} : memref<77x768xf32, #tpu.memory_space<vmem>>, vector<1x16xf32>,
        %swap3A_2720 = vector.shape_cast %swap3A_2719 : vector<1x16xf32> to vector<16xf32>
        %swap3A_2721 = vector.shape_cast %get3A_2716 : vector<16xf32> to vector<1x16xf32>
        tpu.vector_store %arg7[%swap3A_2717, %swap3A_2718], %swap3A_2721 {strides = array<i32>} : memref<77x768xf32, #tpu.memory_space<vmem>>, vector<1x16xf32>,
        %get3A_2722 = arith.index_cast %scan3A_2665 : i32 to index
        %get3A_2723 = arith.constant 96 : index
        %get3A_2724 = tpu.vector_load %arg6[%get3A_2722, %get3A_2723] {strides = array<i32>} : memref<72x768xf32, #tpu.memory_space<vmem>>, vector<1x16xf32>,
        %get3A_2725 = vector.shape_cast %get3A_2724 : vector<1x16xf32> to vector<16xf32>
        %swap3A_2726 = arith.index_cast %add3A_2667 : i32 to index
        %swap3A_2727 = arith.constant 96 : index
        %swap3A_2728 = tpu.vector_load %arg7[%swap3A_2726, %swap3A_2727] {strides = array<i32>} : memref<77x768xf32, #tpu.memory_space<vmem>>, vector<1x16xf32>,
        %swap3A_2729 = vector.shape_cast %swap3A_2728 : vector<1x16xf32> to vector<16xf32>
        %swap3A_2730 = vector.shape_cast %get3A_2725 : vector<16xf32> to vector<1x16xf32>
        tpu.vector_store %arg7[%swap3A_2726, %swap3A_2727], %swap3A_2730 {strides = array<i32>} : memref<77x768xf32, #tpu.memory_space<vmem>>, vector<1x16xf32>,
        %get3A_2731 = arith.index_cast %scan3A_2665 : i32 to index
        %get3A_2732 = arith.constant 112 : index
        %get3A_2733 = tpu.vector_load %arg6[%get3A_2731, %get3A_2732] {strides = array<i32>} : memref<72x768xf32, #tpu.memory_space<vmem>>, vector<1x16xf32>,
        %get3A_2734 = vector.shape_cast %get3A_2733 : vector<1x16xf32> to vector<16xf32>
        %swap3A_2735 = arith.index_cast %add3A_2667 : i32 to index
        %swap3A_2736 = arith.constant 112 : index
        %swap3A_2737 = tpu.vector_load %arg7[%swap3A_2735, %swap3A_2736] {strides = array<i32>} : memref<77x768xf32, #tpu.memory_space<vmem>>, vector<1x16xf32>,
        %swap3A_2738 = vector.shape_cast %swap3A_2737 : vector<1x16xf32> to vector<16xf32>
        %swap3A_2739 = vector.shape_cast %get3A_2734 : vector<16xf32> to vector<1x16xf32>
        tpu.vector_store %arg7[%swap3A_2735, %swap3A_2736], %swap3A_2739 {strides = array<i32>} : memref<77x768xf32, #tpu.memory_space<vmem>>, vector<1x16xf32>,
        %get3A_2740 = arith.index_cast %scan3A_2665 : i32 to index
        %get3A_2741 = arith.constant 128 : index
        %get3A_2742 = tpu.vector_load %arg6[%get3A_2740, %get3A_2741] {strides = array<i32>} : memref<72x768xf32, #tpu.memory_space<vmem>>, vector<1x16xf32>,
        %get3A_2743 = vector.shape_cast %get3A_2742 : vector<1x16xf32> to vector<16xf32>
        %swap3A_2744 = arith.index_cast %add3A_2667 : i32 to index
        %swap3A_2745 = arith.constant 128 : index
        %swap3A_2746 = tpu.vector_load %arg7[%swap3A_2744, %swap3A_2745] {strides = array<i32>} : memref<77x768xf32, #tpu.memory_space<vmem>>, vector<1x16xf32>,
        %swap3A_2747 = vector.shape_cast %swap3A_2746 : vector<1x16xf32> to vector<16xf32>
        %swap3A_2748 = vector.shape_cast %get3A_2743 : vector<16xf32> to vector<1x16xf32>
        tpu.vector_store %arg7[%swap3A_2744, %swap3A_2745], %swap3A_2748 {strides = array<i32>} : memref<77x768xf32, #tpu.memory_space<vmem>>, vector<1x16xf32>,
        %get3A_2749 = arith.index_cast %scan3A_2665 : i32 to index
        %get3A_2750 = arith.constant 144 : index
        %get3A_2751 = tpu.vector_load %arg6[%get3A_2749, %get3A_2750] {strides = array<i32>} : memref<72x768xf32, #tpu.memory_space<vmem>>, vector<1x16xf32>,
        %get3A_2752 = vector.shape_cast %get3A_2751 : vector<1x16xf32> to vector<16xf32>
        %swap3A_2753 = arith.index_cast %add3A_2667 : i32 to index
        %swap3A_2754 = arith.constant 144 : index
        %swap3A_2755 = tpu.vector_load %arg7[%swap3A_2753, %swap3A_2754] {strides = array<i32>} : memref<77x768xf32, #tpu.memory_space<vmem>>, vector<1x16xf32>,
        %swap3A_2756 = vector.shape_cast %swap3A_2755 : vector<1x16xf32> to vector<16xf32>
        %swap3A_2757 = vector.shape_cast %get3A_2752 : vector<16xf32> to vector<1x16xf32>
        tpu.vector_store %arg7[%swap3A_2753, %swap3A_2754], %swap3A_2757 {strides = array<i32>} : memref<77x768xf32, #tpu.memory_space<vmem>>, vector<1x16xf32>,
        %get3A_2758 = arith.index_cast %scan3A_2665 : i32 to index
        %get3A_2759 = arith.constant 160 : index
        %get3A_2760 = tpu.vector_load %arg6[%get3A_2758, %get3A_2759] {strides = array<i32>} : memref<72x768xf32, #tpu.memory_space<vmem>>, vector<1x16xf32>,
        %get3A_2761 = vector.shape_cast %get3A_2760 : vector<1x16xf32> to vector<16xf32>
        %swap3A_2762 = arith.index_cast %add3A_2667 : i32 to index
        %swap3A_2763 = arith.constant 160 : index
        %swap3A_2764 = tpu.vector_load %arg7[%swap3A_2762, %swap3A_2763] {strides = array<i32>} : memref<77x768xf32, #tpu.memory_space<vmem>>, vector<1x16xf32>,
        %swap3A_2765 = vector.shape_cast %swap3A_2764 : vector<1x16xf32> to vector<16xf32>
        %swap3A_2766 = vector.shape_cast %get3A_2761 : vector<16xf32> to vector<1x16xf32>
        tpu.vector_store %arg7[%swap3A_2762, %swap3A_2763], %swap3A_2766 {strides = array<i32>} : memref<77x768xf32, #tpu.memory_space<vmem>>, vector<1x16xf32>,
        %get3A_2767 = arith.index_cast %scan3A_2665 : i32 to index
        %get3A_2768 = arith.constant 176 : index
        %get3A_2769 = tpu.vector_load %arg6[%get3A_2767, %get3A_2768] {strides = array<i32>} : memref<72x768xf32, #tpu.memory_space<vmem>>, vector<1x16xf32>,
        %get3A_2770 = vector.shape_cast %get3A_2769 : vector<1x16xf32> to vector<16xf32>
        %swap3A_2771 = arith.index_cast %add3A_2667 : i32 to index
        %swap3A_2772 = arith.constant 176 : index
        %swap3A_2773 = tpu.vector_load %arg7[%swap3A_2771, %swap3A_2772] {strides = array<i32>} : memref<77x768xf32, #tpu.memory_space<vmem>>, vector<1x16xf32>,
        %swap3A_2774 = vector.shape_cast %swap3A_2773 : vector<1x16xf32> to vector<16xf32>
        %swap3A_2775 = vector.shape_cast %get3A_2770 : vector<16xf32> to vector<1x16xf32>
        tpu.vector_store %arg7[%swap3A_2771, %swap3A_2772], %swap3A_2775 {strides = array<i32>} : memref<77x768xf32, #tpu.memory_space<vmem>>, vector<1x16xf32>,
        %get3A_2776 = arith.index_cast %scan3A_2665 : i32 to index
        %get3A_2777 = arith.constant 192 : index
        %get3A_2778 = tpu.vector_load %arg6[%get3A_2776, %get3A_2777] {strides = array<i32>} : memref<72x768xf32, #tpu.memory_space<vmem>>, vector<1x16xf32>,
        %get3A_2779 = vector.shape_cast %get3A_2778 : vector<1x16xf32> to vector<16xf32>
        %swap3A_2780 = arith.index_cast %add3A_2667 : i32 to index
        %swap3A_2781 = arith.constant 192 : index
        %swap3A_2782 = tpu.vector_load %arg7[%swap3A_2780, %swap3A_2781] {strides = array<i32>} : memref<77x768xf32, #tpu.memory_space<vmem>>, vector<1x16xf32>,
        %swap3A_2783 = vector.shape_cast %swap3A_2782 : vector<1x16xf32> to vector<16xf32>
        %swap3A_2784 = vector.shape_cast %get3A_2779 : vector<16xf32> to vector<1x16xf32>
        tpu.vector_store %arg7[%swap3A_2780, %swap3A_2781], %swap3A_2784 {strides = array<i32>} : memref<77x768xf32, #tpu.memory_space<vmem>>, vector<1x16xf32>,
        %get3A_2785 = arith.index_cast %scan3A_2665 : i32 to index
        %get3A_2786 = arith.constant 208 : index
        %get3A_2787 = tpu.vector_load %arg6[%get3A_2785, %get3A_2786] {strides = array<i32>} : memref<72x768xf32, #tpu.memory_space<vmem>>, vector<1x16xf32>,
        %get3A_2788 = vector.shape_cast %get3A_2787 : vector<1x16xf32> to vector<16xf32>
        %swap3A_2789 = arith.index_cast %add3A_2667 : i32 to index
        %swap3A_2790 = arith.constant 208 : index
        %swap3A_2791 = tpu.vector_load %arg7[%swap3A_2789, %swap3A_2790] {strides = array<i32>} : memref<77x768xf32, #tpu.memory_space<vmem>>, vector<1x16xf32>,
        %swap3A_2792 = vector.shape_cast %swap3A_2791 : vector<1x16xf32> to vector<16xf32>
        %swap3A_2793 = vector.shape_cast %get3A_2788 : vector<16xf32> to vector<1x16xf32>
        tpu.vector_store %arg7[%swap3A_2789, %swap3A_2790], %swap3A_2793 {strides = array<i32>} : memref<77x768xf32, #tpu.memory_space<vmem>>, vector<1x16xf32>,
        %get3A_2794 = arith.index_cast %scan3A_2665 : i32 to index
        %get3A_2795 = arith.constant 224 : index
        %get3A_2796 = tpu.vector_load %arg6[%get3A_2794, %get3A_2795] {strides = array<i32>} : memref<72x768xf32, #tpu.memory_space<vmem>>, vector<1x16xf32>,
        %get3A_2797 = vector.shape_cast %get3A_2796 : vector<1x16xf32> to vector<16xf32>
        %swap3A_2798 = arith.index_cast %add3A_2667 : i32 to index
        %swap3A_2799 = arith.constant 224 : index
        %swap3A_2800 = tpu.vector_load %arg7[%swap3A_2798, %swap3A_2799] {strides = array<i32>} : memref<77x768xf32, #tpu.memory_space<vmem>>, vector<1x16xf32>,
        %swap3A_2801 = vector.shape_cast %swap3A_2800 : vector<1x16xf32> to vector<16xf32>
        %swap3A_2802 = vector.shape_cast %get3A_2797 : vector<16xf32> to vector<1x16xf32>
        tpu.vector_store %arg7[%swap3A_2798, %swap3A_2799], %swap3A_2802 {strides = array<i32>} : memref<77x768xf32, #tpu.memory_space<vmem>>, vector<1x16xf32>,
        %get3A_2803 = arith.index_cast %scan3A_2665 : i32 to index
        %get3A_2804 = arith.constant 240 : index
        %get3A_2805 = tpu.vector_load %arg6[%get3A_2803, %get3A_2804] {strides = array<i32>} : memref<72x768xf32, #tpu.memory_space<vmem>>, vector<1x16xf32>,
        %get3A_2806 = vector.shape_cast %get3A_2805 : vector<1x16xf32> to vector<16xf32>
        %swap3A_2807 = arith.index_cast %add3A_2667 : i32 to index
        %swap3A_2808 = arith.constant 240 : index
        %swap3A_2809 = tpu.vector_load %arg7[%swap3A_2807, %swap3A_2808] {strides = array<i32>} : memref<77x768xf32, #tpu.memory_space<vmem>>, vector<1x16xf32>,
        %swap3A_2810 = vector.shape_cast %swap3A_2809 : vector<1x16xf32> to vector<16xf32>
        %swap3A_2811 = vector.shape_cast %get3A_2806 : vector<16xf32> to vector<1x16xf32>
        tpu.vector_store %arg7[%swap3A_2807, %swap3A_2808], %swap3A_2811 {strides = array<i32>} : memref<77x768xf32, #tpu.memory_space<vmem>>, vector<1x16xf32>,
        %get3A_2812 = arith.index_cast %scan3A_2665 : i32 to index
        %get3A_2813 = arith.constant 256 : index
        %get3A_2814 = tpu.vector_load %arg6[%get3A_2812, %get3A_2813] {strides = array<i32>} : memref<72x768xf32, #tpu.memory_space<vmem>>, vector<1x16xf32>,
        %get3A_2815 = vector.shape_cast %get3A_2814 : vector<1x16xf32> to vector<16xf32>
        %swap3A_2816 = arith.index_cast %add3A_2667 : i32 to index
        %swap3A_2817 = arith.constant 256 : index
        %swap3A_2818 = tpu.vector_load %arg7[%swap3A_2816, %swap3A_2817] {strides = array<i32>} : memref<77x768xf32, #tpu.memory_space<vmem>>, vector<1x16xf32>,
        %swap3A_2819 = vector.shape_cast %swap3A_2818 : vector<1x16xf32> to vector<16xf32>
        %swap3A_2820 = vector.shape_cast %get3A_2815 : vector<16xf32> to vector<1x16xf32>
        tpu.vector_store %arg7[%swap3A_2816, %swap3A_2817], %swap3A_2820 {strides = array<i32>} : memref<77x768xf32, #tpu.memory_space<vmem>>, vector<1x16xf32>,
        %get3A_2821 = arith.index_cast %scan3A_2665 : i32 to index
        %get3A_2822 = arith.constant 272 : index
        %get3A_2823 = tpu.vector_load %arg6[%get3A_2821, %get3A_2822] {strides = array<i32>} : memref<72x768xf32, #tpu.memory_space<vmem>>, vector<1x16xf32>,
        %get3A_2824 = vector.shape_cast %get3A_2823 : vector<1x16xf32> to vector<16xf32>
        %swap3A_2825 = arith.index_cast %add3A_2667 : i32 to index
        %swap3A_2826 = arith.constant 272 : index
        %swap3A_2827 = tpu.vector_load %arg7[%swap3A_2825, %swap3A_2826] {strides = array<i32>} : memref<77x768xf32, #tpu.memory_space<vmem>>, vector<1x16xf32>,
        %swap3A_2828 = vector.shape_cast %swap3A_2827 : vector<1x16xf32> to vector<16xf32>
        %swap3A_2829 = vector.shape_cast %get3A_2824 : vector<16xf32> to vector<1x16xf32>
        tpu.vector_store %arg7[%swap3A_2825, %swap3A_2826], %swap3A_2829 {strides = array<i32>} : memref<77x768xf32, #tpu.memory_space<vmem>>, vector<1x16xf32>,
        %get3A_2830 = arith.index_cast %scan3A_2665 : i32 to index
        %get3A_2831 = arith.constant 288 : index
        %get3A_2832 = tpu.vector_load %arg6[%get3A_2830, %get3A_2831] {strides = array<i32>} : memref<72x768xf32, #tpu.memory_space<vmem>>, vector<1x16xf32>,
        %get3A_2833 = vector.shape_cast %get3A_2832 : vector<1x16xf32> to vector<16xf32>
        %swap3A_2834 = arith.index_cast %add3A_2667 : i32 to index
        %swap3A_2835 = arith.constant 288 : index
        %swap3A_2836 = tpu.vector_load %arg7[%swap3A_2834, %swap3A_2835] {strides = array<i32>} : memref<77x768xf32, #tpu.memory_space<vmem>>, vector<1x16xf32>,
        %swap3A_2837 = vector.shape_cast %swap3A_2836 : vector<1x16xf32> to vector<16xf32>
        %swap3A_2838 = vector.shape_cast %get3A_2833 : vector<16xf32> to vector<1x16xf32>
        tpu.vector_store %arg7[%swap3A_2834, %swap3A_2835], %swap3A_2838 {strides = array<i32>} : memref<77x768xf32, #tpu.memory_space<vmem>>, vector<1x16xf32>,
        %get3A_2839 = arith.index_cast %scan3A_2665 : i32 to index
        %get3A_2840 = arith.constant 304 : index
        %get3A_2841 = tpu.vector_load %arg6[%get3A_2839, %get3A_2840] {strides = array<i32>} : memref<72x768xf32, #tpu.memory_space<vmem>>, vector<1x16xf32>,
        %get3A_2842 = vector.shape_cast %get3A_2841 : vector<1x16xf32> to vector<16xf32>
        %swap3A_2843 = arith.index_cast %add3A_2667 : i32 to index
        %swap3A_2844 = arith.constant 304 : index
        %swap3A_2845 = tpu.vector_load %arg7[%swap3A_2843, %swap3A_2844] {strides = array<i32>} : memref<77x768xf32, #tpu.memory_space<vmem>>, vector<1x16xf32>,
        %swap3A_2846 = vector.shape_cast %swap3A_2845 : vector<1x16xf32> to vector<16xf32>
        %swap3A_2847 = vector.shape_cast %get3A_2842 : vector<16xf32> to vector<1x16xf32>
        tpu.vector_store %arg7[%swap3A_2843, %swap3A_2844], %swap3A_2847 {strides = array<i32>} : memref<77x768xf32, #tpu.memory_space<vmem>>, vector<1x16xf32>,
        %get3A_2848 = arith.index_cast %scan3A_2665 : i32 to index
        %get3A_2849 = arith.constant 320 : index
        %get3A_2850 = tpu.vector_load %arg6[%get3A_2848, %get3A_2849] {strides = array<i32>} : memref<72x768xf32, #tpu.memory_space<vmem>>, vector<1x16xf32>,
        %get3A_2851 = vector.shape_cast %get3A_2850 : vector<1x16xf32> to vector<16xf32>
        %swap3A_2852 = arith.index_cast %add3A_2667 : i32 to index
        %swap3A_2853 = arith.constant 320 : index
        %swap3A_2854 = tpu.vector_load %arg7[%swap3A_2852, %swap3A_2853] {strides = array<i32>} : memref<77x768xf32, #tpu.memory_space<vmem>>, vector<1x16xf32>,
        %swap3A_2855 = vector.shape_cast %swap3A_2854 : vector<1x16xf32> to vector<16xf32>
        %swap3A_2856 = vector.shape_cast %get3A_2851 : vector<16xf32> to vector<1x16xf32>
        tpu.vector_store %arg7[%swap3A_2852, %swap3A_2853], %swap3A_2856 {strides = array<i32>} : memref<77x768xf32, #tpu.memory_space<vmem>>, vector<1x16xf32>,
        %get3A_2857 = arith.index_cast %scan3A_2665 : i32 to index
        %get3A_2858 = arith.constant 336 : index
        %get3A_2859 = tpu.vector_load %arg6[%get3A_2857, %get3A_2858] {strides = array<i32>} : memref<72x768xf32, #tpu.memory_space<vmem>>, vector<1x16xf32>,
        %get3A_2860 = vector.shape_cast %get3A_2859 : vector<1x16xf32> to vector<16xf32>
        %swap3A_2861 = arith.index_cast %add3A_2667 : i32 to index
        %swap3A_2862 = arith.constant 336 : index
        %swap3A_2863 = tpu.vector_load %arg7[%swap3A_2861, %swap3A_2862] {strides = array<i32>} : memref<77x768xf32, #tpu.memory_space<vmem>>, vector<1x16xf32>,
        %swap3A_2864 = vector.shape_cast %swap3A_2863 : vector<1x16xf32> to vector<16xf32>
        %swap3A_2865 = vector.shape_cast %get3A_2860 : vector<16xf32> to vector<1x16xf32>
        tpu.vector_store %arg7[%swap3A_2861, %swap3A_2862], %swap3A_2865 {strides = array<i32>} : memref<77x768xf32, #tpu.memory_space<vmem>>, vector<1x16xf32>,
        %get3A_2866 = arith.index_cast %scan3A_2665 : i32 to index
        %get3A_2867 = arith.constant 352 : index
        %get3A_2868 = tpu.vector_load %arg6[%get3A_2866, %get3A_2867] {strides = array<i32>} : memref<72x768xf32, #tpu.memory_space<vmem>>, vector<1x16xf32>,
        %get3A_2869 = vector.shape_cast %get3A_2868 : vector<1x16xf32> to vector<16xf32>
        %swap3A_2870 = arith.index_cast %add3A_2667 : i32 to index
        %swap3A_2871 = arith.constant 352 : index
        %swap3A_2872 = tpu.vector_load %arg7[%swap3A_2870, %swap3A_2871] {strides = array<i32>} : memref<77x768xf32, #tpu.memory_space<vmem>>, vector<1x16xf32>,
        %swap3A_2873 = vector.shape_cast %swap3A_2872 : vector<1x16xf32> to vector<16xf32>
        %swap3A_2874 = vector.shape_cast %get3A_2869 : vector<16xf32> to vector<1x16xf32>
        tpu.vector_store %arg7[%swap3A_2870, %swap3A_2871], %swap3A_2874 {strides = array<i32>} : memref<77x768xf32, #tpu.memory_space<vmem>>, vector<1x16xf32>,
        %get3A_2875 = arith.index_cast %scan3A_2665 : i32 to index
        %get3A_2876 = arith.constant 368 : index
        %get3A_2877 = tpu.vector_load %arg6[%get3A_2875, %get3A_2876] {strides = array<i32>} : memref<72x768xf32, #tpu.memory_space<vmem>>, vector<1x16xf32>,
        %get3A_2878 = vector.shape_cast %get3A_2877 : vector<1x16xf32> to vector<16xf32>
        %swap3A_2879 = arith.index_cast %add3A_2667 : i32 to index
        %swap3A_2880 = arith.constant 368 : index
        %swap3A_2881 = tpu.vector_load %arg7[%swap3A_2879, %swap3A_2880] {strides = array<i32>} : memref<77x768xf32, #tpu.memory_space<vmem>>, vector<1x16xf32>,
        %swap3A_2882 = vector.shape_cast %swap3A_2881 : vector<1x16xf32> to vector<16xf32>
        %swap3A_2883 = vector.shape_cast %get3A_2878 : vector<16xf32> to vector<1x16xf32>
        tpu.vector_store %arg7[%swap3A_2879, %swap3A_2880], %swap3A_2883 {strides = array<i32>} : memref<77x768xf32, #tpu.memory_space<vmem>>, vector<1x16xf32>,
        %get3A_2884 = arith.index_cast %scan3A_2665 : i32 to index
        %get3A_2885 = arith.constant 384 : index
        %get3A_2886 = tpu.vector_load %arg6[%get3A_2884, %get3A_2885] {strides = array<i32>} : memref<72x768xf32, #tpu.memory_space<vmem>>, vector<1x16xf32>,
        %get3A_2887 = vector.shape_cast %get3A_2886 : vector<1x16xf32> to vector<16xf32>
        %swap3A_2888 = arith.index_cast %add3A_2667 : i32 to index
        %swap3A_2889 = arith.constant 384 : index
        %swap3A_2890 = tpu.vector_load %arg7[%swap3A_2888, %swap3A_2889] {strides = array<i32>} : memref<77x768xf32, #tpu.memory_space<vmem>>, vector<1x16xf32>,
        %swap3A_2891 = vector.shape_cast %swap3A_2890 : vector<1x16xf32> to vector<16xf32>
        %swap3A_2892 = vector.shape_cast %get3A_2887 : vector<16xf32> to vector<1x16xf32>
        tpu.vector_store %arg7[%swap3A_2888, %swap3A_2889], %swap3A_2892 {strides = array<i32>} : memref<77x768xf32, #tpu.memory_space<vmem>>, vector<1x16xf32>,
        %get3A_2893 = arith.index_cast %scan3A_2665 : i32 to index
        %get3A_2894 = arith.constant 400 : index
        %get3A_2895 = tpu.vector_load %arg6[%get3A_2893, %get3A_2894] {strides = array<i32>} : memref<72x768xf32, #tpu.memory_space<vmem>>, vector<1x16xf32>,
        %get3A_2896 = vector.shape_cast %get3A_2895 : vector<1x16xf32> to vector<16xf32>
        %swap3A_2897 = arith.index_cast %add3A_2667 : i32 to index
        %swap3A_2898 = arith.constant 400 : index
        %swap3A_2899 = tpu.vector_load %arg7[%swap3A_2897, %swap3A_2898] {strides = array<i32>} : memref<77x768xf32, #tpu.memory_space<vmem>>, vector<1x16xf32>,
        %swap3A_2900 = vector.shape_cast %swap3A_2899 : vector<1x16xf32> to vector<16xf32>
        %swap3A_2901 = vector.shape_cast %get3A_2896 : vector<16xf32> to vector<1x16xf32>
        tpu.vector_store %arg7[%swap3A_2897, %swap3A_2898], %swap3A_2901 {strides = array<i32>} : memref<77x768xf32, #tpu.memory_space<vmem>>, vector<1x16xf32>,
        %get3A_2902 = arith.index_cast %scan3A_2665 : i32 to index
        %get3A_2903 = arith.constant 416 : index
        %get3A_2904 = tpu.vector_load %arg6[%get3A_2902, %get3A_2903] {strides = array<i32>} : memref<72x768xf32, #tpu.memory_space<vmem>>, vector<1x16xf32>,
        %get3A_2905 = vector.shape_cast %get3A_2904 : vector<1x16xf32> to vector<16xf32>
        %swap3A_2906 = arith.index_cast %add3A_2667 : i32 to index
        %swap3A_2907 = arith.constant 416 : index
        %swap3A_2908 = tpu.vector_load %arg7[%swap3A_2906, %swap3A_2907] {strides = array<i32>} : memref<77x768xf32, #tpu.memory_space<vmem>>, vector<1x16xf32>,
        %swap3A_2909 = vector.shape_cast %swap3A_2908 : vector<1x16xf32> to vector<16xf32>
        %swap3A_2910 = vector.shape_cast %get3A_2905 : vector<16xf32> to vector<1x16xf32>
        tpu.vector_store %arg7[%swap3A_2906, %swap3A_2907], %swap3A_2910 {strides = array<i32>} : memref<77x768xf32, #tpu.memory_space<vmem>>, vector<1x16xf32>,
        %get3A_2911 = arith.index_cast %scan3A_2665 : i32 to index
        %get3A_2912 = arith.constant 432 : index
        %get3A_2913 = tpu.vector_load %arg6[%get3A_2911, %get3A_2912] {strides = array<i32>} : memref<72x768xf32, #tpu.memory_space<vmem>>, vector<1x16xf32>,
        %get3A_2914 = vector.shape_cast %get3A_2913 : vector<1x16xf32> to vector<16xf32>
        %swap3A_2915 = arith.index_cast %add3A_2667 : i32 to index
        %swap3A_2916 = arith.constant 432 : index
        %swap3A_2917 = tpu.vector_load %arg7[%swap3A_2915, %swap3A_2916] {strides = array<i32>} : memref<77x768xf32, #tpu.memory_space<vmem>>, vector<1x16xf32>,
        %swap3A_2918 = vector.shape_cast %swap3A_2917 : vector<1x16xf32> to vector<16xf32>
        %swap3A_2919 = vector.shape_cast %get3A_2914 : vector<16xf32> to vector<1x16xf32>
        tpu.vector_store %arg7[%swap3A_2915, %swap3A_2916], %swap3A_2919 {strides = array<i32>} : memref<77x768xf32, #tpu.memory_space<vmem>>, vector<1x16xf32>,
        %get3A_2920 = arith.index_cast %scan3A_2665 : i32 to index
        %get3A_2921 = arith.constant 448 : index
        %get3A_2922 = tpu.vector_load %arg6[%get3A_2920, %get3A_2921] {strides = array<i32>} : memref<72x768xf32, #tpu.memory_space<vmem>>, vector<1x16xf32>,
        %get3A_2923 = vector.shape_cast %get3A_2922 : vector<1x16xf32> to vector<16xf32>
        %swap3A_2924 = arith.index_cast %add3A_2667 : i32 to index
        %swap3A_2925 = arith.constant 448 : index
        %swap3A_2926 = tpu.vector_load %arg7[%swap3A_2924, %swap3A_2925] {strides = array<i32>} : memref<77x768xf32, #tpu.memory_space<vmem>>, vector<1x16xf32>,
        %swap3A_2927 = vector.shape_cast %swap3A_2926 : vector<1x16xf32> to vector<16xf32>
        %swap3A_2928 = vector.shape_cast %get3A_2923 : vector<16xf32> to vector<1x16xf32>
        tpu.vector_store %arg7[%swap3A_2924, %swap3A_2925], %swap3A_2928 {strides = array<i32>} : memref<77x768xf32, #tpu.memory_space<vmem>>, vector<1x16xf32>,
        %get3A_2929 = arith.index_cast %scan3A_2665 : i32 to index
        %get3A_2930 = arith.constant 464 : index
        %get3A_2931 = tpu.vector_load %arg6[%get3A_2929, %get3A_2930] {strides = array<i32>} : memref<72x768xf32, #tpu.memory_space<vmem>>, vector<1x16xf32>,
        %get3A_2932 = vector.shape_cast %get3A_2931 : vector<1x16xf32> to vector<16xf32>
        %swap3A_2933 = arith.index_cast %add3A_2667 : i32 to index
        %swap3A_2934 = arith.constant 464 : index
        %swap3A_2935 = tpu.vector_load %arg7[%swap3A_2933, %swap3A_2934] {strides = array<i32>} : memref<77x768xf32, #tpu.memory_space<vmem>>, vector<1x16xf32>,
        %swap3A_2936 = vector.shape_cast %swap3A_2935 : vector<1x16xf32> to vector<16xf32>
        %swap3A_2937 = vector.shape_cast %get3A_2932 : vector<16xf32> to vector<1x16xf32>
        tpu.vector_store %arg7[%swap3A_2933, %swap3A_2934], %swap3A_2937 {strides = array<i32>} : memref<77x768xf32, #tpu.memory_space<vmem>>, vector<1x16xf32>,
        %get3A_2938 = arith.index_cast %scan3A_2665 : i32 to index
        %get3A_2939 = arith.constant 480 : index
        %get3A_2940 = tpu.vector_load %arg6[%get3A_2938, %get3A_2939] {strides = array<i32>} : memref<72x768xf32, #tpu.memory_space<vmem>>, vector<1x16xf32>,
        %get3A_2941 = vector.shape_cast %get3A_2940 : vector<1x16xf32> to vector<16xf32>
        %swap3A_2942 = arith.index_cast %add3A_2667 : i32 to index
        %swap3A_2943 = arith.constant 480 : index
        %swap3A_2944 = tpu.vector_load %arg7[%swap3A_2942, %swap3A_2943] {strides = array<i32>} : memref<77x768xf32, #tpu.memory_space<vmem>>, vector<1x16xf32>,
        %swap3A_2945 = vector.shape_cast %swap3A_2944 : vector<1x16xf32> to vector<16xf32>
        %swap3A_2946 = vector.shape_cast %get3A_2941 : vector<16xf32> to vector<1x16xf32>
        tpu.vector_store %arg7[%swap3A_2942, %swap3A_2943], %swap3A_2946 {strides = array<i32>} : memref<77x768xf32, #tpu.memory_space<vmem>>, vector<1x16xf32>,
        %get3A_2947 = arith.index_cast %scan3A_2665 : i32 to index
        %get3A_2948 = arith.constant 496 : index
        %get3A_2949 = tpu.vector_load %arg6[%get3A_2947, %get3A_2948] {strides = array<i32>} : memref<72x768xf32, #tpu.memory_space<vmem>>, vector<1x16xf32>,
        %get3A_2950 = vector.shape_cast %get3A_2949 : vector<1x16xf32> to vector<16xf32>
        %swap3A_2951 = arith.index_cast %add3A_2667 : i32 to index
        %swap3A_2952 = arith.constant 496 : index
        %swap3A_2953 = tpu.vector_load %arg7[%swap3A_2951, %swap3A_2952] {strides = array<i32>} : memref<77x768xf32, #tpu.memory_space<vmem>>, vector<1x16xf32>,
        %swap3A_2954 = vector.shape_cast %swap3A_2953 : vector<1x16xf32> to vector<16xf32>
        %swap3A_2955 = vector.shape_cast %get3A_2950 : vector<16xf32> to vector<1x16xf32>
        tpu.vector_store %arg7[%swap3A_2951, %swap3A_2952], %swap3A_2955 {strides = array<i32>} : memref<77x768xf32, #tpu.memory_space<vmem>>, vector<1x16xf32>,
        %get3A_2956 = arith.index_cast %scan3A_2665 : i32 to index
        %get3A_2957 = arith.constant 512 : index
        %get3A_2958 = tpu.vector_load %arg6[%get3A_2956, %get3A_2957] {strides = array<i32>} : memref<72x768xf32, #tpu.memory_space<vmem>>, vector<1x16xf32>,
        %get3A_2959 = vector.shape_cast %get3A_2958 : vector<1x16xf32> to vector<16xf32>
        %swap3A_2960 = arith.index_cast %add3A_2667 : i32 to index
        %swap3A_2961 = arith.constant 512 : index
        %swap3A_2962 = tpu.vector_load %arg7[%swap3A_2960, %swap3A_2961] {strides = array<i32>} : memref<77x768xf32, #tpu.memory_space<vmem>>, vector<1x16xf32>,
        %swap3A_2963 = vector.shape_cast %swap3A_2962 : vector<1x16xf32> to vector<16xf32>
        %swap3A_2964 = vector.shape_cast %get3A_2959 : vector<16xf32> to vector<1x16xf32>
        tpu.vector_store %arg7[%swap3A_2960, %swap3A_2961], %swap3A_2964 {strides = array<i32>} : memref<77x768xf32, #tpu.memory_space<vmem>>, vector<1x16xf32>,
        %get3A_2965 = arith.index_cast %scan3A_2665 : i32 to index
        %get3A_2966 = arith.constant 528 : index
        %get3A_2967 = tpu.vector_load %arg6[%get3A_2965, %get3A_2966] {strides = array<i32>} : memref<72x768xf32, #tpu.memory_space<vmem>>, vector<1x16xf32>,
        %get3A_2968 = vector.shape_cast %get3A_2967 : vector<1x16xf32> to vector<16xf32>
        %swap3A_2969 = arith.index_cast %add3A_2667 : i32 to index
        %swap3A_2970 = arith.constant 528 : index
        %swap3A_2971 = tpu.vector_load %arg7[%swap3A_2969, %swap3A_2970] {strides = array<i32>} : memref<77x768xf32, #tpu.memory_space<vmem>>, vector<1x16xf32>,
        %swap3A_2972 = vector.shape_cast %swap3A_2971 : vector<1x16xf32> to vector<16xf32>
        %swap3A_2973 = vector.shape_cast %get3A_2968 : vector<16xf32> to vector<1x16xf32>
        tpu.vector_store %arg7[%swap3A_2969, %swap3A_2970], %swap3A_2973 {strides = array<i32>} : memref<77x768xf32, #tpu.memory_space<vmem>>, vector<1x16xf32>,
        %get3A_2974 = arith.index_cast %scan3A_2665 : i32 to index
        %get3A_2975 = arith.constant 544 : index
        %get3A_2976 = tpu.vector_load %arg6[%get3A_2974, %get3A_2975] {strides = array<i32>} : memref<72x768xf32, #tpu.memory_space<vmem>>, vector<1x16xf32>,
        %get3A_2977 = vector.shape_cast %get3A_2976 : vector<1x16xf32> to vector<16xf32>
        %swap3A_2978 = arith.index_cast %add3A_2667 : i32 to index
        %swap3A_2979 = arith.constant 544 : index
        %swap3A_2980 = tpu.vector_load %arg7[%swap3A_2978, %swap3A_2979] {strides = array<i32>} : memref<77x768xf32, #tpu.memory_space<vmem>>, vector<1x16xf32>,
        %swap3A_2981 = vector.shape_cast %swap3A_2980 : vector<1x16xf32> to vector<16xf32>
        %swap3A_2982 = vector.shape_cast %get3A_2977 : vector<16xf32> to vector<1x16xf32>
        tpu.vector_store %arg7[%swap3A_2978, %swap3A_2979], %swap3A_2982 {strides = array<i32>} : memref<77x768xf32, #tpu.memory_space<vmem>>, vector<1x16xf32>,
        %get3A_2983 = arith.index_cast %scan3A_2665 : i32 to index
        %get3A_2984 = arith.constant 560 : index
        %get3A_2985 = tpu.vector_load %arg6[%get3A_2983, %get3A_2984] {strides = array<i32>} : memref<72x768xf32, #tpu.memory_space<vmem>>, vector<1x16xf32>,
        %get3A_2986 = vector.shape_cast %get3A_2985 : vector<1x16xf32> to vector<16xf32>
        %swap3A_2987 = arith.index_cast %add3A_2667 : i32 to index
        %swap3A_2988 = arith.constant 560 : index
        %swap3A_2989 = tpu.vector_load %arg7[%swap3A_2987, %swap3A_2988] {strides = array<i32>} : memref<77x768xf32, #tpu.memory_space<vmem>>, vector<1x16xf32>,
        %swap3A_2990 = vector.shape_cast %swap3A_2989 : vector<1x16xf32> to vector<16xf32>
        %swap3A_2991 = vector.shape_cast %get3A_2986 : vector<16xf32> to vector<1x16xf32>
        tpu.vector_store %arg7[%swap3A_2987, %swap3A_2988], %swap3A_2991 {strides = array<i32>} : memref<77x768xf32, #tpu.memory_space<vmem>>, vector<1x16xf32>,
        %get3A_2992 = arith.index_cast %scan3A_2665 : i32 to index
        %get3A_2993 = arith.constant 576 : index
        %get3A_2994 = tpu.vector_load %arg6[%get3A_2992, %get3A_2993] {strides = array<i32>} : memref<72x768xf32, #tpu.memory_space<vmem>>, vector<1x16xf32>,
        %get3A_2995 = vector.shape_cast %get3A_2994 : vector<1x16xf32> to vector<16xf32>
        %swap3A_2996 = arith.index_cast %add3A_2667 : i32 to index
        %swap3A_2997 = arith.constant 576 : index
        %swap3A_2998 = tpu.vector_load %arg7[%swap3A_2996, %swap3A_2997] {strides = array<i32>} : memref<77x768xf32, #tpu.memory_space<vmem>>, vector<1x16xf32>,
        %swap3A_2999 = vector.shape_cast %swap3A_2998 : vector<1x16xf32> to vector<16xf32>
        %swap3A_3000 = vector.shape_cast %get3A_2995 : vector<16xf32> to vector<1x16xf32>
        tpu.vector_store %arg7[%swap3A_2996, %swap3A_2997], %swap3A_3000 {strides = array<i32>} : memref<77x768xf32, #tpu.memory_space<vmem>>, vector<1x16xf32>,
        %get3A_3001 = arith.index_cast %scan3A_2665 : i32 to index
        %get3A_3002 = arith.constant 592 : index
        %get3A_3003 = tpu.vector_load %arg6[%get3A_3001, %get3A_3002] {strides = array<i32>} : memref<72x768xf32, #tpu.memory_space<vmem>>, vector<1x16xf32>,
        %get3A_3004 = vector.shape_cast %get3A_3003 : vector<1x16xf32> to vector<16xf32>
        %swap3A_3005 = arith.index_cast %add3A_2667 : i32 to index
        %swap3A_3006 = arith.constant 592 : index
        %swap3A_3007 = tpu.vector_load %arg7[%swap3A_3005, %swap3A_3006] {strides = array<i32>} : memref<77x768xf32, #tpu.memory_space<vmem>>, vector<1x16xf32>,
        %swap3A_3008 = vector.shape_cast %swap3A_3007 : vector<1x16xf32> to vector<16xf32>
        %swap3A_3009 = vector.shape_cast %get3A_3004 : vector<16xf32> to vector<1x16xf32>
        tpu.vector_store %arg7[%swap3A_3005, %swap3A_3006], %swap3A_3009 {strides = array<i32>} : memref<77x768xf32, #tpu.memory_space<vmem>>, vector<1x16xf32>,
        %get3A_3010 = arith.index_cast %scan3A_2665 : i32 to index
        %get3A_3011 = arith.constant 608 : index
        %get3A_3012 = tpu.vector_load %arg6[%get3A_3010, %get3A_3011] {strides = array<i32>} : memref<72x768xf32, #tpu.memory_space<vmem>>, vector<1x16xf32>,
        %get3A_3013 = vector.shape_cast %get3A_3012 : vector<1x16xf32> to vector<16xf32>
        %swap3A_3014 = arith.index_cast %add3A_2667 : i32 to index
        %swap3A_3015 = arith.constant 608 : index
        %swap3A_3016 = tpu.vector_load %arg7[%swap3A_3014, %swap3A_3015] {strides = array<i32>} : memref<77x768xf32, #tpu.memory_space<vmem>>, vector<1x16xf32>,
        %swap3A_3017 = vector.shape_cast %swap3A_3016 : vector<1x16xf32> to vector<16xf32>
        %swap3A_3018 = vector.shape_cast %get3A_3013 : vector<16xf32> to vector<1x16xf32>
        tpu.vector_store %arg7[%swap3A_3014, %swap3A_3015], %swap3A_3018 {strides = array<i32>} : memref<77x768xf32, #tpu.memory_space<vmem>>, vector<1x16xf32>,
        %get3A_3019 = arith.index_cast %scan3A_2665 : i32 to index
        %get3A_3020 = arith.constant 624 : index
        %get3A_3021 = tpu.vector_load %arg6[%get3A_3019, %get3A_3020] {strides = array<i32>} : memref<72x768xf32, #tpu.memory_space<vmem>>, vector<1x16xf32>,
        %get3A_3022 = vector.shape_cast %get3A_3021 : vector<1x16xf32> to vector<16xf32>
        %swap3A_3023 = arith.index_cast %add3A_2667 : i32 to index
        %swap3A_3024 = arith.constant 624 : index
        %swap3A_3025 = tpu.vector_load %arg7[%swap3A_3023, %swap3A_3024] {strides = array<i32>} : memref<77x768xf32, #tpu.memory_space<vmem>>, vector<1x16xf32>,
        %swap3A_3026 = vector.shape_cast %swap3A_3025 : vector<1x16xf32> to vector<16xf32>
        %swap3A_3027 = vector.shape_cast %get3A_3022 : vector<16xf32> to vector<1x16xf32>
        tpu.vector_store %arg7[%swap3A_3023, %swap3A_3024], %swap3A_3027 {strides = array<i32>} : memref<77x768xf32, #tpu.memory_space<vmem>>, vector<1x16xf32>,
        %get3A_3028 = arith.index_cast %scan3A_2665 : i32 to index
        %get3A_3029 = arith.constant 640 : index
        %get3A_3030 = tpu.vector_load %arg6[%get3A_3028, %get3A_3029] {strides = array<i32>} : memref<72x768xf32, #tpu.memory_space<vmem>>, vector<1x16xf32>,
        %get3A_3031 = vector.shape_cast %get3A_3030 : vector<1x16xf32> to vector<16xf32>
        %swap3A_3032 = arith.index_cast %add3A_2667 : i32 to index
        %swap3A_3033 = arith.constant 640 : index
        %swap3A_3034 = tpu.vector_load %arg7[%swap3A_3032, %swap3A_3033] {strides = array<i32>} : memref<77x768xf32, #tpu.memory_space<vmem>>, vector<1x16xf32>,
        %swap3A_3035 = vector.shape_cast %swap3A_3034 : vector<1x16xf32> to vector<16xf32>
        %swap3A_3036 = vector.shape_cast %get3A_3031 : vector<16xf32> to vector<1x16xf32>
        tpu.vector_store %arg7[%swap3A_3032, %swap3A_3033], %swap3A_3036 {strides = array<i32>} : memref<77x768xf32, #tpu.memory_space<vmem>>, vector<1x16xf32>,
        %get3A_3037 = arith.index_cast %scan3A_2665 : i32 to index
        %get3A_3038 = arith.constant 656 : index
        %get3A_3039 = tpu.vector_load %arg6[%get3A_3037, %get3A_3038] {strides = array<i32>} : memref<72x768xf32, #tpu.memory_space<vmem>>, vector<1x16xf32>,
        %get3A_3040 = vector.shape_cast %get3A_3039 : vector<1x16xf32> to vector<16xf32>
        %swap3A_3041 = arith.index_cast %add3A_2667 : i32 to index
        %swap3A_3042 = arith.constant 656 : index
        %swap3A_3043 = tpu.vector_load %arg7[%swap3A_3041, %swap3A_3042] {strides = array<i32>} : memref<77x768xf32, #tpu.memory_space<vmem>>, vector<1x16xf32>,
        %swap3A_3044 = vector.shape_cast %swap3A_3043 : vector<1x16xf32> to vector<16xf32>
        %swap3A_3045 = vector.shape_cast %get3A_3040 : vector<16xf32> to vector<1x16xf32>
        tpu.vector_store %arg7[%swap3A_3041, %swap3A_3042], %swap3A_3045 {strides = array<i32>} : memref<77x768xf32, #tpu.memory_space<vmem>>, vector<1x16xf32>,
        %get3A_3046 = arith.index_cast %scan3A_2665 : i32 to index
        %get3A_3047 = arith.constant 672 : index
        %get3A_3048 = tpu.vector_load %arg6[%get3A_3046, %get3A_3047] {strides = array<i32>} : memref<72x768xf32, #tpu.memory_space<vmem>>, vector<1x16xf32>,
        %get3A_3049 = vector.shape_cast %get3A_3048 : vector<1x16xf32> to vector<16xf32>
        %swap3A_3050 = arith.index_cast %add3A_2667 : i32 to index
        %swap3A_3051 = arith.constant 672 : index
        %swap3A_3052 = tpu.vector_load %arg7[%swap3A_3050, %swap3A_3051] {strides = array<i32>} : memref<77x768xf32, #tpu.memory_space<vmem>>, vector<1x16xf32>,
        %swap3A_3053 = vector.shape_cast %swap3A_3052 : vector<1x16xf32> to vector<16xf32>
        %swap3A_3054 = vector.shape_cast %get3A_3049 : vector<16xf32> to vector<1x16xf32>
        tpu.vector_store %arg7[%swap3A_3050, %swap3A_3051], %swap3A_3054 {strides = array<i32>} : memref<77x768xf32, #tpu.memory_space<vmem>>, vector<1x16xf32>,
        %get3A_3055 = arith.index_cast %scan3A_2665 : i32 to index
        %get3A_3056 = arith.constant 688 : index
        %get3A_3057 = tpu.vector_load %arg6[%get3A_3055, %get3A_3056] {strides = array<i32>} : memref<72x768xf32, #tpu.memory_space<vmem>>, vector<1x16xf32>,
        %get3A_3058 = vector.shape_cast %get3A_3057 : vector<1x16xf32> to vector<16xf32>
        %swap3A_3059 = arith.index_cast %add3A_2667 : i32 to index
        %swap3A_3060 = arith.constant 688 : index
        %swap3A_3061 = tpu.vector_load %arg7[%swap3A_3059, %swap3A_3060] {strides = array<i32>} : memref<77x768xf32, #tpu.memory_space<vmem>>, vector<1x16xf32>,
        %swap3A_3062 = vector.shape_cast %swap3A_3061 : vector<1x16xf32> to vector<16xf32>
        %swap3A_3063 = vector.shape_cast %get3A_3058 : vector<16xf32> to vector<1x16xf32>
        tpu.vector_store %arg7[%swap3A_3059, %swap3A_3060], %swap3A_3063 {strides = array<i32>} : memref<77x768xf32, #tpu.memory_space<vmem>>, vector<1x16xf32>,
        %get3A_3064 = arith.index_cast %scan3A_2665 : i32 to index
        %get3A_3065 = arith.constant 704 : index
        %get3A_3066 = tpu.vector_load %arg6[%get3A_3064, %get3A_3065] {strides = array<i32>} : memref<72x768xf32, #tpu.memory_space<vmem>>, vector<1x16xf32>,
        %get3A_3067 = vector.shape_cast %get3A_3066 : vector<1x16xf32> to vector<16xf32>
        %swap3A_3068 = arith.index_cast %add3A_2667 : i32 to index
        %swap3A_3069 = arith.constant 704 : index
        %swap3A_3070 = tpu.vector_load %arg7[%swap3A_3068, %swap3A_3069] {strides = array<i32>} : memref<77x768xf32, #tpu.memory_space<vmem>>, vector<1x16xf32>,
        %swap3A_3071 = vector.shape_cast %swap3A_3070 : vector<1x16xf32> to vector<16xf32>
        %swap3A_3072 = vector.shape_cast %get3A_3067 : vector<16xf32> to vector<1x16xf32>
        tpu.vector_store %arg7[%swap3A_3068, %swap3A_3069], %swap3A_3072 {strides = array<i32>} : memref<77x768xf32, #tpu.memory_space<vmem>>, vector<1x16xf32>,
        %get3A_3073 = arith.index_cast %scan3A_2665 : i32 to index
        %get3A_3074 = arith.constant 720 : index
        %get3A_3075 = tpu.vector_load %arg6[%get3A_3073, %get3A_3074] {strides = array<i32>} : memref<72x768xf32, #tpu.memory_space<vmem>>, vector<1x16xf32>,
        %get3A_3076 = vector.shape_cast %get3A_3075 : vector<1x16xf32> to vector<16xf32>
        %swap3A_3077 = arith.index_cast %add3A_2667 : i32 to index
        %swap3A_3078 = arith.constant 720 : index
        %swap3A_3079 = tpu.vector_load %arg7[%swap3A_3077, %swap3A_3078] {strides = array<i32>} : memref<77x768xf32, #tpu.memory_space<vmem>>, vector<1x16xf32>,
        %swap3A_3080 = vector.shape_cast %swap3A_3079 : vector<1x16xf32> to vector<16xf32>
        %swap3A_3081 = vector.shape_cast %get3A_3076 : vector<16xf32> to vector<1x16xf32>
        tpu.vector_store %arg7[%swap3A_3077, %swap3A_3078], %swap3A_3081 {strides = array<i32>} : memref<77x768xf32, #tpu.memory_space<vmem>>, vector<1x16xf32>,
        %get3A_3082 = arith.index_cast %scan3A_2665 : i32 to index
        %get3A_3083 = arith.constant 736 : index
        %get3A_3084 = tpu.vector_load %arg6[%get3A_3082, %get3A_3083] {strides = array<i32>} : memref<72x768xf32, #tpu.memory_space<vmem>>, vector<1x16xf32>,
        %get3A_3085 = vector.shape_cast %get3A_3084 : vector<1x16xf32> to vector<16xf32>
        %swap3A_3086 = arith.index_cast %add3A_2667 : i32 to index
        %swap3A_3087 = arith.constant 736 : index
        %swap3A_3088 = tpu.vector_load %arg7[%swap3A_3086, %swap3A_3087] {strides = array<i32>} : memref<77x768xf32, #tpu.memory_space<vmem>>, vector<1x16xf32>,
        %swap3A_3089 = vector.shape_cast %swap3A_3088 : vector<1x16xf32> to vector<16xf32>
        %swap3A_3090 = vector.shape_cast %get3A_3085 : vector<16xf32> to vector<1x16xf32>
        tpu.vector_store %arg7[%swap3A_3086, %swap3A_3087], %swap3A_3090 {strides = array<i32>} : memref<77x768xf32, #tpu.memory_space<vmem>>, vector<1x16xf32>,
        %get3A_3091 = arith.index_cast %scan3A_2665 : i32 to index
        %get3A_3092 = arith.constant 752 : index
        %get3A_3093 = tpu.vector_load %arg6[%get3A_3091, %get3A_3092] {strides = array<i32>} : memref<72x768xf32, #tpu.memory_space<vmem>>, vector<1x16xf32>,
        %get3A_3094 = vector.shape_cast %get3A_3093 : vector<1x16xf32> to vector<16xf32>
        %swap3A_3095 = arith.index_cast %add3A_2667 : i32 to index
        %swap3A_3096 = arith.constant 752 : index
        %swap3A_3097 = tpu.vector_load %arg7[%swap3A_3095, %swap3A_3096] {strides = array<i32>} : memref<77x768xf32, #tpu.memory_space<vmem>>, vector<1x16xf32>,
        %swap3A_3098 = vector.shape_cast %swap3A_3097 : vector<1x16xf32> to vector<16xf32>
        %swap3A_3099 = vector.shape_cast %get3A_3094 : vector<16xf32> to vector<1x16xf32>
        tpu.vector_store %arg7[%swap3A_3095, %swap3A_3096], %swap3A_3099 {strides = array<i32>} : memref<77x768xf32, #tpu.memory_space<vmem>>, vector<1x16xf32>,
      }
      %scan3A_2650 = arith.constant 72 : i32
      %dma_start3A_2651 = arith.constant 0 : i32
      %dma_start3A_2652 = arith.constant 0 : i32
      %dma_start3A_2653 = tpu.memref_slice %arg5[%add3A_2148, %dma_start3A_2651, %dma_start3A_2652] : memref<1000x77x768xf32, #tpu.memory_space<hbm>> -> memref<1x77x768xf32, #tpu.memory_space<hbm>>
      %dma_start3A_2654 = tpu.memref_squeeze %dma_start3A_2653 : memref<1x77x768xf32, #tpu.memory_space<hbm>> -> memref<77x768xf32, #tpu.memory_space<hbm>>
      %dma_start3A_2655 = arith.constant 0 : i32
      %dma_start3A_2656 = arith.constant 0 : i32
      %dma_start3A_2657 = tpu.memref_slice %arg5[%add3A_2148, %dma_start3A_2655, %dma_start3A_2656] : memref<1000x77x768xf32, #tpu.memory_space<hbm>> -> memref<1x77x768xf32, #tpu.memory_space<hbm>>
      %dma_start3A_2658 = tpu.memref_squeeze %dma_start3A_2657 : memref<1x77x768xf32, #tpu.memory_space<hbm>> -> memref<77x768xf32, #tpu.memory_space<hbm>>
      tpu.enqueue_dma source(%arg7 : memref<77x768xf32, #tpu.memory_space<vmem>>) target(%dma_start3A_2658 : memref<77x768xf32, #tpu.memory_space<hbm>>) target_semaphore(%arg12 : memref<!tpu.dma_semaphore, #tpu.memory_space<semaphore_mem>>)
      %add3A_2659 = arith.constant 1 : i32
      %add3A_2660 = arith.addi %while3A_2147, %add3A_2659 : i32
      %lt3A_2661 = arith.cmpi slt, %add3A_2660, %select_n3A : i32
      %convert_element_type3A_2662 = arith.extui %lt3A_2661 : i1 to i32
      %cond3A_2663 = arith.constant 0 : i32
      %cond3A_2664 = arith.cmpi ne, %convert_element_type3A_2662, %cond3A_2663 : i32
      scf.if %cond3A_2664 {
        %add3A_2665 = arith.constant 1 : i32
        %add3A_2666 = arith.addi %add3A_2148, %add3A_2665 : i32
        %dma_start3A_2667 = arith.constant 0 : i32
        %dma_start3A_2668 = arith.constant 0 : i32
        %dma_start3A_2669 = tpu.memref_slice %arg4[%add3A_2666, %dma_start3A_2667, %dma_start3A_2668] : memref<1000x72x768xf32, #tpu.memory_space<hbm>> -> memref<1x72x768xf32, #tpu.memory_space<hbm>>
        %dma_start3A_2670 = tpu.memref_squeeze %dma_start3A_2669 : memref<1x72x768xf32, #tpu.memory_space<hbm>> -> memref<72x768xf32, #tpu.memory_space<hbm>>
        %dma_start3A_2671 = arith.constant 0 : i32
        %dma_start3A_2672 = arith.constant 0 : i32
        %dma_start3A_2673 = tpu.memref_slice %arg4[%add3A_2666, %dma_start3A_2671, %dma_start3A_2672] : memref<1000x72x768xf32, #tpu.memory_space<hbm>> -> memref<1x72x768xf32, #tpu.memory_space<hbm>>
        %dma_start3A_2674 = tpu.memref_squeeze %dma_start3A_2673 : memref<1x72x768xf32, #tpu.memory_space<hbm>> -> memref<72x768xf32, #tpu.memory_space<hbm>>
        tpu.enqueue_dma source(%dma_start3A_2674 : memref<72x768xf32, #tpu.memory_space<hbm>>) target(%arg6 : memref<72x768xf32, #tpu.memory_space<vmem>>) target_semaphore(%arg10 : memref<!tpu.dma_semaphore, #tpu.memory_space<semaphore_mem>>)
      } else {
      }
    }
    %add3A_2137 = arith.addi %select_n3A_10, %select_n3A : i32
    %sub3A_2138 = arith.constant 1 : i32
    %sub3A_2139 = arith.subi %add3A_2137, %sub3A_2138 : i32
    %dma_wait3A = arith.constant 0 : i32
    %dma_wait3A_2140 = arith.constant 0 : i32
    %dma_wait3A_2141 = tpu.memref_slice %arg5[%sub3A_2139, %dma_wait3A, %dma_wait3A_2140] : memref<1000x77x768xf32, #tpu.memory_space<hbm>> -> memref<1x77x768xf32, #tpu.memory_space<hbm>>
    %dma_wait3A_2142 = tpu.memref_squeeze %dma_wait3A_2141 : memref<1x77x768xf32, #tpu.memory_space<hbm>> -> memref<77x768xf32, #tpu.memory_space<hbm>>
    %dma_wait3A_2143 = arith.constant 0 : i32
    %dma_wait3A_2144 = arith.constant 0 : i32
    %dma_wait3A_2145 = tpu.memref_slice %arg5[%sub3A_2139, %dma_wait3A_2143, %dma_wait3A_2144] : memref<1000x77x768xf32, #tpu.memory_space<hbm>> -> memref<1x77x768xf32, #tpu.memory_space<hbm>>
    %dma_wait3A_2146 = tpu.memref_squeeze %dma_wait3A_2145 : memref<1x77x768xf32, #tpu.memory_space<hbm>> -> memref<77x768xf32, #tpu.memory_space<hbm>>
    tpu.wait_dma2 semaphore(%arg12 : memref<!tpu.dma_semaphore, #tpu.memory_space<semaphore_mem>>) src(%arg7 : memref<77x768xf32, #tpu.memory_space<vmem>>) dst(%dma_wait3A_2146 : memref<77x768xf32, #tpu.memory_space<hbm>>)
    return
  }
}

</mosaic_0001>

<sc_bundles>
// kernel: _prompt_concat.3.cloned.1.call-start
scs
__scs_entry_jumppad:
0x0: {  	(pc) =	sbr.rel $0x88, $3  }
0x1: {  	(tag) =	ssettag $0x0;
	lr =	simm.s32 $0x1  }
0x2: {  	[smem:$0x3F9E] =	sst lr;
	_ =	strace $0xD0000000  }
0x3: {  	_ = 	snop  }
0x4: {  	_ = 	snop  }
0x5: {  	_ = 	snop  }
0x6: {  	_ = 	snop  }
0x7: {  	_ = 	snop  }
__scs_overlays_trampoline_lowered:
0x8: {  	[smem:$0x3FAD] =	sst s0  }
0x9: {  	[smem:$0x3FAE] =	sst s1  }
0xa: {  	[smem:$0x3FAF] =	sst s2  }
0xb: {  	[smem:$0x3FB0] =	sst s3  }
0xc: {  	[smem:$0x3FB1] =	sst s4  }
0xd: {  	[smem:$0x3FB2] =	sst s5  }
0xe: {  	[smem:$0x3FB3] =	sst s6  }
0xf: {  	[smem:$0x3FB4] =	sst s7  }
0x10: {  	[smem:$0x3FB5] =	sst s8  }
0x11: {  	[smem:$0x3FB6] =	sst s9;
	s0 =	simm.s32 @!p0 $0x0  }
0x12: {  	s1 =	sld [smem:$0x3F9C];
	s0 =	simm.s32 @p0 $0x1  }
0x13: {  	[smem:$0x3FB7] =	sst s0;
	s0 =	simm.s32 @!p1 $0x0  }
0x14: {  	s2 =	sld [smem:$0x3F9B];
	s0 =	simm.s32 @p1 $0x1  }
0x15: {  	[smem:$0x3FB8] =	sst s0;
	s0 =	simm.s32 @!p2 $0x0  }
0x16: {  	s3 =	sld [smem:$0x3FDB];
	s0 =	simm.s32 @p2 $0x1  }
0x17: {  	s4 =	simm.s32 $0x1BF5;
	[smem:$0x3FBA] =	sst s0  }
0x18: {  	s0 =	sld [smem:$0x3F9D];
	_ =	swait.ge [sflag:s4], $0x0  }
0x19: {  	s7 =	sld [smem:$0x3F9E]  }
0x1a: {  	s8 =	sadd.s32 $0xFFFFE003, lr  }
0x1b: {  	s9 =	sadd.s32 $0xFFFFFEF7, lr;
	s5 =	simm.s32 $0xFFFFFFFF;
	p2 =	slt.u32 s8, $0xFFFFF086  }
0x1c: {  	p1 =	slt.u32 s9, $0xF7A;
	s5 =	simm.s32 @!p2 $0x0  }
0x1d: {  	s5 =	simm.s32 @p1 $0x1;
	p0 =	seq.s32 s7, s2  }
0x1e: {  	s7 =	smul.u32 @!p0 $0xF7A, s2;
	p2 =	seq.s32 @!p0 s5, $0x0  }
0x1f: {  	s9 =	smul.u32 $0xF7A, s1;
	s8 =	simm.s32 @!p0 $0x1BF5;
	p2 =	por !p2, p0  }
0x20: {  	[sflag:s8] =	ssyncset.s32 @!p0 $0xFFFFF086;
	s6 =	sadd.s32 @!p0 s3, s7;
	s7 =	simm.s32 @!p0 $0x108  }
0x21: {  	s3 =	sadd.s32 s3, s9;
	s6 =	sadd.s32 @!p0 $0x88, s6;
	s7 =	simm.s32 @p2 $0x1082  }
0x22: {  	[simem:s7], [sflag:s8] =	dma.local @!p0 [hbm:s6], $0xF7A  }
0x23: {  	s9 =	sor.u32 $0xD0000000, s2;
	s6 =	simm.s32 $0x108;
	_ =	swait.ge @!p0 [sflag:s8], $0x0  }
0x24: {  	s3 =	sadd.s32 $0x88, s3;
	s6 =	simm.s32 @!p1 $0x1082;
	[sflag:s4] =	ssyncset.s32 $0xFFFFF086  }
0x25: {  	[simem:s6], [sflag:s4] =	dma.local [hbm:s3], $0xF7A  }
0x26: {  	[smem:$0x3F9E] =	sst s1;
	(tag) =	ssettag s2;
	_ =	strace s9  }
0x27: {  	s1 =	sld [smem:$0x3FAE]  }
0x28: {  	s2 =	sld [smem:$0x3FAF]  }
0x29: {  	s4 =	sld [smem:$0x3FB1]  }
0x2a: {  	p0 =	seq.s32 s5, $0x0;
	s5 =	sld [smem:$0x3FB2]  }
0x2b: {  	s6 =	sld [smem:$0x3FB3]  }
0x2c: {  	s7 =	sld [smem:$0x3FB4]  }
0x2d: {  	s3 =	simm.s32 $0x108;
	s8 =	sld [smem:$0x3FB5]  }
0x2e: {  	s3 =	simm.s32 @!p0 $0x1082;
	s9 =	sld [smem:$0x3FB6]  }
0x2f: {  	lr =	sadd.s32 s0, s3;
	s0 =	sld [smem:$0x3FAD]  }
0x30: {  	s3 =	sld [smem:$0x3FB0]  }
0x31: {  	[smem:$0x3FB9] =	sst s10  }
0x32: {  	s10 =	sld [smem:$0x3FB7];
	_ =	sdelay $0x3  }
0x33: {  	p0 =	seq.s32 s10, $0x1;
	s10 =	sld [smem:$0x3FB9];
	_ =	sdelay $0x3  }
0x34: {  	[smem:$0x3FB9] =	sst s10  }
0x35: {  	s10 =	sld [smem:$0x3FB8];
	_ =	sdelay $0x3  }
0x36: {  	p1 =	seq.s32 s10, $0x1;
	s10 =	sld [smem:$0x3FB9];
	_ =	sdelay $0x3  }
0x37: {  	[smem:$0x3FB9] =	sst s10  }
0x38: {  	s10 =	sld [smem:$0x3FBA]  }
0x39: {  	_ = 	snop;
	(pc) =	sbr.ind lr, $3  }
0x3a: {  	_ = 	snop  }
0x3b: {  	_ = 	snop  }
0x3c: {  	p2 =	seq.s32 s10, $0x1;
	s10 =	sld [smem:$0x3FB9]  }
0x3d: {  	_ =	shalt  }
0x3e: {  	_ =	shalt  }
0x3f: {  	_ =	shalt  }
0x40: {  	_ =	shalt  }
0x41: {  	_ =	shalt  }
0x42: {  	_ =	shalt  }
0x43: {  	_ =	shalt  }
0x44: {  	_ =	shalt  }
0x45: {  	_ =	shalt  }
0x46: {  	_ =	shalt  }
0x47: {  	_ =	shalt  }
0x48: {  	_ =	shalt  }
0x49: {  	_ =	shalt  }
0x4a: {  	_ =	shalt  }
0x4b: {  	_ =	shalt  }
0x4c: {  	_ =	shalt  }
0x4d: {  	_ =	shalt  }
0x4e: {  	_ =	shalt  }
0x4f: {  	_ =	shalt  }
0x50: {  	_ =	shalt  }
0x51: {  	_ =	shalt  }
0x52: {  	_ =	shalt  }
0x53: {  	_ =	shalt  }
0x54: {  	_ =	shalt  }
0x55: {  	_ =	shalt  }
0x56: {  	_ =	shalt  }
0x57: {  	_ =	shalt  }
0x58: {  	_ =	shalt  }
0x59: {  	_ =	shalt  }
0x5a: {  	_ =	shalt  }
0x5b: {  	_ =	shalt  }
0x5c: {  	_ =	shalt  }
0x5d: {  	_ =	shalt  }
0x5e: {  	_ =	shalt  }
0x5f: {  	_ =	shalt  }
0x60: {  	_ =	shalt  }
0x61: {  	_ =	shalt  }
0x62: {  	_ =	shalt  }
0x63: {  	_ =	shalt  }
0x64: {  	_ =	shalt  }
0x65: {  	_ =	shalt  }
0x66: {  	_ =	shalt  }
0x67: {  	_ =	shalt  }
0x68: {  	_ =	shalt  }
0x69: {  	_ =	shalt  }
0x6a: {  	_ =	shalt  }
0x6b: {  	_ =	shalt  }
0x6c: {  	_ =	shalt  }
0x6d: {  	_ =	shalt  }
0x6e: {  	_ =	shalt  }
0x6f: {  	_ =	shalt  }
0x70: {  	_ =	shalt  }
0x71: {  	_ =	shalt  }
0x72: {  	_ =	shalt  }
0x73: {  	_ =	shalt  }
0x74: {  	_ =	shalt  }
0x75: {  	_ =	shalt  }
0x76: {  	_ =	shalt  }
0x77: {  	_ =	shalt  }
0x78: {  	_ =	shalt  }
0x79: {  	_ =	shalt  }
0x7a: {  	_ =	shalt  }
0x7b: {  	_ =	shalt  }
0x7c: {  	_ =	shalt  }
0x7d: {  	_ =	shalt  }
0x7e: {  	_ =	shalt  }
0x7f: {  	_ =	shalt  }
0x80: {  	_ =	shalt  }
0x81: {  	_ =	shalt  }
0x82: {  	_ =	shalt  }
0x83: {  	_ =	shalt  }
0x84: {  	_ =	shalt  }
0x85: {  	_ =	shalt  }
0x86: {  	_ =	shalt  }
0x87: {  	_ =	shalt  }
.Lfunc_end0:
.L_simem_size_0:
called_computation_lowered:
.L_overlay_start_0:
0x88: {  	s2 =	sld [smem:$0x3FD9]  }
0x89: {  	s3 =	sld [smem:$0x3FFE];
	_ =	sdelay $0x1  }
0x8a: {  	s1 =	srdreg.scid  }
0x8b: {  	s0 =	sand.u32 $0x1, s1  }
0x8c: {  	s17 =	sshll.u32 s0, $0xA;
	s2 =	sadd.s32 s3, s2  }
0x8d: {  	s2 =	sadd.s32 s2, s17  }
0x8e: {  	[smem:$0x3FC5] =	sst s2  }
0x8f: {  	_ = 	snop  }
0x90: {  	s2 =	sld [smem:$0x3FC8]  }
0x91: {  	s18 =	sld [smem:$0x3FC7]  }
0x92: {  	s4 =	sld [smem:$0x3FD0];
	(tm) =	ssettm $0x1  }
0x93: {  	s5 =	sld [smem:$0x3FFB];
	_ =	sdelay $0x3  }
0x94: {  	_ =	strace s5  }
0x95: {  	s5 =	sld [smem:$0x3FFC];
	_ =	sdelay $0x3  }
0x96: {  	_ =	strace s5  }
0x97: {  	s5 =	sld [smem:$0x3FFD];
	_ =	sdelay $0x3  }
0x98: {  	_ =	strace s5  }
0x99: {  	_ =	strace $0x8FFFFFFF  }
0x9a: {  	s19 =	sld [smem:$0x3FDB];
	_ =	sdelay $0x1  }
0x9b: {  	s6 =	simm.s32 $_scs_section_size  }
0x9c: {  	s7 =	simm.s32 $_size__tile_overlayer_lowered;
	s8 =	simm.s32 $_tile_overlayer_lowered  }
0x9d: {  	s22 =	simm.s32 $0x1BFF;
	s21 =	sshll.u32 s8, $0x1;
	s5 =	sadd.s32 s6, s19  }
0x9e: {  	s9 =	simm.s32 $0x0;
	s20 =	sshll.u32 s7, $0x1;
	s7 =	sadd.s32 s21, s5  }
0x9f: {  	[timem:s9], [sflag:s22] =	dma.local [hbm:s7], s20  }
0xa0: {  	_ =	swait.ge [sflag:s22], s20  }
0xa1: {  	s6 =	ssub.s32 $0x0, s20;
	[sflag:s22] =	ssyncset.done $0x0  }
0xa2: {  	[sflag:s22] =	ssyncadd.s32 s6;
	_ =	sdelay $0x1  }
0xa3: {  	s23 =	simm.s32 $0x1B8B  }
0xa4: {  	_ =	swait.ge [sflag:s23], $0x1  }
0xa5: {  	[sflag:s23] =	ssyncset.done $0x0  }
0xa6: {  	s25 =	simm.s32 $0x1B8E;
	s24 =	sld [smem:$0x3FFE];
	[sflag:s23] =	ssyncadd.s32 $0xFFFFFFFF  }
0xa7: {  	s26 =	simm.s32 $execute0_lowered;
	[smem:$0x3FD2] =	sst s25  }
0xa8: {  	s7 =	sshll.u32 s26, $0x1;
	_ =	strace $0x80000046;
	[dreg:$0x1] =	wrdreg $0xFFFFFFFF  }
0xa9: {  	s28 =	simm.s32 $_size_execute0_lowered;
	s5 =	sadd.s32 s5, s7;
	[dreg:$0x0] =	wrdreg $0x0  }
0xaa: {  	s7 =	sshll.u32 s28, $0x1;
	[dreg:$0x2] =	wrdreg s5  }
0xab: {  	[dreg:$0x3] =	wrdreg s7  }
0xac: {  	[dreg:$0x4] =	wrdreg $0xC0  }
0xad: {  	_ =	task [dreg:s9], $0x5FFFF  }
0xae: {  	[dreg:$0x1] =	wrdreg $0xFFFFFFFF  }
0xaf: {  	[dreg:$0x0] =	wrdreg $0x60  }
0xb0: {  	[dreg:$0x2] =	wrdreg s4  }
0xb1: {  	[dreg:$0x3] =	wrdreg s2  }
0xb2: {  	[dreg:$0x4] =	wrdreg s18  }
0xb3: {  	[dreg:$0x5] =	wrdreg s24  }
0xb4: {  	[dreg:$0x6] =	wrdreg $0x9  }
0xb5: {  	_ =	task.clear_ibuf [dreg:s9], $0x7FFFF;
	_ =	strace $0x90000046  }
0xb6: {  	s29 =	simm.s32 $0x9;
	_ =	strace $0x80000048  }
0xb7: {  	_ =	swait.ge [sflag:s29], $0x1  }
0xb8: {  	[sflag:s29] =	ssyncadd.s32 $0xFFFFFFFF  }
0xb9: {  	_ =	strace $0x90000048  }
0xba: {  	_ =	sfence  }
0xbb: {  	s30 =	sld [smem:$0x0];
	_ =	sdelay $0x2  }
0xbc: {  	s31 =	sshll.u32 s1, $0xD;
	s1 =	sshrl.u32 s1, $0x2  }
0xbd: {  	s3 =	sand.u32 $0x4000, s31;
	s1 =	sadd.s32 s1, s30  }
0xbe: {  	s0 =	sor.u32 s3, s0;
	s1 =	sshll.u32 s1, $0x11  }
0xbf: {  	s0 =	sor.u32 s1, s0  }
0xc0: {  	s0 =	sadd.s32 $0x8F2B, s0  }
0xc1: {  	[sflag:s0] =	ssyncadd.remote.s32 $0x1  }
0xc2: {  	_ =	sfence.sel $0xFFFF  }
0xc3: {  	[dreg:$0x0] =	wrdreg $0xFFFFFFFF;
	(pc) =	sbr.abs _section_cstart, $3  }
0xc4: {  	[dreg:$0x1] =	wrdreg $0xFFFFFFFF  }
0xc5: {  	_ =	task.clear_ibuf [dreg:s9], $0x2FFFF;
	_ =	strace $0x9FFFFFFF  }
0xc6: {  	(tm) =	ssettm $0x7FFFFFFF  }
0xc7: {  	_ =	shalt  }
tec
execute0_lowered:
.L_overlay_start_1:
0x0: {  	(tag) =	ssettag $0x1  }
0x1: {  	s1 =	rddreg [dreg:$0x0]  }
0x2: {  	s3 =	srdreg.scid;
	s2 =	rddreg [dreg:$0x1]  }
0x3: {  	s0 =	stileid.u32;
	s4 =	rddreg [dreg:$0x2]  }
0x4: {  	s8 =	rddreg [dreg:$0x3];
	s7 =	sand.u32 $0x1, s3;
	s30 =	sshll.u32 s0, $0x1  }
0x5: {  	s5 =	simm.s32 $0x0;
	s12 =	simm.s32 $0x1;
	s6 =	sor.u32 s7, s30  }
0x6: {  	s13 =	simm.s32 $0xD800;
	s3 =	rddreg [dreg:$0x4];
	s9 =	smul.u32 $0x18, s6  }
0x7: {  	s14 =	simm.s32 $0x3;
	s15 =	simm.s32 $0x0;
	[smem:$0x7FF] =	sst s5  }
0x8: {  	p0 =	slt.u32 s6, $0x1D;
	s10 =	sshll.u32 s6, $0x5;
	s6 =	sadd.s32 $0xE8, s9  }
0x9: {  	s31 =	ssub.s32 $0x2, s7;
	s7 =	sadd.s32 $0x400, s8;
	s6 =	smov.u32 @p0 s10  }
0xa: {  	s8 =	simm.s32 $0x20;
	s11 =	sshrl.u32 s31, $0x1;
	s10 =	smul.u32 $0x1B00, s6  }
0xb: {  	_ =	strace $0x80000047;
	s11 =	ssub.s32 s31, s11;
	s8 =	simm.s32 @!p0 $0x18  }
0xc: {  	s9 =	sadd.s32 s4, s10;
	s10 =	smax.u32 s11, $0x1;
	s11 =	simm.s32 $0x1E000  }
.LBB2_1:
0xd: {  	[tilespmem:s11], [sflag:$0x1] =	stream.linear.gather [hbm4b:s2+s5], $0xC00, $0x38;
	[tilespmem:$0x1EC00] =	vst v63  }
0xe: {  	_ =	swait.ge [sflag:s12], $0xC00  }
0xf: {  	[sflag:s12] =	ssyncset.done $0x0  }
0x10: {  	[sflag:s12] =	ssyncadd.s32 $0xFFFFF400  }
0x11: {  	v0 =	vld [tilespmem:$0x1E000]  }
0x12: {  	v1 =	vld [tilespmem:$0x1E010]  }
0x13: {  	v2 =	vld [tilespmem:$0x1E020]  }
0x14: {  	v3 =	vld [tilespmem:$0x1E030]  }
0x15: {  	v4 =	vld [tilespmem:$0x1E040]  }
0x16: {  	v45 =	vld [tilespmem:$0x1E050];
	[tilespmem:$0xD880] =	vst v0  }
0x17: {  	v46 =	vld [tilespmem:$0x1E060];
	[tilespmem:$0xD890] =	vst v1  }
0x18: {  	v47 =	vld [tilespmem:$0x1E070];
	[tilespmem:$0xD8A0] =	vst v2  }
0x19: {  	v48 =	vld [tilespmem:$0x1E200];
	[tilespmem:$0xD8B0] =	vst v3  }
0x1a: {  	v49 =	vld [tilespmem:$0x1E210];
	[tilespmem:$0xD8C0] =	vst v4  }
0x1b: {  	v50 =	vld [tilespmem:$0x1E220];
	[tilespmem:$0xD8D0] =	vst v45  }
0x1c: {  	v51 =	vld [tilespmem:$0x1E230];
	[tilespmem:$0xD8E0] =	vst v46  }
0x1d: {  	v52 =	vld [tilespmem:$0x1E240];
	[tilespmem:$0xD8F0] =	vst v47  }
0x1e: {  	v53 =	vld [tilespmem:$0x1E250];
	[tilespmem:$0xDC80] =	vst v48  }
0x1f: {  	v54 =	vld [tilespmem:$0x1E260];
	[tilespmem:$0xDC90] =	vst v49  }
0x20: {  	v55 =	vld [tilespmem:$0x1E270];
	[tilespmem:$0xDCA0] =	vst v50  }
0x21: {  	v56 =	vld [tilespmem:$0x1E400];
	[tilespmem:$0xDCB0] =	vst v51  }
0x22: {  	v57 =	vld [tilespmem:$0x1E410];
	[tilespmem:$0xDCC0] =	vst v52  }
0x23: {  	v58 =	vld [tilespmem:$0x1E420];
	[tilespmem:$0xDCD0] =	vst v53  }
0x24: {  	v59 =	vld [tilespmem:$0x1E430];
	[tilespmem:$0xDCE0] =	vst v54  }
0x25: {  	v60 =	vld [tilespmem:$0x1E440];
	[tilespmem:$0xDCF0] =	vst v55  }
0x26: {  	v61 =	vld [tilespmem:$0x1E450];
	[tilespmem:$0xE080] =	vst v56  }
0x27: {  	v62 =	vld [tilespmem:$0x1E460];
	[tilespmem:$0xE090] =	vst v57  }
0x28: {  	v63 =	vld [tilespmem:$0x1E470];
	[tilespmem:$0xE0A0] =	vst v58  }
0x29: {  	v8 =	vld [tilespmem:$0x1E600];
	[tilespmem:$0xE0B0] =	vst v59  }
0x2a: {  	v9 =	vld [tilespmem:$0x1E610];
	[tilespmem:$0xE0C0] =	vst v60  }
0x2b: {  	v10 =	vld [tilespmem:$0x1E620];
	[tilespmem:$0xE0D0] =	vst v61  }
0x2c: {  	v11 =	vld [tilespmem:$0x1E630];
	[tilespmem:$0xE0E0] =	vst v62  }
0x2d: {  	v12 =	vld [tilespmem:$0x1E640];
	[tilespmem:$0xE0F0] =	vst v63  }
0x2e: {  	v13 =	vld [tilespmem:$0x1E650];
	[tilespmem:$0xE480] =	vst v8  }
0x2f: {  	v14 =	vld [tilespmem:$0x1E660];
	[tilespmem:$0xE490] =	vst v9  }
0x30: {  	v15 =	vld [tilespmem:$0x1E670];
	[tilespmem:$0xE4A0] =	vst v10  }
0x31: {  	v16 =	vld [tilespmem:$0x1E800];
	[tilespmem:$0xE4B0] =	vst v11  }
0x32: {  	v17 =	vld [tilespmem:$0x1E810];
	[tilespmem:$0xE4C0] =	vst v12  }
0x33: {  	v18 =	vld [tilespmem:$0x1E820];
	[tilespmem:$0xE4D0] =	vst v13  }
0x34: {  	v19 =	vld [tilespmem:$0x1E830];
	[tilespmem:$0xE4E0] =	vst v14  }
0x35: {  	v20 =	vld [tilespmem:$0x1E840];
	[tilespmem:$0xE4F0] =	vst v15  }
0x36: {  	v21 =	vld [tilespmem:$0x1E850];
	[tilespmem:$0xE880] =	vst v16  }
0x37: {  	v22 =	vld [tilespmem:$0x1E860];
	[tilespmem:$0xE890] =	vst v17  }
0x38: {  	v23 =	vld [tilespmem:$0x1E870];
	[tilespmem:$0xE8A0] =	vst v18  }
0x39: {  	v24 =	vld [tilespmem:$0x1EA00];
	[tilespmem:$0xE8B0] =	vst v19  }
0x3a: {  	v25 =	vld [tilespmem:$0x1EA10];
	[tilespmem:$0xE8C0] =	vst v20  }
0x3b: {  	v26 =	vld [tilespmem:$0x1EA20];
	[tilespmem:$0xE8D0] =	vst v21  }
0x3c: {  	v27 =	vld [tilespmem:$0x1EA30];
	[tilespmem:$0xE8E0] =	vst v22  }
0x3d: {  	v28 =	vld [tilespmem:$0x1EA40];
	[tilespmem:$0xE8F0] =	vst v23  }
0x3e: {  	v29 =	vld [tilespmem:$0x1EA50];
	[tilespmem:$0xEC80] =	vst v24  }
0x3f: {  	v30 =	vld [tilespmem:$0x1EA60];
	[tilespmem:$0xEC90] =	vst v25  }
0x40: {  	v31 =	vld [tilespmem:$0x1EA70];
	[tilespmem:$0xECA0] =	vst v26  }
0x41: {  	v32 =	vld [tilespmem:$0x1E080];
	[tilespmem:$0xECB0] =	vst v27  }
0x42: {  	v33 =	vld [tilespmem:$0x1E090];
	[tilespmem:$0xECC0] =	vst v28  }
0x43: {  	v34 =	vld [tilespmem:$0x1E0A0];
	[tilespmem:$0xECD0] =	vst v29  }
0x44: {  	v35 =	vld [tilespmem:$0x1E0B0];
	[tilespmem:$0xECE0] =	vst v30  }
0x45: {  	v36 =	vld [tilespmem:$0x1E0C0];
	[tilespmem:$0xECF0] =	vst v31  }
0x46: {  	v37 =	vld [tilespmem:$0x1E0D0];
	[tilespmem:$0xD900] =	vst v32  }
0x47: {  	v38 =	vld [tilespmem:$0x1E0E0];
	[tilespmem:$0xD910] =	vst v33  }
0x48: {  	v39 =	vld [tilespmem:$0x1E0F0];
	[tilespmem:$0xD920] =	vst v34  }
0x49: {  	v40 =	vld [tilespmem:$0x1E280];
	[tilespmem:$0xD930] =	vst v35  }
0x4a: {  	v41 =	vld [tilespmem:$0x1E290];
	[tilespmem:$0xD940] =	vst v36  }
0x4b: {  	v42 =	vld [tilespmem:$0x1E2A0];
	[tilespmem:$0xD950] =	vst v37  }
0x4c: {  	v43 =	vld [tilespmem:$0x1E2B0];
	[tilespmem:$0xD960] =	vst v38  }
0x4d: {  	v44 =	vld [tilespmem:$0x1E2C0];
	[tilespmem:$0xD970] =	vst v39  }
0x4e: {  	[tilespmem:$0xDD00] =	vst v40;
	v45 =	vld [tilespmem:$0x1E2D0]  }
0x4f: {  	[tilespmem:$0xDD10] =	vst v41;
	v46 =	vld [tilespmem:$0x1E2E0]  }
0x50: {  	[tilespmem:$0xDD20] =	vst v42;
	v47 =	vld [tilespmem:$0x1E2F0]  }
0x51: {  	[tilespmem:$0xDD30] =	vst v43;
	v48 =	vld [tilespmem:$0x1E480]  }
0x52: {  	[tilespmem:$0xDD40] =	vst v44;
	v49 =	vld [tilespmem:$0x1E490]  }
0x53: {  	v50 =	vld [tilespmem:$0x1E4A0];
	[tilespmem:$0xDD50] =	vst v45  }
0x54: {  	v51 =	vld [tilespmem:$0x1E4B0];
	[tilespmem:$0xDD60] =	vst v46  }
0x55: {  	v52 =	vld [tilespmem:$0x1E4C0];
	[tilespmem:$0xDD70] =	vst v47  }
0x56: {  	v53 =	vld [tilespmem:$0x1E4D0];
	[tilespmem:$0xE100] =	vst v48  }
0x57: {  	v54 =	vld [tilespmem:$0x1E4E0];
	[tilespmem:$0xE110] =	vst v49  }
0x58: {  	v55 =	vld [tilespmem:$0x1E4F0];
	[tilespmem:$0xE120] =	vst v50  }
0x59: {  	v56 =	vld [tilespmem:$0x1E680];
	[tilespmem:$0xE130] =	vst v51  }
0x5a: {  	v57 =	vld [tilespmem:$0x1E690];
	[tilespmem:$0xE140] =	vst v52  }
0x5b: {  	v58 =	vld [tilespmem:$0x1E6A0];
	[tilespmem:$0xE150] =	vst v53  }
0x5c: {  	v59 =	vld [tilespmem:$0x1E6B0];
	[tilespmem:$0xE160] =	vst v54  }
0x5d: {  	v60 =	vld [tilespmem:$0x1E6C0];
	[tilespmem:$0xE170] =	vst v55  }
0x5e: {  	v61 =	vld [tilespmem:$0x1E6D0];
	[tilespmem:$0xE500] =	vst v56  }
0x5f: {  	v62 =	vld [tilespmem:$0x1E6E0];
	[tilespmem:$0xE510] =	vst v57  }
0x60: {  	v63 =	vld [tilespmem:$0x1E6F0];
	[tilespmem:$0xE520] =	vst v58  }
0x61: {  	v8 =	vld [tilespmem:$0x1E880];
	[tilespmem:$0xE530] =	vst v59  }
0x62: {  	v9 =	vld [tilespmem:$0x1E890];
	[tilespmem:$0xE540] =	vst v60  }
0x63: {  	v10 =	vld [tilespmem:$0x1E8A0];
	[tilespmem:$0xE550] =	vst v61  }
0x64: {  	v11 =	vld [tilespmem:$0x1E8B0];
	[tilespmem:$0xE560] =	vst v62  }
0x65: {  	v12 =	vld [tilespmem:$0x1E8C0];
	[tilespmem:$0xE570] =	vst v63  }
0x66: {  	v13 =	vld [tilespmem:$0x1E8D0];
	[tilespmem:$0xE900] =	vst v8  }
0x67: {  	v14 =	vld [tilespmem:$0x1E8E0];
	[tilespmem:$0xE910] =	vst v9  }
0x68: {  	v15 =	vld [tilespmem:$0x1E8F0];
	[tilespmem:$0xE920] =	vst v10  }
0x69: {  	v16 =	vld [tilespmem:$0x1EA80];
	[tilespmem:$0xE930] =	vst v11  }
0x6a: {  	v17 =	vld [tilespmem:$0x1EA90];
	[tilespmem:$0xE940] =	vst v12  }
0x6b: {  	v18 =	vld [tilespmem:$0x1EAA0];
	[tilespmem:$0xE950] =	vst v13  }
0x6c: {  	v19 =	vld [tilespmem:$0x1EAB0];
	[tilespmem:$0xE960] =	vst v14  }
0x6d: {  	v20 =	vld [tilespmem:$0x1EAC0];
	[tilespmem:$0xE970] =	vst v15  }
0x6e: {  	v21 =	vld [tilespmem:$0x1EAD0];
	[tilespmem:$0xED00] =	vst v16  }
0x6f: {  	v22 =	vld [tilespmem:$0x1EAE0];
	[tilespmem:$0xED10] =	vst v17  }
0x70: {  	v23 =	vld [tilespmem:$0x1EAF0];
	[tilespmem:$0xED20] =	vst v18  }
0x71: {  	v24 =	vld [tilespmem:$0x1E100];
	[tilespmem:$0xED30] =	vst v19  }
0x72: {  	v25 =	vld [tilespmem:$0x1E110];
	[tilespmem:$0xED40] =	vst v20  }
0x73: {  	v26 =	vld [tilespmem:$0x1E120];
	[tilespmem:$0xED50] =	vst v21  }
0x74: {  	v27 =	vld [tilespmem:$0x1E130];
	[tilespmem:$0xED60] =	vst v22  }
0x75: {  	v28 =	vld [tilespmem:$0x1E140];
	[tilespmem:$0xED70] =	vst v23  }
0x76: {  	v29 =	vld [tilespmem:$0x1E150];
	[tilespmem:$0xD980] =	vst v24  }
0x77: {  	v30 =	vld [tilespmem:$0x1E160];
	[tilespmem:$0xD990] =	vst v25  }
0x78: {  	v31 =	vld [tilespmem:$0x1E170];
	[tilespmem:$0xD9A0] =	vst v26  }
0x79: {  	v32 =	vld [tilespmem:$0x1E300];
	[tilespmem:$0xD9B0] =	vst v27  }
0x7a: {  	v33 =	vld [tilespmem:$0x1E310];
	[tilespmem:$0xD9C0] =	vst v28  }
0x7b: {  	v34 =	vld [tilespmem:$0x1E320];
	[tilespmem:$0xD9D0] =	vst v29  }
0x7c: {  	v35 =	vld [tilespmem:$0x1E330];
	[tilespmem:$0xD9E0] =	vst v30  }
0x7d: {  	v36 =	vld [tilespmem:$0x1E340];
	[tilespmem:$0xD9F0] =	vst v31  }
0x7e: {  	v37 =	vld [tilespmem:$0x1E350];
	[tilespmem:$0xDD80] =	vst v32  }
0x7f: {  	v38 =	vld [tilespmem:$0x1E360];
	[tilespmem:$0xDD90] =	vst v33  }
0x80: {  	v39 =	vld [tilespmem:$0x1E370];
	[tilespmem:$0xDDA0] =	vst v34  }
0x81: {  	v40 =	vld [tilespmem:$0x1E500];
	[tilespmem:$0xDDB0] =	vst v35  }
0x82: {  	v41 =	vld [tilespmem:$0x1E510];
	[tilespmem:$0xDDC0] =	vst v36  }
0x83: {  	v42 =	vld [tilespmem:$0x1E520];
	[tilespmem:$0xDDD0] =	vst v37  }
0x84: {  	v43 =	vld [tilespmem:$0x1E530];
	[tilespmem:$0xDDE0] =	vst v38  }
0x85: {  	v44 =	vld [tilespmem:$0x1E540];
	[tilespmem:$0xDDF0] =	vst v39  }
0x86: {  	[tilespmem:$0xE180] =	vst v40;
	v45 =	vld [tilespmem:$0x1E550]  }
0x87: {  	[tilespmem:$0xE190] =	vst v41;
	v46 =	vld [tilespmem:$0x1E560]  }
0x88: {  	[tilespmem:$0xE1A0] =	vst v42;
	v47 =	vld [tilespmem:$0x1E570]  }
0x89: {  	[tilespmem:$0xE1B0] =	vst v43;
	v48 =	vld [tilespmem:$0x1E700]  }
0x8a: {  	[tilespmem:$0xE1C0] =	vst v44;
	v49 =	vld [tilespmem:$0x1E710]  }
0x8b: {  	v50 =	vld [tilespmem:$0x1E720];
	[tilespmem:$0xE1D0] =	vst v45  }
0x8c: {  	v51 =	vld [tilespmem:$0x1E730];
	[tilespmem:$0xE1E0] =	vst v46  }
0x8d: {  	v52 =	vld [tilespmem:$0x1E740];
	[tilespmem:$0xE1F0] =	vst v47  }
0x8e: {  	v53 =	vld [tilespmem:$0x1E750];
	[tilespmem:$0xE580] =	vst v48  }
0x8f: {  	v54 =	vld [tilespmem:$0x1E760];
	[tilespmem:$0xE590] =	vst v49  }
0x90: {  	v55 =	vld [tilespmem:$0x1E770];
	[tilespmem:$0xE5A0] =	vst v50  }
0x91: {  	v56 =	vld [tilespmem:$0x1E900];
	[tilespmem:$0xE5B0] =	vst v51  }
0x92: {  	v57 =	vld [tilespmem:$0x1E910];
	[tilespmem:$0xE5C0] =	vst v52  }
0x93: {  	v58 =	vld [tilespmem:$0x1E920];
	[tilespmem:$0xE5D0] =	vst v53  }
0x94: {  	v59 =	vld [tilespmem:$0x1E930];
	[tilespmem:$0xE5E0] =	vst v54  }
0x95: {  	v60 =	vld [tilespmem:$0x1E940];
	[tilespmem:$0xE5F0] =	vst v55  }
0x96: {  	v61 =	vld [tilespmem:$0x1E950];
	[tilespmem:$0xE980] =	vst v56  }
0x97: {  	v62 =	vld [tilespmem:$0x1E960];
	[tilespmem:$0xE990] =	vst v57  }
0x98: {  	v63 =	vld [tilespmem:$0x1E970];
	[tilespmem:$0xE9A0] =	vst v58  }
0x99: {  	v8 =	vld [tilespmem:$0x1EB00];
	[tilespmem:$0xE9B0] =	vst v59  }
0x9a: {  	v9 =	vld [tilespmem:$0x1EB10];
	[tilespmem:$0xE9C0] =	vst v60  }
0x9b: {  	v10 =	vld [tilespmem:$0x1EB20];
	[tilespmem:$0xE9D0] =	vst v61  }
0x9c: {  	v11 =	vld [tilespmem:$0x1EB30];
	[tilespmem:$0xE9E0] =	vst v62  }
0x9d: {  	v12 =	vld [tilespmem:$0x1EB40];
	[tilespmem:$0xE9F0] =	vst v63  }
0x9e: {  	v13 =	vld [tilespmem:$0x1EB50];
	[tilespmem:$0xED80] =	vst v8  }
0x9f: {  	v14 =	vld [tilespmem:$0x1EB60];
	[tilespmem:$0xED90] =	vst v9  }
0xa0: {  	v15 =	vld [tilespmem:$0x1EB70];
	[tilespmem:$0xEDA0] =	vst v10  }
0xa1: {  	v16 =	vld [tilespmem:$0x1E180];
	[tilespmem:$0xEDB0] =	vst v11  }
0xa2: {  	v17 =	vld [tilespmem:$0x1E190];
	[tilespmem:$0xEDC0] =	vst v12  }
0xa3: {  	v18 =	vld [tilespmem:$0x1E1A0];
	[tilespmem:$0xEDD0] =	vst v13  }
0xa4: {  	v19 =	vld [tilespmem:$0x1E1B0];
	[tilespmem:$0xEDE0] =	vst v14  }
0xa5: {  	v20 =	vld [tilespmem:$0x1E1C0];
	[tilespmem:$0xEDF0] =	vst v15  }
0xa6: {  	v21 =	vld [tilespmem:$0x1E1D0];
	[tilespmem:$0xDA00] =	vst v16  }
0xa7: {  	v22 =	vld [tilespmem:$0x1E1E0];
	[tilespmem:$0xDA10] =	vst v17  }
0xa8: {  	v23 =	vld [tilespmem:$0x1E1F0];
	[tilespmem:$0xDA20] =	vst v18  }
0xa9: {  	v24 =	vld [tilespmem:$0x1E380];
	[tilespmem:$0xDA30] =	vst v19  }
0xaa: {  	v25 =	vld [tilespmem:$0x1E390];
	[tilespmem:$0xDA40] =	vst v20  }
0xab: {  	v26 =	vld [tilespmem:$0x1E3A0];
	[tilespmem:$0xDA50] =	vst v21  }
0xac: {  	v27 =	vld [tilespmem:$0x1E3B0];
	[tilespmem:$0xDA60] =	vst v22  }
0xad: {  	v28 =	vld [tilespmem:$0x1E3C0];
	[tilespmem:$0xDA70] =	vst v23  }
0xae: {  	v29 =	vld [tilespmem:$0x1E3D0];
	[tilespmem:$0xDE00] =	vst v24  }
0xaf: {  	v30 =	vld [tilespmem:$0x1E3E0];
	[tilespmem:$0xDE10] =	vst v25  }
0xb0: {  	v31 =	vld [tilespmem:$0x1E3F0];
	[tilespmem:$0xDE20] =	vst v26  }
0xb1: {  	v32 =	vld [tilespmem:$0x1E580];
	[tilespmem:$0xDE30] =	vst v27  }
0xb2: {  	v33 =	vld [tilespmem:$0x1E590];
	[tilespmem:$0xDE40] =	vst v28  }
0xb3: {  	v34 =	vld [tilespmem:$0x1E5A0];
	[tilespmem:$0xDE50] =	vst v29  }
0xb4: {  	v35 =	vld [tilespmem:$0x1E5B0];
	[tilespmem:$0xDE60] =	vst v30  }
0xb5: {  	v36 =	vld [tilespmem:$0x1E5C0];
	[tilespmem:$0xDE70] =	vst v31  }
0xb6: {  	v37 =	vld [tilespmem:$0x1E5D0];
	[tilespmem:$0xE200] =	vst v32  }
0xb7: {  	v38 =	vld [tilespmem:$0x1E5E0];
	[tilespmem:$0xE210] =	vst v33  }
0xb8: {  	v39 =	vld [tilespmem:$0x1E5F0];
	[tilespmem:$0xE220] =	vst v34  }
0xb9: {  	v40 =	vld [tilespmem:$0x1E780];
	[tilespmem:$0xE230] =	vst v35  }
0xba: {  	v41 =	vld [tilespmem:$0x1E790];
	[tilespmem:$0xE240] =	vst v36  }
0xbb: {  	v42 =	vld [tilespmem:$0x1E7A0];
	[tilespmem:$0xE250] =	vst v37  }
0xbc: {  	v43 =	vld [tilespmem:$0x1E7B0];
	[tilespmem:$0xE260] =	vst v38  }
0xbd: {  	v44 =	vld [tilespmem:$0x1E7C0];
	[tilespmem:$0xE270] =	vst v39  }
0xbe: {  	[tilespmem:$0xE600] =	vst v40;
	v45 =	vld [tilespmem:$0x1E7D0]  }
0xbf: {  	[tilespmem:$0xE610] =	vst v41;
	v46 =	vld [tilespmem:$0x1E7E0]  }
0xc0: {  	[tilespmem:$0xE620] =	vst v42;
	v47 =	vld [tilespmem:$0x1E7F0]  }
0xc1: {  	[tilespmem:$0xE630] =	vst v43;
	v48 =	vld [tilespmem:$0x1E980]  }
0xc2: {  	[tilespmem:$0xE640] =	vst v44;
	v49 =	vld [tilespmem:$0x1E990]  }
0xc3: {  	v50 =	vld [tilespmem:$0x1E9A0];
	[tilespmem:$0xE650] =	vst v45  }
0xc4: {  	v51 =	vld [tilespmem:$0x1E9B0];
	[tilespmem:$0xE660] =	vst v46  }
0xc5: {  	v52 =	vld [tilespmem:$0x1E9C0];
	[tilespmem:$0xE670] =	vst v47  }
0xc6: {  	v53 =	vld [tilespmem:$0x1E9D0];
	[tilespmem:$0xEA00] =	vst v48  }
0xc7: {  	v54 =	vld [tilespmem:$0x1E9E0];
	[tilespmem:$0xEA10] =	vst v49  }
0xc8: {  	v55 =	vld [tilespmem:$0x1E9F0];
	[tilespmem:$0xEA20] =	vst v50  }
0xc9: {  	v56 =	vld [tilespmem:$0x1EB80];
	[tilespmem:$0xEA30] =	vst v51  }
0xca: {  	v57 =	vld [tilespmem:$0x1EB90];
	[tilespmem:$0xEA40] =	vst v52  }
0xcb: {  	v58 =	vld [tilespmem:$0x1EBA0];
	[tilespmem:$0xEA50] =	vst v53  }
0xcc: {  	v59 =	vld [tilespmem:$0x1EBB0];
	[tilespmem:$0xEA60] =	vst v54  }
0xcd: {  	v60 =	vld [tilespmem:$0x1EBC0];
	[tilespmem:$0xEA70] =	vst v55  }
0xce: {  	v61 =	vld [tilespmem:$0x1EBD0];
	[tilespmem:$0xEE00] =	vst v56  }
0xcf: {  	v62 =	vld [tilespmem:$0x1EBE0];
	[tilespmem:$0xEE10] =	vst v57  }
0xd0: {  	v63 =	vld [tilespmem:$0x1EBF0];
	[tilespmem:$0xEE20] =	vst v58  }
0xd1: {  	[tilespmem:$0xEE30] =	vst v59  }
0xd2: {  	[tilespmem:$0xEE40] =	vst v60  }
0xd3: {  	[tilespmem:$0xEE50] =	vst v61  }
0xd4: {  	[tilespmem:$0xEE60] =	vst v62  }
0xd5: {  	s16 =	simm.s32 $0x0;
	[tilespmem:$0xEE70] =	vst v63  }
0xd6: {  	[tilespmem:s5], [sflag:$0x1] =	stream.linear.gather [hbm4b:s9+s5], $0xD800, $0x38;
	[tilespmem:$0x1EC00] =	vst v63  }
.LBB2_2:
0xd7: {  	s18 =	sand.u32 $0x7, s16  }
0xd8: {  	s17 =	sadd.s32 s6, s16;
	p0 =	sne.s32 s18, $0x0  }
0xd9: {  	s19 =	sshrl.u32 @!p0 s17, $0x3  }
0xda: {  	s19 =	smul.u32 @!p0 $0x300, s19;
	_ =	sdelay $0x1  }
0xdb: {  	s20 =	simm.s32 @!p0 $0x0;
	s21 =	simm.s32 @!p0 $0x1C800;
	s19 =	sadd.s32 @!p0 s1, s19  }
0xdc: {  	[tilespmem:s21], [sflag:$0x2] =	stream.linear.gather @!p0 [hbm4b:s19+s20], $0x1800, $0x38;
	[tilespmem:$0x1EC00] =	vst v63  }
0xdd: {  	s19 =	simm.s32 @!p0 $0x2  }
0xde: {  	_ =	swait.ge @!p0 [sflag:s19], $0x1800  }
0xdf: {  	[sflag:s19] =	ssyncset.done @!p0 $0x0  }
0xe0: {  	[sflag:s19] =	ssyncadd.s32 @!p0 $0xFFFFE800  }
0xe1: {  	_ =	swait.ge [sflag:s12], $0xD800  }
0xe2: {  	p0 =	seq.s32 s16, $0x0;
	[sflag:s12] =	ssyncset.done $0x0  }
0xe3: {  	s19 =	simm.s32 @!p0 $0x3;
	[sflag:s12] =	ssyncadd.s32 $0xFFFF2800  }
0xe4: {  	_ =	swait.ge @!p0 [sflag:s19], $0xF000  }
0xe5: {  	[sflag:s19] =	ssyncset.done @!p0 $0x0  }
0xe6: {  	s18 =	sshll.u32 s18, $0x7;
	[sflag:s19] =	ssyncadd.s32 @!p0 $0xFFFF1000  }
0xe7: {  	v0 =	vld [tilespmem:s18+$0x1C800];
	_ =	sdelay $0x4  }
0xe8: {  	[tilespmem:$0xD800] =	vst v0  }
0xe9: {  	v0 =	vld [tilespmem:s18+$0x1C810];
	_ =	sdelay $0x4  }
0xea: {  	[tilespmem:$0xD810] =	vst v0  }
0xeb: {  	v0 =	vld [tilespmem:s18+$0x1C820];
	_ =	sdelay $0x4  }
0xec: {  	[tilespmem:$0xD820] =	vst v0  }
0xed: {  	v0 =	vld [tilespmem:s18+$0x1C830];
	_ =	sdelay $0x4  }
0xee: {  	[tilespmem:$0xD830] =	vst v0  }
0xef: {  	v0 =	vld [tilespmem:s18+$0x1C840];
	_ =	sdelay $0x4  }
0xf0: {  	[tilespmem:$0xD840] =	vst v0  }
0xf1: {  	v0 =	vld [tilespmem:s18+$0x1C850];
	_ =	sdelay $0x4  }
0xf2: {  	[tilespmem:$0xD850] =	vst v0  }
0xf3: {  	v0 =	vld [tilespmem:s18+$0x1C860];
	_ =	sdelay $0x4  }
0xf4: {  	[tilespmem:$0xD860] =	vst v0  }
0xf5: {  	v0 =	vld [tilespmem:s18+$0x1C870];
	_ =	sdelay $0x4  }
0xf6: {  	[tilespmem:$0xD870] =	vst v0  }
0xf7: {  	v0 =	vld [tilespmem:s18+$0x1CC00];
	_ =	sdelay $0x4  }
0xf8: {  	[tilespmem:$0xDC00] =	vst v0  }
0xf9: {  	v0 =	vld [tilespmem:s18+$0x1CC10];
	_ =	sdelay $0x4  }
0xfa: {  	[tilespmem:$0xDC10] =	vst v0  }
0xfb: {  	v0 =	vld [tilespmem:s18+$0x1CC20];
	_ =	sdelay $0x4  }
0xfc: {  	[tilespmem:$0xDC20] =	vst v0  }
0xfd: {  	v0 =	vld [tilespmem:s18+$0x1CC30];
	_ =	sdelay $0x4  }
0xfe: {  	[tilespmem:$0xDC30] =	vst v0  }
0xff: {  	v0 =	vld [tilespmem:s18+$0x1CC40];
	_ =	sdelay $0x4  }
0x100: {  	[tilespmem:$0xDC40] =	vst v0  }
0x101: {  	v0 =	vld [tilespmem:s18+$0x1CC50];
	_ =	sdelay $0x4  }
0x102: {  	[tilespmem:$0xDC50] =	vst v0  }
0x103: {  	v0 =	vld [tilespmem:s18+$0x1CC60];
	_ =	sdelay $0x4  }
0x104: {  	[tilespmem:$0xDC60] =	vst v0  }
0x105: {  	v0 =	vld [tilespmem:s18+$0x1CC70];
	_ =	sdelay $0x4  }
0x106: {  	[tilespmem:$0xDC70] =	vst v0  }
0x107: {  	v0 =	vld [tilespmem:s18+$0x1D000];
	_ =	sdelay $0x4  }
0x108: {  	[tilespmem:$0xE000] =	vst v0  }
0x109: {  	v0 =	vld [tilespmem:s18+$0x1D010];
	_ =	sdelay $0x4  }
0x10a: {  	[tilespmem:$0xE010] =	vst v0  }
0x10b: {  	v0 =	vld [tilespmem:s18+$0x1D020];
	_ =	sdelay $0x4  }
0x10c: {  	[tilespmem:$0xE020] =	vst v0  }
0x10d: {  	v0 =	vld [tilespmem:s18+$0x1D030];
	_ =	sdelay $0x4  }
0x10e: {  	[tilespmem:$0xE030] =	vst v0  }
0x10f: {  	v0 =	vld [tilespmem:s18+$0x1D040];
	_ =	sdelay $0x4  }
0x110: {  	[tilespmem:$0xE040] =	vst v0  }
0x111: {  	v0 =	vld [tilespmem:s18+$0x1D050];
	_ =	sdelay $0x4  }
0x112: {  	[tilespmem:$0xE050] =	vst v0  }
0x113: {  	v0 =	vld [tilespmem:s18+$0x1D060];
	_ =	sdelay $0x4  }
0x114: {  	[tilespmem:$0xE060] =	vst v0  }
0x115: {  	v0 =	vld [tilespmem:s18+$0x1D070];
	_ =	sdelay $0x4  }
0x116: {  	[tilespmem:$0xE070] =	vst v0  }
0x117: {  	v0 =	vld [tilespmem:s18+$0x1D400];
	_ =	sdelay $0x4  }
0x118: {  	[tilespmem:$0xE400] =	vst v0  }
0x119: {  	v0 =	vld [tilespmem:s18+$0x1D410];
	_ =	sdelay $0x4  }
0x11a: {  	[tilespmem:$0xE410] =	vst v0  }
0x11b: {  	v0 =	vld [tilespmem:s18+$0x1D420];
	_ =	sdelay $0x4  }
0x11c: {  	[tilespmem:$0xE420] =	vst v0  }
0x11d: {  	v0 =	vld [tilespmem:s18+$0x1D430];
	_ =	sdelay $0x4  }
0x11e: {  	[tilespmem:$0xE430] =	vst v0  }
0x11f: {  	v0 =	vld [tilespmem:s18+$0x1D440];
	_ =	sdelay $0x4  }
0x120: {  	[tilespmem:$0xE440] =	vst v0  }
0x121: {  	v0 =	vld [tilespmem:s18+$0x1D450];
	_ =	sdelay $0x4  }
0x122: {  	[tilespmem:$0xE450] =	vst v0  }
0x123: {  	v0 =	vld [tilespmem:s18+$0x1D460];
	_ =	sdelay $0x4  }
0x124: {  	[tilespmem:$0xE460] =	vst v0  }
0x125: {  	v0 =	vld [tilespmem:s18+$0x1D470];
	_ =	sdelay $0x4  }
0x126: {  	[tilespmem:$0xE470] =	vst v0  }
0x127: {  	v0 =	vld [tilespmem:s18+$0x1D800];
	_ =	sdelay $0x4  }
0x128: {  	[tilespmem:$0xE800] =	vst v0  }
0x129: {  	v0 =	vld [tilespmem:s18+$0x1D810];
	_ =	sdelay $0x4  }
0x12a: {  	[tilespmem:$0xE810] =	vst v0  }
0x12b: {  	v0 =	vld [tilespmem:s18+$0x1D820];
	_ =	sdelay $0x4  }
0x12c: {  	[tilespmem:$0xE820] =	vst v0  }
0x12d: {  	v0 =	vld [tilespmem:s18+$0x1D830];
	_ =	sdelay $0x4  }
0x12e: {  	[tilespmem:$0xE830] =	vst v0  }
0x12f: {  	v0 =	vld [tilespmem:s18+$0x1D840];
	_ =	sdelay $0x4  }
0x130: {  	[tilespmem:$0xE840] =	vst v0  }
0x131: {  	v0 =	vld [tilespmem:s18+$0x1D850];
	_ =	sdelay $0x4  }
0x132: {  	[tilespmem:$0xE850] =	vst v0  }
0x133: {  	v0 =	vld [tilespmem:s18+$0x1D860];
	_ =	sdelay $0x4  }
0x134: {  	[tilespmem:$0xE860] =	vst v0  }
0x135: {  	v0 =	vld [tilespmem:s18+$0x1D870];
	_ =	sdelay $0x4  }
0x136: {  	[tilespmem:$0xE870] =	vst v0  }
0x137: {  	v0 =	vld [tilespmem:s18+$0x1DC00];
	_ =	sdelay $0x4  }
0x138: {  	[tilespmem:$0xEC00] =	vst v0  }
0x139: {  	v0 =	vld [tilespmem:s18+$0x1DC10];
	_ =	sdelay $0x4  }
0x13a: {  	[tilespmem:$0xEC10] =	vst v0  }
0x13b: {  	v0 =	vld [tilespmem:s18+$0x1DC20];
	_ =	sdelay $0x4  }
0x13c: {  	[tilespmem:$0xEC20] =	vst v0  }
0x13d: {  	v0 =	vld [tilespmem:s18+$0x1DC30];
	_ =	sdelay $0x4  }
0x13e: {  	[tilespmem:$0xEC30] =	vst v0  }
0x13f: {  	v0 =	vld [tilespmem:s18+$0x1DC40];
	_ =	sdelay $0x4  }
0x140: {  	[tilespmem:$0xEC40] =	vst v0  }
0x141: {  	v0 =	vld [tilespmem:s18+$0x1DC50];
	_ =	sdelay $0x4  }
0x142: {  	[tilespmem:$0xEC50] =	vst v0  }
0x143: {  	v0 =	vld [tilespmem:s18+$0x1DC60];
	_ =	sdelay $0x4  }
0x144: {  	[tilespmem:$0xEC60] =	vst v0  }
0x145: {  	v0 =	vld [tilespmem:s18+$0x1DC70]  }
0x146: {  	s26 =	simm.s32 $0x0  }
0x147: {  	s28 =	smul.u32 $0x6000, s26  }
0x148: {  	s18 =	simm.s32 $0x0  }
0x149: {  	s19 =	sshra.s32 s28, $0x2;
	s29 =	sand.u32 $0x380, s18  }
0x14a: {  	s22 =	sor.u32 s29, s19;
	[tilespmem:$0xEC70] =	vst v0  }
0x14b: {  	s30 =	simm.s32 $0x0;
	v0 =	vld [tilespmem:s22+$0x0]  }
0x14c: {  	s19 =	smul.u32 $0x6000, s30  }
0x14d: {  	s31 =	simm.s32 $0x280  }
0x14e: {  	s20 =	sand.u32 $0x380, s31;
	s19 =	sshra.s32 s19, $0x2  }
0x14f: {  	s19 =	sor.u32 s20, s19  }
0x150: {  	[tilespmem:s19+$0xD800] =	vst v0  }
0x151: {  	v0 =	vld [tilespmem:s22+$0x10];
	_ =	sdelay $0x4  }
0x152: {  	[tilespmem:s19+$0xD810] =	vst v0  }
0x153: {  	v0 =	vld [tilespmem:s22+$0x20];
	_ =	sdelay $0x4  }
0x154: {  	[tilespmem:s19+$0xD820] =	vst v0  }
0x155: {  	v0 =	vld [tilespmem:s22+$0x30];
	_ =	sdelay $0x4  }
0x156: {  	[tilespmem:s19+$0xD830] =	vst v0  }
0x157: {  	v0 =	vld [tilespmem:s22+$0x40];
	_ =	sdelay $0x4  }
0x158: {  	[tilespmem:s19+$0xD840] =	vst v0  }
0x159: {  	v0 =	vld [tilespmem:s22+$0x50];
	_ =	sdelay $0x4  }
0x15a: {  	[tilespmem:s19+$0xD850] =	vst v0  }
0x15b: {  	v0 =	vld [tilespmem:s22+$0x60];
	_ =	sdelay $0x4  }
0x15c: {  	[tilespmem:s19+$0xD860] =	vst v0  }
0x15d: {  	v0 =	vld [tilespmem:s22+$0x70];
	_ =	sdelay $0x4  }
0x15e: {  	[tilespmem:s19+$0xD870] =	vst v0  }
0x15f: {  	v0 =	vld [tilespmem:s22+$0x400];
	_ =	sdelay $0x4  }
0x160: {  	[tilespmem:s19+$0xDC00] =	vst v0  }
0x161: {  	v0 =	vld [tilespmem:s22+$0x410];
	_ =	sdelay $0x4  }
0x162: {  	[tilespmem:s19+$0xDC10] =	vst v0  }
0x163: {  	v0 =	vld [tilespmem:s22+$0x420];
	_ =	sdelay $0x4  }
0x164: {  	[tilespmem:s19+$0xDC20] =	vst v0  }
0x165: {  	v0 =	vld [tilespmem:s22+$0x430];
	_ =	sdelay $0x4  }
0x166: {  	[tilespmem:s19+$0xDC30] =	vst v0  }
0x167: {  	v0 =	vld [tilespmem:s22+$0x440];
	_ =	sdelay $0x4  }
0x168: {  	[tilespmem:s19+$0xDC40] =	vst v0  }
0x169: {  	v0 =	vld [tilespmem:s22+$0x450];
	_ =	sdelay $0x4  }
0x16a: {  	[tilespmem:s19+$0xDC50] =	vst v0  }
0x16b: {  	v0 =	vld [tilespmem:s22+$0x460];
	_ =	sdelay $0x4  }
0x16c: {  	[tilespmem:s19+$0xDC60] =	vst v0  }
0x16d: {  	v0 =	vld [tilespmem:s22+$0x470];
	_ =	sdelay $0x4  }
0x16e: {  	[tilespmem:s19+$0xDC70] =	vst v0  }
0x16f: {  	v0 =	vld [tilespmem:s22+$0x800];
	_ =	sdelay $0x4  }
0x170: {  	[tilespmem:s19+$0xE000] =	vst v0  }
0x171: {  	v0 =	vld [tilespmem:s22+$0x810];
	_ =	sdelay $0x4  }
0x172: {  	[tilespmem:s19+$0xE010] =	vst v0  }
0x173: {  	v0 =	vld [tilespmem:s22+$0x820];
	_ =	sdelay $0x4  }
0x174: {  	[tilespmem:s19+$0xE020] =	vst v0  }
0x175: {  	v0 =	vld [tilespmem:s22+$0x830];
	_ =	sdelay $0x4  }
0x176: {  	[tilespmem:s19+$0xE030] =	vst v0  }
0x177: {  	v0 =	vld [tilespmem:s22+$0x840];
	_ =	sdelay $0x4  }
0x178: {  	[tilespmem:s19+$0xE040] =	vst v0  }
0x179: {  	v0 =	vld [tilespmem:s22+$0x850];
	_ =	sdelay $0x4  }
0x17a: {  	[tilespmem:s19+$0xE050] =	vst v0  }
0x17b: {  	v0 =	vld [tilespmem:s22+$0x860];
	_ =	sdelay $0x4  }
0x17c: {  	[tilespmem:s19+$0xE060] =	vst v0  }
0x17d: {  	v0 =	vld [tilespmem:s22+$0x870];
	_ =	sdelay $0x4  }
0x17e: {  	[tilespmem:s19+$0xE070] =	vst v0  }
0x17f: {  	v0 =	vld [tilespmem:s22+$0xC00];
	_ =	sdelay $0x4  }
0x180: {  	[tilespmem:s19+$0xE400] =	vst v0  }
0x181: {  	v0 =	vld [tilespmem:s22+$0xC10];
	_ =	sdelay $0x4  }
0x182: {  	[tilespmem:s19+$0xE410] =	vst v0  }
0x183: {  	v0 =	vld [tilespmem:s22+$0xC20];
	_ =	sdelay $0x4  }
0x184: {  	[tilespmem:s19+$0xE420] =	vst v0  }
0x185: {  	v0 =	vld [tilespmem:s22+$0xC30];
	_ =	sdelay $0x4  }
0x186: {  	[tilespmem:s19+$0xE430] =	vst v0  }
0x187: {  	v0 =	vld [tilespmem:s22+$0xC40];
	_ =	sdelay $0x4  }
0x188: {  	[tilespmem:s19+$0xE440] =	vst v0  }
0x189: {  	v0 =	vld [tilespmem:s22+$0xC50];
	_ =	sdelay $0x4  }
0x18a: {  	[tilespmem:s19+$0xE450] =	vst v0  }
0x18b: {  	v0 =	vld [tilespmem:s22+$0xC60];
	_ =	sdelay $0x4  }
0x18c: {  	[tilespmem:s19+$0xE460] =	vst v0  }
0x18d: {  	v0 =	vld [tilespmem:s22+$0xC70];
	_ =	sdelay $0x4  }
0x18e: {  	[tilespmem:s19+$0xE470] =	vst v0  }
0x18f: {  	v0 =	vld [tilespmem:s22+$0x1000];
	_ =	sdelay $0x4  }
0x190: {  	[tilespmem:s19+$0xE800] =	vst v0  }
0x191: {  	v0 =	vld [tilespmem:s22+$0x1010];
	_ =	sdelay $0x4  }
0x192: {  	[tilespmem:s19+$0xE810] =	vst v0  }
0x193: {  	v0 =	vld [tilespmem:s22+$0x1020];
	_ =	sdelay $0x4  }
0x194: {  	[tilespmem:s19+$0xE820] =	vst v0  }
0x195: {  	v0 =	vld [tilespmem:s22+$0x1030];
	_ =	sdelay $0x4  }
0x196: {  	[tilespmem:s19+$0xE830] =	vst v0  }
0x197: {  	v0 =	vld [tilespmem:s22+$0x1040];
	_ =	sdelay $0x4  }
0x198: {  	[tilespmem:s19+$0xE840] =	vst v0  }
0x199: {  	v0 =	vld [tilespmem:s22+$0x1050];
	_ =	sdelay $0x4  }
0x19a: {  	[tilespmem:s19+$0xE850] =	vst v0  }
0x19b: {  	v0 =	vld [tilespmem:s22+$0x1060];
	_ =	sdelay $0x4  }
0x19c: {  	[tilespmem:s19+$0xE860] =	vst v0  }
0x19d: {  	v0 =	vld [tilespmem:s22+$0x1070];
	_ =	sdelay $0x4  }
0x19e: {  	[tilespmem:s19+$0xE870] =	vst v0  }
0x19f: {  	v0 =	vld [tilespmem:s22+$0x1400];
	_ =	sdelay $0x4  }
0x1a0: {  	[tilespmem:s19+$0xEC00] =	vst v0  }
0x1a1: {  	v0 =	vld [tilespmem:s22+$0x1410];
	_ =	sdelay $0x4  }
0x1a2: {  	[tilespmem:s19+$0xEC10] =	vst v0  }
0x1a3: {  	v0 =	vld [tilespmem:s22+$0x1420];
	_ =	sdelay $0x4  }
0x1a4: {  	[tilespmem:s19+$0xEC20] =	vst v0  }
0x1a5: {  	v0 =	vld [tilespmem:s22+$0x1430];
	_ =	sdelay $0x4  }
0x1a6: {  	[tilespmem:s19+$0xEC30] =	vst v0  }
0x1a7: {  	v0 =	vld [tilespmem:s22+$0x1440];
	_ =	sdelay $0x4  }
0x1a8: {  	[tilespmem:s19+$0xEC40] =	vst v0  }
0x1a9: {  	v0 =	vld [tilespmem:s22+$0x1450];
	_ =	sdelay $0x4  }
0x1aa: {  	[tilespmem:s19+$0xEC50] =	vst v0  }
0x1ab: {  	v0 =	vld [tilespmem:s22+$0x1460];
	_ =	sdelay $0x4  }
0x1ac: {  	[tilespmem:s19+$0xEC60] =	vst v0  }
0x1ad: {  	s23 =	simm.s32 $0x1;
	s21 =	simm.s32 $0x7;
	s20 =	simm.s32 $0x6;
	v0 =	vld [tilespmem:s22+$0x1470]  }
.LBB2_3:
0x1ae: {  	p0 =	sne.s32 s21, $0x4C;
	s22 =	sshrl.u32 s23, $0x3  }
0x1af: {  	s22 =	smul.u32 $0x6000, s22  }
0x1b0: {  	s18 =	sadd.s32 $0x80, s18  }
0x1b1: {  	s23 =	sand.u32 $0x380, s18;
	s22 =	sshra.s32 s22, $0x2  }
0x1b2: {  	s22 =	sor.u32 s23, s22;
	[tilespmem:s19+$0xEC70] =	vst v0  }
0x1b3: {  	s19 =	sshrl.u32 s20, $0x3;
	s20 =	smov.u32 s21;
	v0 =	vld [tilespmem:s22+$0x0]  }
0x1b4: {  	s19 =	smul.u32 $0x6000, s19  }
0x1b5: {  	s23 =	sadd.s32 $0x280, s18  }
0x1b6: {  	s23 =	sand.u32 $0x380, s23;
	s19 =	sshra.s32 s19, $0x2  }
0x1b7: {  	s19 =	sor.u32 s23, s19  }
0x1b8: {  	[tilespmem:s19+$0xD800] =	vst v0  }
0x1b9: {  	v0 =	vld [tilespmem:s22+$0x10];
	_ =	sdelay $0x4  }
0x1ba: {  	[tilespmem:s19+$0xD810] =	vst v0  }
0x1bb: {  	v0 =	vld [tilespmem:s22+$0x20];
	_ =	sdelay $0x4  }
0x1bc: {  	[tilespmem:s19+$0xD820] =	vst v0  }
0x1bd: {  	v0 =	vld [tilespmem:s22+$0x30];
	_ =	sdelay $0x4  }
0x1be: {  	[tilespmem:s19+$0xD830] =	vst v0  }
0x1bf: {  	v0 =	vld [tilespmem:s22+$0x40];
	_ =	sdelay $0x4  }
0x1c0: {  	[tilespmem:s19+$0xD840] =	vst v0  }
0x1c1: {  	v0 =	vld [tilespmem:s22+$0x50];
	_ =	sdelay $0x4  }
0x1c2: {  	[tilespmem:s19+$0xD850] =	vst v0  }
0x1c3: {  	v0 =	vld [tilespmem:s22+$0x60];
	_ =	sdelay $0x4  }
0x1c4: {  	[tilespmem:s19+$0xD860] =	vst v0  }
0x1c5: {  	v0 =	vld [tilespmem:s22+$0x70];
	_ =	sdelay $0x4  }
0x1c6: {  	[tilespmem:s19+$0xD870] =	vst v0  }
0x1c7: {  	v0 =	vld [tilespmem:s22+$0x400];
	_ =	sdelay $0x4  }
0x1c8: {  	[tilespmem:s19+$0xDC00] =	vst v0  }
0x1c9: {  	v0 =	vld [tilespmem:s22+$0x410];
	_ =	sdelay $0x4  }
0x1ca: {  	[tilespmem:s19+$0xDC10] =	vst v0  }
0x1cb: {  	v0 =	vld [tilespmem:s22+$0x420];
	_ =	sdelay $0x4  }
0x1cc: {  	[tilespmem:s19+$0xDC20] =	vst v0  }
0x1cd: {  	v0 =	vld [tilespmem:s22+$0x430];
	_ =	sdelay $0x4  }
0x1ce: {  	[tilespmem:s19+$0xDC30] =	vst v0  }
0x1cf: {  	v0 =	vld [tilespmem:s22+$0x440];
	_ =	sdelay $0x4  }
0x1d0: {  	[tilespmem:s19+$0xDC40] =	vst v0  }
0x1d1: {  	v0 =	vld [tilespmem:s22+$0x450];
	_ =	sdelay $0x4  }
0x1d2: {  	[tilespmem:s19+$0xDC50] =	vst v0  }
0x1d3: {  	v0 =	vld [tilespmem:s22+$0x460];
	_ =	sdelay $0x4  }
0x1d4: {  	[tilespmem:s19+$0xDC60] =	vst v0  }
0x1d5: {  	v0 =	vld [tilespmem:s22+$0x470];
	_ =	sdelay $0x4  }
0x1d6: {  	[tilespmem:s19+$0xDC70] =	vst v0  }
0x1d7: {  	v0 =	vld [tilespmem:s22+$0x800];
	_ =	sdelay $0x4  }
0x1d8: {  	[tilespmem:s19+$0xE000] =	vst v0  }
0x1d9: {  	v0 =	vld [tilespmem:s22+$0x810];
	_ =	sdelay $0x4  }
0x1da: {  	[tilespmem:s19+$0xE010] =	vst v0  }
0x1db: {  	v0 =	vld [tilespmem:s22+$0x820];
	_ =	sdelay $0x4  }
0x1dc: {  	[tilespmem:s19+$0xE020] =	vst v0  }
0x1dd: {  	v0 =	vld [tilespmem:s22+$0x830];
	_ =	sdelay $0x4  }
0x1de: {  	[tilespmem:s19+$0xE030] =	vst v0  }
0x1df: {  	v0 =	vld [tilespmem:s22+$0x840];
	_ =	sdelay $0x4  }
0x1e0: {  	[tilespmem:s19+$0xE040] =	vst v0  }
0x1e1: {  	v0 =	vld [tilespmem:s22+$0x850];
	_ =	sdelay $0x4  }
0x1e2: {  	[tilespmem:s19+$0xE050] =	vst v0  }
0x1e3: {  	v0 =	vld [tilespmem:s22+$0x860];
	_ =	sdelay $0x4  }
0x1e4: {  	[tilespmem:s19+$0xE060] =	vst v0  }
0x1e5: {  	v0 =	vld [tilespmem:s22+$0x870];
	_ =	sdelay $0x4  }
0x1e6: {  	[tilespmem:s19+$0xE070] =	vst v0  }
0x1e7: {  	v0 =	vld [tilespmem:s22+$0xC00];
	_ =	sdelay $0x4  }
0x1e8: {  	[tilespmem:s19+$0xE400] =	vst v0  }
0x1e9: {  	v0 =	vld [tilespmem:s22+$0xC10];
	_ =	sdelay $0x4  }
0x1ea: {  	[tilespmem:s19+$0xE410] =	vst v0  }
0x1eb: {  	v0 =	vld [tilespmem:s22+$0xC20];
	_ =	sdelay $0x4  }
0x1ec: {  	[tilespmem:s19+$0xE420] =	vst v0  }
0x1ed: {  	v0 =	vld [tilespmem:s22+$0xC30];
	_ =	sdelay $0x4  }
0x1ee: {  	[tilespmem:s19+$0xE430] =	vst v0  }
0x1ef: {  	v0 =	vld [tilespmem:s22+$0xC40];
	_ =	sdelay $0x4  }
0x1f0: {  	[tilespmem:s19+$0xE440] =	vst v0  }
0x1f1: {  	v0 =	vld [tilespmem:s22+$0xC50];
	_ =	sdelay $0x4  }
0x1f2: {  	[tilespmem:s19+$0xE450] =	vst v0  }
0x1f3: {  	v0 =	vld [tilespmem:s22+$0xC60];
	_ =	sdelay $0x4  }
0x1f4: {  	[tilespmem:s19+$0xE460] =	vst v0  }
0x1f5: {  	v0 =	vld [tilespmem:s22+$0xC70];
	_ =	sdelay $0x4  }
0x1f6: {  	[tilespmem:s19+$0xE470] =	vst v0  }
0x1f7: {  	v0 =	vld [tilespmem:s22+$0x1000];
	_ =	sdelay $0x4  }
0x1f8: {  	[tilespmem:s19+$0xE800] =	vst v0  }
0x1f9: {  	v0 =	vld [tilespmem:s22+$0x1010];
	_ =	sdelay $0x4  }
0x1fa: {  	[tilespmem:s19+$0xE810] =	vst v0  }
0x1fb: {  	v0 =	vld [tilespmem:s22+$0x1020];
	_ =	sdelay $0x4  }
0x1fc: {  	[tilespmem:s19+$0xE820] =	vst v0  }
0x1fd: {  	v0 =	vld [tilespmem:s22+$0x1030];
	_ =	sdelay $0x4  }
0x1fe: {  	[tilespmem:s19+$0xE830] =	vst v0  }
0x1ff: {  	v0 =	vld [tilespmem:s22+$0x1040];
	_ =	sdelay $0x4  }
0x200: {  	[tilespmem:s19+$0xE840] =	vst v0  }
0x201: {  	v0 =	vld [tilespmem:s22+$0x1050];
	_ =	sdelay $0x4  }
0x202: {  	[tilespmem:s19+$0xE850] =	vst v0  }
0x203: {  	v0 =	vld [tilespmem:s22+$0x1060];
	_ =	sdelay $0x4  }
0x204: {  	[tilespmem:s19+$0xE860] =	vst v0  }
0x205: {  	v0 =	vld [tilespmem:s22+$0x1070];
	_ =	sdelay $0x4  }
0x206: {  	[tilespmem:s19+$0xE870] =	vst v0  }
0x207: {  	v0 =	vld [tilespmem:s22+$0x1400];
	_ =	sdelay $0x4  }
0x208: {  	[tilespmem:s19+$0xEC00] =	vst v0  }
0x209: {  	v0 =	vld [tilespmem:s22+$0x1410];
	_ =	sdelay $0x4  }
0x20a: {  	[tilespmem:s19+$0xEC10] =	vst v0  }
0x20b: {  	v0 =	vld [tilespmem:s22+$0x1420];
	_ =	sdelay $0x4  }
0x20c: {  	[tilespmem:s19+$0xEC20] =	vst v0  }
0x20d: {  	v0 =	vld [tilespmem:s22+$0x1430];
	_ =	sdelay $0x4  }
0x20e: {  	[tilespmem:s19+$0xEC30] =	vst v0  }
0x20f: {  	v0 =	vld [tilespmem:s22+$0x1440];
	_ =	sdelay $0x4  }
0x210: {  	[tilespmem:s19+$0xEC40] =	vst v0  }
0x211: {  	v0 =	vld [tilespmem:s22+$0x1450];
	_ =	sdelay $0x4  }
0x212: {  	[tilespmem:s19+$0xEC50] =	vst v0  }
0x213: {  	v0 =	vld [tilespmem:s22+$0x1460];
	_ =	sdelay $0x1  }
.Ltmp0:
0x214: {  	(pc) =	sbr.rel @p0 .LBB2_3-.Ltmp0, $3  }
0x215: {  	_ =	sdelay $0x1  }
0x216: {  	[tilespmem:s19+$0xEC60] =	vst v0  }
0x217: {  	s21 =	sadd.s32 $0x1, s21;
	s23 =	sadd.s32 $0xFFFFFFFB, s20;
	v0 =	vld [tilespmem:s22+$0x1470]  }
0x218: {  	s21 =	sshrl.u32 s23, $0x3  }
0x219: {  	s21 =	smul.u32 $0x6000, s21  }
0x21a: {  	s22 =	sadd.s32 $0x80, s18  }
0x21b: {  	s18 =	sand.u32 $0x380, s22;
	s21 =	sshra.s32 s21, $0x2  }
0x21c: {  	s18 =	sor.u32 s18, s21;
	[tilespmem:s19+$0xEC70] =	vst v0  }
0x21d: {  	s29 =	sshrl.u32 s20, $0x3;
	v0 =	vld [tilespmem:s18+$0x0]  }
0x21e: {  	s19 =	smul.u32 $0x6000, s29  }
0x21f: {  	s30 =	sadd.s32 $0x280, s22  }
0x220: {  	s20 =	sand.u32 $0x380, s30;
	s19 =	sshra.s32 s19, $0x2  }
0x221: {  	s19 =	sor.u32 s20, s19  }
0x222: {  	[tilespmem:s19+$0xD800] =	vst v0  }
0x223: {  	v0 =	vld [tilespmem:s18+$0x10];
	_ =	sdelay $0x4  }
0x224: {  	[tilespmem:s19+$0xD810] =	vst v0  }
0x225: {  	v0 =	vld [tilespmem:s18+$0x20];
	_ =	sdelay $0x4  }
0x226: {  	[tilespmem:s19+$0xD820] =	vst v0  }
0x227: {  	v0 =	vld [tilespmem:s18+$0x30];
	_ =	sdelay $0x4  }
0x228: {  	[tilespmem:s19+$0xD830] =	vst v0  }
0x229: {  	v0 =	vld [tilespmem:s18+$0x40];
	_ =	sdelay $0x4  }
0x22a: {  	[tilespmem:s19+$0xD840] =	vst v0  }
0x22b: {  	v0 =	vld [tilespmem:s18+$0x50];
	_ =	sdelay $0x4  }
0x22c: {  	[tilespmem:s19+$0xD850] =	vst v0  }
0x22d: {  	v0 =	vld [tilespmem:s18+$0x60];
	_ =	sdelay $0x4  }
0x22e: {  	[tilespmem:s19+$0xD860] =	vst v0  }
0x22f: {  	v0 =	vld [tilespmem:s18+$0x70];
	_ =	sdelay $0x4  }
0x230: {  	[tilespmem:s19+$0xD870] =	vst v0  }
0x231: {  	v0 =	vld [tilespmem:s18+$0x400];
	_ =	sdelay $0x4  }
0x232: {  	[tilespmem:s19+$0xDC00] =	vst v0  }
0x233: {  	v0 =	vld [tilespmem:s18+$0x410];
	_ =	sdelay $0x4  }
0x234: {  	[tilespmem:s19+$0xDC10] =	vst v0  }
0x235: {  	v0 =	vld [tilespmem:s18+$0x420];
	_ =	sdelay $0x4  }
0x236: {  	[tilespmem:s19+$0xDC20] =	vst v0  }
0x237: {  	v0 =	vld [tilespmem:s18+$0x430];
	_ =	sdelay $0x4  }
0x238: {  	[tilespmem:s19+$0xDC30] =	vst v0  }
0x239: {  	v0 =	vld [tilespmem:s18+$0x440];
	_ =	sdelay $0x4  }
0x23a: {  	[tilespmem:s19+$0xDC40] =	vst v0  }
0x23b: {  	v0 =	vld [tilespmem:s18+$0x450];
	_ =	sdelay $0x4  }
0x23c: {  	[tilespmem:s19+$0xDC50] =	vst v0  }
0x23d: {  	v0 =	vld [tilespmem:s18+$0x460];
	_ =	sdelay $0x4  }
0x23e: {  	[tilespmem:s19+$0xDC60] =	vst v0  }
0x23f: {  	v0 =	vld [tilespmem:s18+$0x470];
	_ =	sdelay $0x4  }
0x240: {  	[tilespmem:s19+$0xDC70] =	vst v0  }
0x241: {  	v0 =	vld [tilespmem:s18+$0x800];
	_ =	sdelay $0x4  }
0x242: {  	[tilespmem:s19+$0xE000] =	vst v0  }
0x243: {  	v0 =	vld [tilespmem:s18+$0x810];
	_ =	sdelay $0x4  }
0x244: {  	[tilespmem:s19+$0xE010] =	vst v0  }
0x245: {  	v0 =	vld [tilespmem:s18+$0x820];
	_ =	sdelay $0x4  }
0x246: {  	[tilespmem:s19+$0xE020] =	vst v0  }
0x247: {  	v0 =	vld [tilespmem:s18+$0x830];
	_ =	sdelay $0x4  }
0x248: {  	[tilespmem:s19+$0xE030] =	vst v0  }
0x249: {  	v0 =	vld [tilespmem:s18+$0x840];
	_ =	sdelay $0x4  }
0x24a: {  	[tilespmem:s19+$0xE040] =	vst v0  }
0x24b: {  	v0 =	vld [tilespmem:s18+$0x850];
	_ =	sdelay $0x4  }
0x24c: {  	[tilespmem:s19+$0xE050] =	vst v0  }
0x24d: {  	v0 =	vld [tilespmem:s18+$0x860];
	_ =	sdelay $0x4  }
0x24e: {  	[tilespmem:s19+$0xE060] =	vst v0  }
0x24f: {  	v0 =	vld [tilespmem:s18+$0x870];
	_ =	sdelay $0x4  }
0x250: {  	[tilespmem:s19+$0xE070] =	vst v0  }
0x251: {  	v0 =	vld [tilespmem:s18+$0xC00];
	_ =	sdelay $0x4  }
0x252: {  	[tilespmem:s19+$0xE400] =	vst v0  }
0x253: {  	v0 =	vld [tilespmem:s18+$0xC10];
	_ =	sdelay $0x4  }
0x254: {  	[tilespmem:s19+$0xE410] =	vst v0  }
0x255: {  	v0 =	vld [tilespmem:s18+$0xC20];
	_ =	sdelay $0x4  }
0x256: {  	[tilespmem:s19+$0xE420] =	vst v0  }
0x257: {  	v0 =	vld [tilespmem:s18+$0xC30];
	_ =	sdelay $0x4  }
0x258: {  	[tilespmem:s19+$0xE430] =	vst v0  }
0x259: {  	v0 =	vld [tilespmem:s18+$0xC40];
	_ =	sdelay $0x4  }
0x25a: {  	[tilespmem:s19+$0xE440] =	vst v0  }
0x25b: {  	v0 =	vld [tilespmem:s18+$0xC50];
	_ =	sdelay $0x4  }
0x25c: {  	[tilespmem:s19+$0xE450] =	vst v0  }
0x25d: {  	v0 =	vld [tilespmem:s18+$0xC60];
	_ =	sdelay $0x4  }
0x25e: {  	[tilespmem:s19+$0xE460] =	vst v0  }
0x25f: {  	v0 =	vld [tilespmem:s18+$0xC70];
	_ =	sdelay $0x4  }
0x260: {  	[tilespmem:s19+$0xE470] =	vst v0  }
0x261: {  	v0 =	vld [tilespmem:s18+$0x1000];
	_ =	sdelay $0x4  }
0x262: {  	[tilespmem:s19+$0xE800] =	vst v0  }
0x263: {  	v0 =	vld [tilespmem:s18+$0x1010];
	_ =	sdelay $0x4  }
0x264: {  	[tilespmem:s19+$0xE810] =	vst v0  }
0x265: {  	v0 =	vld [tilespmem:s18+$0x1020];
	_ =	sdelay $0x4  }
0x266: {  	[tilespmem:s19+$0xE820] =	vst v0  }
0x267: {  	v0 =	vld [tilespmem:s18+$0x1030];
	_ =	sdelay $0x4  }
0x268: {  	[tilespmem:s19+$0xE830] =	vst v0  }
0x269: {  	v0 =	vld [tilespmem:s18+$0x1040];
	_ =	sdelay $0x4  }
0x26a: {  	[tilespmem:s19+$0xE840] =	vst v0  }
0x26b: {  	v0 =	vld [tilespmem:s18+$0x1050];
	_ =	sdelay $0x4  }
0x26c: {  	[tilespmem:s19+$0xE850] =	vst v0  }
0x26d: {  	v0 =	vld [tilespmem:s18+$0x1060];
	_ =	sdelay $0x4  }
0x26e: {  	[tilespmem:s19+$0xE860] =	vst v0  }
0x26f: {  	v0 =	vld [tilespmem:s18+$0x1070];
	_ =	sdelay $0x4  }
0x270: {  	[tilespmem:s19+$0xE870] =	vst v0  }
0x271: {  	v0 =	vld [tilespmem:s18+$0x1400];
	_ =	sdelay $0x4  }
0x272: {  	[tilespmem:s19+$0xEC00] =	vst v0  }
0x273: {  	v0 =	vld [tilespmem:s18+$0x1410];
	_ =	sdelay $0x4  }
0x274: {  	[tilespmem:s19+$0xEC10] =	vst v0  }
0x275: {  	v0 =	vld [tilespmem:s18+$0x1420];
	_ =	sdelay $0x4  }
0x276: {  	[tilespmem:s19+$0xEC20] =	vst v0  }
0x277: {  	v0 =	vld [tilespmem:s18+$0x1430];
	_ =	sdelay $0x4  }
0x278: {  	[tilespmem:s19+$0xEC30] =	vst v0  }
0x279: {  	v0 =	vld [tilespmem:s18+$0x1440];
	_ =	sdelay $0x4  }
0x27a: {  	[tilespmem:s19+$0xEC40] =	vst v0  }
0x27b: {  	v0 =	vld [tilespmem:s18+$0x1450];
	_ =	sdelay $0x4  }
0x27c: {  	[tilespmem:s19+$0xEC50] =	vst v0  }
0x27d: {  	v0 =	vld [tilespmem:s18+$0x1460];
	_ =	sdelay $0x4  }
0x27e: {  	[tilespmem:s19+$0xEC60] =	vst v0  }
0x27f: {  	s16 =	sadd.s32 $0x1, s16;
	v0 =	vld [tilespmem:s18+$0x1470]  }
0x280: {  	s31 =	smul.u32 $0x1E00, s17;
	p0 =	sge.u32 s16, s8  }
0x281: {  	s17 =	smul.u32 @!p0 $0xD800, s17;
	_ =	sdelay $0x1  }
0x282: {  	s17 =	sshrl.u32 @!p0 s17, $0x3  }
0x283: {  	s17 =	sadd.s32 @!p0 s4, s17;
	s18 =	sadd.s32 s7, s31;
	[tilespmem:s19+$0xEC70] =	vst v0  }
0x284: {  	[hbm4b:s18+s5] =	stream.linear.scatter [tilespmem:s13], [sflag:$0x3], $0xF000, $0x38;
	[tilespmem:$0x1EC00] =	vst v63  }
0x285: {  	s17 =	sadd.s32 @!p0 $0x1B00, s17;
	s18 =	simm.s32 @!p0 $0x0  }
0x286: {  	[tilespmem:s18], [sflag:$0x1] =	stream.linear.gather @!p0 [hbm4b:s17+s18], $0xD800, $0x38;
	[tilespmem:$0x1EC00] =	vst v63  }
0x287: {  	p0 =	sne.s32 s16, s8  }
.Ltmp1:
0x288: {  	_ = 	snop;
	(pc) =	sbr.rel @p0 .LBB2_2-.Ltmp1, $1  }
0x289: {  	_ =	sdelay $0x3  }
0x28a: {  	s15 =	sadd.s32 $0x1, s15  }
0x28b: {  	p0 =	sne.s32 s15, s10  }
.Ltmp2:
0x28c: {  	_ = 	snop;
	(pc) =	sbr.rel @p0 .LBB2_1-.Ltmp2, $4  }
0x28d: {  	_ = 	snop  }
0x28e: {  	_ =	swait.ge [sflag:s14], $0xF000  }
0x28f: {  	[sflag:s14] =	ssyncset.done $0x0  }
0x290: {  	[sflag:s14] =	ssyncadd.s32 $0xFFFF1000  }
0x291: {  	_ =	sfence.sel $0x180000  }
0x292: {  	[bflag:$0x0] =	sbarrier.arrive $0xFFFF  }
0x293: {  	p0 =	sne.s32 s0, $0x0;
	_ =	strace $0x90000047  }
0x294: {  	s0 =	sadd.s32 @!p0 $0x100000, s3;
	[bflag:$0x2] =	sbarrier.arrive $0xFFFF  }
0x295: {  	[sflag:s0] =	ssyncadd.tile.s32 @!p0 $0x1;
	_ =	shalt  }
.Lfunc_end2:
_tile_overlayer_lowered:
.L_overlay_start_2:
0x296: {  	(tag) =	ssettag $0x2  }
0x297: {  	s0 =	rddreg [dreg:$0x0];
	s2 =	stileid.u32  }
0x298: {  	s1 =	rddreg [dreg:$0x1];
	p0 =	sne.s32 s2, $0x0  }
0x299: {  	s3 =	rddreg [dreg:$0x2];
	[bflag:$0x3] =	sbarrier.arrive $0xFFFF;
	s2 =	simm.s32 @!p0 $0x1C04  }
0x29a: {  	[timem:s3], [sflag:s2] =	dma.local @!p0 [hbm:s0], s1  }
0x29b: {  	s0 =	simm.s32 @!p0 $0x4  }
0x29c: {  	_ =	swait.ge @!p0 [sflag:s0], s1  }
0x29d: {  	s1 =	ssub.s32 @!p0 $0x0, s1;
	[sflag:s0] =	ssyncset.done @!p0 $0x0  }
0x29e: {  	[sflag:s0] =	ssyncadd.s32 @!p0 s1  }
0x29f: {  	[bflag:$0x3] =	sbarrier.arrive $0xFFFF  }
0x2a0: {  	_ =	shalt  }

</sc_bundles>
